<compile_context>
chip_gen: v7x
topology: tpu7x:2x2x1
jax: 0.10.2.dev20260603
libtpu: 0.0.44.dev20260713+nightly
codegen_flags: <defaults>
</compile_context>

<pallas_src>
import functools

import jax
import jax.numpy as jnp
from jax import lax
from jax.experimental import pallas as pl
from jax.experimental.pallas import tpu as pltpu
from jax.experimental.pallas import tpu_sc as plsc

N = 10000
NPAD = 10240
NW = 32
CHUNK = 128
CPW = 80
GRP = 8
NGRP = CPW // GRP
EPAD = NW * CPW * CHUNK
RPT = NPAD // 16


def _make_agg(d_feat, with_deg):
  mesh = plsc.VectorSubcoreMesh(core_axis_name="c", subcore_axis_name="s")
  out_type = [jax.ShapeDtypeStruct((2, NPAD, d_feat), jnp.float32)]
  scratch = [
      pltpu.VMEM((2, GRP, CHUNK), jnp.int32),
      pltpu.VMEM((2, GRP, CHUNK), jnp.int32),
      pltpu.VMEM((CHUNK, d_feat), jnp.float32),
      pltpu.VMEM((CHUNK, d_feat), jnp.float32),
      pltpu.VMEM_SHARED((NPAD, d_feat), jnp.float32),
      pltpu.SemaphoreType.DMA,
      pltpu.SemaphoreType.DMA,
      pltpu.SemaphoreType.DMA,
  ]
  del with_deg

  if True:
    def body(table, row2d, col2d,
             out, idx_r, idx_c, g0, g1, acc, sem0, sem1, isem):
      c = lax.axis_index("c")
      s = lax.axis_index("s")
      g = c * 16 + s
      r0 = s * RPT

      def zero_gbuf(j, carry):
        for l in range(d_feat // 16):
          g0[j, pl.ds(l * 16, 16)] = jnp.zeros((16,), jnp.float32)
        return carry
      lax.fori_loop(0, CHUNK, zero_gbuf, 0)
      for t in range(RPT // CHUNK):
        pltpu.sync_copy(g0, acc.at[pl.ds(r0 + t * CHUNK, CHUNK)])
      pltpu.sync_copy(row2d.at[pl.ds(g * CPW, GRP)], idx_r.at[0])
      pltpu.sync_copy(col2d.at[pl.ds(g * CPW, GRP)], idx_c.at[0])
      plsc.subcore_barrier()

      bufs = [g0, g1]
      sems = [sem0, sem1]

      def grp(k, carry):
        cur = lax.rem(k, 2)
        nxt = lax.rem(k + 1, 2)
        nbase = g * CPW + (k + 1) * GRP

        @pl.when(k < NGRP - 1)
        def _prefetch_idx():
          pltpu.async_copy(row2d.at[pl.ds(nbase, GRP)], idx_r.at[nxt], isem)
          pltpu.async_copy(col2d.at[pl.ds(nbase, GRP)], idx_c.at[nxt], isem)

        descs = [None] * GRP
        descs[0] = pltpu.async_copy(table.at[idx_c.at[cur, 0]], bufs[0],
                                    sems[0])
        for j in range(GRP):
          if j + 1 < GRP:
            descs[j + 1] = pltpu.async_copy(
                table.at[idx_c.at[cur, j + 1]], bufs[(j + 1) % 2],
                sems[(j + 1) % 2])
          descs[j].wait()
          pltpu.sync_copy(bufs[j % 2], acc.at[idx_r.at[cur, j]], add=True)

        @pl.when(k < NGRP - 1)
        def _wait_idx():
          pltpu.make_async_copy(row2d.at[pl.ds(nbase, GRP)], idx_r.at[nxt],
                                isem).wait()
          pltpu.make_async_copy(col2d.at[pl.ds(nbase, GRP)], idx_c.at[nxt],
                                isem).wait()
        return carry

      lax.fori_loop(0, NGRP, grp, 0)
      plsc.subcore_barrier()
      for t in range(RPT // CHUNK):
        pltpu.sync_copy(acc.at[pl.ds(r0 + t * CHUNK, CHUNK)], g0)
        pltpu.sync_copy(g0, out.at[c, pl.ds(r0 + t * CHUNK, CHUNK)])

  return pl.kernel(body, out_type=out_type, mesh=mesh, scratch_types=scratch)


BLK = 400
NBLK = N // BLK


def _dense_bn_body(s_ref, deg_ref, h_ref, w_ref, r_ref, b_ref, g_ref, be_ref,
                   o_ref, u_ref, stat_ref):
  p = pl.program_id(0)
  i = pl.program_id(1)

  @pl.when(p == 0)
  def _compute():
    @pl.when(i == 0)
    def _init():
      stat_ref[...] = jnp.zeros_like(stat_ref)

    ssum = s_ref[0] + s_ref[1]
    deg = jnp.maximum(deg_ref[0] + deg_ref[1], 1.0)
    agg = ssum / deg
    u = (jnp.dot(agg, w_ref[...], preferred_element_type=jnp.float32)
         + jnp.dot(h_ref[...], r_ref[...], preferred_element_type=jnp.float32)
         + b_ref[...])
    u_ref[pl.ds(i * BLK, BLK), :] = u
    stat_ref[0:1, :] += jnp.sum(u, axis=0, keepdims=True)
    stat_ref[1:2, :] += jnp.sum(u * u, axis=0, keepdims=True)
    o_ref[...] = u

  @pl.when(p == 1)
  def _normalize():
    mu = stat_ref[0:1, :] * (1.0 / N)
    var = stat_ref[1:2, :] * (1.0 / N) - mu * mu
    inv = lax.rsqrt(var + 1e-5)
    u = u_ref[pl.ds(i * BLK, BLK), :]
    o_ref[...] = jnp.maximum((u - mu) * inv * g_ref[...] + be_ref[...], 0.0)


def _dense_bn(s2, deg, h, W, R, b, g, be):
  return pl.pallas_call(
      _dense_bn_body,
      grid=(2, NBLK),
      in_specs=[
          pl.BlockSpec((2, BLK, 128), lambda p, i: (0, i, 0)),
          pl.BlockSpec((2, BLK, 1), lambda p, i: (0, i, 0)),
          pl.BlockSpec((BLK, 128), lambda p, i: (i, 0)),
          pl.BlockSpec((128, 128), lambda p, i: (0, 0)),
          pl.BlockSpec((128, 128), lambda p, i: (0, 0)),
          pl.BlockSpec((1, 128), lambda p, i: (0, 0)),
          pl.BlockSpec((1, 128), lambda p, i: (0, 0)),
          pl.BlockSpec((1, 128), lambda p, i: (0, 0)),
      ],
      out_specs=pl.BlockSpec((BLK, 128), lambda p, i: (i, 0)),
      out_shape=jax.ShapeDtypeStruct((N, 128), jnp.float32),
      scratch_shapes=[
          pltpu.VMEM((N, 128), jnp.float32),
          pltpu.VMEM((2, 128), jnp.float32),
      ],
  )(s2, deg, h, W, R, b, g, be)


def _final_body(s_ref, deg_ref, h_ref, w3_ref, r3_ref, b3_ref, o_ref):
  ssum = s_ref[0] + s_ref[1]
  deg = jnp.maximum(deg_ref[0] + deg_ref[1], 1.0)
  agg = ssum / deg
  u = (jnp.dot(agg, w3_ref[...], preferred_element_type=jnp.float32)
       + jnp.dot(h_ref[...], r3_ref[...], preferred_element_type=jnp.float32)
       + b3_ref[...])
  lane = lax.broadcasted_iota(jnp.int32, u.shape, 1)
  um = jnp.where(lane < 40, u, -1e30)
  m = jnp.max(um, axis=1, keepdims=True)
  lse = jnp.log(jnp.sum(jnp.exp(um - m), axis=1, keepdims=True)) + m
  o_ref[...] = (um - lse)[:, :40]


def _final(s3, deg, h2, W3p, R3p, b3p):
  return pl.pallas_call(
      _final_body,
      grid=(NBLK,),
      in_specs=[
          pl.BlockSpec((2, BLK, 128), lambda i: (0, i, 0)),
          pl.BlockSpec((2, BLK, 1), lambda i: (0, i, 0)),
          pl.BlockSpec((BLK, 128), lambda i: (i, 0)),
          pl.BlockSpec((128, 64), lambda i: (0, 0)),
          pl.BlockSpec((128, 64), lambda i: (0, 0)),
          pl.BlockSpec((1, 64), lambda i: (0, 0)),
      ],
      out_specs=pl.BlockSpec((BLK, 40), lambda i: (i, 0)),
      out_shape=jax.ShapeDtypeStruct((N, 40), jnp.float32),
  )(s3, deg, h2, W3p, R3p, b3p)


_agg128 = _make_agg(128, False)


def kernel(x, edge_index, W1, R1, b1, g1, be1, W2, R2, b2, g2, be2, W3, R3, b3):
  E = edge_index.shape[1]
  row = edge_index[0]
  col = edge_index[1]
  row2d = jnp.concatenate(
      [row, jnp.full((EPAD - E,), N, jnp.int32)]).reshape(NW * CPW, CHUNK)
  col2d = jnp.concatenate(
      [col, jnp.zeros((EPAD - E,), jnp.int32)]).reshape(NW * CPW, CHUNK)
  b1r = b1.reshape(1, 128)
  g1r = g1.reshape(1, 128)
  be1r = be1.reshape(1, 128)
  b2r = b2.reshape(1, 128)
  g2r = g2.reshape(1, 128)
  be2r = be2.reshape(1, 128)
  W3p = jnp.pad(W3, ((0, 0), (0, 24)))
  R3p = jnp.pad(R3, ((0, 0), (0, 24)))
  b3p = jnp.pad(b3, (0, 24)).reshape(1, 64)

  dg = jax.ops.segment_sum(jnp.ones((E,), jnp.float32), row, num_segments=NPAD)
  deg = jnp.stack([dg[:, None], jnp.zeros((NPAD, 1), jnp.float32)])
  (s1,) = _agg128(x, row2d, col2d)
  h1 = _dense_bn(s1, deg, x, W1, R1, b1r, g1r, be1r)
  (s2,) = _agg128(h1, row2d, col2d)
  h2 = _dense_bn(s2, deg, h1, W2, R2, b2r, g2r, be2r)
  (s3,) = _agg128(h2, row2d, col2d)
  return _final(s3, deg, h2, W3p, R3p, b3p)

# --- scband reference (transcript-rebuilt; emitter-appended) ---
"""Pipeline reference for scband-sage-63324997812873 (READ-ONLY COPY).

The authoritative reference and input builder live on the scoring server;
editing this copy changes nothing except your own understanding.
"""

import jax, jax.numpy as jnp
import numpy as np

N = 10000
E = 320000
D_IN = 128
D_HID = 128
D_OUT = 40


def _glorot(key, shape):
    std = np.sqrt(2.0 / (shape[0] + shape[1])).astype(np.float32)
    return jax.random.normal(key, shape, dtype=jnp.float32) * std


def setup_inputs(seed: int = 0):
    key = jax.random.key(seed)
    ks = jax.random.split(key, 12)
    x = jax.random.normal(ks[0], (N, D_IN), dtype=jnp.float32)
    edge_index = jax.random.randint(ks[1], (2, E), 0, N, dtype=jnp.int32)
    return {
        "x": x,
        "edge_index": edge_index,
        "W1": _glorot(ks[2], (D_IN, D_HID)),
        "R1": _glorot(ks[3], (D_IN, D_HID)),
        "b1": jnp.zeros((D_HID,), jnp.float32),
        "g1": jnp.ones((D_HID,), jnp.float32),
        "be1": jnp.zeros((D_HID,), jnp.float32),
        "W2": _glorot(ks[4], (D_HID, D_HID)),
        "R2": _glorot(ks[5], (D_HID, D_HID)),
        "b2": jnp.zeros((D_HID,), jnp.float32),
        "g2": jnp.ones((D_HID,), jnp.float32),
        "be2": jnp.zeros((D_HID,), jnp.float32),
        "W3": _glorot(ks[6], (D_HID, D_OUT)),
        "R3": _glorot(ks[7], (D_HID, D_OUT)),
        "b3": jnp.zeros((D_OUT,), jnp.float32),
    }


def _mean_agg(x, row, col):
    # adj_0.matmul(x, reduce='mean'): out[i] = mean over neighbors j of x[j]
    s = jax.ops.segment_sum(x[col], row, num_segments=N)
    deg = jax.ops.segment_sum(jnp.ones((row.shape[0],), jnp.float32), row, num_segments=N)
    return s / jnp.maximum(deg, 1.0)[:, None]


def _bn(h, g, b):
    # BatchNorm1d (training-mode batch statistics, eps=1e-5)
    mu = h.mean(axis=0)
    var = h.var(axis=0)
    return (h - mu) / jnp.sqrt(var + 1e-5) * g + b


def reference(x, edge_index, W1, R1, b1, g1, be1, W2, R2, b2, g2, be2, W3, R3, b3):
    row, col = edge_index[0], edge_index[1]
    h = _mean_agg(x, row, col) @ W1 + x @ R1 + b1
    h = jax.nn.relu(_bn(h, g1, be1))
    h = _mean_agg(h, row, col) @ W2 + h @ R2 + b2
    h = jax.nn.relu(_bn(h, g2, be2))
    h = _mean_agg(h, row, col) @ W3 + h @ R3 + b3
    return jax.nn.log_softmax(h, axis=-1)

if __name__ == "__main__":
    import jax
    _d = setup_inputs()
    print(jax.jit(kernel)(*tuple(_d.values())))

</pallas_src>

<mosaic_0001>
#map = affine_map<(d0, d1) -> (0, 0)>
#map1 = affine_map<(d0, d1) -> (0, 0, 0)>
module attributes {stable_mosaic.version = 14 : i64} {
  func.func @body(%arg0: i32, %arg1: i32, %arg2: memref<10000x128xf32, #tpu.memory_space<hbm>>, %arg3: memref<2560x128xi32, #tpu.memory_space<hbm>>, %arg4: memref<2560x128xi32, #tpu.memory_space<hbm>>, %arg5: memref<2x10240x128xf32, #tpu.memory_space<hbm>>, %arg6: memref<2x8x128xi32, #tpu.memory_space<vmem>>, %arg7: memref<2x8x128xi32, #tpu.memory_space<vmem>>, %arg8: memref<128x128xf32, #tpu.memory_space<vmem>>, %arg9: memref<128x128xf32, #tpu.memory_space<vmem>>, %arg10: memref<10240x128xf32, #tpu.memory_space<vmem_shared>>, %arg11: memref<!tpu.dma_semaphore, #tpu.memory_space<semaphore_mem>>, %arg12: memref<!tpu.dma_semaphore, #tpu.memory_space<semaphore_mem>>, %arg13: memref<!tpu.dma_semaphore, #tpu.memory_space<semaphore_mem>>) attributes {dimension_semantics = [#tpu.dimension_semantics<core_parallel>, #tpu.dimension_semantics<subcore_parallel>], iteration_bounds = array<i64: 2, 16>, scalar_prefetch = 0 : i64, scratch_operands = 8 : i64, tpu.core_type = #tpu.core_type<sc_vector_subcore>, window_params = [{transform_indices = #map}, {transform_indices = #map}, {transform_indices = #map}, {transform_indices = #map1}]} {
    %mul3A = arith.constant 16 : i32
    %mul3A_0 = arith.muli %arg0, %mul3A : i32
    %add3A = arith.addi %mul3A_0, %arg1 : i32
    %mul3A_1 = arith.constant 640 : i32
    %mul3A_2 = arith.muli %arg1, %mul3A_1 : i32
    %scan3A = arith.constant 0 : i32
    %scan3A_3 = arith.constant 0 : i32
    %scan3A_4 = arith.constant 128 : i32
    %scan3A_5 = arith.addi %scan3A_3, %scan3A_4 : i32
    %scan3A_6 = arith.constant 1 : i32
    scf.for %scan3A_50 = %scan3A_3 to %scan3A_5 step %scan3A_6  : i32 {
      %broadcast_in_dim3A = arith.constant 0.000000e+00 : f32
      %broadcast_in_dim3A_51 = vector.broadcast %broadcast_in_dim3A : f32 to vector<16xf32>
      %swap3A = arith.index_cast %scan3A_50 : i32 to index
      %swap3A_52 = arith.constant 0 : index
      %swap3A_53 = tpu.vector_load %arg8[%swap3A, %swap3A_52] {strides = array<i32>} : memref<128x128xf32, #tpu.memory_space<vmem>>, vector<1x16xf32>,
      %swap3A_54 = vector.shape_cast %swap3A_53 : vector<1x16xf32> to vector<16xf32>
      %swap3A_55 = vector.shape_cast %broadcast_in_dim3A_51 : vector<16xf32> to vector<1x16xf32>
      tpu.vector_store %arg8[%swap3A, %swap3A_52], %swap3A_55 {strides = array<i32>} : memref<128x128xf32, #tpu.memory_space<vmem>>, vector<1x16xf32>,
      %broadcast_in_dim3A_56 = arith.constant 0.000000e+00 : f32
      %broadcast_in_dim3A_57 = vector.broadcast %broadcast_in_dim3A_56 : f32 to vector<16xf32>
      %swap3A_58 = arith.index_cast %scan3A_50 : i32 to index
      %swap3A_59 = arith.constant 16 : index
      %swap3A_60 = tpu.vector_load %arg8[%swap3A_58, %swap3A_59] {strides = array<i32>} : memref<128x128xf32, #tpu.memory_space<vmem>>, vector<1x16xf32>,
      %swap3A_61 = vector.shape_cast %swap3A_60 : vector<1x16xf32> to vector<16xf32>
      %swap3A_62 = vector.shape_cast %broadcast_in_dim3A_57 : vector<16xf32> to vector<1x16xf32>
      tpu.vector_store %arg8[%swap3A_58, %swap3A_59], %swap3A_62 {strides = array<i32>} : memref<128x128xf32, #tpu.memory_space<vmem>>, vector<1x16xf32>,
      %broadcast_in_dim3A_63 = arith.constant 0.000000e+00 : f32
      %broadcast_in_dim3A_64 = vector.broadcast %broadcast_in_dim3A_63 : f32 to vector<16xf32>
      %swap3A_65 = arith.index_cast %scan3A_50 : i32 to index
      %swap3A_66 = arith.constant 32 : index
      %swap3A_67 = tpu.vector_load %arg8[%swap3A_65, %swap3A_66] {strides = array<i32>} : memref<128x128xf32, #tpu.memory_space<vmem>>, vector<1x16xf32>,
      %swap3A_68 = vector.shape_cast %swap3A_67 : vector<1x16xf32> to vector<16xf32>
      %swap3A_69 = vector.shape_cast %broadcast_in_dim3A_64 : vector<16xf32> to vector<1x16xf32>
      tpu.vector_store %arg8[%swap3A_65, %swap3A_66], %swap3A_69 {strides = array<i32>} : memref<128x128xf32, #tpu.memory_space<vmem>>, vector<1x16xf32>,
      %broadcast_in_dim3A_70 = arith.constant 0.000000e+00 : f32
      %broadcast_in_dim3A_71 = vector.broadcast %broadcast_in_dim3A_70 : f32 to vector<16xf32>
      %swap3A_72 = arith.index_cast %scan3A_50 : i32 to index
      %swap3A_73 = arith.constant 48 : index
      %swap3A_74 = tpu.vector_load %arg8[%swap3A_72, %swap3A_73] {strides = array<i32>} : memref<128x128xf32, #tpu.memory_space<vmem>>, vector<1x16xf32>,
      %swap3A_75 = vector.shape_cast %swap3A_74 : vector<1x16xf32> to vector<16xf32>
      %swap3A_76 = vector.shape_cast %broadcast_in_dim3A_71 : vector<16xf32> to vector<1x16xf32>
      tpu.vector_store %arg8[%swap3A_72, %swap3A_73], %swap3A_76 {strides = array<i32>} : memref<128x128xf32, #tpu.memory_space<vmem>>, vector<1x16xf32>,
      %broadcast_in_dim3A_77 = arith.constant 0.000000e+00 : f32
      %broadcast_in_dim3A_78 = vector.broadcast %broadcast_in_dim3A_77 : f32 to vector<16xf32>
      %swap3A_79 = arith.index_cast %scan3A_50 : i32 to index
      %swap3A_80 = arith.constant 64 : index
      %swap3A_81 = tpu.vector_load %arg8[%swap3A_79, %swap3A_80] {strides = array<i32>} : memref<128x128xf32, #tpu.memory_space<vmem>>, vector<1x16xf32>,
      %swap3A_82 = vector.shape_cast %swap3A_81 : vector<1x16xf32> to vector<16xf32>
      %swap3A_83 = vector.shape_cast %broadcast_in_dim3A_78 : vector<16xf32> to vector<1x16xf32>
      tpu.vector_store %arg8[%swap3A_79, %swap3A_80], %swap3A_83 {strides = array<i32>} : memref<128x128xf32, #tpu.memory_space<vmem>>, vector<1x16xf32>,
      %broadcast_in_dim3A_84 = arith.constant 0.000000e+00 : f32
      %broadcast_in_dim3A_85 = vector.broadcast %broadcast_in_dim3A_84 : f32 to vector<16xf32>
      %swap3A_86 = arith.index_cast %scan3A_50 : i32 to index
      %swap3A_87 = arith.constant 80 : index
      %swap3A_88 = tpu.vector_load %arg8[%swap3A_86, %swap3A_87] {strides = array<i32>} : memref<128x128xf32, #tpu.memory_space<vmem>>, vector<1x16xf32>,
      %swap3A_89 = vector.shape_cast %swap3A_88 : vector<1x16xf32> to vector<16xf32>
      %swap3A_90 = vector.shape_cast %broadcast_in_dim3A_85 : vector<16xf32> to vector<1x16xf32>
      tpu.vector_store %arg8[%swap3A_86, %swap3A_87], %swap3A_90 {strides = array<i32>} : memref<128x128xf32, #tpu.memory_space<vmem>>, vector<1x16xf32>,
      %broadcast_in_dim3A_91 = arith.constant 0.000000e+00 : f32
      %broadcast_in_dim3A_92 = vector.broadcast %broadcast_in_dim3A_91 : f32 to vector<16xf32>
      %swap3A_93 = arith.index_cast %scan3A_50 : i32 to index
      %swap3A_94 = arith.constant 96 : index
      %swap3A_95 = tpu.vector_load %arg8[%swap3A_93, %swap3A_94] {strides = array<i32>} : memref<128x128xf32, #tpu.memory_space<vmem>>, vector<1x16xf32>,
      %swap3A_96 = vector.shape_cast %swap3A_95 : vector<1x16xf32> to vector<16xf32>
      %swap3A_97 = vector.shape_cast %broadcast_in_dim3A_92 : vector<16xf32> to vector<1x16xf32>
      tpu.vector_store %arg8[%swap3A_93, %swap3A_94], %swap3A_97 {strides = array<i32>} : memref<128x128xf32, #tpu.memory_space<vmem>>, vector<1x16xf32>,
      %broadcast_in_dim3A_98 = arith.constant 0.000000e+00 : f32
      %broadcast_in_dim3A_99 = vector.broadcast %broadcast_in_dim3A_98 : f32 to vector<16xf32>
      %swap3A_100 = arith.index_cast %scan3A_50 : i32 to index
      %swap3A_101 = arith.constant 112 : index
      %swap3A_102 = tpu.vector_load %arg8[%swap3A_100, %swap3A_101] {strides = array<i32>} : memref<128x128xf32, #tpu.memory_space<vmem>>, vector<1x16xf32>,
      %swap3A_103 = vector.shape_cast %swap3A_102 : vector<1x16xf32> to vector<16xf32>
      %swap3A_104 = vector.shape_cast %broadcast_in_dim3A_99 : vector<16xf32> to vector<1x16xf32>
      tpu.vector_store %arg8[%swap3A_100, %swap3A_101], %swap3A_104 {strides = array<i32>} : memref<128x128xf32, #tpu.memory_space<vmem>>, vector<1x16xf32>,
    }
    %scan3A_7 = arith.constant 128 : i32
    %add3A_8 = arith.constant 0 : i32
    %add3A_9 = arith.addi %mul3A_2, %add3A_8 : i32
    "tpu.region"() ({
      %run_scoped3A_50 = tpu.sem_alloc : memref<!tpu.dma_semaphore, #tpu.memory_space<semaphore_mem>>
      %dma_start3A = arith.constant 0 : i32
      %dma_start3A_51 = tpu.memref_slice %arg10[%add3A_9, %dma_start3A] : memref<10240x128xf32, #tpu.memory_space<vmem_shared>> -> memref<128x128xf32, #tpu.memory_space<vmem_shared>>
      %dma_start3A_52 = arith.constant 0 : i32
      %dma_start3A_53 = tpu.memref_slice %arg10[%add3A_9, %dma_start3A_52] : memref<10240x128xf32, #tpu.memory_space<vmem_shared>> -> memref<128x128xf32, #tpu.memory_space<vmem_shared>>
      tpu.enqueue_dma source(%arg8 : memref<128x128xf32, #tpu.memory_space<vmem>>) target(%dma_start3A_53 : memref<128x128xf32, #tpu.memory_space<vmem_shared>>) target_semaphore(%run_scoped3A_50 : memref<!tpu.dma_semaphore, #tpu.memory_space<semaphore_mem>>)
      %dma_wait3A = arith.constant 0 : i32
      %dma_wait3A_54 = tpu.memref_slice %arg10[%add3A_9, %dma_wait3A] : memref<10240x128xf32, #tpu.memory_space<vmem_shared>> -> memref<128x128xf32, #tpu.memory_space<vmem_shared>>
      %dma_wait3A_55 = arith.constant 0 : i32
      %dma_wait3A_56 = tpu.memref_slice %arg10[%add3A_9, %dma_wait3A_55] : memref<10240x128xf32, #tpu.memory_space<vmem_shared>> -> memref<128x128xf32, #tpu.memory_space<vmem_shared>>
      tpu.wait_dma2 semaphore(%run_scoped3A_50 : memref<!tpu.dma_semaphore, #tpu.memory_space<semaphore_mem>>) src(%arg8 : memref<128x128xf32, #tpu.memory_space<vmem>>) dst(%dma_wait3A_56 : memref<128x128xf32, #tpu.memory_space<vmem_shared>>)
      tpu.yield
    }) : () -> ()
    %add3A_10 = arith.constant 128 : i32
    %add3A_11 = arith.addi %mul3A_2, %add3A_10 : i32
    "tpu.region"() ({
      %run_scoped3A_50 = tpu.sem_alloc : memref<!tpu.dma_semaphore, #tpu.memory_space<semaphore_mem>>
      %dma_start3A = arith.constant 0 : i32
      %dma_start3A_51 = tpu.memref_slice %arg10[%add3A_11, %dma_start3A] : memref<10240x128xf32, #tpu.memory_space<vmem_shared>> -> memref<128x128xf32, #tpu.memory_space<vmem_shared>>
      %dma_start3A_52 = arith.constant 0 : i32
      %dma_start3A_53 = tpu.memref_slice %arg10[%add3A_11, %dma_start3A_52] : memref<10240x128xf32, #tpu.memory_space<vmem_shared>> -> memref<128x128xf32, #tpu.memory_space<vmem_shared>>
      tpu.enqueue_dma source(%arg8 : memref<128x128xf32, #tpu.memory_space<vmem>>) target(%dma_start3A_53 : memref<128x128xf32, #tpu.memory_space<vmem_shared>>) target_semaphore(%run_scoped3A_50 : memref<!tpu.dma_semaphore, #tpu.memory_space<semaphore_mem>>)
      %dma_wait3A = arith.constant 0 : i32
      %dma_wait3A_54 = tpu.memref_slice %arg10[%add3A_11, %dma_wait3A] : memref<10240x128xf32, #tpu.memory_space<vmem_shared>> -> memref<128x128xf32, #tpu.memory_space<vmem_shared>>
      %dma_wait3A_55 = arith.constant 0 : i32
      %dma_wait3A_56 = tpu.memref_slice %arg10[%add3A_11, %dma_wait3A_55] : memref<10240x128xf32, #tpu.memory_space<vmem_shared>> -> memref<128x128xf32, #tpu.memory_space<vmem_shared>>
      tpu.wait_dma2 semaphore(%run_scoped3A_50 : memref<!tpu.dma_semaphore, #tpu.memory_space<semaphore_mem>>) src(%arg8 : memref<128x128xf32, #tpu.memory_space<vmem>>) dst(%dma_wait3A_56 : memref<128x128xf32, #tpu.memory_space<vmem_shared>>)
      tpu.yield
    }) : () -> ()
    %add3A_12 = arith.constant 256 : i32
    %add3A_13 = arith.addi %mul3A_2, %add3A_12 : i32
    "tpu.region"() ({
      %run_scoped3A_50 = tpu.sem_alloc : memref<!tpu.dma_semaphore, #tpu.memory_space<semaphore_mem>>
      %dma_start3A = arith.constant 0 : i32
      %dma_start3A_51 = tpu.memref_slice %arg10[%add3A_13, %dma_start3A] : memref<10240x128xf32, #tpu.memory_space<vmem_shared>> -> memref<128x128xf32, #tpu.memory_space<vmem_shared>>
      %dma_start3A_52 = arith.constant 0 : i32
      %dma_start3A_53 = tpu.memref_slice %arg10[%add3A_13, %dma_start3A_52] : memref<10240x128xf32, #tpu.memory_space<vmem_shared>> -> memref<128x128xf32, #tpu.memory_space<vmem_shared>>
      tpu.enqueue_dma source(%arg8 : memref<128x128xf32, #tpu.memory_space<vmem>>) target(%dma_start3A_53 : memref<128x128xf32, #tpu.memory_space<vmem_shared>>) target_semaphore(%run_scoped3A_50 : memref<!tpu.dma_semaphore, #tpu.memory_space<semaphore_mem>>)
      %dma_wait3A = arith.constant 0 : i32
      %dma_wait3A_54 = tpu.memref_slice %arg10[%add3A_13, %dma_wait3A] : memref<10240x128xf32, #tpu.memory_space<vmem_shared>> -> memref<128x128xf32, #tpu.memory_space<vmem_shared>>
      %dma_wait3A_55 = arith.constant 0 : i32
      %dma_wait3A_56 = tpu.memref_slice %arg10[%add3A_13, %dma_wait3A_55] : memref<10240x128xf32, #tpu.memory_space<vmem_shared>> -> memref<128x128xf32, #tpu.memory_space<vmem_shared>>
      tpu.wait_dma2 semaphore(%run_scoped3A_50 : memref<!tpu.dma_semaphore, #tpu.memory_space<semaphore_mem>>) src(%arg8 : memref<128x128xf32, #tpu.memory_space<vmem>>) dst(%dma_wait3A_56 : memref<128x128xf32, #tpu.memory_space<vmem_shared>>)
      tpu.yield
    }) : () -> ()
    %add3A_14 = arith.constant 384 : i32
    %add3A_15 = arith.addi %mul3A_2, %add3A_14 : i32
    "tpu.region"() ({
      %run_scoped3A_50 = tpu.sem_alloc : memref<!tpu.dma_semaphore, #tpu.memory_space<semaphore_mem>>
      %dma_start3A = arith.constant 0 : i32
      %dma_start3A_51 = tpu.memref_slice %arg10[%add3A_15, %dma_start3A] : memref<10240x128xf32, #tpu.memory_space<vmem_shared>> -> memref<128x128xf32, #tpu.memory_space<vmem_shared>>
      %dma_start3A_52 = arith.constant 0 : i32
      %dma_start3A_53 = tpu.memref_slice %arg10[%add3A_15, %dma_start3A_52] : memref<10240x128xf32, #tpu.memory_space<vmem_shared>> -> memref<128x128xf32, #tpu.memory_space<vmem_shared>>
      tpu.enqueue_dma source(%arg8 : memref<128x128xf32, #tpu.memory_space<vmem>>) target(%dma_start3A_53 : memref<128x128xf32, #tpu.memory_space<vmem_shared>>) target_semaphore(%run_scoped3A_50 : memref<!tpu.dma_semaphore, #tpu.memory_space<semaphore_mem>>)
      %dma_wait3A = arith.constant 0 : i32
      %dma_wait3A_54 = tpu.memref_slice %arg10[%add3A_15, %dma_wait3A] : memref<10240x128xf32, #tpu.memory_space<vmem_shared>> -> memref<128x128xf32, #tpu.memory_space<vmem_shared>>
      %dma_wait3A_55 = arith.constant 0 : i32
      %dma_wait3A_56 = tpu.memref_slice %arg10[%add3A_15, %dma_wait3A_55] : memref<10240x128xf32, #tpu.memory_space<vmem_shared>> -> memref<128x128xf32, #tpu.memory_space<vmem_shared>>
      tpu.wait_dma2 semaphore(%run_scoped3A_50 : memref<!tpu.dma_semaphore, #tpu.memory_space<semaphore_mem>>) src(%arg8 : memref<128x128xf32, #tpu.memory_space<vmem>>) dst(%dma_wait3A_56 : memref<128x128xf32, #tpu.memory_space<vmem_shared>>)
      tpu.yield
    }) : () -> ()
    %add3A_16 = arith.constant 512 : i32
    %add3A_17 = arith.addi %mul3A_2, %add3A_16 : i32
    "tpu.region"() ({
      %run_scoped3A_50 = tpu.sem_alloc : memref<!tpu.dma_semaphore, #tpu.memory_space<semaphore_mem>>
      %dma_start3A = arith.constant 0 : i32
      %dma_start3A_51 = tpu.memref_slice %arg10[%add3A_17, %dma_start3A] : memref<10240x128xf32, #tpu.memory_space<vmem_shared>> -> memref<128x128xf32, #tpu.memory_space<vmem_shared>>
      %dma_start3A_52 = arith.constant 0 : i32
      %dma_start3A_53 = tpu.memref_slice %arg10[%add3A_17, %dma_start3A_52] : memref<10240x128xf32, #tpu.memory_space<vmem_shared>> -> memref<128x128xf32, #tpu.memory_space<vmem_shared>>
      tpu.enqueue_dma source(%arg8 : memref<128x128xf32, #tpu.memory_space<vmem>>) target(%dma_start3A_53 : memref<128x128xf32, #tpu.memory_space<vmem_shared>>) target_semaphore(%run_scoped3A_50 : memref<!tpu.dma_semaphore, #tpu.memory_space<semaphore_mem>>)
      %dma_wait3A = arith.constant 0 : i32
      %dma_wait3A_54 = tpu.memref_slice %arg10[%add3A_17, %dma_wait3A] : memref<10240x128xf32, #tpu.memory_space<vmem_shared>> -> memref<128x128xf32, #tpu.memory_space<vmem_shared>>
      %dma_wait3A_55 = arith.constant 0 : i32
      %dma_wait3A_56 = tpu.memref_slice %arg10[%add3A_17, %dma_wait3A_55] : memref<10240x128xf32, #tpu.memory_space<vmem_shared>> -> memref<128x128xf32, #tpu.memory_space<vmem_shared>>
      tpu.wait_dma2 semaphore(%run_scoped3A_50 : memref<!tpu.dma_semaphore, #tpu.memory_space<semaphore_mem>>) src(%arg8 : memref<128x128xf32, #tpu.memory_space<vmem>>) dst(%dma_wait3A_56 : memref<128x128xf32, #tpu.memory_space<vmem_shared>>)
      tpu.yield
    }) : () -> ()
    %mul3A_18 = arith.constant 80 : i32
    %mul3A_19 = arith.muli %add3A, %mul3A_18 : i32
    %run_scoped3A = arith.constant 0 : i32
    "tpu.region"() ({
      %run_scoped3A_50 = tpu.sem_alloc : memref<!tpu.dma_semaphore, #tpu.memory_space<semaphore_mem>>
      %dma_start3A = arith.constant 0 : i32
      %dma_start3A_51 = arith.constant 0 : i32
      %dma_start3A_52 = tpu.memref_slice %arg6[%run_scoped3A, %dma_start3A, %dma_start3A_51] : memref<2x8x128xi32, #tpu.memory_space<vmem>> -> memref<1x8x128xi32, #tpu.memory_space<vmem>>
      %dma_start3A_53 = tpu.memref_squeeze %dma_start3A_52 : memref<1x8x128xi32, #tpu.memory_space<vmem>> -> memref<8x128xi32, #tpu.memory_space<vmem>>
      %dma_start3A_54 = arith.constant 0 : i32
      %dma_start3A_55 = tpu.memref_slice %arg3[%mul3A_19, %dma_start3A_54] : memref<2560x128xi32, #tpu.memory_space<hbm>> -> memref<8x128xi32, #tpu.memory_space<hbm>>
      %dma_start3A_56 = arith.constant 0 : i32
      %dma_start3A_57 = arith.constant 0 : i32
      %dma_start3A_58 = tpu.memref_slice %arg6[%run_scoped3A, %dma_start3A_56, %dma_start3A_57] : memref<2x8x128xi32, #tpu.memory_space<vmem>> -> memref<1x8x128xi32, #tpu.memory_space<vmem>>
      %dma_start3A_59 = tpu.memref_squeeze %dma_start3A_58 : memref<1x8x128xi32, #tpu.memory_space<vmem>> -> memref<8x128xi32, #tpu.memory_space<vmem>>
      %dma_start3A_60 = arith.constant 0 : i32
      %dma_start3A_61 = tpu.memref_slice %arg3[%mul3A_19, %dma_start3A_60] : memref<2560x128xi32, #tpu.memory_space<hbm>> -> memref<8x128xi32, #tpu.memory_space<hbm>>
      tpu.enqueue_dma source(%dma_start3A_61 : memref<8x128xi32, #tpu.memory_space<hbm>>) target(%dma_start3A_59 : memref<8x128xi32, #tpu.memory_space<vmem>>) target_semaphore(%run_scoped3A_50 : memref<!tpu.dma_semaphore, #tpu.memory_space<semaphore_mem>>)
      %dma_wait3A = arith.constant 0 : i32
      %dma_wait3A_62 = arith.constant 0 : i32
      %dma_wait3A_63 = tpu.memref_slice %arg6[%run_scoped3A, %dma_wait3A, %dma_wait3A_62] : memref<2x8x128xi32, #tpu.memory_space<vmem>> -> memref<1x8x128xi32, #tpu.memory_space<vmem>>
      %dma_wait3A_64 = tpu.memref_squeeze %dma_wait3A_63 : memref<1x8x128xi32, #tpu.memory_space<vmem>> -> memref<8x128xi32, #tpu.memory_space<vmem>>
      %dma_wait3A_65 = arith.constant 0 : i32
      %dma_wait3A_66 = tpu.memref_slice %arg3[%mul3A_19, %dma_wait3A_65] : memref<2560x128xi32, #tpu.memory_space<hbm>> -> memref<8x128xi32, #tpu.memory_space<hbm>>
      %dma_wait3A_67 = arith.constant 0 : i32
      %dma_wait3A_68 = arith.constant 0 : i32
      %dma_wait3A_69 = tpu.memref_slice %arg6[%run_scoped3A, %dma_wait3A_67, %dma_wait3A_68] : memref<2x8x128xi32, #tpu.memory_space<vmem>> -> memref<1x8x128xi32, #tpu.memory_space<vmem>>
      %dma_wait3A_70 = tpu.memref_squeeze %dma_wait3A_69 : memref<1x8x128xi32, #tpu.memory_space<vmem>> -> memref<8x128xi32, #tpu.memory_space<vmem>>
      %dma_wait3A_71 = arith.constant 0 : i32
      %dma_wait3A_72 = tpu.memref_slice %arg3[%mul3A_19, %dma_wait3A_71] : memref<2560x128xi32, #tpu.memory_space<hbm>> -> memref<8x128xi32, #tpu.memory_space<hbm>>
      tpu.wait_dma2 semaphore(%run_scoped3A_50 : memref<!tpu.dma_semaphore, #tpu.memory_space<semaphore_mem>>) src(%dma_wait3A_72 : memref<8x128xi32, #tpu.memory_space<hbm>>) dst(%dma_wait3A_70 : memref<8x128xi32, #tpu.memory_space<vmem>>)
      tpu.yield
    }) : () -> ()
    %mul3A_20 = arith.constant 80 : i32
    %mul3A_21 = arith.muli %add3A, %mul3A_20 : i32
    %run_scoped3A_22 = arith.constant 0 : i32
    "tpu.region"() ({
      %run_scoped3A_50 = tpu.sem_alloc : memref<!tpu.dma_semaphore, #tpu.memory_space<semaphore_mem>>
      %dma_start3A = arith.constant 0 : i32
      %dma_start3A_51 = arith.constant 0 : i32
      %dma_start3A_52 = tpu.memref_slice %arg7[%run_scoped3A_22, %dma_start3A, %dma_start3A_51] : memref<2x8x128xi32, #tpu.memory_space<vmem>> -> memref<1x8x128xi32, #tpu.memory_space<vmem>>
      %dma_start3A_53 = tpu.memref_squeeze %dma_start3A_52 : memref<1x8x128xi32, #tpu.memory_space<vmem>> -> memref<8x128xi32, #tpu.memory_space<vmem>>
      %dma_start3A_54 = arith.constant 0 : i32
      %dma_start3A_55 = tpu.memref_slice %arg4[%mul3A_21, %dma_start3A_54] : memref<2560x128xi32, #tpu.memory_space<hbm>> -> memref<8x128xi32, #tpu.memory_space<hbm>>
      %dma_start3A_56 = arith.constant 0 : i32
      %dma_start3A_57 = arith.constant 0 : i32
      %dma_start3A_58 = tpu.memref_slice %arg7[%run_scoped3A_22, %dma_start3A_56, %dma_start3A_57] : memref<2x8x128xi32, #tpu.memory_space<vmem>> -> memref<1x8x128xi32, #tpu.memory_space<vmem>>
      %dma_start3A_59 = tpu.memref_squeeze %dma_start3A_58 : memref<1x8x128xi32, #tpu.memory_space<vmem>> -> memref<8x128xi32, #tpu.memory_space<vmem>>
      %dma_start3A_60 = arith.constant 0 : i32
      %dma_start3A_61 = tpu.memref_slice %arg4[%mul3A_21, %dma_start3A_60] : memref<2560x128xi32, #tpu.memory_space<hbm>> -> memref<8x128xi32, #tpu.memory_space<hbm>>
      tpu.enqueue_dma source(%dma_start3A_61 : memref<8x128xi32, #tpu.memory_space<hbm>>) target(%dma_start3A_59 : memref<8x128xi32, #tpu.memory_space<vmem>>) target_semaphore(%run_scoped3A_50 : memref<!tpu.dma_semaphore, #tpu.memory_space<semaphore_mem>>)
      %dma_wait3A = arith.constant 0 : i32
      %dma_wait3A_62 = arith.constant 0 : i32
      %dma_wait3A_63 = tpu.memref_slice %arg7[%run_scoped3A_22, %dma_wait3A, %dma_wait3A_62] : memref<2x8x128xi32, #tpu.memory_space<vmem>> -> memref<1x8x128xi32, #tpu.memory_space<vmem>>
      %dma_wait3A_64 = tpu.memref_squeeze %dma_wait3A_63 : memref<1x8x128xi32, #tpu.memory_space<vmem>> -> memref<8x128xi32, #tpu.memory_space<vmem>>
      %dma_wait3A_65 = arith.constant 0 : i32
      %dma_wait3A_66 = tpu.memref_slice %arg4[%mul3A_21, %dma_wait3A_65] : memref<2560x128xi32, #tpu.memory_space<hbm>> -> memref<8x128xi32, #tpu.memory_space<hbm>>
      %dma_wait3A_67 = arith.constant 0 : i32
      %dma_wait3A_68 = arith.constant 0 : i32
      %dma_wait3A_69 = tpu.memref_slice %arg7[%run_scoped3A_22, %dma_wait3A_67, %dma_wait3A_68] : memref<2x8x128xi32, #tpu.memory_space<vmem>> -> memref<1x8x128xi32, #tpu.memory_space<vmem>>
      %dma_wait3A_70 = tpu.memref_squeeze %dma_wait3A_69 : memref<1x8x128xi32, #tpu.memory_space<vmem>> -> memref<8x128xi32, #tpu.memory_space<vmem>>
      %dma_wait3A_71 = arith.constant 0 : i32
      %dma_wait3A_72 = tpu.memref_slice %arg4[%mul3A_21, %dma_wait3A_71] : memref<2560x128xi32, #tpu.memory_space<hbm>> -> memref<8x128xi32, #tpu.memory_space<hbm>>
      tpu.wait_dma2 semaphore(%run_scoped3A_50 : memref<!tpu.dma_semaphore, #tpu.memory_space<semaphore_mem>>) src(%dma_wait3A_72 : memref<8x128xi32, #tpu.memory_space<hbm>>) dst(%dma_wait3A_70 : memref<8x128xi32, #tpu.memory_space<vmem>>)
      tpu.yield
    }) : () -> ()
    %barrier3A = arith.constant 0 : index
    tpu.barrier barrier_id(%barrier3A)
    %scan3A_23 = arith.constant 0 : i32
    %scan3A_24 = arith.constant 0 : i32
    %scan3A_25 = arith.constant 10 : i32
    %scan3A_26 = arith.addi %scan3A_24, %scan3A_25 : i32
    %scan3A_27 = arith.constant 1 : i32
    scf.for %scan3A_50 = %scan3A_24 to %scan3A_26 step %scan3A_27  : i32 {
      %rem3A = arith.constant 2 : i32
      %rem3A_51 = arith.remsi %scan3A_50, %rem3A : i32
      %add3A_52 = arith.constant 1 : i32
      %add3A_53 = arith.addi %scan3A_50, %add3A_52 : i32
      %rem3A_54 = arith.constant 2 : i32
      %rem3A_55 = arith.remsi %add3A_53, %rem3A_54 : i32
      %mul3A_56 = arith.constant 80 : i32
      %mul3A_57 = arith.muli %add3A, %mul3A_56 : i32
      %add3A_58 = arith.constant 1 : i32
      %add3A_59 = arith.addi %scan3A_50, %add3A_58 : i32
      %mul3A_60 = arith.constant 8 : i32
      %mul3A_61 = arith.muli %add3A_59, %mul3A_60 : i32
      %add3A_62 = arith.addi %mul3A_57, %mul3A_61 : i32
      %lt3A = arith.constant 9 : i32
      %lt3A_63 = arith.cmpi slt, %scan3A_50, %lt3A : i32
      %convert_element_type3A = arith.extui %lt3A_63 : i1 to i32
      %cond3A = arith.constant 0 : i32
      %cond3A_64 = arith.cmpi ne, %convert_element_type3A, %cond3A : i32
      scf.if %cond3A_64 {
        %dma_start3A_188 = arith.constant 0 : i32
        %dma_start3A_189 = arith.constant 0 : i32
        %dma_start3A_190 = tpu.memref_slice %arg6[%rem3A_55, %dma_start3A_188, %dma_start3A_189] : memref<2x8x128xi32, #tpu.memory_space<vmem>> -> memref<1x8x128xi32, #tpu.memory_space<vmem>>
        %dma_start3A_191 = tpu.memref_squeeze %dma_start3A_190 : memref<1x8x128xi32, #tpu.memory_space<vmem>> -> memref<8x128xi32, #tpu.memory_space<vmem>>
        %dma_start3A_192 = arith.constant 0 : i32
        %dma_start3A_193 = tpu.memref_slice %arg3[%add3A_62, %dma_start3A_192] : memref<2560x128xi32, #tpu.memory_space<hbm>> -> memref<8x128xi32, #tpu.memory_space<hbm>>
        %dma_start3A_194 = arith.constant 0 : i32
        %dma_start3A_195 = arith.constant 0 : i32
        %dma_start3A_196 = tpu.memref_slice %arg6[%rem3A_55, %dma_start3A_194, %dma_start3A_195] : memref<2x8x128xi32, #tpu.memory_space<vmem>> -> memref<1x8x128xi32, #tpu.memory_space<vmem>>
        %dma_start3A_197 = tpu.memref_squeeze %dma_start3A_196 : memref<1x8x128xi32, #tpu.memory_space<vmem>> -> memref<8x128xi32, #tpu.memory_space<vmem>>
        %dma_start3A_198 = arith.constant 0 : i32
        %dma_start3A_199 = tpu.memref_slice %arg3[%add3A_62, %dma_start3A_198] : memref<2560x128xi32, #tpu.memory_space<hbm>> -> memref<8x128xi32, #tpu.memory_space<hbm>>
        tpu.enqueue_dma source(%dma_start3A_199 : memref<8x128xi32, #tpu.memory_space<hbm>>) target(%dma_start3A_197 : memref<8x128xi32, #tpu.memory_space<vmem>>) target_semaphore(%arg13 : memref<!tpu.dma_semaphore, #tpu.memory_space<semaphore_mem>>)
        %dma_start3A_200 = arith.constant 0 : i32
        %dma_start3A_201 = arith.constant 0 : i32
        %dma_start3A_202 = tpu.memref_slice %arg7[%rem3A_55, %dma_start3A_200, %dma_start3A_201] : memref<2x8x128xi32, #tpu.memory_space<vmem>> -> memref<1x8x128xi32, #tpu.memory_space<vmem>>
        %dma_start3A_203 = tpu.memref_squeeze %dma_start3A_202 : memref<1x8x128xi32, #tpu.memory_space<vmem>> -> memref<8x128xi32, #tpu.memory_space<vmem>>
        %dma_start3A_204 = arith.constant 0 : i32
        %dma_start3A_205 = tpu.memref_slice %arg4[%add3A_62, %dma_start3A_204] : memref<2560x128xi32, #tpu.memory_space<hbm>> -> memref<8x128xi32, #tpu.memory_space<hbm>>
        %dma_start3A_206 = arith.constant 0 : i32
        %dma_start3A_207 = arith.constant 0 : i32
        %dma_start3A_208 = tpu.memref_slice %arg7[%rem3A_55, %dma_start3A_206, %dma_start3A_207] : memref<2x8x128xi32, #tpu.memory_space<vmem>> -> memref<1x8x128xi32, #tpu.memory_space<vmem>>
        %dma_start3A_209 = tpu.memref_squeeze %dma_start3A_208 : memref<1x8x128xi32, #tpu.memory_space<vmem>> -> memref<8x128xi32, #tpu.memory_space<vmem>>
        %dma_start3A_210 = arith.constant 0 : i32
        %dma_start3A_211 = tpu.memref_slice %arg4[%add3A_62, %dma_start3A_210] : memref<2560x128xi32, #tpu.memory_space<hbm>> -> memref<8x128xi32, #tpu.memory_space<hbm>>
        tpu.enqueue_dma source(%dma_start3A_211 : memref<8x128xi32, #tpu.memory_space<hbm>>) target(%dma_start3A_209 : memref<8x128xi32, #tpu.memory_space<vmem>>) target_semaphore(%arg13 : memref<!tpu.dma_semaphore, #tpu.memory_space<semaphore_mem>>)
      } else {
      }
      %dma_start3A = arith.constant 0 : i32
      %dma_start3A_65 = arith.constant 0 : i32
      %dma_start3A_66 = tpu.memref_slice %arg7[%rem3A_51, %dma_start3A, %dma_start3A_65] : memref<2x8x128xi32, #tpu.memory_space<vmem>> -> memref<1x1x128xi32, #tpu.memory_space<vmem>>
      %dma_start3A_67 = tpu.memref_squeeze %dma_start3A_66 : memref<1x1x128xi32, #tpu.memory_space<vmem>> -> memref<128xi32, #tpu.memory_space<vmem>>
      %dma_start3A_68 = arith.constant 0 : i32
      %dma_start3A_69 = arith.constant 0 : i32
      %dma_start3A_70 = tpu.memref_slice %arg2[%dma_start3A_68, %dma_start3A_69] : memref<10000x128xf32, #tpu.memory_space<hbm>> -> memref<10000x128xf32, #tpu.memory_space<hbm>>
      tpu.enqueue_indirect_dma source(%dma_start3A_70 : memref<10000x128xf32, #tpu.memory_space<hbm>>) target(%arg8 : memref<128x128xf32, #tpu.memory_space<vmem>>) offsets(%dma_start3A_67 : memref<128xi32, #tpu.memory_space<vmem>>) semaphore(%arg11 : memref<!tpu.dma_semaphore, #tpu.memory_space<semaphore_mem>>)
      %dma_start3A_71 = arith.constant 1 : i32
      %dma_start3A_72 = arith.constant 0 : i32
      %dma_start3A_73 = tpu.memref_slice %arg7[%rem3A_51, %dma_start3A_71, %dma_start3A_72] : memref<2x8x128xi32, #tpu.memory_space<vmem>> -> memref<1x1x128xi32, #tpu.memory_space<vmem>>
      %dma_start3A_74 = tpu.memref_squeeze %dma_start3A_73 : memref<1x1x128xi32, #tpu.memory_space<vmem>> -> memref<128xi32, #tpu.memory_space<vmem>>
      %dma_start3A_75 = arith.constant 0 : i32
      %dma_start3A_76 = arith.constant 0 : i32
      %dma_start3A_77 = tpu.memref_slice %arg2[%dma_start3A_75, %dma_start3A_76] : memref<10000x128xf32, #tpu.memory_space<hbm>> -> memref<10000x128xf32, #tpu.memory_space<hbm>>
      tpu.enqueue_indirect_dma source(%dma_start3A_77 : memref<10000x128xf32, #tpu.memory_space<hbm>>) target(%arg9 : memref<128x128xf32, #tpu.memory_space<vmem>>) offsets(%dma_start3A_74 : memref<128xi32, #tpu.memory_space<vmem>>) semaphore(%arg12 : memref<!tpu.dma_semaphore, #tpu.memory_space<semaphore_mem>>)
      %dma_wait3A = arith.constant 0 : i32
      %dma_wait3A_78 = arith.constant 0 : i32
      %dma_wait3A_79 = tpu.memref_slice %arg7[%rem3A_51, %dma_wait3A, %dma_wait3A_78] : memref<2x8x128xi32, #tpu.memory_space<vmem>> -> memref<1x1x128xi32, #tpu.memory_space<vmem>>
      %dma_wait3A_80 = tpu.memref_squeeze %dma_wait3A_79 : memref<1x1x128xi32, #tpu.memory_space<vmem>> -> memref<128xi32, #tpu.memory_space<vmem>>
      %dma_wait3A_81 = arith.constant 0 : i32
      %dma_wait3A_82 = arith.constant 0 : i32
      %dma_wait3A_83 = tpu.memref_slice %arg2[%dma_wait3A_81, %dma_wait3A_82] : memref<10000x128xf32, #tpu.memory_space<hbm>> -> memref<10000x128xf32, #tpu.memory_space<hbm>>
      tpu.wait_indirect_dma semaphore(%arg11 : memref<!tpu.dma_semaphore, #tpu.memory_space<semaphore_mem>>) src(%dma_wait3A_83 : memref<10000x128xf32, #tpu.memory_space<hbm>>) dst(%arg8 : memref<128x128xf32, #tpu.memory_space<vmem>>)
      %run_scoped3A_84 = arith.constant 0 : i32
      "tpu.region"() ({
        %run_scoped3A_188 = tpu.sem_alloc : memref<!tpu.dma_semaphore, #tpu.memory_space<semaphore_mem>>
        %dma_start3A_189 = arith.constant 0 : i32
        %dma_start3A_190 = tpu.memref_slice %arg6[%rem3A_51, %run_scoped3A_84, %dma_start3A_189] : memref<2x8x128xi32, #tpu.memory_space<vmem>> -> memref<1x1x128xi32, #tpu.memory_space<vmem>>
        %dma_start3A_191 = tpu.memref_squeeze %dma_start3A_190 : memref<1x1x128xi32, #tpu.memory_space<vmem>> -> memref<128xi32, #tpu.memory_space<vmem>>
        %dma_start3A_192 = arith.constant 0 : i32
        %dma_start3A_193 = arith.constant 0 : i32
        %dma_start3A_194 = tpu.memref_slice %arg10[%dma_start3A_192, %dma_start3A_193] : memref<10240x128xf32, #tpu.memory_space<vmem_shared>> -> memref<10240x128xf32, #tpu.memory_space<vmem_shared>>
        tpu.enqueue_indirect_dma source(%arg8 : memref<128x128xf32, #tpu.memory_space<vmem>>) target(%dma_start3A_194 : memref<10240x128xf32, #tpu.memory_space<vmem_shared>>) offsets(%dma_start3A_191 : memref<128xi32, #tpu.memory_space<vmem>>) semaphore(%run_scoped3A_188 : memref<!tpu.dma_semaphore, #tpu.memory_space<semaphore_mem>>) {add = true}
        %dma_wait3A_195 = arith.constant 0 : i32
        %dma_wait3A_196 = tpu.memref_slice %arg6[%rem3A_51, %run_scoped3A_84, %dma_wait3A_195] : memref<2x8x128xi32, #tpu.memory_space<vmem>> -> memref<1x1x128xi32, #tpu.memory_space<vmem>>
        %dma_wait3A_197 = tpu.memref_squeeze %dma_wait3A_196 : memref<1x1x128xi32, #tpu.memory_space<vmem>> -> memref<128xi32, #tpu.memory_space<vmem>>
        %dma_wait3A_198 = arith.constant 0 : i32
        %dma_wait3A_199 = arith.constant 0 : i32
        %dma_wait3A_200 = tpu.memref_slice %arg10[%dma_wait3A_198, %dma_wait3A_199] : memref<10240x128xf32, #tpu.memory_space<vmem_shared>> -> memref<10240x128xf32, #tpu.memory_space<vmem_shared>>
        tpu.wait_indirect_dma semaphore(%run_scoped3A_188 : memref<!tpu.dma_semaphore, #tpu.memory_space<semaphore_mem>>) src(%arg8 : memref<128x128xf32, #tpu.memory_space<vmem>>) dst(%dma_wait3A_200 : memref<10240x128xf32, #tpu.memory_space<vmem_shared>>)
        tpu.yield
      }) : () -> ()
      %dma_start3A_85 = arith.constant 2 : i32
      %dma_start3A_86 = arith.constant 0 : i32
      %dma_start3A_87 = tpu.memref_slice %arg7[%rem3A_51, %dma_start3A_85, %dma_start3A_86] : memref<2x8x128xi32, #tpu.memory_space<vmem>> -> memref<1x1x128xi32, #tpu.memory_space<vmem>>
      %dma_start3A_88 = tpu.memref_squeeze %dma_start3A_87 : memref<1x1x128xi32, #tpu.memory_space<vmem>> -> memref<128xi32, #tpu.memory_space<vmem>>
      %dma_start3A_89 = arith.constant 0 : i32
      %dma_start3A_90 = arith.constant 0 : i32
      %dma_start3A_91 = tpu.memref_slice %arg2[%dma_start3A_89, %dma_start3A_90] : memref<10000x128xf32, #tpu.memory_space<hbm>> -> memref<10000x128xf32, #tpu.memory_space<hbm>>
      tpu.enqueue_indirect_dma source(%dma_start3A_91 : memref<10000x128xf32, #tpu.memory_space<hbm>>) target(%arg8 : memref<128x128xf32, #tpu.memory_space<vmem>>) offsets(%dma_start3A_88 : memref<128xi32, #tpu.memory_space<vmem>>) semaphore(%arg11 : memref<!tpu.dma_semaphore, #tpu.memory_space<semaphore_mem>>)
      %dma_wait3A_92 = arith.constant 1 : i32
      %dma_wait3A_93 = arith.constant 0 : i32
      %dma_wait3A_94 = tpu.memref_slice %arg7[%rem3A_51, %dma_wait3A_92, %dma_wait3A_93] : memref<2x8x128xi32, #tpu.memory_space<vmem>> -> memref<1x1x128xi32, #tpu.memory_space<vmem>>
      %dma_wait3A_95 = tpu.memref_squeeze %dma_wait3A_94 : memref<1x1x128xi32, #tpu.memory_space<vmem>> -> memref<128xi32, #tpu.memory_space<vmem>>
      %dma_wait3A_96 = arith.constant 0 : i32
      %dma_wait3A_97 = arith.constant 0 : i32
      %dma_wait3A_98 = tpu.memref_slice %arg2[%dma_wait3A_96, %dma_wait3A_97] : memref<10000x128xf32, #tpu.memory_space<hbm>> -> memref<10000x128xf32, #tpu.memory_space<hbm>>
      tpu.wait_indirect_dma semaphore(%arg12 : memref<!tpu.dma_semaphore, #tpu.memory_space<semaphore_mem>>) src(%dma_wait3A_98 : memref<10000x128xf32, #tpu.memory_space<hbm>>) dst(%arg9 : memref<128x128xf32, #tpu.memory_space<vmem>>)
      %run_scoped3A_99 = arith.constant 1 : i32
      "tpu.region"() ({
        %run_scoped3A_188 = tpu.sem_alloc : memref<!tpu.dma_semaphore, #tpu.memory_space<semaphore_mem>>
        %dma_start3A_189 = arith.constant 0 : i32
        %dma_start3A_190 = tpu.memref_slice %arg6[%rem3A_51, %run_scoped3A_99, %dma_start3A_189] : memref<2x8x128xi32, #tpu.memory_space<vmem>> -> memref<1x1x128xi32, #tpu.memory_space<vmem>>
        %dma_start3A_191 = tpu.memref_squeeze %dma_start3A_190 : memref<1x1x128xi32, #tpu.memory_space<vmem>> -> memref<128xi32, #tpu.memory_space<vmem>>
        %dma_start3A_192 = arith.constant 0 : i32
        %dma_start3A_193 = arith.constant 0 : i32
        %dma_start3A_194 = tpu.memref_slice %arg10[%dma_start3A_192, %dma_start3A_193] : memref<10240x128xf32, #tpu.memory_space<vmem_shared>> -> memref<10240x128xf32, #tpu.memory_space<vmem_shared>>
        tpu.enqueue_indirect_dma source(%arg9 : memref<128x128xf32, #tpu.memory_space<vmem>>) target(%dma_start3A_194 : memref<10240x128xf32, #tpu.memory_space<vmem_shared>>) offsets(%dma_start3A_191 : memref<128xi32, #tpu.memory_space<vmem>>) semaphore(%run_scoped3A_188 : memref<!tpu.dma_semaphore, #tpu.memory_space<semaphore_mem>>) {add = true}
        %dma_wait3A_195 = arith.constant 0 : i32
        %dma_wait3A_196 = tpu.memref_slice %arg6[%rem3A_51, %run_scoped3A_99, %dma_wait3A_195] : memref<2x8x128xi32, #tpu.memory_space<vmem>> -> memref<1x1x128xi32, #tpu.memory_space<vmem>>
        %dma_wait3A_197 = tpu.memref_squeeze %dma_wait3A_196 : memref<1x1x128xi32, #tpu.memory_space<vmem>> -> memref<128xi32, #tpu.memory_space<vmem>>
        %dma_wait3A_198 = arith.constant 0 : i32
        %dma_wait3A_199 = arith.constant 0 : i32
        %dma_wait3A_200 = tpu.memref_slice %arg10[%dma_wait3A_198, %dma_wait3A_199] : memref<10240x128xf32, #tpu.memory_space<vmem_shared>> -> memref<10240x128xf32, #tpu.memory_space<vmem_shared>>
        tpu.wait_indirect_dma semaphore(%run_scoped3A_188 : memref<!tpu.dma_semaphore, #tpu.memory_space<semaphore_mem>>) src(%arg9 : memref<128x128xf32, #tpu.memory_space<vmem>>) dst(%dma_wait3A_200 : memref<10240x128xf32, #tpu.memory_space<vmem_shared>>)
        tpu.yield
      }) : () -> ()
      %dma_start3A_100 = arith.constant 3 : i32
      %dma_start3A_101 = arith.constant 0 : i32
      %dma_start3A_102 = tpu.memref_slice %arg7[%rem3A_51, %dma_start3A_100, %dma_start3A_101] : memref<2x8x128xi32, #tpu.memory_space<vmem>> -> memref<1x1x128xi32, #tpu.memory_space<vmem>>
      %dma_start3A_103 = tpu.memref_squeeze %dma_start3A_102 : memref<1x1x128xi32, #tpu.memory_space<vmem>> -> memref<128xi32, #tpu.memory_space<vmem>>
      %dma_start3A_104 = arith.constant 0 : i32
      %dma_start3A_105 = arith.constant 0 : i32
      %dma_start3A_106 = tpu.memref_slice %arg2[%dma_start3A_104, %dma_start3A_105] : memref<10000x128xf32, #tpu.memory_space<hbm>> -> memref<10000x128xf32, #tpu.memory_space<hbm>>
      tpu.enqueue_indirect_dma source(%dma_start3A_106 : memref<10000x128xf32, #tpu.memory_space<hbm>>) target(%arg9 : memref<128x128xf32, #tpu.memory_space<vmem>>) offsets(%dma_start3A_103 : memref<128xi32, #tpu.memory_space<vmem>>) semaphore(%arg12 : memref<!tpu.dma_semaphore, #tpu.memory_space<semaphore_mem>>)
      %dma_wait3A_107 = arith.constant 2 : i32
      %dma_wait3A_108 = arith.constant 0 : i32
      %dma_wait3A_109 = tpu.memref_slice %arg7[%rem3A_51, %dma_wait3A_107, %dma_wait3A_108] : memref<2x8x128xi32, #tpu.memory_space<vmem>> -> memref<1x1x128xi32, #tpu.memory_space<vmem>>
      %dma_wait3A_110 = tpu.memref_squeeze %dma_wait3A_109 : memref<1x1x128xi32, #tpu.memory_space<vmem>> -> memref<128xi32, #tpu.memory_space<vmem>>
      %dma_wait3A_111 = arith.constant 0 : i32
      %dma_wait3A_112 = arith.constant 0 : i32
      %dma_wait3A_113 = tpu.memref_slice %arg2[%dma_wait3A_111, %dma_wait3A_112] : memref<10000x128xf32, #tpu.memory_space<hbm>> -> memref<10000x128xf32, #tpu.memory_space<hbm>>
      tpu.wait_indirect_dma semaphore(%arg11 : memref<!tpu.dma_semaphore, #tpu.memory_space<semaphore_mem>>) src(%dma_wait3A_113 : memref<10000x128xf32, #tpu.memory_space<hbm>>) dst(%arg8 : memref<128x128xf32, #tpu.memory_space<vmem>>)
      %run_scoped3A_114 = arith.constant 2 : i32
      "tpu.region"() ({
        %run_scoped3A_188 = tpu.sem_alloc : memref<!tpu.dma_semaphore, #tpu.memory_space<semaphore_mem>>
        %dma_start3A_189 = arith.constant 0 : i32
        %dma_start3A_190 = tpu.memref_slice %arg6[%rem3A_51, %run_scoped3A_114, %dma_start3A_189] : memref<2x8x128xi32, #tpu.memory_space<vmem>> -> memref<1x1x128xi32, #tpu.memory_space<vmem>>
        %dma_start3A_191 = tpu.memref_squeeze %dma_start3A_190 : memref<1x1x128xi32, #tpu.memory_space<vmem>> -> memref<128xi32, #tpu.memory_space<vmem>>
        %dma_start3A_192 = arith.constant 0 : i32
        %dma_start3A_193 = arith.constant 0 : i32
        %dma_start3A_194 = tpu.memref_slice %arg10[%dma_start3A_192, %dma_start3A_193] : memref<10240x128xf32, #tpu.memory_space<vmem_shared>> -> memref<10240x128xf32, #tpu.memory_space<vmem_shared>>
        tpu.enqueue_indirect_dma source(%arg8 : memref<128x128xf32, #tpu.memory_space<vmem>>) target(%dma_start3A_194 : memref<10240x128xf32, #tpu.memory_space<vmem_shared>>) offsets(%dma_start3A_191 : memref<128xi32, #tpu.memory_space<vmem>>) semaphore(%run_scoped3A_188 : memref<!tpu.dma_semaphore, #tpu.memory_space<semaphore_mem>>) {add = true}
        %dma_wait3A_195 = arith.constant 0 : i32
        %dma_wait3A_196 = tpu.memref_slice %arg6[%rem3A_51, %run_scoped3A_114, %dma_wait3A_195] : memref<2x8x128xi32, #tpu.memory_space<vmem>> -> memref<1x1x128xi32, #tpu.memory_space<vmem>>
        %dma_wait3A_197 = tpu.memref_squeeze %dma_wait3A_196 : memref<1x1x128xi32, #tpu.memory_space<vmem>> -> memref<128xi32, #tpu.memory_space<vmem>>
        %dma_wait3A_198 = arith.constant 0 : i32
        %dma_wait3A_199 = arith.constant 0 : i32
        %dma_wait3A_200 = tpu.memref_slice %arg10[%dma_wait3A_198, %dma_wait3A_199] : memref<10240x128xf32, #tpu.memory_space<vmem_shared>> -> memref<10240x128xf32, #tpu.memory_space<vmem_shared>>
        tpu.wait_indirect_dma semaphore(%run_scoped3A_188 : memref<!tpu.dma_semaphore, #tpu.memory_space<semaphore_mem>>) src(%arg8 : memref<128x128xf32, #tpu.memory_space<vmem>>) dst(%dma_wait3A_200 : memref<10240x128xf32, #tpu.memory_space<vmem_shared>>)
        tpu.yield
      }) : () -> ()
      %dma_start3A_115 = arith.constant 4 : i32
      %dma_start3A_116 = arith.constant 0 : i32
      %dma_start3A_117 = tpu.memref_slice %arg7[%rem3A_51, %dma_start3A_115, %dma_start3A_116] : memref<2x8x128xi32, #tpu.memory_space<vmem>> -> memref<1x1x128xi32, #tpu.memory_space<vmem>>
      %dma_start3A_118 = tpu.memref_squeeze %dma_start3A_117 : memref<1x1x128xi32, #tpu.memory_space<vmem>> -> memref<128xi32, #tpu.memory_space<vmem>>
      %dma_start3A_119 = arith.constant 0 : i32
      %dma_start3A_120 = arith.constant 0 : i32
      %dma_start3A_121 = tpu.memref_slice %arg2[%dma_start3A_119, %dma_start3A_120] : memref<10000x128xf32, #tpu.memory_space<hbm>> -> memref<10000x128xf32, #tpu.memory_space<hbm>>
      tpu.enqueue_indirect_dma source(%dma_start3A_121 : memref<10000x128xf32, #tpu.memory_space<hbm>>) target(%arg8 : memref<128x128xf32, #tpu.memory_space<vmem>>) offsets(%dma_start3A_118 : memref<128xi32, #tpu.memory_space<vmem>>) semaphore(%arg11 : memref<!tpu.dma_semaphore, #tpu.memory_space<semaphore_mem>>)
      %dma_wait3A_122 = arith.constant 3 : i32
      %dma_wait3A_123 = arith.constant 0 : i32
      %dma_wait3A_124 = tpu.memref_slice %arg7[%rem3A_51, %dma_wait3A_122, %dma_wait3A_123] : memref<2x8x128xi32, #tpu.memory_space<vmem>> -> memref<1x1x128xi32, #tpu.memory_space<vmem>>
      %dma_wait3A_125 = tpu.memref_squeeze %dma_wait3A_124 : memref<1x1x128xi32, #tpu.memory_space<vmem>> -> memref<128xi32, #tpu.memory_space<vmem>>
      %dma_wait3A_126 = arith.constant 0 : i32
      %dma_wait3A_127 = arith.constant 0 : i32
      %dma_wait3A_128 = tpu.memref_slice %arg2[%dma_wait3A_126, %dma_wait3A_127] : memref<10000x128xf32, #tpu.memory_space<hbm>> -> memref<10000x128xf32, #tpu.memory_space<hbm>>
      tpu.wait_indirect_dma semaphore(%arg12 : memref<!tpu.dma_semaphore, #tpu.memory_space<semaphore_mem>>) src(%dma_wait3A_128 : memref<10000x128xf32, #tpu.memory_space<hbm>>) dst(%arg9 : memref<128x128xf32, #tpu.memory_space<vmem>>)
      %run_scoped3A_129 = arith.constant 3 : i32
      "tpu.region"() ({
        %run_scoped3A_188 = tpu.sem_alloc : memref<!tpu.dma_semaphore, #tpu.memory_space<semaphore_mem>>
        %dma_start3A_189 = arith.constant 0 : i32
        %dma_start3A_190 = tpu.memref_slice %arg6[%rem3A_51, %run_scoped3A_129, %dma_start3A_189] : memref<2x8x128xi32, #tpu.memory_space<vmem>> -> memref<1x1x128xi32, #tpu.memory_space<vmem>>
        %dma_start3A_191 = tpu.memref_squeeze %dma_start3A_190 : memref<1x1x128xi32, #tpu.memory_space<vmem>> -> memref<128xi32, #tpu.memory_space<vmem>>
        %dma_start3A_192 = arith.constant 0 : i32
        %dma_start3A_193 = arith.constant 0 : i32
        %dma_start3A_194 = tpu.memref_slice %arg10[%dma_start3A_192, %dma_start3A_193] : memref<10240x128xf32, #tpu.memory_space<vmem_shared>> -> memref<10240x128xf32, #tpu.memory_space<vmem_shared>>
        tpu.enqueue_indirect_dma source(%arg9 : memref<128x128xf32, #tpu.memory_space<vmem>>) target(%dma_start3A_194 : memref<10240x128xf32, #tpu.memory_space<vmem_shared>>) offsets(%dma_start3A_191 : memref<128xi32, #tpu.memory_space<vmem>>) semaphore(%run_scoped3A_188 : memref<!tpu.dma_semaphore, #tpu.memory_space<semaphore_mem>>) {add = true}
        %dma_wait3A_195 = arith.constant 0 : i32
        %dma_wait3A_196 = tpu.memref_slice %arg6[%rem3A_51, %run_scoped3A_129, %dma_wait3A_195] : memref<2x8x128xi32, #tpu.memory_space<vmem>> -> memref<1x1x128xi32, #tpu.memory_space<vmem>>
        %dma_wait3A_197 = tpu.memref_squeeze %dma_wait3A_196 : memref<1x1x128xi32, #tpu.memory_space<vmem>> -> memref<128xi32, #tpu.memory_space<vmem>>
        %dma_wait3A_198 = arith.constant 0 : i32
        %dma_wait3A_199 = arith.constant 0 : i32
        %dma_wait3A_200 = tpu.memref_slice %arg10[%dma_wait3A_198, %dma_wait3A_199] : memref<10240x128xf32, #tpu.memory_space<vmem_shared>> -> memref<10240x128xf32, #tpu.memory_space<vmem_shared>>
        tpu.wait_indirect_dma semaphore(%run_scoped3A_188 : memref<!tpu.dma_semaphore, #tpu.memory_space<semaphore_mem>>) src(%arg9 : memref<128x128xf32, #tpu.memory_space<vmem>>) dst(%dma_wait3A_200 : memref<10240x128xf32, #tpu.memory_space<vmem_shared>>)
        tpu.yield
      }) : () -> ()
      %dma_start3A_130 = arith.constant 5 : i32
      %dma_start3A_131 = arith.constant 0 : i32
      %dma_start3A_132 = tpu.memref_slice %arg7[%rem3A_51, %dma_start3A_130, %dma_start3A_131] : memref<2x8x128xi32, #tpu.memory_space<vmem>> -> memref<1x1x128xi32, #tpu.memory_space<vmem>>
      %dma_start3A_133 = tpu.memref_squeeze %dma_start3A_132 : memref<1x1x128xi32, #tpu.memory_space<vmem>> -> memref<128xi32, #tpu.memory_space<vmem>>
      %dma_start3A_134 = arith.constant 0 : i32
      %dma_start3A_135 = arith.constant 0 : i32
      %dma_start3A_136 = tpu.memref_slice %arg2[%dma_start3A_134, %dma_start3A_135] : memref<10000x128xf32, #tpu.memory_space<hbm>> -> memref<10000x128xf32, #tpu.memory_space<hbm>>
      tpu.enqueue_indirect_dma source(%dma_start3A_136 : memref<10000x128xf32, #tpu.memory_space<hbm>>) target(%arg9 : memref<128x128xf32, #tpu.memory_space<vmem>>) offsets(%dma_start3A_133 : memref<128xi32, #tpu.memory_space<vmem>>) semaphore(%arg12 : memref<!tpu.dma_semaphore, #tpu.memory_space<semaphore_mem>>)
      %dma_wait3A_137 = arith.constant 4 : i32
      %dma_wait3A_138 = arith.constant 0 : i32
      %dma_wait3A_139 = tpu.memref_slice %arg7[%rem3A_51, %dma_wait3A_137, %dma_wait3A_138] : memref<2x8x128xi32, #tpu.memory_space<vmem>> -> memref<1x1x128xi32, #tpu.memory_space<vmem>>
      %dma_wait3A_140 = tpu.memref_squeeze %dma_wait3A_139 : memref<1x1x128xi32, #tpu.memory_space<vmem>> -> memref<128xi32, #tpu.memory_space<vmem>>
      %dma_wait3A_141 = arith.constant 0 : i32
      %dma_wait3A_142 = arith.constant 0 : i32
      %dma_wait3A_143 = tpu.memref_slice %arg2[%dma_wait3A_141, %dma_wait3A_142] : memref<10000x128xf32, #tpu.memory_space<hbm>> -> memref<10000x128xf32, #tpu.memory_space<hbm>>
      tpu.wait_indirect_dma semaphore(%arg11 : memref<!tpu.dma_semaphore, #tpu.memory_space<semaphore_mem>>) src(%dma_wait3A_143 : memref<10000x128xf32, #tpu.memory_space<hbm>>) dst(%arg8 : memref<128x128xf32, #tpu.memory_space<vmem>>)
      %run_scoped3A_144 = arith.constant 4 : i32
      "tpu.region"() ({
        %run_scoped3A_188 = tpu.sem_alloc : memref<!tpu.dma_semaphore, #tpu.memory_space<semaphore_mem>>
        %dma_start3A_189 = arith.constant 0 : i32
        %dma_start3A_190 = tpu.memref_slice %arg6[%rem3A_51, %run_scoped3A_144, %dma_start3A_189] : memref<2x8x128xi32, #tpu.memory_space<vmem>> -> memref<1x1x128xi32, #tpu.memory_space<vmem>>
        %dma_start3A_191 = tpu.memref_squeeze %dma_start3A_190 : memref<1x1x128xi32, #tpu.memory_space<vmem>> -> memref<128xi32, #tpu.memory_space<vmem>>
        %dma_start3A_192 = arith.constant 0 : i32
        %dma_start3A_193 = arith.constant 0 : i32
        %dma_start3A_194 = tpu.memref_slice %arg10[%dma_start3A_192, %dma_start3A_193] : memref<10240x128xf32, #tpu.memory_space<vmem_shared>> -> memref<10240x128xf32, #tpu.memory_space<vmem_shared>>
        tpu.enqueue_indirect_dma source(%arg8 : memref<128x128xf32, #tpu.memory_space<vmem>>) target(%dma_start3A_194 : memref<10240x128xf32, #tpu.memory_space<vmem_shared>>) offsets(%dma_start3A_191 : memref<128xi32, #tpu.memory_space<vmem>>) semaphore(%run_scoped3A_188 : memref<!tpu.dma_semaphore, #tpu.memory_space<semaphore_mem>>) {add = true}
        %dma_wait3A_195 = arith.constant 0 : i32
        %dma_wait3A_196 = tpu.memref_slice %arg6[%rem3A_51, %run_scoped3A_144, %dma_wait3A_195] : memref<2x8x128xi32, #tpu.memory_space<vmem>> -> memref<1x1x128xi32, #tpu.memory_space<vmem>>
        %dma_wait3A_197 = tpu.memref_squeeze %dma_wait3A_196 : memref<1x1x128xi32, #tpu.memory_space<vmem>> -> memref<128xi32, #tpu.memory_space<vmem>>
        %dma_wait3A_198 = arith.constant 0 : i32
        %dma_wait3A_199 = arith.constant 0 : i32
        %dma_wait3A_200 = tpu.memref_slice %arg10[%dma_wait3A_198, %dma_wait3A_199] : memref<10240x128xf32, #tpu.memory_space<vmem_shared>> -> memref<10240x128xf32, #tpu.memory_space<vmem_shared>>
        tpu.wait_indirect_dma semaphore(%run_scoped3A_188 : memref<!tpu.dma_semaphore, #tpu.memory_space<semaphore_mem>>) src(%arg8 : memref<128x128xf32, #tpu.memory_space<vmem>>) dst(%dma_wait3A_200 : memref<10240x128xf32, #tpu.memory_space<vmem_shared>>)
        tpu.yield
      }) : () -> ()
      %dma_start3A_145 = arith.constant 6 : i32
      %dma_start3A_146 = arith.constant 0 : i32
      %dma_start3A_147 = tpu.memref_slice %arg7[%rem3A_51, %dma_start3A_145, %dma_start3A_146] : memref<2x8x128xi32, #tpu.memory_space<vmem>> -> memref<1x1x128xi32, #tpu.memory_space<vmem>>
      %dma_start3A_148 = tpu.memref_squeeze %dma_start3A_147 : memref<1x1x128xi32, #tpu.memory_space<vmem>> -> memref<128xi32, #tpu.memory_space<vmem>>
      %dma_start3A_149 = arith.constant 0 : i32
      %dma_start3A_150 = arith.constant 0 : i32
      %dma_start3A_151 = tpu.memref_slice %arg2[%dma_start3A_149, %dma_start3A_150] : memref<10000x128xf32, #tpu.memory_space<hbm>> -> memref<10000x128xf32, #tpu.memory_space<hbm>>
      tpu.enqueue_indirect_dma source(%dma_start3A_151 : memref<10000x128xf32, #tpu.memory_space<hbm>>) target(%arg8 : memref<128x128xf32, #tpu.memory_space<vmem>>) offsets(%dma_start3A_148 : memref<128xi32, #tpu.memory_space<vmem>>) semaphore(%arg11 : memref<!tpu.dma_semaphore, #tpu.memory_space<semaphore_mem>>)
      %dma_wait3A_152 = arith.constant 5 : i32
      %dma_wait3A_153 = arith.constant 0 : i32
      %dma_wait3A_154 = tpu.memref_slice %arg7[%rem3A_51, %dma_wait3A_152, %dma_wait3A_153] : memref<2x8x128xi32, #tpu.memory_space<vmem>> -> memref<1x1x128xi32, #tpu.memory_space<vmem>>
      %dma_wait3A_155 = tpu.memref_squeeze %dma_wait3A_154 : memref<1x1x128xi32, #tpu.memory_space<vmem>> -> memref<128xi32, #tpu.memory_space<vmem>>
      %dma_wait3A_156 = arith.constant 0 : i32
      %dma_wait3A_157 = arith.constant 0 : i32
      %dma_wait3A_158 = tpu.memref_slice %arg2[%dma_wait3A_156, %dma_wait3A_157] : memref<10000x128xf32, #tpu.memory_space<hbm>> -> memref<10000x128xf32, #tpu.memory_space<hbm>>
      tpu.wait_indirect_dma semaphore(%arg12 : memref<!tpu.dma_semaphore, #tpu.memory_space<semaphore_mem>>) src(%dma_wait3A_158 : memref<10000x128xf32, #tpu.memory_space<hbm>>) dst(%arg9 : memref<128x128xf32, #tpu.memory_space<vmem>>)
      %run_scoped3A_159 = arith.constant 5 : i32
      "tpu.region"() ({
        %run_scoped3A_188 = tpu.sem_alloc : memref<!tpu.dma_semaphore, #tpu.memory_space<semaphore_mem>>
        %dma_start3A_189 = arith.constant 0 : i32
        %dma_start3A_190 = tpu.memref_slice %arg6[%rem3A_51, %run_scoped3A_159, %dma_start3A_189] : memref<2x8x128xi32, #tpu.memory_space<vmem>> -> memref<1x1x128xi32, #tpu.memory_space<vmem>>
        %dma_start3A_191 = tpu.memref_squeeze %dma_start3A_190 : memref<1x1x128xi32, #tpu.memory_space<vmem>> -> memref<128xi32, #tpu.memory_space<vmem>>
        %dma_start3A_192 = arith.constant 0 : i32
        %dma_start3A_193 = arith.constant 0 : i32
        %dma_start3A_194 = tpu.memref_slice %arg10[%dma_start3A_192, %dma_start3A_193] : memref<10240x128xf32, #tpu.memory_space<vmem_shared>> -> memref<10240x128xf32, #tpu.memory_space<vmem_shared>>
        tpu.enqueue_indirect_dma source(%arg9 : memref<128x128xf32, #tpu.memory_space<vmem>>) target(%dma_start3A_194 : memref<10240x128xf32, #tpu.memory_space<vmem_shared>>) offsets(%dma_start3A_191 : memref<128xi32, #tpu.memory_space<vmem>>) semaphore(%run_scoped3A_188 : memref<!tpu.dma_semaphore, #tpu.memory_space<semaphore_mem>>) {add = true}
        %dma_wait3A_195 = arith.constant 0 : i32
        %dma_wait3A_196 = tpu.memref_slice %arg6[%rem3A_51, %run_scoped3A_159, %dma_wait3A_195] : memref<2x8x128xi32, #tpu.memory_space<vmem>> -> memref<1x1x128xi32, #tpu.memory_space<vmem>>
        %dma_wait3A_197 = tpu.memref_squeeze %dma_wait3A_196 : memref<1x1x128xi32, #tpu.memory_space<vmem>> -> memref<128xi32, #tpu.memory_space<vmem>>
        %dma_wait3A_198 = arith.constant 0 : i32
        %dma_wait3A_199 = arith.constant 0 : i32
        %dma_wait3A_200 = tpu.memref_slice %arg10[%dma_wait3A_198, %dma_wait3A_199] : memref<10240x128xf32, #tpu.memory_space<vmem_shared>> -> memref<10240x128xf32, #tpu.memory_space<vmem_shared>>
        tpu.wait_indirect_dma semaphore(%run_scoped3A_188 : memref<!tpu.dma_semaphore, #tpu.memory_space<semaphore_mem>>) src(%arg9 : memref<128x128xf32, #tpu.memory_space<vmem>>) dst(%dma_wait3A_200 : memref<10240x128xf32, #tpu.memory_space<vmem_shared>>)
        tpu.yield
      }) : () -> ()
      %dma_start3A_160 = arith.constant 7 : i32
      %dma_start3A_161 = arith.constant 0 : i32
      %dma_start3A_162 = tpu.memref_slice %arg7[%rem3A_51, %dma_start3A_160, %dma_start3A_161] : memref<2x8x128xi32, #tpu.memory_space<vmem>> -> memref<1x1x128xi32, #tpu.memory_space<vmem>>
      %dma_start3A_163 = tpu.memref_squeeze %dma_start3A_162 : memref<1x1x128xi32, #tpu.memory_space<vmem>> -> memref<128xi32, #tpu.memory_space<vmem>>
      %dma_start3A_164 = arith.constant 0 : i32
      %dma_start3A_165 = arith.constant 0 : i32
      %dma_start3A_166 = tpu.memref_slice %arg2[%dma_start3A_164, %dma_start3A_165] : memref<10000x128xf32, #tpu.memory_space<hbm>> -> memref<10000x128xf32, #tpu.memory_space<hbm>>
      tpu.enqueue_indirect_dma source(%dma_start3A_166 : memref<10000x128xf32, #tpu.memory_space<hbm>>) target(%arg9 : memref<128x128xf32, #tpu.memory_space<vmem>>) offsets(%dma_start3A_163 : memref<128xi32, #tpu.memory_space<vmem>>) semaphore(%arg12 : memref<!tpu.dma_semaphore, #tpu.memory_space<semaphore_mem>>)
      %dma_wait3A_167 = arith.constant 6 : i32
      %dma_wait3A_168 = arith.constant 0 : i32
      %dma_wait3A_169 = tpu.memref_slice %arg7[%rem3A_51, %dma_wait3A_167, %dma_wait3A_168] : memref<2x8x128xi32, #tpu.memory_space<vmem>> -> memref<1x1x128xi32, #tpu.memory_space<vmem>>
      %dma_wait3A_170 = tpu.memref_squeeze %dma_wait3A_169 : memref<1x1x128xi32, #tpu.memory_space<vmem>> -> memref<128xi32, #tpu.memory_space<vmem>>
      %dma_wait3A_171 = arith.constant 0 : i32
      %dma_wait3A_172 = arith.constant 0 : i32
      %dma_wait3A_173 = tpu.memref_slice %arg2[%dma_wait3A_171, %dma_wait3A_172] : memref<10000x128xf32, #tpu.memory_space<hbm>> -> memref<10000x128xf32, #tpu.memory_space<hbm>>
      tpu.wait_indirect_dma semaphore(%arg11 : memref<!tpu.dma_semaphore, #tpu.memory_space<semaphore_mem>>) src(%dma_wait3A_173 : memref<10000x128xf32, #tpu.memory_space<hbm>>) dst(%arg8 : memref<128x128xf32, #tpu.memory_space<vmem>>)
      %run_scoped3A_174 = arith.constant 6 : i32
      "tpu.region"() ({
        %run_scoped3A_188 = tpu.sem_alloc : memref<!tpu.dma_semaphore, #tpu.memory_space<semaphore_mem>>
        %dma_start3A_189 = arith.constant 0 : i32
        %dma_start3A_190 = tpu.memref_slice %arg6[%rem3A_51, %run_scoped3A_174, %dma_start3A_189] : memref<2x8x128xi32, #tpu.memory_space<vmem>> -> memref<1x1x128xi32, #tpu.memory_space<vmem>>
        %dma_start3A_191 = tpu.memref_squeeze %dma_start3A_190 : memref<1x1x128xi32, #tpu.memory_space<vmem>> -> memref<128xi32, #tpu.memory_space<vmem>>
        %dma_start3A_192 = arith.constant 0 : i32
        %dma_start3A_193 = arith.constant 0 : i32
        %dma_start3A_194 = tpu.memref_slice %arg10[%dma_start3A_192, %dma_start3A_193] : memref<10240x128xf32, #tpu.memory_space<vmem_shared>> -> memref<10240x128xf32, #tpu.memory_space<vmem_shared>>
        tpu.enqueue_indirect_dma source(%arg8 : memref<128x128xf32, #tpu.memory_space<vmem>>) target(%dma_start3A_194 : memref<10240x128xf32, #tpu.memory_space<vmem_shared>>) offsets(%dma_start3A_191 : memref<128xi32, #tpu.memory_space<vmem>>) semaphore(%run_scoped3A_188 : memref<!tpu.dma_semaphore, #tpu.memory_space<semaphore_mem>>) {add = true}
        %dma_wait3A_195 = arith.constant 0 : i32
        %dma_wait3A_196 = tpu.memref_slice %arg6[%rem3A_51, %run_scoped3A_174, %dma_wait3A_195] : memref<2x8x128xi32, #tpu.memory_space<vmem>> -> memref<1x1x128xi32, #tpu.memory_space<vmem>>
        %dma_wait3A_197 = tpu.memref_squeeze %dma_wait3A_196 : memref<1x1x128xi32, #tpu.memory_space<vmem>> -> memref<128xi32, #tpu.memory_space<vmem>>
        %dma_wait3A_198 = arith.constant 0 : i32
        %dma_wait3A_199 = arith.constant 0 : i32
        %dma_wait3A_200 = tpu.memref_slice %arg10[%dma_wait3A_198, %dma_wait3A_199] : memref<10240x128xf32, #tpu.memory_space<vmem_shared>> -> memref<10240x128xf32, #tpu.memory_space<vmem_shared>>
        tpu.wait_indirect_dma semaphore(%run_scoped3A_188 : memref<!tpu.dma_semaphore, #tpu.memory_space<semaphore_mem>>) src(%arg8 : memref<128x128xf32, #tpu.memory_space<vmem>>) dst(%dma_wait3A_200 : memref<10240x128xf32, #tpu.memory_space<vmem_shared>>)
        tpu.yield
      }) : () -> ()
      %dma_wait3A_175 = arith.constant 7 : i32
      %dma_wait3A_176 = arith.constant 0 : i32
      %dma_wait3A_177 = tpu.memref_slice %arg7[%rem3A_51, %dma_wait3A_175, %dma_wait3A_176] : memref<2x8x128xi32, #tpu.memory_space<vmem>> -> memref<1x1x128xi32, #tpu.memory_space<vmem>>
      %dma_wait3A_178 = tpu.memref_squeeze %dma_wait3A_177 : memref<1x1x128xi32, #tpu.memory_space<vmem>> -> memref<128xi32, #tpu.memory_space<vmem>>
      %dma_wait3A_179 = arith.constant 0 : i32
      %dma_wait3A_180 = arith.constant 0 : i32
      %dma_wait3A_181 = tpu.memref_slice %arg2[%dma_wait3A_179, %dma_wait3A_180] : memref<10000x128xf32, #tpu.memory_space<hbm>> -> memref<10000x128xf32, #tpu.memory_space<hbm>>
      tpu.wait_indirect_dma semaphore(%arg12 : memref<!tpu.dma_semaphore, #tpu.memory_space<semaphore_mem>>) src(%dma_wait3A_181 : memref<10000x128xf32, #tpu.memory_space<hbm>>) dst(%arg9 : memref<128x128xf32, #tpu.memory_space<vmem>>)
      %run_scoped3A_182 = arith.constant 7 : i32
      "tpu.region"() ({
        %run_scoped3A_188 = tpu.sem_alloc : memref<!tpu.dma_semaphore, #tpu.memory_space<semaphore_mem>>
        %dma_start3A_189 = arith.constant 0 : i32
        %dma_start3A_190 = tpu.memref_slice %arg6[%rem3A_51, %run_scoped3A_182, %dma_start3A_189] : memref<2x8x128xi32, #tpu.memory_space<vmem>> -> memref<1x1x128xi32, #tpu.memory_space<vmem>>
        %dma_start3A_191 = tpu.memref_squeeze %dma_start3A_190 : memref<1x1x128xi32, #tpu.memory_space<vmem>> -> memref<128xi32, #tpu.memory_space<vmem>>
        %dma_start3A_192 = arith.constant 0 : i32
        %dma_start3A_193 = arith.constant 0 : i32
        %dma_start3A_194 = tpu.memref_slice %arg10[%dma_start3A_192, %dma_start3A_193] : memref<10240x128xf32, #tpu.memory_space<vmem_shared>> -> memref<10240x128xf32, #tpu.memory_space<vmem_shared>>
        tpu.enqueue_indirect_dma source(%arg9 : memref<128x128xf32, #tpu.memory_space<vmem>>) target(%dma_start3A_194 : memref<10240x128xf32, #tpu.memory_space<vmem_shared>>) offsets(%dma_start3A_191 : memref<128xi32, #tpu.memory_space<vmem>>) semaphore(%run_scoped3A_188 : memref<!tpu.dma_semaphore, #tpu.memory_space<semaphore_mem>>) {add = true}
        %dma_wait3A_195 = arith.constant 0 : i32
        %dma_wait3A_196 = tpu.memref_slice %arg6[%rem3A_51, %run_scoped3A_182, %dma_wait3A_195] : memref<2x8x128xi32, #tpu.memory_space<vmem>> -> memref<1x1x128xi32, #tpu.memory_space<vmem>>
        %dma_wait3A_197 = tpu.memref_squeeze %dma_wait3A_196 : memref<1x1x128xi32, #tpu.memory_space<vmem>> -> memref<128xi32, #tpu.memory_space<vmem>>
        %dma_wait3A_198 = arith.constant 0 : i32
        %dma_wait3A_199 = arith.constant 0 : i32
        %dma_wait3A_200 = tpu.memref_slice %arg10[%dma_wait3A_198, %dma_wait3A_199] : memref<10240x128xf32, #tpu.memory_space<vmem_shared>> -> memref<10240x128xf32, #tpu.memory_space<vmem_shared>>
        tpu.wait_indirect_dma semaphore(%run_scoped3A_188 : memref<!tpu.dma_semaphore, #tpu.memory_space<semaphore_mem>>) src(%arg9 : memref<128x128xf32, #tpu.memory_space<vmem>>) dst(%dma_wait3A_200 : memref<10240x128xf32, #tpu.memory_space<vmem_shared>>)
        tpu.yield
      }) : () -> ()
      %lt3A_183 = arith.constant 9 : i32
      %lt3A_184 = arith.cmpi slt, %scan3A_50, %lt3A_183 : i32
      %convert_element_type3A_185 = arith.extui %lt3A_184 : i1 to i32
      %cond3A_186 = arith.constant 0 : i32
      %cond3A_187 = arith.cmpi ne, %convert_element_type3A_185, %cond3A_186 : i32
      scf.if %cond3A_187 {
        %dma_wait3A_188 = arith.constant 0 : i32
        %dma_wait3A_189 = arith.constant 0 : i32
        %dma_wait3A_190 = tpu.memref_slice %arg6[%rem3A_55, %dma_wait3A_188, %dma_wait3A_189] : memref<2x8x128xi32, #tpu.memory_space<vmem>> -> memref<1x8x128xi32, #tpu.memory_space<vmem>>
        %dma_wait3A_191 = tpu.memref_squeeze %dma_wait3A_190 : memref<1x8x128xi32, #tpu.memory_space<vmem>> -> memref<8x128xi32, #tpu.memory_space<vmem>>
        %dma_wait3A_192 = arith.constant 0 : i32
        %dma_wait3A_193 = tpu.memref_slice %arg3[%add3A_62, %dma_wait3A_192] : memref<2560x128xi32, #tpu.memory_space<hbm>> -> memref<8x128xi32, #tpu.memory_space<hbm>>
        %dma_wait3A_194 = arith.constant 0 : i32
        %dma_wait3A_195 = arith.constant 0 : i32
        %dma_wait3A_196 = tpu.memref_slice %arg6[%rem3A_55, %dma_wait3A_194, %dma_wait3A_195] : memref<2x8x128xi32, #tpu.memory_space<vmem>> -> memref<1x8x128xi32, #tpu.memory_space<vmem>>
        %dma_wait3A_197 = tpu.memref_squeeze %dma_wait3A_196 : memref<1x8x128xi32, #tpu.memory_space<vmem>> -> memref<8x128xi32, #tpu.memory_space<vmem>>
        %dma_wait3A_198 = arith.constant 0 : i32
        %dma_wait3A_199 = tpu.memref_slice %arg3[%add3A_62, %dma_wait3A_198] : memref<2560x128xi32, #tpu.memory_space<hbm>> -> memref<8x128xi32, #tpu.memory_space<hbm>>
        tpu.wait_dma2 semaphore(%arg13 : memref<!tpu.dma_semaphore, #tpu.memory_space<semaphore_mem>>) src(%dma_wait3A_199 : memref<8x128xi32, #tpu.memory_space<hbm>>) dst(%dma_wait3A_197 : memref<8x128xi32, #tpu.memory_space<vmem>>)
        %dma_wait3A_200 = arith.constant 0 : i32
        %dma_wait3A_201 = arith.constant 0 : i32
        %dma_wait3A_202 = tpu.memref_slice %arg7[%rem3A_55, %dma_wait3A_200, %dma_wait3A_201] : memref<2x8x128xi32, #tpu.memory_space<vmem>> -> memref<1x8x128xi32, #tpu.memory_space<vmem>>
        %dma_wait3A_203 = tpu.memref_squeeze %dma_wait3A_202 : memref<1x8x128xi32, #tpu.memory_space<vmem>> -> memref<8x128xi32, #tpu.memory_space<vmem>>
        %dma_wait3A_204 = arith.constant 0 : i32
        %dma_wait3A_205 = tpu.memref_slice %arg4[%add3A_62, %dma_wait3A_204] : memref<2560x128xi32, #tpu.memory_space<hbm>> -> memref<8x128xi32, #tpu.memory_space<hbm>>
        %dma_wait3A_206 = arith.constant 0 : i32
        %dma_wait3A_207 = arith.constant 0 : i32
        %dma_wait3A_208 = tpu.memref_slice %arg7[%rem3A_55, %dma_wait3A_206, %dma_wait3A_207] : memref<2x8x128xi32, #tpu.memory_space<vmem>> -> memref<1x8x128xi32, #tpu.memory_space<vmem>>
        %dma_wait3A_209 = tpu.memref_squeeze %dma_wait3A_208 : memref<1x8x128xi32, #tpu.memory_space<vmem>> -> memref<8x128xi32, #tpu.memory_space<vmem>>
        %dma_wait3A_210 = arith.constant 0 : i32
        %dma_wait3A_211 = tpu.memref_slice %arg4[%add3A_62, %dma_wait3A_210] : memref<2560x128xi32, #tpu.memory_space<hbm>> -> memref<8x128xi32, #tpu.memory_space<hbm>>
        tpu.wait_dma2 semaphore(%arg13 : memref<!tpu.dma_semaphore, #tpu.memory_space<semaphore_mem>>) src(%dma_wait3A_211 : memref<8x128xi32, #tpu.memory_space<hbm>>) dst(%dma_wait3A_209 : memref<8x128xi32, #tpu.memory_space<vmem>>)
      } else {
      }
    }
    %scan3A_28 = arith.constant 10 : i32
    %barrier3A_29 = arith.constant 0 : index
    tpu.barrier barrier_id(%barrier3A_29)
    %add3A_30 = arith.constant 0 : i32
    %add3A_31 = arith.addi %mul3A_2, %add3A_30 : i32
    "tpu.region"() ({
      %run_scoped3A_50 = tpu.sem_alloc : memref<!tpu.dma_semaphore, #tpu.memory_space<semaphore_mem>>
      %dma_start3A = arith.constant 0 : i32
      %dma_start3A_51 = tpu.memref_slice %arg10[%add3A_31, %dma_start3A] : memref<10240x128xf32, #tpu.memory_space<vmem_shared>> -> memref<128x128xf32, #tpu.memory_space<vmem_shared>>
      %dma_start3A_52 = arith.constant 0 : i32
      %dma_start3A_53 = tpu.memref_slice %arg10[%add3A_31, %dma_start3A_52] : memref<10240x128xf32, #tpu.memory_space<vmem_shared>> -> memref<128x128xf32, #tpu.memory_space<vmem_shared>>
      tpu.enqueue_dma source(%dma_start3A_53 : memref<128x128xf32, #tpu.memory_space<vmem_shared>>) target(%arg8 : memref<128x128xf32, #tpu.memory_space<vmem>>) target_semaphore(%run_scoped3A_50 : memref<!tpu.dma_semaphore, #tpu.memory_space<semaphore_mem>>)
      %dma_wait3A = arith.constant 0 : i32
      %dma_wait3A_54 = tpu.memref_slice %arg10[%add3A_31, %dma_wait3A] : memref<10240x128xf32, #tpu.memory_space<vmem_shared>> -> memref<128x128xf32, #tpu.memory_space<vmem_shared>>
      %dma_wait3A_55 = arith.constant 0 : i32
      %dma_wait3A_56 = tpu.memref_slice %arg10[%add3A_31, %dma_wait3A_55] : memref<10240x128xf32, #tpu.memory_space<vmem_shared>> -> memref<128x128xf32, #tpu.memory_space<vmem_shared>>
      tpu.wait_dma2 semaphore(%run_scoped3A_50 : memref<!tpu.dma_semaphore, #tpu.memory_space<semaphore_mem>>) src(%dma_wait3A_56 : memref<128x128xf32, #tpu.memory_space<vmem_shared>>) dst(%arg8 : memref<128x128xf32, #tpu.memory_space<vmem>>)
      tpu.yield
    }) : () -> ()
    %add3A_32 = arith.constant 0 : i32
    %add3A_33 = arith.addi %mul3A_2, %add3A_32 : i32
    "tpu.region"() ({
      %run_scoped3A_50 = tpu.sem_alloc : memref<!tpu.dma_semaphore, #tpu.memory_space<semaphore_mem>>
      %dma_start3A = arith.constant 0 : i32
      %dma_start3A_51 = tpu.memref_slice %arg5[%arg0, %add3A_33, %dma_start3A] : memref<2x10240x128xf32, #tpu.memory_space<hbm>> -> memref<1x128x128xf32, #tpu.memory_space<hbm>>
      %dma_start3A_52 = tpu.memref_squeeze %dma_start3A_51 : memref<1x128x128xf32, #tpu.memory_space<hbm>> -> memref<128x128xf32, #tpu.memory_space<hbm>>
      %dma_start3A_53 = arith.constant 0 : i32
      %dma_start3A_54 = tpu.memref_slice %arg5[%arg0, %add3A_33, %dma_start3A_53] : memref<2x10240x128xf32, #tpu.memory_space<hbm>> -> memref<1x128x128xf32, #tpu.memory_space<hbm>>
      %dma_start3A_55 = tpu.memref_squeeze %dma_start3A_54 : memref<1x128x128xf32, #tpu.memory_space<hbm>> -> memref<128x128xf32, #tpu.memory_space<hbm>>
      tpu.enqueue_dma source(%arg8 : memref<128x128xf32, #tpu.memory_space<vmem>>) target(%dma_start3A_55 : memref<128x128xf32, #tpu.memory_space<hbm>>) target_semaphore(%run_scoped3A_50 : memref<!tpu.dma_semaphore, #tpu.memory_space<semaphore_mem>>)
      %dma_wait3A = arith.constant 0 : i32
      %dma_wait3A_56 = tpu.memref_slice %arg5[%arg0, %add3A_33, %dma_wait3A] : memref<2x10240x128xf32, #tpu.memory_space<hbm>> -> memref<1x128x128xf32, #tpu.memory_space<hbm>>
      %dma_wait3A_57 = tpu.memref_squeeze %dma_wait3A_56 : memref<1x128x128xf32, #tpu.memory_space<hbm>> -> memref<128x128xf32, #tpu.memory_space<hbm>>
      %dma_wait3A_58 = arith.constant 0 : i32
      %dma_wait3A_59 = tpu.memref_slice %arg5[%arg0, %add3A_33, %dma_wait3A_58] : memref<2x10240x128xf32, #tpu.memory_space<hbm>> -> memref<1x128x128xf32, #tpu.memory_space<hbm>>
      %dma_wait3A_60 = tpu.memref_squeeze %dma_wait3A_59 : memref<1x128x128xf32, #tpu.memory_space<hbm>> -> memref<128x128xf32, #tpu.memory_space<hbm>>
      tpu.wait_dma2 semaphore(%run_scoped3A_50 : memref<!tpu.dma_semaphore, #tpu.memory_space<semaphore_mem>>) src(%arg8 : memref<128x128xf32, #tpu.memory_space<vmem>>) dst(%dma_wait3A_60 : memref<128x128xf32, #tpu.memory_space<hbm>>)
      tpu.yield
    }) : () -> ()
    %add3A_34 = arith.constant 128 : i32
    %add3A_35 = arith.addi %mul3A_2, %add3A_34 : i32
    "tpu.region"() ({
      %run_scoped3A_50 = tpu.sem_alloc : memref<!tpu.dma_semaphore, #tpu.memory_space<semaphore_mem>>
      %dma_start3A = arith.constant 0 : i32
      %dma_start3A_51 = tpu.memref_slice %arg10[%add3A_35, %dma_start3A] : memref<10240x128xf32, #tpu.memory_space<vmem_shared>> -> memref<128x128xf32, #tpu.memory_space<vmem_shared>>
      %dma_start3A_52 = arith.constant 0 : i32
      %dma_start3A_53 = tpu.memref_slice %arg10[%add3A_35, %dma_start3A_52] : memref<10240x128xf32, #tpu.memory_space<vmem_shared>> -> memref<128x128xf32, #tpu.memory_space<vmem_shared>>
      tpu.enqueue_dma source(%dma_start3A_53 : memref<128x128xf32, #tpu.memory_space<vmem_shared>>) target(%arg8 : memref<128x128xf32, #tpu.memory_space<vmem>>) target_semaphore(%run_scoped3A_50 : memref<!tpu.dma_semaphore, #tpu.memory_space<semaphore_mem>>)
      %dma_wait3A = arith.constant 0 : i32
      %dma_wait3A_54 = tpu.memref_slice %arg10[%add3A_35, %dma_wait3A] : memref<10240x128xf32, #tpu.memory_space<vmem_shared>> -> memref<128x128xf32, #tpu.memory_space<vmem_shared>>
      %dma_wait3A_55 = arith.constant 0 : i32
      %dma_wait3A_56 = tpu.memref_slice %arg10[%add3A_35, %dma_wait3A_55] : memref<10240x128xf32, #tpu.memory_space<vmem_shared>> -> memref<128x128xf32, #tpu.memory_space<vmem_shared>>
      tpu.wait_dma2 semaphore(%run_scoped3A_50 : memref<!tpu.dma_semaphore, #tpu.memory_space<semaphore_mem>>) src(%dma_wait3A_56 : memref<128x128xf32, #tpu.memory_space<vmem_shared>>) dst(%arg8 : memref<128x128xf32, #tpu.memory_space<vmem>>)
      tpu.yield
    }) : () -> ()
    %add3A_36 = arith.constant 128 : i32
    %add3A_37 = arith.addi %mul3A_2, %add3A_36 : i32
    "tpu.region"() ({
      %run_scoped3A_50 = tpu.sem_alloc : memref<!tpu.dma_semaphore, #tpu.memory_space<semaphore_mem>>
      %dma_start3A = arith.constant 0 : i32
      %dma_start3A_51 = tpu.memref_slice %arg5[%arg0, %add3A_37, %dma_start3A] : memref<2x10240x128xf32, #tpu.memory_space<hbm>> -> memref<1x128x128xf32, #tpu.memory_space<hbm>>
      %dma_start3A_52 = tpu.memref_squeeze %dma_start3A_51 : memref<1x128x128xf32, #tpu.memory_space<hbm>> -> memref<128x128xf32, #tpu.memory_space<hbm>>
      %dma_start3A_53 = arith.constant 0 : i32
      %dma_start3A_54 = tpu.memref_slice %arg5[%arg0, %add3A_37, %dma_start3A_53] : memref<2x10240x128xf32, #tpu.memory_space<hbm>> -> memref<1x128x128xf32, #tpu.memory_space<hbm>>
      %dma_start3A_55 = tpu.memref_squeeze %dma_start3A_54 : memref<1x128x128xf32, #tpu.memory_space<hbm>> -> memref<128x128xf32, #tpu.memory_space<hbm>>
      tpu.enqueue_dma source(%arg8 : memref<128x128xf32, #tpu.memory_space<vmem>>) target(%dma_start3A_55 : memref<128x128xf32, #tpu.memory_space<hbm>>) target_semaphore(%run_scoped3A_50 : memref<!tpu.dma_semaphore, #tpu.memory_space<semaphore_mem>>)
      %dma_wait3A = arith.constant 0 : i32
      %dma_wait3A_56 = tpu.memref_slice %arg5[%arg0, %add3A_37, %dma_wait3A] : memref<2x10240x128xf32, #tpu.memory_space<hbm>> -> memref<1x128x128xf32, #tpu.memory_space<hbm>>
      %dma_wait3A_57 = tpu.memref_squeeze %dma_wait3A_56 : memref<1x128x128xf32, #tpu.memory_space<hbm>> -> memref<128x128xf32, #tpu.memory_space<hbm>>
      %dma_wait3A_58 = arith.constant 0 : i32
      %dma_wait3A_59 = tpu.memref_slice %arg5[%arg0, %add3A_37, %dma_wait3A_58] : memref<2x10240x128xf32, #tpu.memory_space<hbm>> -> memref<1x128x128xf32, #tpu.memory_space<hbm>>
      %dma_wait3A_60 = tpu.memref_squeeze %dma_wait3A_59 : memref<1x128x128xf32, #tpu.memory_space<hbm>> -> memref<128x128xf32, #tpu.memory_space<hbm>>
      tpu.wait_dma2 semaphore(%run_scoped3A_50 : memref<!tpu.dma_semaphore, #tpu.memory_space<semaphore_mem>>) src(%arg8 : memref<128x128xf32, #tpu.memory_space<vmem>>) dst(%dma_wait3A_60 : memref<128x128xf32, #tpu.memory_space<hbm>>)
      tpu.yield
    }) : () -> ()
    %add3A_38 = arith.constant 256 : i32
    %add3A_39 = arith.addi %mul3A_2, %add3A_38 : i32
    "tpu.region"() ({
      %run_scoped3A_50 = tpu.sem_alloc : memref<!tpu.dma_semaphore, #tpu.memory_space<semaphore_mem>>
      %dma_start3A = arith.constant 0 : i32
      %dma_start3A_51 = tpu.memref_slice %arg10[%add3A_39, %dma_start3A] : memref<10240x128xf32, #tpu.memory_space<vmem_shared>> -> memref<128x128xf32, #tpu.memory_space<vmem_shared>>
      %dma_start3A_52 = arith.constant 0 : i32
      %dma_start3A_53 = tpu.memref_slice %arg10[%add3A_39, %dma_start3A_52] : memref<10240x128xf32, #tpu.memory_space<vmem_shared>> -> memref<128x128xf32, #tpu.memory_space<vmem_shared>>
      tpu.enqueue_dma source(%dma_start3A_53 : memref<128x128xf32, #tpu.memory_space<vmem_shared>>) target(%arg8 : memref<128x128xf32, #tpu.memory_space<vmem>>) target_semaphore(%run_scoped3A_50 : memref<!tpu.dma_semaphore, #tpu.memory_space<semaphore_mem>>)
      %dma_wait3A = arith.constant 0 : i32
      %dma_wait3A_54 = tpu.memref_slice %arg10[%add3A_39, %dma_wait3A] : memref<10240x128xf32, #tpu.memory_space<vmem_shared>> -> memref<128x128xf32, #tpu.memory_space<vmem_shared>>
      %dma_wait3A_55 = arith.constant 0 : i32
      %dma_wait3A_56 = tpu.memref_slice %arg10[%add3A_39, %dma_wait3A_55] : memref<10240x128xf32, #tpu.memory_space<vmem_shared>> -> memref<128x128xf32, #tpu.memory_space<vmem_shared>>
      tpu.wait_dma2 semaphore(%run_scoped3A_50 : memref<!tpu.dma_semaphore, #tpu.memory_space<semaphore_mem>>) src(%dma_wait3A_56 : memref<128x128xf32, #tpu.memory_space<vmem_shared>>) dst(%arg8 : memref<128x128xf32, #tpu.memory_space<vmem>>)
      tpu.yield
    }) : () -> ()
    %add3A_40 = arith.constant 256 : i32
    %add3A_41 = arith.addi %mul3A_2, %add3A_40 : i32
    "tpu.region"() ({
      %run_scoped3A_50 = tpu.sem_alloc : memref<!tpu.dma_semaphore, #tpu.memory_space<semaphore_mem>>
      %dma_start3A = arith.constant 0 : i32
      %dma_start3A_51 = tpu.memref_slice %arg5[%arg0, %add3A_41, %dma_start3A] : memref<2x10240x128xf32, #tpu.memory_space<hbm>> -> memref<1x128x128xf32, #tpu.memory_space<hbm>>
      %dma_start3A_52 = tpu.memref_squeeze %dma_start3A_51 : memref<1x128x128xf32, #tpu.memory_space<hbm>> -> memref<128x128xf32, #tpu.memory_space<hbm>>
      %dma_start3A_53 = arith.constant 0 : i32
      %dma_start3A_54 = tpu.memref_slice %arg5[%arg0, %add3A_41, %dma_start3A_53] : memref<2x10240x128xf32, #tpu.memory_space<hbm>> -> memref<1x128x128xf32, #tpu.memory_space<hbm>>
      %dma_start3A_55 = tpu.memref_squeeze %dma_start3A_54 : memref<1x128x128xf32, #tpu.memory_space<hbm>> -> memref<128x128xf32, #tpu.memory_space<hbm>>
      tpu.enqueue_dma source(%arg8 : memref<128x128xf32, #tpu.memory_space<vmem>>) target(%dma_start3A_55 : memref<128x128xf32, #tpu.memory_space<hbm>>) target_semaphore(%run_scoped3A_50 : memref<!tpu.dma_semaphore, #tpu.memory_space<semaphore_mem>>)
      %dma_wait3A = arith.constant 0 : i32
      %dma_wait3A_56 = tpu.memref_slice %arg5[%arg0, %add3A_41, %dma_wait3A] : memref<2x10240x128xf32, #tpu.memory_space<hbm>> -> memref<1x128x128xf32, #tpu.memory_space<hbm>>
      %dma_wait3A_57 = tpu.memref_squeeze %dma_wait3A_56 : memref<1x128x128xf32, #tpu.memory_space<hbm>> -> memref<128x128xf32, #tpu.memory_space<hbm>>
      %dma_wait3A_58 = arith.constant 0 : i32
      %dma_wait3A_59 = tpu.memref_slice %arg5[%arg0, %add3A_41, %dma_wait3A_58] : memref<2x10240x128xf32, #tpu.memory_space<hbm>> -> memref<1x128x128xf32, #tpu.memory_space<hbm>>
      %dma_wait3A_60 = tpu.memref_squeeze %dma_wait3A_59 : memref<1x128x128xf32, #tpu.memory_space<hbm>> -> memref<128x128xf32, #tpu.memory_space<hbm>>
      tpu.wait_dma2 semaphore(%run_scoped3A_50 : memref<!tpu.dma_semaphore, #tpu.memory_space<semaphore_mem>>) src(%arg8 : memref<128x128xf32, #tpu.memory_space<vmem>>) dst(%dma_wait3A_60 : memref<128x128xf32, #tpu.memory_space<hbm>>)
      tpu.yield
    }) : () -> ()
    %add3A_42 = arith.constant 384 : i32
    %add3A_43 = arith.addi %mul3A_2, %add3A_42 : i32
    "tpu.region"() ({
      %run_scoped3A_50 = tpu.sem_alloc : memref<!tpu.dma_semaphore, #tpu.memory_space<semaphore_mem>>
      %dma_start3A = arith.constant 0 : i32
      %dma_start3A_51 = tpu.memref_slice %arg10[%add3A_43, %dma_start3A] : memref<10240x128xf32, #tpu.memory_space<vmem_shared>> -> memref<128x128xf32, #tpu.memory_space<vmem_shared>>
      %dma_start3A_52 = arith.constant 0 : i32
      %dma_start3A_53 = tpu.memref_slice %arg10[%add3A_43, %dma_start3A_52] : memref<10240x128xf32, #tpu.memory_space<vmem_shared>> -> memref<128x128xf32, #tpu.memory_space<vmem_shared>>
      tpu.enqueue_dma source(%dma_start3A_53 : memref<128x128xf32, #tpu.memory_space<vmem_shared>>) target(%arg8 : memref<128x128xf32, #tpu.memory_space<vmem>>) target_semaphore(%run_scoped3A_50 : memref<!tpu.dma_semaphore, #tpu.memory_space<semaphore_mem>>)
      %dma_wait3A = arith.constant 0 : i32
      %dma_wait3A_54 = tpu.memref_slice %arg10[%add3A_43, %dma_wait3A] : memref<10240x128xf32, #tpu.memory_space<vmem_shared>> -> memref<128x128xf32, #tpu.memory_space<vmem_shared>>
      %dma_wait3A_55 = arith.constant 0 : i32
      %dma_wait3A_56 = tpu.memref_slice %arg10[%add3A_43, %dma_wait3A_55] : memref<10240x128xf32, #tpu.memory_space<vmem_shared>> -> memref<128x128xf32, #tpu.memory_space<vmem_shared>>
      tpu.wait_dma2 semaphore(%run_scoped3A_50 : memref<!tpu.dma_semaphore, #tpu.memory_space<semaphore_mem>>) src(%dma_wait3A_56 : memref<128x128xf32, #tpu.memory_space<vmem_shared>>) dst(%arg8 : memref<128x128xf32, #tpu.memory_space<vmem>>)
      tpu.yield
    }) : () -> ()
    %add3A_44 = arith.constant 384 : i32
    %add3A_45 = arith.addi %mul3A_2, %add3A_44 : i32
    "tpu.region"() ({
      %run_scoped3A_50 = tpu.sem_alloc : memref<!tpu.dma_semaphore, #tpu.memory_space<semaphore_mem>>
      %dma_start3A = arith.constant 0 : i32
      %dma_start3A_51 = tpu.memref_slice %arg5[%arg0, %add3A_45, %dma_start3A] : memref<2x10240x128xf32, #tpu.memory_space<hbm>> -> memref<1x128x128xf32, #tpu.memory_space<hbm>>
      %dma_start3A_52 = tpu.memref_squeeze %dma_start3A_51 : memref<1x128x128xf32, #tpu.memory_space<hbm>> -> memref<128x128xf32, #tpu.memory_space<hbm>>
      %dma_start3A_53 = arith.constant 0 : i32
      %dma_start3A_54 = tpu.memref_slice %arg5[%arg0, %add3A_45, %dma_start3A_53] : memref<2x10240x128xf32, #tpu.memory_space<hbm>> -> memref<1x128x128xf32, #tpu.memory_space<hbm>>
      %dma_start3A_55 = tpu.memref_squeeze %dma_start3A_54 : memref<1x128x128xf32, #tpu.memory_space<hbm>> -> memref<128x128xf32, #tpu.memory_space<hbm>>
      tpu.enqueue_dma source(%arg8 : memref<128x128xf32, #tpu.memory_space<vmem>>) target(%dma_start3A_55 : memref<128x128xf32, #tpu.memory_space<hbm>>) target_semaphore(%run_scoped3A_50 : memref<!tpu.dma_semaphore, #tpu.memory_space<semaphore_mem>>)
      %dma_wait3A = arith.constant 0 : i32
      %dma_wait3A_56 = tpu.memref_slice %arg5[%arg0, %add3A_45, %dma_wait3A] : memref<2x10240x128xf32, #tpu.memory_space<hbm>> -> memref<1x128x128xf32, #tpu.memory_space<hbm>>
      %dma_wait3A_57 = tpu.memref_squeeze %dma_wait3A_56 : memref<1x128x128xf32, #tpu.memory_space<hbm>> -> memref<128x128xf32, #tpu.memory_space<hbm>>
      %dma_wait3A_58 = arith.constant 0 : i32
      %dma_wait3A_59 = tpu.memref_slice %arg5[%arg0, %add3A_45, %dma_wait3A_58] : memref<2x10240x128xf32, #tpu.memory_space<hbm>> -> memref<1x128x128xf32, #tpu.memory_space<hbm>>
      %dma_wait3A_60 = tpu.memref_squeeze %dma_wait3A_59 : memref<1x128x128xf32, #tpu.memory_space<hbm>> -> memref<128x128xf32, #tpu.memory_space<hbm>>
      tpu.wait_dma2 semaphore(%run_scoped3A_50 : memref<!tpu.dma_semaphore, #tpu.memory_space<semaphore_mem>>) src(%arg8 : memref<128x128xf32, #tpu.memory_space<vmem>>) dst(%dma_wait3A_60 : memref<128x128xf32, #tpu.memory_space<hbm>>)
      tpu.yield
    }) : () -> ()
    %add3A_46 = arith.constant 512 : i32
    %add3A_47 = arith.addi %mul3A_2, %add3A_46 : i32
    "tpu.region"() ({
      %run_scoped3A_50 = tpu.sem_alloc : memref<!tpu.dma_semaphore, #tpu.memory_space<semaphore_mem>>
      %dma_start3A = arith.constant 0 : i32
      %dma_start3A_51 = tpu.memref_slice %arg10[%add3A_47, %dma_start3A] : memref<10240x128xf32, #tpu.memory_space<vmem_shared>> -> memref<128x128xf32, #tpu.memory_space<vmem_shared>>
      %dma_start3A_52 = arith.constant 0 : i32
      %dma_start3A_53 = tpu.memref_slice %arg10[%add3A_47, %dma_start3A_52] : memref<10240x128xf32, #tpu.memory_space<vmem_shared>> -> memref<128x128xf32, #tpu.memory_space<vmem_shared>>
      tpu.enqueue_dma source(%dma_start3A_53 : memref<128x128xf32, #tpu.memory_space<vmem_shared>>) target(%arg8 : memref<128x128xf32, #tpu.memory_space<vmem>>) target_semaphore(%run_scoped3A_50 : memref<!tpu.dma_semaphore, #tpu.memory_space<semaphore_mem>>)
      %dma_wait3A = arith.constant 0 : i32
      %dma_wait3A_54 = tpu.memref_slice %arg10[%add3A_47, %dma_wait3A] : memref<10240x128xf32, #tpu.memory_space<vmem_shared>> -> memref<128x128xf32, #tpu.memory_space<vmem_shared>>
      %dma_wait3A_55 = arith.constant 0 : i32
      %dma_wait3A_56 = tpu.memref_slice %arg10[%add3A_47, %dma_wait3A_55] : memref<10240x128xf32, #tpu.memory_space<vmem_shared>> -> memref<128x128xf32, #tpu.memory_space<vmem_shared>>
      tpu.wait_dma2 semaphore(%run_scoped3A_50 : memref<!tpu.dma_semaphore, #tpu.memory_space<semaphore_mem>>) src(%dma_wait3A_56 : memref<128x128xf32, #tpu.memory_space<vmem_shared>>) dst(%arg8 : memref<128x128xf32, #tpu.memory_space<vmem>>)
      tpu.yield
    }) : () -> ()
    %add3A_48 = arith.constant 512 : i32
    %add3A_49 = arith.addi %mul3A_2, %add3A_48 : i32
    "tpu.region"() ({
      %run_scoped3A_50 = tpu.sem_alloc : memref<!tpu.dma_semaphore, #tpu.memory_space<semaphore_mem>>
      %dma_start3A = arith.constant 0 : i32
      %dma_start3A_51 = tpu.memref_slice %arg5[%arg0, %add3A_49, %dma_start3A] : memref<2x10240x128xf32, #tpu.memory_space<hbm>> -> memref<1x128x128xf32, #tpu.memory_space<hbm>>
      %dma_start3A_52 = tpu.memref_squeeze %dma_start3A_51 : memref<1x128x128xf32, #tpu.memory_space<hbm>> -> memref<128x128xf32, #tpu.memory_space<hbm>>
      %dma_start3A_53 = arith.constant 0 : i32
      %dma_start3A_54 = tpu.memref_slice %arg5[%arg0, %add3A_49, %dma_start3A_53] : memref<2x10240x128xf32, #tpu.memory_space<hbm>> -> memref<1x128x128xf32, #tpu.memory_space<hbm>>
      %dma_start3A_55 = tpu.memref_squeeze %dma_start3A_54 : memref<1x128x128xf32, #tpu.memory_space<hbm>> -> memref<128x128xf32, #tpu.memory_space<hbm>>
      tpu.enqueue_dma source(%arg8 : memref<128x128xf32, #tpu.memory_space<vmem>>) target(%dma_start3A_55 : memref<128x128xf32, #tpu.memory_space<hbm>>) target_semaphore(%run_scoped3A_50 : memref<!tpu.dma_semaphore, #tpu.memory_space<semaphore_mem>>)
      %dma_wait3A = arith.constant 0 : i32
      %dma_wait3A_56 = tpu.memref_slice %arg5[%arg0, %add3A_49, %dma_wait3A] : memref<2x10240x128xf32, #tpu.memory_space<hbm>> -> memref<1x128x128xf32, #tpu.memory_space<hbm>>
      %dma_wait3A_57 = tpu.memref_squeeze %dma_wait3A_56 : memref<1x128x128xf32, #tpu.memory_space<hbm>> -> memref<128x128xf32, #tpu.memory_space<hbm>>
      %dma_wait3A_58 = arith.constant 0 : i32
      %dma_wait3A_59 = tpu.memref_slice %arg5[%arg0, %add3A_49, %dma_wait3A_58] : memref<2x10240x128xf32, #tpu.memory_space<hbm>> -> memref<1x128x128xf32, #tpu.memory_space<hbm>>
      %dma_wait3A_60 = tpu.memref_squeeze %dma_wait3A_59 : memref<1x128x128xf32, #tpu.memory_space<hbm>> -> memref<128x128xf32, #tpu.memory_space<hbm>>
      tpu.wait_dma2 semaphore(%run_scoped3A_50 : memref<!tpu.dma_semaphore, #tpu.memory_space<semaphore_mem>>) src(%arg8 : memref<128x128xf32, #tpu.memory_space<vmem>>) dst(%dma_wait3A_60 : memref<128x128xf32, #tpu.memory_space<hbm>>)
      tpu.yield
    }) : () -> ()
    return
  }
}

#map = affine_map<(d0, d1) -> (0, 0)>
#map1 = affine_map<(d0, d1) -> (0, 0, 0)>
module attributes {stable_mosaic.version = 14 : i64} {
  func.func @body(%arg0: i32, %arg1: i32, %arg2: memref<10000x128xf32, #tpu.memory_space<hbm>>, %arg3: memref<2560x128xi32, #tpu.memory_space<hbm>>, %arg4: memref<2560x128xi32, #tpu.memory_space<hbm>>, %arg5: memref<2x10240x128xf32, #tpu.memory_space<hbm>>, %arg6: memref<2x8x128xi32, #tpu.memory_space<vmem>>, %arg7: memref<2x8x128xi32, #tpu.memory_space<vmem>>, %arg8: memref<128x128xf32, #tpu.memory_space<vmem>>, %arg9: memref<128x128xf32, #tpu.memory_space<vmem>>, %arg10: memref<10240x128xf32, #tpu.memory_space<vmem_shared>>, %arg11: memref<!tpu.dma_semaphore, #tpu.memory_space<semaphore_mem>>, %arg12: memref<!tpu.dma_semaphore, #tpu.memory_space<semaphore_mem>>, %arg13: memref<!tpu.dma_semaphore, #tpu.memory_space<semaphore_mem>>) attributes {dimension_semantics = [#tpu.dimension_semantics<core_parallel>, #tpu.dimension_semantics<subcore_parallel>], iteration_bounds = array<i64: 2, 16>, scalar_prefetch = 0 : i64, scratch_operands = 8 : i64, tpu.core_type = #tpu.core_type<sc_vector_subcore>, window_params = [{transform_indices = #map}, {transform_indices = #map}, {transform_indices = #map}, {transform_indices = #map1}]} {
    %mul3A = arith.constant 16 : i32
    %mul3A_0 = arith.muli %arg0, %mul3A : i32
    %add3A = arith.addi %mul3A_0, %arg1 : i32
    %mul3A_1 = arith.constant 640 : i32
    %mul3A_2 = arith.muli %arg1, %mul3A_1 : i32
    %scan3A = arith.constant 0 : i32
    %scan3A_3 = arith.constant 0 : i32
    %scan3A_4 = arith.constant 128 : i32
    %scan3A_5 = arith.addi %scan3A_3, %scan3A_4 : i32
    %scan3A_6 = arith.constant 1 : i32
    scf.for %scan3A_50 = %scan3A_3 to %scan3A_5 step %scan3A_6  : i32 {
      %broadcast_in_dim3A = arith.constant 0.000000e+00 : f32
      %broadcast_in_dim3A_51 = vector.broadcast %broadcast_in_dim3A : f32 to vector<16xf32>
      %swap3A = arith.index_cast %scan3A_50 : i32 to index
      %swap3A_52 = arith.constant 0 : index
      %swap3A_53 = tpu.vector_load %arg8[%swap3A, %swap3A_52] {strides = array<i32>} : memref<128x128xf32, #tpu.memory_space<vmem>>, vector<1x16xf32>,
      %swap3A_54 = vector.shape_cast %swap3A_53 : vector<1x16xf32> to vector<16xf32>
      %swap3A_55 = vector.shape_cast %broadcast_in_dim3A_51 : vector<16xf32> to vector<1x16xf32>
      tpu.vector_store %arg8[%swap3A, %swap3A_52], %swap3A_55 {strides = array<i32>} : memref<128x128xf32, #tpu.memory_space<vmem>>, vector<1x16xf32>,
      %broadcast_in_dim3A_56 = arith.constant 0.000000e+00 : f32
      %broadcast_in_dim3A_57 = vector.broadcast %broadcast_in_dim3A_56 : f32 to vector<16xf32>
      %swap3A_58 = arith.index_cast %scan3A_50 : i32 to index
      %swap3A_59 = arith.constant 16 : index
      %swap3A_60 = tpu.vector_load %arg8[%swap3A_58, %swap3A_59] {strides = array<i32>} : memref<128x128xf32, #tpu.memory_space<vmem>>, vector<1x16xf32>,
      %swap3A_61 = vector.shape_cast %swap3A_60 : vector<1x16xf32> to vector<16xf32>
      %swap3A_62 = vector.shape_cast %broadcast_in_dim3A_57 : vector<16xf32> to vector<1x16xf32>
      tpu.vector_store %arg8[%swap3A_58, %swap3A_59], %swap3A_62 {strides = array<i32>} : memref<128x128xf32, #tpu.memory_space<vmem>>, vector<1x16xf32>,
      %broadcast_in_dim3A_63 = arith.constant 0.000000e+00 : f32
      %broadcast_in_dim3A_64 = vector.broadcast %broadcast_in_dim3A_63 : f32 to vector<16xf32>
      %swap3A_65 = arith.index_cast %scan3A_50 : i32 to index
      %swap3A_66 = arith.constant 32 : index
      %swap3A_67 = tpu.vector_load %arg8[%swap3A_65, %swap3A_66] {strides = array<i32>} : memref<128x128xf32, #tpu.memory_space<vmem>>, vector<1x16xf32>,
      %swap3A_68 = vector.shape_cast %swap3A_67 : vector<1x16xf32> to vector<16xf32>
      %swap3A_69 = vector.shape_cast %broadcast_in_dim3A_64 : vector<16xf32> to vector<1x16xf32>
      tpu.vector_store %arg8[%swap3A_65, %swap3A_66], %swap3A_69 {strides = array<i32>} : memref<128x128xf32, #tpu.memory_space<vmem>>, vector<1x16xf32>,
      %broadcast_in_dim3A_70 = arith.constant 0.000000e+00 : f32
      %broadcast_in_dim3A_71 = vector.broadcast %broadcast_in_dim3A_70 : f32 to vector<16xf32>
      %swap3A_72 = arith.index_cast %scan3A_50 : i32 to index
      %swap3A_73 = arith.constant 48 : index
      %swap3A_74 = tpu.vector_load %arg8[%swap3A_72, %swap3A_73] {strides = array<i32>} : memref<128x128xf32, #tpu.memory_space<vmem>>, vector<1x16xf32>,
      %swap3A_75 = vector.shape_cast %swap3A_74 : vector<1x16xf32> to vector<16xf32>
      %swap3A_76 = vector.shape_cast %broadcast_in_dim3A_71 : vector<16xf32> to vector<1x16xf32>
      tpu.vector_store %arg8[%swap3A_72, %swap3A_73], %swap3A_76 {strides = array<i32>} : memref<128x128xf32, #tpu.memory_space<vmem>>, vector<1x16xf32>,
      %broadcast_in_dim3A_77 = arith.constant 0.000000e+00 : f32
      %broadcast_in_dim3A_78 = vector.broadcast %broadcast_in_dim3A_77 : f32 to vector<16xf32>
      %swap3A_79 = arith.index_cast %scan3A_50 : i32 to index
      %swap3A_80 = arith.constant 64 : index
      %swap3A_81 = tpu.vector_load %arg8[%swap3A_79, %swap3A_80] {strides = array<i32>} : memref<128x128xf32, #tpu.memory_space<vmem>>, vector<1x16xf32>,
      %swap3A_82 = vector.shape_cast %swap3A_81 : vector<1x16xf32> to vector<16xf32>
      %swap3A_83 = vector.shape_cast %broadcast_in_dim3A_78 : vector<16xf32> to vector<1x16xf32>
      tpu.vector_store %arg8[%swap3A_79, %swap3A_80], %swap3A_83 {strides = array<i32>} : memref<128x128xf32, #tpu.memory_space<vmem>>, vector<1x16xf32>,
      %broadcast_in_dim3A_84 = arith.constant 0.000000e+00 : f32
      %broadcast_in_dim3A_85 = vector.broadcast %broadcast_in_dim3A_84 : f32 to vector<16xf32>
      %swap3A_86 = arith.index_cast %scan3A_50 : i32 to index
      %swap3A_87 = arith.constant 80 : index
      %swap3A_88 = tpu.vector_load %arg8[%swap3A_86, %swap3A_87] {strides = array<i32>} : memref<128x128xf32, #tpu.memory_space<vmem>>, vector<1x16xf32>,
      %swap3A_89 = vector.shape_cast %swap3A_88 : vector<1x16xf32> to vector<16xf32>
      %swap3A_90 = vector.shape_cast %broadcast_in_dim3A_85 : vector<16xf32> to vector<1x16xf32>
      tpu.vector_store %arg8[%swap3A_86, %swap3A_87], %swap3A_90 {strides = array<i32>} : memref<128x128xf32, #tpu.memory_space<vmem>>, vector<1x16xf32>,
      %broadcast_in_dim3A_91 = arith.constant 0.000000e+00 : f32
      %broadcast_in_dim3A_92 = vector.broadcast %broadcast_in_dim3A_91 : f32 to vector<16xf32>
      %swap3A_93 = arith.index_cast %scan3A_50 : i32 to index
      %swap3A_94 = arith.constant 96 : index
      %swap3A_95 = tpu.vector_load %arg8[%swap3A_93, %swap3A_94] {strides = array<i32>} : memref<128x128xf32, #tpu.memory_space<vmem>>, vector<1x16xf32>,
      %swap3A_96 = vector.shape_cast %swap3A_95 : vector<1x16xf32> to vector<16xf32>
      %swap3A_97 = vector.shape_cast %broadcast_in_dim3A_92 : vector<16xf32> to vector<1x16xf32>
      tpu.vector_store %arg8[%swap3A_93, %swap3A_94], %swap3A_97 {strides = array<i32>} : memref<128x128xf32, #tpu.memory_space<vmem>>, vector<1x16xf32>,
      %broadcast_in_dim3A_98 = arith.constant 0.000000e+00 : f32
      %broadcast_in_dim3A_99 = vector.broadcast %broadcast_in_dim3A_98 : f32 to vector<16xf32>
      %swap3A_100 = arith.index_cast %scan3A_50 : i32 to index
      %swap3A_101 = arith.constant 112 : index
      %swap3A_102 = tpu.vector_load %arg8[%swap3A_100, %swap3A_101] {strides = array<i32>} : memref<128x128xf32, #tpu.memory_space<vmem>>, vector<1x16xf32>,
      %swap3A_103 = vector.shape_cast %swap3A_102 : vector<1x16xf32> to vector<16xf32>
      %swap3A_104 = vector.shape_cast %broadcast_in_dim3A_99 : vector<16xf32> to vector<1x16xf32>
      tpu.vector_store %arg8[%swap3A_100, %swap3A_101], %swap3A_104 {strides = array<i32>} : memref<128x128xf32, #tpu.memory_space<vmem>>, vector<1x16xf32>,
    }
    %scan3A_7 = arith.constant 128 : i32
    %add3A_8 = arith.constant 0 : i32
    %add3A_9 = arith.addi %mul3A_2, %add3A_8 : i32
    "tpu.region"() ({
      %run_scoped3A_50 = tpu.sem_alloc : memref<!tpu.dma_semaphore, #tpu.memory_space<semaphore_mem>>
      %dma_start3A = arith.constant 0 : i32
      %dma_start3A_51 = tpu.memref_slice %arg10[%add3A_9, %dma_start3A] : memref<10240x128xf32, #tpu.memory_space<vmem_shared>> -> memref<128x128xf32, #tpu.memory_space<vmem_shared>>
      %dma_start3A_52 = arith.constant 0 : i32
      %dma_start3A_53 = tpu.memref_slice %arg10[%add3A_9, %dma_start3A_52] : memref<10240x128xf32, #tpu.memory_space<vmem_shared>> -> memref<128x128xf32, #tpu.memory_space<vmem_shared>>
      tpu.enqueue_dma source(%arg8 : memref<128x128xf32, #tpu.memory_space<vmem>>) target(%dma_start3A_53 : memref<128x128xf32, #tpu.memory_space<vmem_shared>>) target_semaphore(%run_scoped3A_50 : memref<!tpu.dma_semaphore, #tpu.memory_space<semaphore_mem>>)
      %dma_wait3A = arith.constant 0 : i32
      %dma_wait3A_54 = tpu.memref_slice %arg10[%add3A_9, %dma_wait3A] : memref<10240x128xf32, #tpu.memory_space<vmem_shared>> -> memref<128x128xf32, #tpu.memory_space<vmem_shared>>
      %dma_wait3A_55 = arith.constant 0 : i32
      %dma_wait3A_56 = tpu.memref_slice %arg10[%add3A_9, %dma_wait3A_55] : memref<10240x128xf32, #tpu.memory_space<vmem_shared>> -> memref<128x128xf32, #tpu.memory_space<vmem_shared>>
      tpu.wait_dma2 semaphore(%run_scoped3A_50 : memref<!tpu.dma_semaphore, #tpu.memory_space<semaphore_mem>>) src(%arg8 : memref<128x128xf32, #tpu.memory_space<vmem>>) dst(%dma_wait3A_56 : memref<128x128xf32, #tpu.memory_space<vmem_shared>>)
      tpu.yield
    }) : () -> ()
    %add3A_10 = arith.constant 128 : i32
    %add3A_11 = arith.addi %mul3A_2, %add3A_10 : i32
    "tpu.region"() ({
      %run_scoped3A_50 = tpu.sem_alloc : memref<!tpu.dma_semaphore, #tpu.memory_space<semaphore_mem>>
      %dma_start3A = arith.constant 0 : i32
      %dma_start3A_51 = tpu.memref_slice %arg10[%add3A_11, %dma_start3A] : memref<10240x128xf32, #tpu.memory_space<vmem_shared>> -> memref<128x128xf32, #tpu.memory_space<vmem_shared>>
      %dma_start3A_52 = arith.constant 0 : i32
      %dma_start3A_53 = tpu.memref_slice %arg10[%add3A_11, %dma_start3A_52] : memref<10240x128xf32, #tpu.memory_space<vmem_shared>> -> memref<128x128xf32, #tpu.memory_space<vmem_shared>>
      tpu.enqueue_dma source(%arg8 : memref<128x128xf32, #tpu.memory_space<vmem>>) target(%dma_start3A_53 : memref<128x128xf32, #tpu.memory_space<vmem_shared>>) target_semaphore(%run_scoped3A_50 : memref<!tpu.dma_semaphore, #tpu.memory_space<semaphore_mem>>)
      %dma_wait3A = arith.constant 0 : i32
      %dma_wait3A_54 = tpu.memref_slice %arg10[%add3A_11, %dma_wait3A] : memref<10240x128xf32, #tpu.memory_space<vmem_shared>> -> memref<128x128xf32, #tpu.memory_space<vmem_shared>>
      %dma_wait3A_55 = arith.constant 0 : i32
      %dma_wait3A_56 = tpu.memref_slice %arg10[%add3A_11, %dma_wait3A_55] : memref<10240x128xf32, #tpu.memory_space<vmem_shared>> -> memref<128x128xf32, #tpu.memory_space<vmem_shared>>
      tpu.wait_dma2 semaphore(%run_scoped3A_50 : memref<!tpu.dma_semaphore, #tpu.memory_space<semaphore_mem>>) src(%arg8 : memref<128x128xf32, #tpu.memory_space<vmem>>) dst(%dma_wait3A_56 : memref<128x128xf32, #tpu.memory_space<vmem_shared>>)
      tpu.yield
    }) : () -> ()
    %add3A_12 = arith.constant 256 : i32
    %add3A_13 = arith.addi %mul3A_2, %add3A_12 : i32
    "tpu.region"() ({
      %run_scoped3A_50 = tpu.sem_alloc : memref<!tpu.dma_semaphore, #tpu.memory_space<semaphore_mem>>
      %dma_start3A = arith.constant 0 : i32
      %dma_start3A_51 = tpu.memref_slice %arg10[%add3A_13, %dma_start3A] : memref<10240x128xf32, #tpu.memory_space<vmem_shared>> -> memref<128x128xf32, #tpu.memory_space<vmem_shared>>
      %dma_start3A_52 = arith.constant 0 : i32
      %dma_start3A_53 = tpu.memref_slice %arg10[%add3A_13, %dma_start3A_52] : memref<10240x128xf32, #tpu.memory_space<vmem_shared>> -> memref<128x128xf32, #tpu.memory_space<vmem_shared>>
      tpu.enqueue_dma source(%arg8 : memref<128x128xf32, #tpu.memory_space<vmem>>) target(%dma_start3A_53 : memref<128x128xf32, #tpu.memory_space<vmem_shared>>) target_semaphore(%run_scoped3A_50 : memref<!tpu.dma_semaphore, #tpu.memory_space<semaphore_mem>>)
      %dma_wait3A = arith.constant 0 : i32
      %dma_wait3A_54 = tpu.memref_slice %arg10[%add3A_13, %dma_wait3A] : memref<10240x128xf32, #tpu.memory_space<vmem_shared>> -> memref<128x128xf32, #tpu.memory_space<vmem_shared>>
      %dma_wait3A_55 = arith.constant 0 : i32
      %dma_wait3A_56 = tpu.memref_slice %arg10[%add3A_13, %dma_wait3A_55] : memref<10240x128xf32, #tpu.memory_space<vmem_shared>> -> memref<128x128xf32, #tpu.memory_space<vmem_shared>>
      tpu.wait_dma2 semaphore(%run_scoped3A_50 : memref<!tpu.dma_semaphore, #tpu.memory_space<semaphore_mem>>) src(%arg8 : memref<128x128xf32, #tpu.memory_space<vmem>>) dst(%dma_wait3A_56 : memref<128x128xf32, #tpu.memory_space<vmem_shared>>)
      tpu.yield
    }) : () -> ()
    %add3A_14 = arith.constant 384 : i32
    %add3A_15 = arith.addi %mul3A_2, %add3A_14 : i32
    "tpu.region"() ({
      %run_scoped3A_50 = tpu.sem_alloc : memref<!tpu.dma_semaphore, #tpu.memory_space<semaphore_mem>>
      %dma_start3A = arith.constant 0 : i32
      %dma_start3A_51 = tpu.memref_slice %arg10[%add3A_15, %dma_start3A] : memref<10240x128xf32, #tpu.memory_space<vmem_shared>> -> memref<128x128xf32, #tpu.memory_space<vmem_shared>>
      %dma_start3A_52 = arith.constant 0 : i32
      %dma_start3A_53 = tpu.memref_slice %arg10[%add3A_15, %dma_start3A_52] : memref<10240x128xf32, #tpu.memory_space<vmem_shared>> -> memref<128x128xf32, #tpu.memory_space<vmem_shared>>
      tpu.enqueue_dma source(%arg8 : memref<128x128xf32, #tpu.memory_space<vmem>>) target(%dma_start3A_53 : memref<128x128xf32, #tpu.memory_space<vmem_shared>>) target_semaphore(%run_scoped3A_50 : memref<!tpu.dma_semaphore, #tpu.memory_space<semaphore_mem>>)
      %dma_wait3A = arith.constant 0 : i32
      %dma_wait3A_54 = tpu.memref_slice %arg10[%add3A_15, %dma_wait3A] : memref<10240x128xf32, #tpu.memory_space<vmem_shared>> -> memref<128x128xf32, #tpu.memory_space<vmem_shared>>
      %dma_wait3A_55 = arith.constant 0 : i32
      %dma_wait3A_56 = tpu.memref_slice %arg10[%add3A_15, %dma_wait3A_55] : memref<10240x128xf32, #tpu.memory_space<vmem_shared>> -> memref<128x128xf32, #tpu.memory_space<vmem_shared>>
      tpu.wait_dma2 semaphore(%run_scoped3A_50 : memref<!tpu.dma_semaphore, #tpu.memory_space<semaphore_mem>>) src(%arg8 : memref<128x128xf32, #tpu.memory_space<vmem>>) dst(%dma_wait3A_56 : memref<128x128xf32, #tpu.memory_space<vmem_shared>>)
      tpu.yield
    }) : () -> ()
    %add3A_16 = arith.constant 512 : i32
    %add3A_17 = arith.addi %mul3A_2, %add3A_16 : i32
    "tpu.region"() ({
      %run_scoped3A_50 = tpu.sem_alloc : memref<!tpu.dma_semaphore, #tpu.memory_space<semaphore_mem>>
      %dma_start3A = arith.constant 0 : i32
      %dma_start3A_51 = tpu.memref_slice %arg10[%add3A_17, %dma_start3A] : memref<10240x128xf32, #tpu.memory_space<vmem_shared>> -> memref<128x128xf32, #tpu.memory_space<vmem_shared>>
      %dma_start3A_52 = arith.constant 0 : i32
      %dma_start3A_53 = tpu.memref_slice %arg10[%add3A_17, %dma_start3A_52] : memref<10240x128xf32, #tpu.memory_space<vmem_shared>> -> memref<128x128xf32, #tpu.memory_space<vmem_shared>>
      tpu.enqueue_dma source(%arg8 : memref<128x128xf32, #tpu.memory_space<vmem>>) target(%dma_start3A_53 : memref<128x128xf32, #tpu.memory_space<vmem_shared>>) target_semaphore(%run_scoped3A_50 : memref<!tpu.dma_semaphore, #tpu.memory_space<semaphore_mem>>)
      %dma_wait3A = arith.constant 0 : i32
      %dma_wait3A_54 = tpu.memref_slice %arg10[%add3A_17, %dma_wait3A] : memref<10240x128xf32, #tpu.memory_space<vmem_shared>> -> memref<128x128xf32, #tpu.memory_space<vmem_shared>>
      %dma_wait3A_55 = arith.constant 0 : i32
      %dma_wait3A_56 = tpu.memref_slice %arg10[%add3A_17, %dma_wait3A_55] : memref<10240x128xf32, #tpu.memory_space<vmem_shared>> -> memref<128x128xf32, #tpu.memory_space<vmem_shared>>
      tpu.wait_dma2 semaphore(%run_scoped3A_50 : memref<!tpu.dma_semaphore, #tpu.memory_space<semaphore_mem>>) src(%arg8 : memref<128x128xf32, #tpu.memory_space<vmem>>) dst(%dma_wait3A_56 : memref<128x128xf32, #tpu.memory_space<vmem_shared>>)
      tpu.yield
    }) : () -> ()
    %mul3A_18 = arith.constant 80 : i32
    %mul3A_19 = arith.muli %add3A, %mul3A_18 : i32
    %run_scoped3A = arith.constant 0 : i32
    "tpu.region"() ({
      %run_scoped3A_50 = tpu.sem_alloc : memref<!tpu.dma_semaphore, #tpu.memory_space<semaphore_mem>>
      %dma_start3A = arith.constant 0 : i32
      %dma_start3A_51 = arith.constant 0 : i32
      %dma_start3A_52 = tpu.memref_slice %arg6[%run_scoped3A, %dma_start3A, %dma_start3A_51] : memref<2x8x128xi32, #tpu.memory_space<vmem>> -> memref<1x8x128xi32, #tpu.memory_space<vmem>>
      %dma_start3A_53 = tpu.memref_squeeze %dma_start3A_52 : memref<1x8x128xi32, #tpu.memory_space<vmem>> -> memref<8x128xi32, #tpu.memory_space<vmem>>
      %dma_start3A_54 = arith.constant 0 : i32
      %dma_start3A_55 = tpu.memref_slice %arg3[%mul3A_19, %dma_start3A_54] : memref<2560x128xi32, #tpu.memory_space<hbm>> -> memref<8x128xi32, #tpu.memory_space<hbm>>
      %dma_start3A_56 = arith.constant 0 : i32
      %dma_start3A_57 = arith.constant 0 : i32
      %dma_start3A_58 = tpu.memref_slice %arg6[%run_scoped3A, %dma_start3A_56, %dma_start3A_57] : memref<2x8x128xi32, #tpu.memory_space<vmem>> -> memref<1x8x128xi32, #tpu.memory_space<vmem>>
      %dma_start3A_59 = tpu.memref_squeeze %dma_start3A_58 : memref<1x8x128xi32, #tpu.memory_space<vmem>> -> memref<8x128xi32, #tpu.memory_space<vmem>>
      %dma_start3A_60 = arith.constant 0 : i32
      %dma_start3A_61 = tpu.memref_slice %arg3[%mul3A_19, %dma_start3A_60] : memref<2560x128xi32, #tpu.memory_space<hbm>> -> memref<8x128xi32, #tpu.memory_space<hbm>>
      tpu.enqueue_dma source(%dma_start3A_61 : memref<8x128xi32, #tpu.memory_space<hbm>>) target(%dma_start3A_59 : memref<8x128xi32, #tpu.memory_space<vmem>>) target_semaphore(%run_scoped3A_50 : memref<!tpu.dma_semaphore, #tpu.memory_space<semaphore_mem>>)
      %dma_wait3A = arith.constant 0 : i32
      %dma_wait3A_62 = arith.constant 0 : i32
      %dma_wait3A_63 = tpu.memref_slice %arg6[%run_scoped3A, %dma_wait3A, %dma_wait3A_62] : memref<2x8x128xi32, #tpu.memory_space<vmem>> -> memref<1x8x128xi32, #tpu.memory_space<vmem>>
      %dma_wait3A_64 = tpu.memref_squeeze %dma_wait3A_63 : memref<1x8x128xi32, #tpu.memory_space<vmem>> -> memref<8x128xi32, #tpu.memory_space<vmem>>
      %dma_wait3A_65 = arith.constant 0 : i32
      %dma_wait3A_66 = tpu.memref_slice %arg3[%mul3A_19, %dma_wait3A_65] : memref<2560x128xi32, #tpu.memory_space<hbm>> -> memref<8x128xi32, #tpu.memory_space<hbm>>
      %dma_wait3A_67 = arith.constant 0 : i32
      %dma_wait3A_68 = arith.constant 0 : i32
      %dma_wait3A_69 = tpu.memref_slice %arg6[%run_scoped3A, %dma_wait3A_67, %dma_wait3A_68] : memref<2x8x128xi32, #tpu.memory_space<vmem>> -> memref<1x8x128xi32, #tpu.memory_space<vmem>>
      %dma_wait3A_70 = tpu.memref_squeeze %dma_wait3A_69 : memref<1x8x128xi32, #tpu.memory_space<vmem>> -> memref<8x128xi32, #tpu.memory_space<vmem>>
      %dma_wait3A_71 = arith.constant 0 : i32
      %dma_wait3A_72 = tpu.memref_slice %arg3[%mul3A_19, %dma_wait3A_71] : memref<2560x128xi32, #tpu.memory_space<hbm>> -> memref<8x128xi32, #tpu.memory_space<hbm>>
      tpu.wait_dma2 semaphore(%run_scoped3A_50 : memref<!tpu.dma_semaphore, #tpu.memory_space<semaphore_mem>>) src(%dma_wait3A_72 : memref<8x128xi32, #tpu.memory_space<hbm>>) dst(%dma_wait3A_70 : memref<8x128xi32, #tpu.memory_space<vmem>>)
      tpu.yield
    }) : () -> ()
    %mul3A_20 = arith.constant 80 : i32
    %mul3A_21 = arith.muli %add3A, %mul3A_20 : i32
    %run_scoped3A_22 = arith.constant 0 : i32
    "tpu.region"() ({
      %run_scoped3A_50 = tpu.sem_alloc : memref<!tpu.dma_semaphore, #tpu.memory_space<semaphore_mem>>
      %dma_start3A = arith.constant 0 : i32
      %dma_start3A_51 = arith.constant 0 : i32
      %dma_start3A_52 = tpu.memref_slice %arg7[%run_scoped3A_22, %dma_start3A, %dma_start3A_51] : memref<2x8x128xi32, #tpu.memory_space<vmem>> -> memref<1x8x128xi32, #tpu.memory_space<vmem>>
      %dma_start3A_53 = tpu.memref_squeeze %dma_start3A_52 : memref<1x8x128xi32, #tpu.memory_space<vmem>> -> memref<8x128xi32, #tpu.memory_space<vmem>>
      %dma_start3A_54 = arith.constant 0 : i32
      %dma_start3A_55 = tpu.memref_slice %arg4[%mul3A_21, %dma_start3A_54] : memref<2560x128xi32, #tpu.memory_space<hbm>> -> memref<8x128xi32, #tpu.memory_space<hbm>>
      %dma_start3A_56 = arith.constant 0 : i32
      %dma_start3A_57 = arith.constant 0 : i32
      %dma_start3A_58 = tpu.memref_slice %arg7[%run_scoped3A_22, %dma_start3A_56, %dma_start3A_57] : memref<2x8x128xi32, #tpu.memory_space<vmem>> -> memref<1x8x128xi32, #tpu.memory_space<vmem>>
      %dma_start3A_59 = tpu.memref_squeeze %dma_start3A_58 : memref<1x8x128xi32, #tpu.memory_space<vmem>> -> memref<8x128xi32, #tpu.memory_space<vmem>>
      %dma_start3A_60 = arith.constant 0 : i32
      %dma_start3A_61 = tpu.memref_slice %arg4[%mul3A_21, %dma_start3A_60] : memref<2560x128xi32, #tpu.memory_space<hbm>> -> memref<8x128xi32, #tpu.memory_space<hbm>>
      tpu.enqueue_dma source(%dma_start3A_61 : memref<8x128xi32, #tpu.memory_space<hbm>>) target(%dma_start3A_59 : memref<8x128xi32, #tpu.memory_space<vmem>>) target_semaphore(%run_scoped3A_50 : memref<!tpu.dma_semaphore, #tpu.memory_space<semaphore_mem>>)
      %dma_wait3A = arith.constant 0 : i32
      %dma_wait3A_62 = arith.constant 0 : i32
      %dma_wait3A_63 = tpu.memref_slice %arg7[%run_scoped3A_22, %dma_wait3A, %dma_wait3A_62] : memref<2x8x128xi32, #tpu.memory_space<vmem>> -> memref<1x8x128xi32, #tpu.memory_space<vmem>>
      %dma_wait3A_64 = tpu.memref_squeeze %dma_wait3A_63 : memref<1x8x128xi32, #tpu.memory_space<vmem>> -> memref<8x128xi32, #tpu.memory_space<vmem>>
      %dma_wait3A_65 = arith.constant 0 : i32
      %dma_wait3A_66 = tpu.memref_slice %arg4[%mul3A_21, %dma_wait3A_65] : memref<2560x128xi32, #tpu.memory_space<hbm>> -> memref<8x128xi32, #tpu.memory_space<hbm>>
      %dma_wait3A_67 = arith.constant 0 : i32
      %dma_wait3A_68 = arith.constant 0 : i32
      %dma_wait3A_69 = tpu.memref_slice %arg7[%run_scoped3A_22, %dma_wait3A_67, %dma_wait3A_68] : memref<2x8x128xi32, #tpu.memory_space<vmem>> -> memref<1x8x128xi32, #tpu.memory_space<vmem>>
      %dma_wait3A_70 = tpu.memref_squeeze %dma_wait3A_69 : memref<1x8x128xi32, #tpu.memory_space<vmem>> -> memref<8x128xi32, #tpu.memory_space<vmem>>
      %dma_wait3A_71 = arith.constant 0 : i32
      %dma_wait3A_72 = tpu.memref_slice %arg4[%mul3A_21, %dma_wait3A_71] : memref<2560x128xi32, #tpu.memory_space<hbm>> -> memref<8x128xi32, #tpu.memory_space<hbm>>
      tpu.wait_dma2 semaphore(%run_scoped3A_50 : memref<!tpu.dma_semaphore, #tpu.memory_space<semaphore_mem>>) src(%dma_wait3A_72 : memref<8x128xi32, #tpu.memory_space<hbm>>) dst(%dma_wait3A_70 : memref<8x128xi32, #tpu.memory_space<vmem>>)
      tpu.yield
    }) : () -> ()
    %barrier3A = arith.constant 0 : index
    tpu.barrier barrier_id(%barrier3A)
    %scan3A_23 = arith.constant 0 : i32
    %scan3A_24 = arith.constant 0 : i32
    %scan3A_25 = arith.constant 10 : i32
    %scan3A_26 = arith.addi %scan3A_24, %scan3A_25 : i32
    %scan3A_27 = arith.constant 1 : i32
    scf.for %scan3A_50 = %scan3A_24 to %scan3A_26 step %scan3A_27  : i32 {
      %rem3A = arith.constant 2 : i32
      %rem3A_51 = arith.remsi %scan3A_50, %rem3A : i32
      %add3A_52 = arith.constant 1 : i32
      %add3A_53 = arith.addi %scan3A_50, %add3A_52 : i32
      %rem3A_54 = arith.constant 2 : i32
      %rem3A_55 = arith.remsi %add3A_53, %rem3A_54 : i32
      %mul3A_56 = arith.constant 80 : i32
      %mul3A_57 = arith.muli %add3A, %mul3A_56 : i32
      %add3A_58 = arith.constant 1 : i32
      %add3A_59 = arith.addi %scan3A_50, %add3A_58 : i32
      %mul3A_60 = arith.constant 8 : i32
      %mul3A_61 = arith.muli %add3A_59, %mul3A_60 : i32
      %add3A_62 = arith.addi %mul3A_57, %mul3A_61 : i32
      %lt3A = arith.constant 9 : i32
      %lt3A_63 = arith.cmpi slt, %scan3A_50, %lt3A : i32
      %convert_element_type3A = arith.extui %lt3A_63 : i1 to i32
      %cond3A = arith.constant 0 : i32
      %cond3A_64 = arith.cmpi ne, %convert_element_type3A, %cond3A : i32
      scf.if %cond3A_64 {
        %dma_start3A_188 = arith.constant 0 : i32
        %dma_start3A_189 = arith.constant 0 : i32
        %dma_start3A_190 = tpu.memref_slice %arg6[%rem3A_55, %dma_start3A_188, %dma_start3A_189] : memref<2x8x128xi32, #tpu.memory_space<vmem>> -> memref<1x8x128xi32, #tpu.memory_space<vmem>>
        %dma_start3A_191 = tpu.memref_squeeze %dma_start3A_190 : memref<1x8x128xi32, #tpu.memory_space<vmem>> -> memref<8x128xi32, #tpu.memory_space<vmem>>
        %dma_start3A_192 = arith.constant 0 : i32
        %dma_start3A_193 = tpu.memref_slice %arg3[%add3A_62, %dma_start3A_192] : memref<2560x128xi32, #tpu.memory_space<hbm>> -> memref<8x128xi32, #tpu.memory_space<hbm>>
        %dma_start3A_194 = arith.constant 0 : i32
        %dma_start3A_195 = arith.constant 0 : i32
        %dma_start3A_196 = tpu.memref_slice %arg6[%rem3A_55, %dma_start3A_194, %dma_start3A_195] : memref<2x8x128xi32, #tpu.memory_space<vmem>> -> memref<1x8x128xi32, #tpu.memory_space<vmem>>
        %dma_start3A_197 = tpu.memref_squeeze %dma_start3A_196 : memref<1x8x128xi32, #tpu.memory_space<vmem>> -> memref<8x128xi32, #tpu.memory_space<vmem>>
        %dma_start3A_198 = arith.constant 0 : i32
        %dma_start3A_199 = tpu.memref_slice %arg3[%add3A_62, %dma_start3A_198] : memref<2560x128xi32, #tpu.memory_space<hbm>> -> memref<8x128xi32, #tpu.memory_space<hbm>>
        tpu.enqueue_dma source(%dma_start3A_199 : memref<8x128xi32, #tpu.memory_space<hbm>>) target(%dma_start3A_197 : memref<8x128xi32, #tpu.memory_space<vmem>>) target_semaphore(%arg13 : memref<!tpu.dma_semaphore, #tpu.memory_space<semaphore_mem>>)
        %dma_start3A_200 = arith.constant 0 : i32
        %dma_start3A_201 = arith.constant 0 : i32
        %dma_start3A_202 = tpu.memref_slice %arg7[%rem3A_55, %dma_start3A_200, %dma_start3A_201] : memref<2x8x128xi32, #tpu.memory_space<vmem>> -> memref<1x8x128xi32, #tpu.memory_space<vmem>>
        %dma_start3A_203 = tpu.memref_squeeze %dma_start3A_202 : memref<1x8x128xi32, #tpu.memory_space<vmem>> -> memref<8x128xi32, #tpu.memory_space<vmem>>
        %dma_start3A_204 = arith.constant 0 : i32
        %dma_start3A_205 = tpu.memref_slice %arg4[%add3A_62, %dma_start3A_204] : memref<2560x128xi32, #tpu.memory_space<hbm>> -> memref<8x128xi32, #tpu.memory_space<hbm>>
        %dma_start3A_206 = arith.constant 0 : i32
        %dma_start3A_207 = arith.constant 0 : i32
        %dma_start3A_208 = tpu.memref_slice %arg7[%rem3A_55, %dma_start3A_206, %dma_start3A_207] : memref<2x8x128xi32, #tpu.memory_space<vmem>> -> memref<1x8x128xi32, #tpu.memory_space<vmem>>
        %dma_start3A_209 = tpu.memref_squeeze %dma_start3A_208 : memref<1x8x128xi32, #tpu.memory_space<vmem>> -> memref<8x128xi32, #tpu.memory_space<vmem>>
        %dma_start3A_210 = arith.constant 0 : i32
        %dma_start3A_211 = tpu.memref_slice %arg4[%add3A_62, %dma_start3A_210] : memref<2560x128xi32, #tpu.memory_space<hbm>> -> memref<8x128xi32, #tpu.memory_space<hbm>>
        tpu.enqueue_dma source(%dma_start3A_211 : memref<8x128xi32, #tpu.memory_space<hbm>>) target(%dma_start3A_209 : memref<8x128xi32, #tpu.memory_space<vmem>>) target_semaphore(%arg13 : memref<!tpu.dma_semaphore, #tpu.memory_space<semaphore_mem>>)
      } else {
      }
      %dma_start3A = arith.constant 0 : i32
      %dma_start3A_65 = arith.constant 0 : i32
      %dma_start3A_66 = tpu.memref_slice %arg7[%rem3A_51, %dma_start3A, %dma_start3A_65] : memref<2x8x128xi32, #tpu.memory_space<vmem>> -> memref<1x1x128xi32, #tpu.memory_space<vmem>>
      %dma_start3A_67 = tpu.memref_squeeze %dma_start3A_66 : memref<1x1x128xi32, #tpu.memory_space<vmem>> -> memref<128xi32, #tpu.memory_space<vmem>>
      %dma_start3A_68 = arith.constant 0 : i32
      %dma_start3A_69 = arith.constant 0 : i32
      %dma_start3A_70 = tpu.memref_slice %arg2[%dma_start3A_68, %dma_start3A_69] : memref<10000x128xf32, #tpu.memory_space<hbm>> -> memref<10000x128xf32, #tpu.memory_space<hbm>>
      tpu.enqueue_indirect_dma source(%dma_start3A_70 : memref<10000x128xf32, #tpu.memory_space<hbm>>) target(%arg8 : memref<128x128xf32, #tpu.memory_space<vmem>>) offsets(%dma_start3A_67 : memref<128xi32, #tpu.memory_space<vmem>>) semaphore(%arg11 : memref<!tpu.dma_semaphore, #tpu.memory_space<semaphore_mem>>)
      %dma_start3A_71 = arith.constant 1 : i32
      %dma_start3A_72 = arith.constant 0 : i32
      %dma_start3A_73 = tpu.memref_slice %arg7[%rem3A_51, %dma_start3A_71, %dma_start3A_72] : memref<2x8x128xi32, #tpu.memory_space<vmem>> -> memref<1x1x128xi32, #tpu.memory_space<vmem>>
      %dma_start3A_74 = tpu.memref_squeeze %dma_start3A_73 : memref<1x1x128xi32, #tpu.memory_space<vmem>> -> memref<128xi32, #tpu.memory_space<vmem>>
      %dma_start3A_75 = arith.constant 0 : i32
      %dma_start3A_76 = arith.constant 0 : i32
      %dma_start3A_77 = tpu.memref_slice %arg2[%dma_start3A_75, %dma_start3A_76] : memref<10000x128xf32, #tpu.memory_space<hbm>> -> memref<10000x128xf32, #tpu.memory_space<hbm>>
      tpu.enqueue_indirect_dma source(%dma_start3A_77 : memref<10000x128xf32, #tpu.memory_space<hbm>>) target(%arg9 : memref<128x128xf32, #tpu.memory_space<vmem>>) offsets(%dma_start3A_74 : memref<128xi32, #tpu.memory_space<vmem>>) semaphore(%arg12 : memref<!tpu.dma_semaphore, #tpu.memory_space<semaphore_mem>>)
      %dma_wait3A = arith.constant 0 : i32
      %dma_wait3A_78 = arith.constant 0 : i32
      %dma_wait3A_79 = tpu.memref_slice %arg7[%rem3A_51, %dma_wait3A, %dma_wait3A_78] : memref<2x8x128xi32, #tpu.memory_space<vmem>> -> memref<1x1x128xi32, #tpu.memory_space<vmem>>
      %dma_wait3A_80 = tpu.memref_squeeze %dma_wait3A_79 : memref<1x1x128xi32, #tpu.memory_space<vmem>> -> memref<128xi32, #tpu.memory_space<vmem>>
      %dma_wait3A_81 = arith.constant 0 : i32
      %dma_wait3A_82 = arith.constant 0 : i32
      %dma_wait3A_83 = tpu.memref_slice %arg2[%dma_wait3A_81, %dma_wait3A_82] : memref<10000x128xf32, #tpu.memory_space<hbm>> -> memref<10000x128xf32, #tpu.memory_space<hbm>>
      tpu.wait_indirect_dma semaphore(%arg11 : memref<!tpu.dma_semaphore, #tpu.memory_space<semaphore_mem>>) src(%dma_wait3A_83 : memref<10000x128xf32, #tpu.memory_space<hbm>>) dst(%arg8 : memref<128x128xf32, #tpu.memory_space<vmem>>)
      %run_scoped3A_84 = arith.constant 0 : i32
      "tpu.region"() ({
        %run_scoped3A_188 = tpu.sem_alloc : memref<!tpu.dma_semaphore, #tpu.memory_space<semaphore_mem>>
        %dma_start3A_189 = arith.constant 0 : i32
        %dma_start3A_190 = tpu.memref_slice %arg6[%rem3A_51, %run_scoped3A_84, %dma_start3A_189] : memref<2x8x128xi32, #tpu.memory_space<vmem>> -> memref<1x1x128xi32, #tpu.memory_space<vmem>>
        %dma_start3A_191 = tpu.memref_squeeze %dma_start3A_190 : memref<1x1x128xi32, #tpu.memory_space<vmem>> -> memref<128xi32, #tpu.memory_space<vmem>>
        %dma_start3A_192 = arith.constant 0 : i32
        %dma_start3A_193 = arith.constant 0 : i32
        %dma_start3A_194 = tpu.memref_slice %arg10[%dma_start3A_192, %dma_start3A_193] : memref<10240x128xf32, #tpu.memory_space<vmem_shared>> -> memref<10240x128xf32, #tpu.memory_space<vmem_shared>>
        tpu.enqueue_indirect_dma source(%arg8 : memref<128x128xf32, #tpu.memory_space<vmem>>) target(%dma_start3A_194 : memref<10240x128xf32, #tpu.memory_space<vmem_shared>>) offsets(%dma_start3A_191 : memref<128xi32, #tpu.memory_space<vmem>>) semaphore(%run_scoped3A_188 : memref<!tpu.dma_semaphore, #tpu.memory_space<semaphore_mem>>) {add = true}
        %dma_wait3A_195 = arith.constant 0 : i32
        %dma_wait3A_196 = tpu.memref_slice %arg6[%rem3A_51, %run_scoped3A_84, %dma_wait3A_195] : memref<2x8x128xi32, #tpu.memory_space<vmem>> -> memref<1x1x128xi32, #tpu.memory_space<vmem>>
        %dma_wait3A_197 = tpu.memref_squeeze %dma_wait3A_196 : memref<1x1x128xi32, #tpu.memory_space<vmem>> -> memref<128xi32, #tpu.memory_space<vmem>>
        %dma_wait3A_198 = arith.constant 0 : i32
        %dma_wait3A_199 = arith.constant 0 : i32
        %dma_wait3A_200 = tpu.memref_slice %arg10[%dma_wait3A_198, %dma_wait3A_199] : memref<10240x128xf32, #tpu.memory_space<vmem_shared>> -> memref<10240x128xf32, #tpu.memory_space<vmem_shared>>
        tpu.wait_indirect_dma semaphore(%run_scoped3A_188 : memref<!tpu.dma_semaphore, #tpu.memory_space<semaphore_mem>>) src(%arg8 : memref<128x128xf32, #tpu.memory_space<vmem>>) dst(%dma_wait3A_200 : memref<10240x128xf32, #tpu.memory_space<vmem_shared>>)
        tpu.yield
      }) : () -> ()
      %dma_start3A_85 = arith.constant 2 : i32
      %dma_start3A_86 = arith.constant 0 : i32
      %dma_start3A_87 = tpu.memref_slice %arg7[%rem3A_51, %dma_start3A_85, %dma_start3A_86] : memref<2x8x128xi32, #tpu.memory_space<vmem>> -> memref<1x1x128xi32, #tpu.memory_space<vmem>>
      %dma_start3A_88 = tpu.memref_squeeze %dma_start3A_87 : memref<1x1x128xi32, #tpu.memory_space<vmem>> -> memref<128xi32, #tpu.memory_space<vmem>>
      %dma_start3A_89 = arith.constant 0 : i32
      %dma_start3A_90 = arith.constant 0 : i32
      %dma_start3A_91 = tpu.memref_slice %arg2[%dma_start3A_89, %dma_start3A_90] : memref<10000x128xf32, #tpu.memory_space<hbm>> -> memref<10000x128xf32, #tpu.memory_space<hbm>>
      tpu.enqueue_indirect_dma source(%dma_start3A_91 : memref<10000x128xf32, #tpu.memory_space<hbm>>) target(%arg8 : memref<128x128xf32, #tpu.memory_space<vmem>>) offsets(%dma_start3A_88 : memref<128xi32, #tpu.memory_space<vmem>>) semaphore(%arg11 : memref<!tpu.dma_semaphore, #tpu.memory_space<semaphore_mem>>)
      %dma_wait3A_92 = arith.constant 1 : i32
      %dma_wait3A_93 = arith.constant 0 : i32
      %dma_wait3A_94 = tpu.memref_slice %arg7[%rem3A_51, %dma_wait3A_92, %dma_wait3A_93] : memref<2x8x128xi32, #tpu.memory_space<vmem>> -> memref<1x1x128xi32, #tpu.memory_space<vmem>>
      %dma_wait3A_95 = tpu.memref_squeeze %dma_wait3A_94 : memref<1x1x128xi32, #tpu.memory_space<vmem>> -> memref<128xi32, #tpu.memory_space<vmem>>
      %dma_wait3A_96 = arith.constant 0 : i32
      %dma_wait3A_97 = arith.constant 0 : i32
      %dma_wait3A_98 = tpu.memref_slice %arg2[%dma_wait3A_96, %dma_wait3A_97] : memref<10000x128xf32, #tpu.memory_space<hbm>> -> memref<10000x128xf32, #tpu.memory_space<hbm>>
      tpu.wait_indirect_dma semaphore(%arg12 : memref<!tpu.dma_semaphore, #tpu.memory_space<semaphore_mem>>) src(%dma_wait3A_98 : memref<10000x128xf32, #tpu.memory_space<hbm>>) dst(%arg9 : memref<128x128xf32, #tpu.memory_space<vmem>>)
      %run_scoped3A_99 = arith.constant 1 : i32
      "tpu.region"() ({
        %run_scoped3A_188 = tpu.sem_alloc : memref<!tpu.dma_semaphore, #tpu.memory_space<semaphore_mem>>
        %dma_start3A_189 = arith.constant 0 : i32
        %dma_start3A_190 = tpu.memref_slice %arg6[%rem3A_51, %run_scoped3A_99, %dma_start3A_189] : memref<2x8x128xi32, #tpu.memory_space<vmem>> -> memref<1x1x128xi32, #tpu.memory_space<vmem>>
        %dma_start3A_191 = tpu.memref_squeeze %dma_start3A_190 : memref<1x1x128xi32, #tpu.memory_space<vmem>> -> memref<128xi32, #tpu.memory_space<vmem>>
        %dma_start3A_192 = arith.constant 0 : i32
        %dma_start3A_193 = arith.constant 0 : i32
        %dma_start3A_194 = tpu.memref_slice %arg10[%dma_start3A_192, %dma_start3A_193] : memref<10240x128xf32, #tpu.memory_space<vmem_shared>> -> memref<10240x128xf32, #tpu.memory_space<vmem_shared>>
        tpu.enqueue_indirect_dma source(%arg9 : memref<128x128xf32, #tpu.memory_space<vmem>>) target(%dma_start3A_194 : memref<10240x128xf32, #tpu.memory_space<vmem_shared>>) offsets(%dma_start3A_191 : memref<128xi32, #tpu.memory_space<vmem>>) semaphore(%run_scoped3A_188 : memref<!tpu.dma_semaphore, #tpu.memory_space<semaphore_mem>>) {add = true}
        %dma_wait3A_195 = arith.constant 0 : i32
        %dma_wait3A_196 = tpu.memref_slice %arg6[%rem3A_51, %run_scoped3A_99, %dma_wait3A_195] : memref<2x8x128xi32, #tpu.memory_space<vmem>> -> memref<1x1x128xi32, #tpu.memory_space<vmem>>
        %dma_wait3A_197 = tpu.memref_squeeze %dma_wait3A_196 : memref<1x1x128xi32, #tpu.memory_space<vmem>> -> memref<128xi32, #tpu.memory_space<vmem>>
        %dma_wait3A_198 = arith.constant 0 : i32
        %dma_wait3A_199 = arith.constant 0 : i32
        %dma_wait3A_200 = tpu.memref_slice %arg10[%dma_wait3A_198, %dma_wait3A_199] : memref<10240x128xf32, #tpu.memory_space<vmem_shared>> -> memref<10240x128xf32, #tpu.memory_space<vmem_shared>>
        tpu.wait_indirect_dma semaphore(%run_scoped3A_188 : memref<!tpu.dma_semaphore, #tpu.memory_space<semaphore_mem>>) src(%arg9 : memref<128x128xf32, #tpu.memory_space<vmem>>) dst(%dma_wait3A_200 : memref<10240x128xf32, #tpu.memory_space<vmem_shared>>)
        tpu.yield
      }) : () -> ()
      %dma_start3A_100 = arith.constant 3 : i32
      %dma_start3A_101 = arith.constant 0 : i32
      %dma_start3A_102 = tpu.memref_slice %arg7[%rem3A_51, %dma_start3A_100, %dma_start3A_101] : memref<2x8x128xi32, #tpu.memory_space<vmem>> -> memref<1x1x128xi32, #tpu.memory_space<vmem>>
      %dma_start3A_103 = tpu.memref_squeeze %dma_start3A_102 : memref<1x1x128xi32, #tpu.memory_space<vmem>> -> memref<128xi32, #tpu.memory_space<vmem>>
      %dma_start3A_104 = arith.constant 0 : i32
      %dma_start3A_105 = arith.constant 0 : i32
      %dma_start3A_106 = tpu.memref_slice %arg2[%dma_start3A_104, %dma_start3A_105] : memref<10000x128xf32, #tpu.memory_space<hbm>> -> memref<10000x128xf32, #tpu.memory_space<hbm>>
      tpu.enqueue_indirect_dma source(%dma_start3A_106 : memref<10000x128xf32, #tpu.memory_space<hbm>>) target(%arg9 : memref<128x128xf32, #tpu.memory_space<vmem>>) offsets(%dma_start3A_103 : memref<128xi32, #tpu.memory_space<vmem>>) semaphore(%arg12 : memref<!tpu.dma_semaphore, #tpu.memory_space<semaphore_mem>>)
      %dma_wait3A_107 = arith.constant 2 : i32
      %dma_wait3A_108 = arith.constant 0 : i32
      %dma_wait3A_109 = tpu.memref_slice %arg7[%rem3A_51, %dma_wait3A_107, %dma_wait3A_108] : memref<2x8x128xi32, #tpu.memory_space<vmem>> -> memref<1x1x128xi32, #tpu.memory_space<vmem>>
      %dma_wait3A_110 = tpu.memref_squeeze %dma_wait3A_109 : memref<1x1x128xi32, #tpu.memory_space<vmem>> -> memref<128xi32, #tpu.memory_space<vmem>>
      %dma_wait3A_111 = arith.constant 0 : i32
      %dma_wait3A_112 = arith.constant 0 : i32
      %dma_wait3A_113 = tpu.memref_slice %arg2[%dma_wait3A_111, %dma_wait3A_112] : memref<10000x128xf32, #tpu.memory_space<hbm>> -> memref<10000x128xf32, #tpu.memory_space<hbm>>
      tpu.wait_indirect_dma semaphore(%arg11 : memref<!tpu.dma_semaphore, #tpu.memory_space<semaphore_mem>>) src(%dma_wait3A_113 : memref<10000x128xf32, #tpu.memory_space<hbm>>) dst(%arg8 : memref<128x128xf32, #tpu.memory_space<vmem>>)
      %run_scoped3A_114 = arith.constant 2 : i32
      "tpu.region"() ({
        %run_scoped3A_188 = tpu.sem_alloc : memref<!tpu.dma_semaphore, #tpu.memory_space<semaphore_mem>>
        %dma_start3A_189 = arith.constant 0 : i32
        %dma_start3A_190 = tpu.memref_slice %arg6[%rem3A_51, %run_scoped3A_114, %dma_start3A_189] : memref<2x8x128xi32, #tpu.memory_space<vmem>> -> memref<1x1x128xi32, #tpu.memory_space<vmem>>
        %dma_start3A_191 = tpu.memref_squeeze %dma_start3A_190 : memref<1x1x128xi32, #tpu.memory_space<vmem>> -> memref<128xi32, #tpu.memory_space<vmem>>
        %dma_start3A_192 = arith.constant 0 : i32
        %dma_start3A_193 = arith.constant 0 : i32
        %dma_start3A_194 = tpu.memref_slice %arg10[%dma_start3A_192, %dma_start3A_193] : memref<10240x128xf32, #tpu.memory_space<vmem_shared>> -> memref<10240x128xf32, #tpu.memory_space<vmem_shared>>
        tpu.enqueue_indirect_dma source(%arg8 : memref<128x128xf32, #tpu.memory_space<vmem>>) target(%dma_start3A_194 : memref<10240x128xf32, #tpu.memory_space<vmem_shared>>) offsets(%dma_start3A_191 : memref<128xi32, #tpu.memory_space<vmem>>) semaphore(%run_scoped3A_188 : memref<!tpu.dma_semaphore, #tpu.memory_space<semaphore_mem>>) {add = true}
        %dma_wait3A_195 = arith.constant 0 : i32
        %dma_wait3A_196 = tpu.memref_slice %arg6[%rem3A_51, %run_scoped3A_114, %dma_wait3A_195] : memref<2x8x128xi32, #tpu.memory_space<vmem>> -> memref<1x1x128xi32, #tpu.memory_space<vmem>>
        %dma_wait3A_197 = tpu.memref_squeeze %dma_wait3A_196 : memref<1x1x128xi32, #tpu.memory_space<vmem>> -> memref<128xi32, #tpu.memory_space<vmem>>
        %dma_wait3A_198 = arith.constant 0 : i32
        %dma_wait3A_199 = arith.constant 0 : i32
        %dma_wait3A_200 = tpu.memref_slice %arg10[%dma_wait3A_198, %dma_wait3A_199] : memref<10240x128xf32, #tpu.memory_space<vmem_shared>> -> memref<10240x128xf32, #tpu.memory_space<vmem_shared>>
        tpu.wait_indirect_dma semaphore(%run_scoped3A_188 : memref<!tpu.dma_semaphore, #tpu.memory_space<semaphore_mem>>) src(%arg8 : memref<128x128xf32, #tpu.memory_space<vmem>>) dst(%dma_wait3A_200 : memref<10240x128xf32, #tpu.memory_space<vmem_shared>>)
        tpu.yield
      }) : () -> ()
      %dma_start3A_115 = arith.constant 4 : i32
      %dma_start3A_116 = arith.constant 0 : i32
      %dma_start3A_117 = tpu.memref_slice %arg7[%rem3A_51, %dma_start3A_115, %dma_start3A_116] : memref<2x8x128xi32, #tpu.memory_space<vmem>> -> memref<1x1x128xi32, #tpu.memory_space<vmem>>
      %dma_start3A_118 = tpu.memref_squeeze %dma_start3A_117 : memref<1x1x128xi32, #tpu.memory_space<vmem>> -> memref<128xi32, #tpu.memory_space<vmem>>
      %dma_start3A_119 = arith.constant 0 : i32
      %dma_start3A_120 = arith.constant 0 : i32
      %dma_start3A_121 = tpu.memref_slice %arg2[%dma_start3A_119, %dma_start3A_120] : memref<10000x128xf32, #tpu.memory_space<hbm>> -> memref<10000x128xf32, #tpu.memory_space<hbm>>
      tpu.enqueue_indirect_dma source(%dma_start3A_121 : memref<10000x128xf32, #tpu.memory_space<hbm>>) target(%arg8 : memref<128x128xf32, #tpu.memory_space<vmem>>) offsets(%dma_start3A_118 : memref<128xi32, #tpu.memory_space<vmem>>) semaphore(%arg11 : memref<!tpu.dma_semaphore, #tpu.memory_space<semaphore_mem>>)
      %dma_wait3A_122 = arith.constant 3 : i32
      %dma_wait3A_123 = arith.constant 0 : i32
      %dma_wait3A_124 = tpu.memref_slice %arg7[%rem3A_51, %dma_wait3A_122, %dma_wait3A_123] : memref<2x8x128xi32, #tpu.memory_space<vmem>> -> memref<1x1x128xi32, #tpu.memory_space<vmem>>
      %dma_wait3A_125 = tpu.memref_squeeze %dma_wait3A_124 : memref<1x1x128xi32, #tpu.memory_space<vmem>> -> memref<128xi32, #tpu.memory_space<vmem>>
      %dma_wait3A_126 = arith.constant 0 : i32
      %dma_wait3A_127 = arith.constant 0 : i32
      %dma_wait3A_128 = tpu.memref_slice %arg2[%dma_wait3A_126, %dma_wait3A_127] : memref<10000x128xf32, #tpu.memory_space<hbm>> -> memref<10000x128xf32, #tpu.memory_space<hbm>>
      tpu.wait_indirect_dma semaphore(%arg12 : memref<!tpu.dma_semaphore, #tpu.memory_space<semaphore_mem>>) src(%dma_wait3A_128 : memref<10000x128xf32, #tpu.memory_space<hbm>>) dst(%arg9 : memref<128x128xf32, #tpu.memory_space<vmem>>)
      %run_scoped3A_129 = arith.constant 3 : i32
      "tpu.region"() ({
        %run_scoped3A_188 = tpu.sem_alloc : memref<!tpu.dma_semaphore, #tpu.memory_space<semaphore_mem>>
        %dma_start3A_189 = arith.constant 0 : i32
        %dma_start3A_190 = tpu.memref_slice %arg6[%rem3A_51, %run_scoped3A_129, %dma_start3A_189] : memref<2x8x128xi32, #tpu.memory_space<vmem>> -> memref<1x1x128xi32, #tpu.memory_space<vmem>>
        %dma_start3A_191 = tpu.memref_squeeze %dma_start3A_190 : memref<1x1x128xi32, #tpu.memory_space<vmem>> -> memref<128xi32, #tpu.memory_space<vmem>>
        %dma_start3A_192 = arith.constant 0 : i32
        %dma_start3A_193 = arith.constant 0 : i32
        %dma_start3A_194 = tpu.memref_slice %arg10[%dma_start3A_192, %dma_start3A_193] : memref<10240x128xf32, #tpu.memory_space<vmem_shared>> -> memref<10240x128xf32, #tpu.memory_space<vmem_shared>>
        tpu.enqueue_indirect_dma source(%arg9 : memref<128x128xf32, #tpu.memory_space<vmem>>) target(%dma_start3A_194 : memref<10240x128xf32, #tpu.memory_space<vmem_shared>>) offsets(%dma_start3A_191 : memref<128xi32, #tpu.memory_space<vmem>>) semaphore(%run_scoped3A_188 : memref<!tpu.dma_semaphore, #tpu.memory_space<semaphore_mem>>) {add = true}
        %dma_wait3A_195 = arith.constant 0 : i32
        %dma_wait3A_196 = tpu.memref_slice %arg6[%rem3A_51, %run_scoped3A_129, %dma_wait3A_195] : memref<2x8x128xi32, #tpu.memory_space<vmem>> -> memref<1x1x128xi32, #tpu.memory_space<vmem>>
        %dma_wait3A_197 = tpu.memref_squeeze %dma_wait3A_196 : memref<1x1x128xi32, #tpu.memory_space<vmem>> -> memref<128xi32, #tpu.memory_space<vmem>>
        %dma_wait3A_198 = arith.constant 0 : i32
        %dma_wait3A_199 = arith.constant 0 : i32
        %dma_wait3A_200 = tpu.memref_slice %arg10[%dma_wait3A_198, %dma_wait3A_199] : memref<10240x128xf32, #tpu.memory_space<vmem_shared>> -> memref<10240x128xf32, #tpu.memory_space<vmem_shared>>
        tpu.wait_indirect_dma semaphore(%run_scoped3A_188 : memref<!tpu.dma_semaphore, #tpu.memory_space<semaphore_mem>>) src(%arg9 : memref<128x128xf32, #tpu.memory_space<vmem>>) dst(%dma_wait3A_200 : memref<10240x128xf32, #tpu.memory_space<vmem_shared>>)
        tpu.yield
      }) : () -> ()
      %dma_start3A_130 = arith.constant 5 : i32
      %dma_start3A_131 = arith.constant 0 : i32
      %dma_start3A_132 = tpu.memref_slice %arg7[%rem3A_51, %dma_start3A_130, %dma_start3A_131] : memref<2x8x128xi32, #tpu.memory_space<vmem>> -> memref<1x1x128xi32, #tpu.memory_space<vmem>>
      %dma_start3A_133 = tpu.memref_squeeze %dma_start3A_132 : memref<1x1x128xi32, #tpu.memory_space<vmem>> -> memref<128xi32, #tpu.memory_space<vmem>>
      %dma_start3A_134 = arith.constant 0 : i32
      %dma_start3A_135 = arith.constant 0 : i32
      %dma_start3A_136 = tpu.memref_slice %arg2[%dma_start3A_134, %dma_start3A_135] : memref<10000x128xf32, #tpu.memory_space<hbm>> -> memref<10000x128xf32, #tpu.memory_space<hbm>>
      tpu.enqueue_indirect_dma source(%dma_start3A_136 : memref<10000x128xf32, #tpu.memory_space<hbm>>) target(%arg9 : memref<128x128xf32, #tpu.memory_space<vmem>>) offsets(%dma_start3A_133 : memref<128xi32, #tpu.memory_space<vmem>>) semaphore(%arg12 : memref<!tpu.dma_semaphore, #tpu.memory_space<semaphore_mem>>)
      %dma_wait3A_137 = arith.constant 4 : i32
      %dma_wait3A_138 = arith.constant 0 : i32
      %dma_wait3A_139 = tpu.memref_slice %arg7[%rem3A_51, %dma_wait3A_137, %dma_wait3A_138] : memref<2x8x128xi32, #tpu.memory_space<vmem>> -> memref<1x1x128xi32, #tpu.memory_space<vmem>>
      %dma_wait3A_140 = tpu.memref_squeeze %dma_wait3A_139 : memref<1x1x128xi32, #tpu.memory_space<vmem>> -> memref<128xi32, #tpu.memory_space<vmem>>
      %dma_wait3A_141 = arith.constant 0 : i32
      %dma_wait3A_142 = arith.constant 0 : i32
      %dma_wait3A_143 = tpu.memref_slice %arg2[%dma_wait3A_141, %dma_wait3A_142] : memref<10000x128xf32, #tpu.memory_space<hbm>> -> memref<10000x128xf32, #tpu.memory_space<hbm>>
      tpu.wait_indirect_dma semaphore(%arg11 : memref<!tpu.dma_semaphore, #tpu.memory_space<semaphore_mem>>) src(%dma_wait3A_143 : memref<10000x128xf32, #tpu.memory_space<hbm>>) dst(%arg8 : memref<128x128xf32, #tpu.memory_space<vmem>>)
      %run_scoped3A_144 = arith.constant 4 : i32
      "tpu.region"() ({
        %run_scoped3A_188 = tpu.sem_alloc : memref<!tpu.dma_semaphore, #tpu.memory_space<semaphore_mem>>
        %dma_start3A_189 = arith.constant 0 : i32
        %dma_start3A_190 = tpu.memref_slice %arg6[%rem3A_51, %run_scoped3A_144, %dma_start3A_189] : memref<2x8x128xi32, #tpu.memory_space<vmem>> -> memref<1x1x128xi32, #tpu.memory_space<vmem>>
        %dma_start3A_191 = tpu.memref_squeeze %dma_start3A_190 : memref<1x1x128xi32, #tpu.memory_space<vmem>> -> memref<128xi32, #tpu.memory_space<vmem>>
        %dma_start3A_192 = arith.constant 0 : i32
        %dma_start3A_193 = arith.constant 0 : i32
        %dma_start3A_194 = tpu.memref_slice %arg10[%dma_start3A_192, %dma_start3A_193] : memref<10240x128xf32, #tpu.memory_space<vmem_shared>> -> memref<10240x128xf32, #tpu.memory_space<vmem_shared>>
        tpu.enqueue_indirect_dma source(%arg8 : memref<128x128xf32, #tpu.memory_space<vmem>>) target(%dma_start3A_194 : memref<10240x128xf32, #tpu.memory_space<vmem_shared>>) offsets(%dma_start3A_191 : memref<128xi32, #tpu.memory_space<vmem>>) semaphore(%run_scoped3A_188 : memref<!tpu.dma_semaphore, #tpu.memory_space<semaphore_mem>>) {add = true}
        %dma_wait3A_195 = arith.constant 0 : i32
        %dma_wait3A_196 = tpu.memref_slice %arg6[%rem3A_51, %run_scoped3A_144, %dma_wait3A_195] : memref<2x8x128xi32, #tpu.memory_space<vmem>> -> memref<1x1x128xi32, #tpu.memory_space<vmem>>
        %dma_wait3A_197 = tpu.memref_squeeze %dma_wait3A_196 : memref<1x1x128xi32, #tpu.memory_space<vmem>> -> memref<128xi32, #tpu.memory_space<vmem>>
        %dma_wait3A_198 = arith.constant 0 : i32
        %dma_wait3A_199 = arith.constant 0 : i32
        %dma_wait3A_200 = tpu.memref_slice %arg10[%dma_wait3A_198, %dma_wait3A_199] : memref<10240x128xf32, #tpu.memory_space<vmem_shared>> -> memref<10240x128xf32, #tpu.memory_space<vmem_shared>>
        tpu.wait_indirect_dma semaphore(%run_scoped3A_188 : memref<!tpu.dma_semaphore, #tpu.memory_space<semaphore_mem>>) src(%arg8 : memref<128x128xf32, #tpu.memory_space<vmem>>) dst(%dma_wait3A_200 : memref<10240x128xf32, #tpu.memory_space<vmem_shared>>)
        tpu.yield
      }) : () -> ()
      %dma_start3A_145 = arith.constant 6 : i32
      %dma_start3A_146 = arith.constant 0 : i32
      %dma_start3A_147 = tpu.memref_slice %arg7[%rem3A_51, %dma_start3A_145, %dma_start3A_146] : memref<2x8x128xi32, #tpu.memory_space<vmem>> -> memref<1x1x128xi32, #tpu.memory_space<vmem>>
      %dma_start3A_148 = tpu.memref_squeeze %dma_start3A_147 : memref<1x1x128xi32, #tpu.memory_space<vmem>> -> memref<128xi32, #tpu.memory_space<vmem>>
      %dma_start3A_149 = arith.constant 0 : i32
      %dma_start3A_150 = arith.constant 0 : i32
      %dma_start3A_151 = tpu.memref_slice %arg2[%dma_start3A_149, %dma_start3A_150] : memref<10000x128xf32, #tpu.memory_space<hbm>> -> memref<10000x128xf32, #tpu.memory_space<hbm>>
      tpu.enqueue_indirect_dma source(%dma_start3A_151 : memref<10000x128xf32, #tpu.memory_space<hbm>>) target(%arg8 : memref<128x128xf32, #tpu.memory_space<vmem>>) offsets(%dma_start3A_148 : memref<128xi32, #tpu.memory_space<vmem>>) semaphore(%arg11 : memref<!tpu.dma_semaphore, #tpu.memory_space<semaphore_mem>>)
      %dma_wait3A_152 = arith.constant 5 : i32
      %dma_wait3A_153 = arith.constant 0 : i32
      %dma_wait3A_154 = tpu.memref_slice %arg7[%rem3A_51, %dma_wait3A_152, %dma_wait3A_153] : memref<2x8x128xi32, #tpu.memory_space<vmem>> -> memref<1x1x128xi32, #tpu.memory_space<vmem>>
      %dma_wait3A_155 = tpu.memref_squeeze %dma_wait3A_154 : memref<1x1x128xi32, #tpu.memory_space<vmem>> -> memref<128xi32, #tpu.memory_space<vmem>>
      %dma_wait3A_156 = arith.constant 0 : i32
      %dma_wait3A_157 = arith.constant 0 : i32
      %dma_wait3A_158 = tpu.memref_slice %arg2[%dma_wait3A_156, %dma_wait3A_157] : memref<10000x128xf32, #tpu.memory_space<hbm>> -> memref<10000x128xf32, #tpu.memory_space<hbm>>
      tpu.wait_indirect_dma semaphore(%arg12 : memref<!tpu.dma_semaphore, #tpu.memory_space<semaphore_mem>>) src(%dma_wait3A_158 : memref<10000x128xf32, #tpu.memory_space<hbm>>) dst(%arg9 : memref<128x128xf32, #tpu.memory_space<vmem>>)
      %run_scoped3A_159 = arith.constant 5 : i32
      "tpu.region"() ({
        %run_scoped3A_188 = tpu.sem_alloc : memref<!tpu.dma_semaphore, #tpu.memory_space<semaphore_mem>>
        %dma_start3A_189 = arith.constant 0 : i32
        %dma_start3A_190 = tpu.memref_slice %arg6[%rem3A_51, %run_scoped3A_159, %dma_start3A_189] : memref<2x8x128xi32, #tpu.memory_space<vmem>> -> memref<1x1x128xi32, #tpu.memory_space<vmem>>
        %dma_start3A_191 = tpu.memref_squeeze %dma_start3A_190 : memref<1x1x128xi32, #tpu.memory_space<vmem>> -> memref<128xi32, #tpu.memory_space<vmem>>
        %dma_start3A_192 = arith.constant 0 : i32
        %dma_start3A_193 = arith.constant 0 : i32
        %dma_start3A_194 = tpu.memref_slice %arg10[%dma_start3A_192, %dma_start3A_193] : memref<10240x128xf32, #tpu.memory_space<vmem_shared>> -> memref<10240x128xf32, #tpu.memory_space<vmem_shared>>
        tpu.enqueue_indirect_dma source(%arg9 : memref<128x128xf32, #tpu.memory_space<vmem>>) target(%dma_start3A_194 : memref<10240x128xf32, #tpu.memory_space<vmem_shared>>) offsets(%dma_start3A_191 : memref<128xi32, #tpu.memory_space<vmem>>) semaphore(%run_scoped3A_188 : memref<!tpu.dma_semaphore, #tpu.memory_space<semaphore_mem>>) {add = true}
        %dma_wait3A_195 = arith.constant 0 : i32
        %dma_wait3A_196 = tpu.memref_slice %arg6[%rem3A_51, %run_scoped3A_159, %dma_wait3A_195] : memref<2x8x128xi32, #tpu.memory_space<vmem>> -> memref<1x1x128xi32, #tpu.memory_space<vmem>>
        %dma_wait3A_197 = tpu.memref_squeeze %dma_wait3A_196 : memref<1x1x128xi32, #tpu.memory_space<vmem>> -> memref<128xi32, #tpu.memory_space<vmem>>
        %dma_wait3A_198 = arith.constant 0 : i32
        %dma_wait3A_199 = arith.constant 0 : i32
        %dma_wait3A_200 = tpu.memref_slice %arg10[%dma_wait3A_198, %dma_wait3A_199] : memref<10240x128xf32, #tpu.memory_space<vmem_shared>> -> memref<10240x128xf32, #tpu.memory_space<vmem_shared>>
        tpu.wait_indirect_dma semaphore(%run_scoped3A_188 : memref<!tpu.dma_semaphore, #tpu.memory_space<semaphore_mem>>) src(%arg9 : memref<128x128xf32, #tpu.memory_space<vmem>>) dst(%dma_wait3A_200 : memref<10240x128xf32, #tpu.memory_space<vmem_shared>>)
        tpu.yield
      }) : () -> ()
      %dma_start3A_160 = arith.constant 7 : i32
      %dma_start3A_161 = arith.constant 0 : i32
      %dma_start3A_162 = tpu.memref_slice %arg7[%rem3A_51, %dma_start3A_160, %dma_start3A_161] : memref<2x8x128xi32, #tpu.memory_space<vmem>> -> memref<1x1x128xi32, #tpu.memory_space<vmem>>
      %dma_start3A_163 = tpu.memref_squeeze %dma_start3A_162 : memref<1x1x128xi32, #tpu.memory_space<vmem>> -> memref<128xi32, #tpu.memory_space<vmem>>
      %dma_start3A_164 = arith.constant 0 : i32
      %dma_start3A_165 = arith.constant 0 : i32
      %dma_start3A_166 = tpu.memref_slice %arg2[%dma_start3A_164, %dma_start3A_165] : memref<10000x128xf32, #tpu.memory_space<hbm>> -> memref<10000x128xf32, #tpu.memory_space<hbm>>
      tpu.enqueue_indirect_dma source(%dma_start3A_166 : memref<10000x128xf32, #tpu.memory_space<hbm>>) target(%arg9 : memref<128x128xf32, #tpu.memory_space<vmem>>) offsets(%dma_start3A_163 : memref<128xi32, #tpu.memory_space<vmem>>) semaphore(%arg12 : memref<!tpu.dma_semaphore, #tpu.memory_space<semaphore_mem>>)
      %dma_wait3A_167 = arith.constant 6 : i32
      %dma_wait3A_168 = arith.constant 0 : i32
      %dma_wait3A_169 = tpu.memref_slice %arg7[%rem3A_51, %dma_wait3A_167, %dma_wait3A_168] : memref<2x8x128xi32, #tpu.memory_space<vmem>> -> memref<1x1x128xi32, #tpu.memory_space<vmem>>
      %dma_wait3A_170 = tpu.memref_squeeze %dma_wait3A_169 : memref<1x1x128xi32, #tpu.memory_space<vmem>> -> memref<128xi32, #tpu.memory_space<vmem>>
      %dma_wait3A_171 = arith.constant 0 : i32
      %dma_wait3A_172 = arith.constant 0 : i32
      %dma_wait3A_173 = tpu.memref_slice %arg2[%dma_wait3A_171, %dma_wait3A_172] : memref<10000x128xf32, #tpu.memory_space<hbm>> -> memref<10000x128xf32, #tpu.memory_space<hbm>>
      tpu.wait_indirect_dma semaphore(%arg11 : memref<!tpu.dma_semaphore, #tpu.memory_space<semaphore_mem>>) src(%dma_wait3A_173 : memref<10000x128xf32, #tpu.memory_space<hbm>>) dst(%arg8 : memref<128x128xf32, #tpu.memory_space<vmem>>)
      %run_scoped3A_174 = arith.constant 6 : i32
      "tpu.region"() ({
        %run_scoped3A_188 = tpu.sem_alloc : memref<!tpu.dma_semaphore, #tpu.memory_space<semaphore_mem>>
        %dma_start3A_189 = arith.constant 0 : i32
        %dma_start3A_190 = tpu.memref_slice %arg6[%rem3A_51, %run_scoped3A_174, %dma_start3A_189] : memref<2x8x128xi32, #tpu.memory_space<vmem>> -> memref<1x1x128xi32, #tpu.memory_space<vmem>>
        %dma_start3A_191 = tpu.memref_squeeze %dma_start3A_190 : memref<1x1x128xi32, #tpu.memory_space<vmem>> -> memref<128xi32, #tpu.memory_space<vmem>>
        %dma_start3A_192 = arith.constant 0 : i32
        %dma_start3A_193 = arith.constant 0 : i32
        %dma_start3A_194 = tpu.memref_slice %arg10[%dma_start3A_192, %dma_start3A_193] : memref<10240x128xf32, #tpu.memory_space<vmem_shared>> -> memref<10240x128xf32, #tpu.memory_space<vmem_shared>>
        tpu.enqueue_indirect_dma source(%arg8 : memref<128x128xf32, #tpu.memory_space<vmem>>) target(%dma_start3A_194 : memref<10240x128xf32, #tpu.memory_space<vmem_shared>>) offsets(%dma_start3A_191 : memref<128xi32, #tpu.memory_space<vmem>>) semaphore(%run_scoped3A_188 : memref<!tpu.dma_semaphore, #tpu.memory_space<semaphore_mem>>) {add = true}
        %dma_wait3A_195 = arith.constant 0 : i32
        %dma_wait3A_196 = tpu.memref_slice %arg6[%rem3A_51, %run_scoped3A_174, %dma_wait3A_195] : memref<2x8x128xi32, #tpu.memory_space<vmem>> -> memref<1x1x128xi32, #tpu.memory_space<vmem>>
        %dma_wait3A_197 = tpu.memref_squeeze %dma_wait3A_196 : memref<1x1x128xi32, #tpu.memory_space<vmem>> -> memref<128xi32, #tpu.memory_space<vmem>>
        %dma_wait3A_198 = arith.constant 0 : i32
        %dma_wait3A_199 = arith.constant 0 : i32
        %dma_wait3A_200 = tpu.memref_slice %arg10[%dma_wait3A_198, %dma_wait3A_199] : memref<10240x128xf32, #tpu.memory_space<vmem_shared>> -> memref<10240x128xf32, #tpu.memory_space<vmem_shared>>
        tpu.wait_indirect_dma semaphore(%run_scoped3A_188 : memref<!tpu.dma_semaphore, #tpu.memory_space<semaphore_mem>>) src(%arg8 : memref<128x128xf32, #tpu.memory_space<vmem>>) dst(%dma_wait3A_200 : memref<10240x128xf32, #tpu.memory_space<vmem_shared>>)
        tpu.yield
      }) : () -> ()
      %dma_wait3A_175 = arith.constant 7 : i32
      %dma_wait3A_176 = arith.constant 0 : i32
      %dma_wait3A_177 = tpu.memref_slice %arg7[%rem3A_51, %dma_wait3A_175, %dma_wait3A_176] : memref<2x8x128xi32, #tpu.memory_space<vmem>> -> memref<1x1x128xi32, #tpu.memory_space<vmem>>
      %dma_wait3A_178 = tpu.memref_squeeze %dma_wait3A_177 : memref<1x1x128xi32, #tpu.memory_space<vmem>> -> memref<128xi32, #tpu.memory_space<vmem>>
      %dma_wait3A_179 = arith.constant 0 : i32
      %dma_wait3A_180 = arith.constant 0 : i32
      %dma_wait3A_181 = tpu.memref_slice %arg2[%dma_wait3A_179, %dma_wait3A_180] : memref<10000x128xf32, #tpu.memory_space<hbm>> -> memref<10000x128xf32, #tpu.memory_space<hbm>>
      tpu.wait_indirect_dma semaphore(%arg12 : memref<!tpu.dma_semaphore, #tpu.memory_space<semaphore_mem>>) src(%dma_wait3A_181 : memref<10000x128xf32, #tpu.memory_space<hbm>>) dst(%arg9 : memref<128x128xf32, #tpu.memory_space<vmem>>)
      %run_scoped3A_182 = arith.constant 7 : i32
      "tpu.region"() ({
        %run_scoped3A_188 = tpu.sem_alloc : memref<!tpu.dma_semaphore, #tpu.memory_space<semaphore_mem>>
        %dma_start3A_189 = arith.constant 0 : i32
        %dma_start3A_190 = tpu.memref_slice %arg6[%rem3A_51, %run_scoped3A_182, %dma_start3A_189] : memref<2x8x128xi32, #tpu.memory_space<vmem>> -> memref<1x1x128xi32, #tpu.memory_space<vmem>>
        %dma_start3A_191 = tpu.memref_squeeze %dma_start3A_190 : memref<1x1x128xi32, #tpu.memory_space<vmem>> -> memref<128xi32, #tpu.memory_space<vmem>>
        %dma_start3A_192 = arith.constant 0 : i32
        %dma_start3A_193 = arith.constant 0 : i32
        %dma_start3A_194 = tpu.memref_slice %arg10[%dma_start3A_192, %dma_start3A_193] : memref<10240x128xf32, #tpu.memory_space<vmem_shared>> -> memref<10240x128xf32, #tpu.memory_space<vmem_shared>>
        tpu.enqueue_indirect_dma source(%arg9 : memref<128x128xf32, #tpu.memory_space<vmem>>) target(%dma_start3A_194 : memref<10240x128xf32, #tpu.memory_space<vmem_shared>>) offsets(%dma_start3A_191 : memref<128xi32, #tpu.memory_space<vmem>>) semaphore(%run_scoped3A_188 : memref<!tpu.dma_semaphore, #tpu.memory_space<semaphore_mem>>) {add = true}
        %dma_wait3A_195 = arith.constant 0 : i32
        %dma_wait3A_196 = tpu.memref_slice %arg6[%rem3A_51, %run_scoped3A_182, %dma_wait3A_195] : memref<2x8x128xi32, #tpu.memory_space<vmem>> -> memref<1x1x128xi32, #tpu.memory_space<vmem>>
        %dma_wait3A_197 = tpu.memref_squeeze %dma_wait3A_196 : memref<1x1x128xi32, #tpu.memory_space<vmem>> -> memref<128xi32, #tpu.memory_space<vmem>>
        %dma_wait3A_198 = arith.constant 0 : i32
        %dma_wait3A_199 = arith.constant 0 : i32
        %dma_wait3A_200 = tpu.memref_slice %arg10[%dma_wait3A_198, %dma_wait3A_199] : memref<10240x128xf32, #tpu.memory_space<vmem_shared>> -> memref<10240x128xf32, #tpu.memory_space<vmem_shared>>
        tpu.wait_indirect_dma semaphore(%run_scoped3A_188 : memref<!tpu.dma_semaphore, #tpu.memory_space<semaphore_mem>>) src(%arg9 : memref<128x128xf32, #tpu.memory_space<vmem>>) dst(%dma_wait3A_200 : memref<10240x128xf32, #tpu.memory_space<vmem_shared>>)
        tpu.yield
      }) : () -> ()
      %lt3A_183 = arith.constant 9 : i32
      %lt3A_184 = arith.cmpi slt, %scan3A_50, %lt3A_183 : i32
      %convert_element_type3A_185 = arith.extui %lt3A_184 : i1 to i32
      %cond3A_186 = arith.constant 0 : i32
      %cond3A_187 = arith.cmpi ne, %convert_element_type3A_185, %cond3A_186 : i32
      scf.if %cond3A_187 {
        %dma_wait3A_188 = arith.constant 0 : i32
        %dma_wait3A_189 = arith.constant 0 : i32
        %dma_wait3A_190 = tpu.memref_slice %arg6[%rem3A_55, %dma_wait3A_188, %dma_wait3A_189] : memref<2x8x128xi32, #tpu.memory_space<vmem>> -> memref<1x8x128xi32, #tpu.memory_space<vmem>>
        %dma_wait3A_191 = tpu.memref_squeeze %dma_wait3A_190 : memref<1x8x128xi32, #tpu.memory_space<vmem>> -> memref<8x128xi32, #tpu.memory_space<vmem>>
        %dma_wait3A_192 = arith.constant 0 : i32
        %dma_wait3A_193 = tpu.memref_slice %arg3[%add3A_62, %dma_wait3A_192] : memref<2560x128xi32, #tpu.memory_space<hbm>> -> memref<8x128xi32, #tpu.memory_space<hbm>>
        %dma_wait3A_194 = arith.constant 0 : i32
        %dma_wait3A_195 = arith.constant 0 : i32
        %dma_wait3A_196 = tpu.memref_slice %arg6[%rem3A_55, %dma_wait3A_194, %dma_wait3A_195] : memref<2x8x128xi32, #tpu.memory_space<vmem>> -> memref<1x8x128xi32, #tpu.memory_space<vmem>>
        %dma_wait3A_197 = tpu.memref_squeeze %dma_wait3A_196 : memref<1x8x128xi32, #tpu.memory_space<vmem>> -> memref<8x128xi32, #tpu.memory_space<vmem>>
        %dma_wait3A_198 = arith.constant 0 : i32
        %dma_wait3A_199 = tpu.memref_slice %arg3[%add3A_62, %dma_wait3A_198] : memref<2560x128xi32, #tpu.memory_space<hbm>> -> memref<8x128xi32, #tpu.memory_space<hbm>>
        tpu.wait_dma2 semaphore(%arg13 : memref<!tpu.dma_semaphore, #tpu.memory_space<semaphore_mem>>) src(%dma_wait3A_199 : memref<8x128xi32, #tpu.memory_space<hbm>>) dst(%dma_wait3A_197 : memref<8x128xi32, #tpu.memory_space<vmem>>)
        %dma_wait3A_200 = arith.constant 0 : i32
        %dma_wait3A_201 = arith.constant 0 : i32
        %dma_wait3A_202 = tpu.memref_slice %arg7[%rem3A_55, %dma_wait3A_200, %dma_wait3A_201] : memref<2x8x128xi32, #tpu.memory_space<vmem>> -> memref<1x8x128xi32, #tpu.memory_space<vmem>>
        %dma_wait3A_203 = tpu.memref_squeeze %dma_wait3A_202 : memref<1x8x128xi32, #tpu.memory_space<vmem>> -> memref<8x128xi32, #tpu.memory_space<vmem>>
        %dma_wait3A_204 = arith.constant 0 : i32
        %dma_wait3A_205 = tpu.memref_slice %arg4[%add3A_62, %dma_wait3A_204] : memref<2560x128xi32, #tpu.memory_space<hbm>> -> memref<8x128xi32, #tpu.memory_space<hbm>>
        %dma_wait3A_206 = arith.constant 0 : i32
        %dma_wait3A_207 = arith.constant 0 : i32
        %dma_wait3A_208 = tpu.memref_slice %arg7[%rem3A_55, %dma_wait3A_206, %dma_wait3A_207] : memref<2x8x128xi32, #tpu.memory_space<vmem>> -> memref<1x8x128xi32, #tpu.memory_space<vmem>>
        %dma_wait3A_209 = tpu.memref_squeeze %dma_wait3A_208 : memref<1x8x128xi32, #tpu.memory_space<vmem>> -> memref<8x128xi32, #tpu.memory_space<vmem>>
        %dma_wait3A_210 = arith.constant 0 : i32
        %dma_wait3A_211 = tpu.memref_slice %arg4[%add3A_62, %dma_wait3A_210] : memref<2560x128xi32, #tpu.memory_space<hbm>> -> memref<8x128xi32, #tpu.memory_space<hbm>>
        tpu.wait_dma2 semaphore(%arg13 : memref<!tpu.dma_semaphore, #tpu.memory_space<semaphore_mem>>) src(%dma_wait3A_211 : memref<8x128xi32, #tpu.memory_space<hbm>>) dst(%dma_wait3A_209 : memref<8x128xi32, #tpu.memory_space<vmem>>)
      } else {
      }
    }
    %scan3A_28 = arith.constant 10 : i32
    %barrier3A_29 = arith.constant 0 : index
    tpu.barrier barrier_id(%barrier3A_29)
    %add3A_30 = arith.constant 0 : i32
    %add3A_31 = arith.addi %mul3A_2, %add3A_30 : i32
    "tpu.region"() ({
      %run_scoped3A_50 = tpu.sem_alloc : memref<!tpu.dma_semaphore, #tpu.memory_space<semaphore_mem>>
      %dma_start3A = arith.constant 0 : i32
      %dma_start3A_51 = tpu.memref_slice %arg10[%add3A_31, %dma_start3A] : memref<10240x128xf32, #tpu.memory_space<vmem_shared>> -> memref<128x128xf32, #tpu.memory_space<vmem_shared>>
      %dma_start3A_52 = arith.constant 0 : i32
      %dma_start3A_53 = tpu.memref_slice %arg10[%add3A_31, %dma_start3A_52] : memref<10240x128xf32, #tpu.memory_space<vmem_shared>> -> memref<128x128xf32, #tpu.memory_space<vmem_shared>>
      tpu.enqueue_dma source(%dma_start3A_53 : memref<128x128xf32, #tpu.memory_space<vmem_shared>>) target(%arg8 : memref<128x128xf32, #tpu.memory_space<vmem>>) target_semaphore(%run_scoped3A_50 : memref<!tpu.dma_semaphore, #tpu.memory_space<semaphore_mem>>)
      %dma_wait3A = arith.constant 0 : i32
      %dma_wait3A_54 = tpu.memref_slice %arg10[%add3A_31, %dma_wait3A] : memref<10240x128xf32, #tpu.memory_space<vmem_shared>> -> memref<128x128xf32, #tpu.memory_space<vmem_shared>>
      %dma_wait3A_55 = arith.constant 0 : i32
      %dma_wait3A_56 = tpu.memref_slice %arg10[%add3A_31, %dma_wait3A_55] : memref<10240x128xf32, #tpu.memory_space<vmem_shared>> -> memref<128x128xf32, #tpu.memory_space<vmem_shared>>
      tpu.wait_dma2 semaphore(%run_scoped3A_50 : memref<!tpu.dma_semaphore, #tpu.memory_space<semaphore_mem>>) src(%dma_wait3A_56 : memref<128x128xf32, #tpu.memory_space<vmem_shared>>) dst(%arg8 : memref<128x128xf32, #tpu.memory_space<vmem>>)
      tpu.yield
    }) : () -> ()
    %add3A_32 = arith.constant 0 : i32
    %add3A_33 = arith.addi %mul3A_2, %add3A_32 : i32
    "tpu.region"() ({
      %run_scoped3A_50 = tpu.sem_alloc : memref<!tpu.dma_semaphore, #tpu.memory_space<semaphore_mem>>
      %dma_start3A = arith.constant 0 : i32
      %dma_start3A_51 = tpu.memref_slice %arg5[%arg0, %add3A_33, %dma_start3A] : memref<2x10240x128xf32, #tpu.memory_space<hbm>> -> memref<1x128x128xf32, #tpu.memory_space<hbm>>
      %dma_start3A_52 = tpu.memref_squeeze %dma_start3A_51 : memref<1x128x128xf32, #tpu.memory_space<hbm>> -> memref<128x128xf32, #tpu.memory_space<hbm>>
      %dma_start3A_53 = arith.constant 0 : i32
      %dma_start3A_54 = tpu.memref_slice %arg5[%arg0, %add3A_33, %dma_start3A_53] : memref<2x10240x128xf32, #tpu.memory_space<hbm>> -> memref<1x128x128xf32, #tpu.memory_space<hbm>>
      %dma_start3A_55 = tpu.memref_squeeze %dma_start3A_54 : memref<1x128x128xf32, #tpu.memory_space<hbm>> -> memref<128x128xf32, #tpu.memory_space<hbm>>
      tpu.enqueue_dma source(%arg8 : memref<128x128xf32, #tpu.memory_space<vmem>>) target(%dma_start3A_55 : memref<128x128xf32, #tpu.memory_space<hbm>>) target_semaphore(%run_scoped3A_50 : memref<!tpu.dma_semaphore, #tpu.memory_space<semaphore_mem>>)
      %dma_wait3A = arith.constant 0 : i32
      %dma_wait3A_56 = tpu.memref_slice %arg5[%arg0, %add3A_33, %dma_wait3A] : memref<2x10240x128xf32, #tpu.memory_space<hbm>> -> memref<1x128x128xf32, #tpu.memory_space<hbm>>
      %dma_wait3A_57 = tpu.memref_squeeze %dma_wait3A_56 : memref<1x128x128xf32, #tpu.memory_space<hbm>> -> memref<128x128xf32, #tpu.memory_space<hbm>>
      %dma_wait3A_58 = arith.constant 0 : i32
      %dma_wait3A_59 = tpu.memref_slice %arg5[%arg0, %add3A_33, %dma_wait3A_58] : memref<2x10240x128xf32, #tpu.memory_space<hbm>> -> memref<1x128x128xf32, #tpu.memory_space<hbm>>
      %dma_wait3A_60 = tpu.memref_squeeze %dma_wait3A_59 : memref<1x128x128xf32, #tpu.memory_space<hbm>> -> memref<128x128xf32, #tpu.memory_space<hbm>>
      tpu.wait_dma2 semaphore(%run_scoped3A_50 : memref<!tpu.dma_semaphore, #tpu.memory_space<semaphore_mem>>) src(%arg8 : memref<128x128xf32, #tpu.memory_space<vmem>>) dst(%dma_wait3A_60 : memref<128x128xf32, #tpu.memory_space<hbm>>)
      tpu.yield
    }) : () -> ()
    %add3A_34 = arith.constant 128 : i32
    %add3A_35 = arith.addi %mul3A_2, %add3A_34 : i32
    "tpu.region"() ({
      %run_scoped3A_50 = tpu.sem_alloc : memref<!tpu.dma_semaphore, #tpu.memory_space<semaphore_mem>>
      %dma_start3A = arith.constant 0 : i32
      %dma_start3A_51 = tpu.memref_slice %arg10[%add3A_35, %dma_start3A] : memref<10240x128xf32, #tpu.memory_space<vmem_shared>> -> memref<128x128xf32, #tpu.memory_space<vmem_shared>>
      %dma_start3A_52 = arith.constant 0 : i32
      %dma_start3A_53 = tpu.memref_slice %arg10[%add3A_35, %dma_start3A_52] : memref<10240x128xf32, #tpu.memory_space<vmem_shared>> -> memref<128x128xf32, #tpu.memory_space<vmem_shared>>
      tpu.enqueue_dma source(%dma_start3A_53 : memref<128x128xf32, #tpu.memory_space<vmem_shared>>) target(%arg8 : memref<128x128xf32, #tpu.memory_space<vmem>>) target_semaphore(%run_scoped3A_50 : memref<!tpu.dma_semaphore, #tpu.memory_space<semaphore_mem>>)
      %dma_wait3A = arith.constant 0 : i32
      %dma_wait3A_54 = tpu.memref_slice %arg10[%add3A_35, %dma_wait3A] : memref<10240x128xf32, #tpu.memory_space<vmem_shared>> -> memref<128x128xf32, #tpu.memory_space<vmem_shared>>
      %dma_wait3A_55 = arith.constant 0 : i32
      %dma_wait3A_56 = tpu.memref_slice %arg10[%add3A_35, %dma_wait3A_55] : memref<10240x128xf32, #tpu.memory_space<vmem_shared>> -> memref<128x128xf32, #tpu.memory_space<vmem_shared>>
      tpu.wait_dma2 semaphore(%run_scoped3A_50 : memref<!tpu.dma_semaphore, #tpu.memory_space<semaphore_mem>>) src(%dma_wait3A_56 : memref<128x128xf32, #tpu.memory_space<vmem_shared>>) dst(%arg8 : memref<128x128xf32, #tpu.memory_space<vmem>>)
      tpu.yield
    }) : () -> ()
    %add3A_36 = arith.constant 128 : i32
    %add3A_37 = arith.addi %mul3A_2, %add3A_36 : i32
    "tpu.region"() ({
      %run_scoped3A_50 = tpu.sem_alloc : memref<!tpu.dma_semaphore, #tpu.memory_space<semaphore_mem>>
      %dma_start3A = arith.constant 0 : i32
      %dma_start3A_51 = tpu.memref_slice %arg5[%arg0, %add3A_37, %dma_start3A] : memref<2x10240x128xf32, #tpu.memory_space<hbm>> -> memref<1x128x128xf32, #tpu.memory_space<hbm>>
      %dma_start3A_52 = tpu.memref_squeeze %dma_start3A_51 : memref<1x128x128xf32, #tpu.memory_space<hbm>> -> memref<128x128xf32, #tpu.memory_space<hbm>>
      %dma_start3A_53 = arith.constant 0 : i32
      %dma_start3A_54 = tpu.memref_slice %arg5[%arg0, %add3A_37, %dma_start3A_53] : memref<2x10240x128xf32, #tpu.memory_space<hbm>> -> memref<1x128x128xf32, #tpu.memory_space<hbm>>
      %dma_start3A_55 = tpu.memref_squeeze %dma_start3A_54 : memref<1x128x128xf32, #tpu.memory_space<hbm>> -> memref<128x128xf32, #tpu.memory_space<hbm>>
      tpu.enqueue_dma source(%arg8 : memref<128x128xf32, #tpu.memory_space<vmem>>) target(%dma_start3A_55 : memref<128x128xf32, #tpu.memory_space<hbm>>) target_semaphore(%run_scoped3A_50 : memref<!tpu.dma_semaphore, #tpu.memory_space<semaphore_mem>>)
      %dma_wait3A = arith.constant 0 : i32
      %dma_wait3A_56 = tpu.memref_slice %arg5[%arg0, %add3A_37, %dma_wait3A] : memref<2x10240x128xf32, #tpu.memory_space<hbm>> -> memref<1x128x128xf32, #tpu.memory_space<hbm>>
      %dma_wait3A_57 = tpu.memref_squeeze %dma_wait3A_56 : memref<1x128x128xf32, #tpu.memory_space<hbm>> -> memref<128x128xf32, #tpu.memory_space<hbm>>
      %dma_wait3A_58 = arith.constant 0 : i32
      %dma_wait3A_59 = tpu.memref_slice %arg5[%arg0, %add3A_37, %dma_wait3A_58] : memref<2x10240x128xf32, #tpu.memory_space<hbm>> -> memref<1x128x128xf32, #tpu.memory_space<hbm>>
      %dma_wait3A_60 = tpu.memref_squeeze %dma_wait3A_59 : memref<1x128x128xf32, #tpu.memory_space<hbm>> -> memref<128x128xf32, #tpu.memory_space<hbm>>
      tpu.wait_dma2 semaphore(%run_scoped3A_50 : memref<!tpu.dma_semaphore, #tpu.memory_space<semaphore_mem>>) src(%arg8 : memref<128x128xf32, #tpu.memory_space<vmem>>) dst(%dma_wait3A_60 : memref<128x128xf32, #tpu.memory_space<hbm>>)
      tpu.yield
    }) : () -> ()
    %add3A_38 = arith.constant 256 : i32
    %add3A_39 = arith.addi %mul3A_2, %add3A_38 : i32
    "tpu.region"() ({
      %run_scoped3A_50 = tpu.sem_alloc : memref<!tpu.dma_semaphore, #tpu.memory_space<semaphore_mem>>
      %dma_start3A = arith.constant 0 : i32
      %dma_start3A_51 = tpu.memref_slice %arg10[%add3A_39, %dma_start3A] : memref<10240x128xf32, #tpu.memory_space<vmem_shared>> -> memref<128x128xf32, #tpu.memory_space<vmem_shared>>
      %dma_start3A_52 = arith.constant 0 : i32
      %dma_start3A_53 = tpu.memref_slice %arg10[%add3A_39, %dma_start3A_52] : memref<10240x128xf32, #tpu.memory_space<vmem_shared>> -> memref<128x128xf32, #tpu.memory_space<vmem_shared>>
      tpu.enqueue_dma source(%dma_start3A_53 : memref<128x128xf32, #tpu.memory_space<vmem_shared>>) target(%arg8 : memref<128x128xf32, #tpu.memory_space<vmem>>) target_semaphore(%run_scoped3A_50 : memref<!tpu.dma_semaphore, #tpu.memory_space<semaphore_mem>>)
      %dma_wait3A = arith.constant 0 : i32
      %dma_wait3A_54 = tpu.memref_slice %arg10[%add3A_39, %dma_wait3A] : memref<10240x128xf32, #tpu.memory_space<vmem_shared>> -> memref<128x128xf32, #tpu.memory_space<vmem_shared>>
      %dma_wait3A_55 = arith.constant 0 : i32
      %dma_wait3A_56 = tpu.memref_slice %arg10[%add3A_39, %dma_wait3A_55] : memref<10240x128xf32, #tpu.memory_space<vmem_shared>> -> memref<128x128xf32, #tpu.memory_space<vmem_shared>>
      tpu.wait_dma2 semaphore(%run_scoped3A_50 : memref<!tpu.dma_semaphore, #tpu.memory_space<semaphore_mem>>) src(%dma_wait3A_56 : memref<128x128xf32, #tpu.memory_space<vmem_shared>>) dst(%arg8 : memref<128x128xf32, #tpu.memory_space<vmem>>)
      tpu.yield
    }) : () -> ()
    %add3A_40 = arith.constant 256 : i32
    %add3A_41 = arith.addi %mul3A_2, %add3A_40 : i32
    "tpu.region"() ({
      %run_scoped3A_50 = tpu.sem_alloc : memref<!tpu.dma_semaphore, #tpu.memory_space<semaphore_mem>>
      %dma_start3A = arith.constant 0 : i32
      %dma_start3A_51 = tpu.memref_slice %arg5[%arg0, %add3A_41, %dma_start3A] : memref<2x10240x128xf32, #tpu.memory_space<hbm>> -> memref<1x128x128xf32, #tpu.memory_space<hbm>>
      %dma_start3A_52 = tpu.memref_squeeze %dma_start3A_51 : memref<1x128x128xf32, #tpu.memory_space<hbm>> -> memref<128x128xf32, #tpu.memory_space<hbm>>
      %dma_start3A_53 = arith.constant 0 : i32
      %dma_start3A_54 = tpu.memref_slice %arg5[%arg0, %add3A_41, %dma_start3A_53] : memref<2x10240x128xf32, #tpu.memory_space<hbm>> -> memref<1x128x128xf32, #tpu.memory_space<hbm>>
      %dma_start3A_55 = tpu.memref_squeeze %dma_start3A_54 : memref<1x128x128xf32, #tpu.memory_space<hbm>> -> memref<128x128xf32, #tpu.memory_space<hbm>>
      tpu.enqueue_dma source(%arg8 : memref<128x128xf32, #tpu.memory_space<vmem>>) target(%dma_start3A_55 : memref<128x128xf32, #tpu.memory_space<hbm>>) target_semaphore(%run_scoped3A_50 : memref<!tpu.dma_semaphore, #tpu.memory_space<semaphore_mem>>)
      %dma_wait3A = arith.constant 0 : i32
      %dma_wait3A_56 = tpu.memref_slice %arg5[%arg0, %add3A_41, %dma_wait3A] : memref<2x10240x128xf32, #tpu.memory_space<hbm>> -> memref<1x128x128xf32, #tpu.memory_space<hbm>>
      %dma_wait3A_57 = tpu.memref_squeeze %dma_wait3A_56 : memref<1x128x128xf32, #tpu.memory_space<hbm>> -> memref<128x128xf32, #tpu.memory_space<hbm>>
      %dma_wait3A_58 = arith.constant 0 : i32
      %dma_wait3A_59 = tpu.memref_slice %arg5[%arg0, %add3A_41, %dma_wait3A_58] : memref<2x10240x128xf32, #tpu.memory_space<hbm>> -> memref<1x128x128xf32, #tpu.memory_space<hbm>>
      %dma_wait3A_60 = tpu.memref_squeeze %dma_wait3A_59 : memref<1x128x128xf32, #tpu.memory_space<hbm>> -> memref<128x128xf32, #tpu.memory_space<hbm>>
      tpu.wait_dma2 semaphore(%run_scoped3A_50 : memref<!tpu.dma_semaphore, #tpu.memory_space<semaphore_mem>>) src(%arg8 : memref<128x128xf32, #tpu.memory_space<vmem>>) dst(%dma_wait3A_60 : memref<128x128xf32, #tpu.memory_space<hbm>>)
      tpu.yield
    }) : () -> ()
    %add3A_42 = arith.constant 384 : i32
    %add3A_43 = arith.addi %mul3A_2, %add3A_42 : i32
    "tpu.region"() ({
      %run_scoped3A_50 = tpu.sem_alloc : memref<!tpu.dma_semaphore, #tpu.memory_space<semaphore_mem>>
      %dma_start3A = arith.constant 0 : i32
      %dma_start3A_51 = tpu.memref_slice %arg10[%add3A_43, %dma_start3A] : memref<10240x128xf32, #tpu.memory_space<vmem_shared>> -> memref<128x128xf32, #tpu.memory_space<vmem_shared>>
      %dma_start3A_52 = arith.constant 0 : i32
      %dma_start3A_53 = tpu.memref_slice %arg10[%add3A_43, %dma_start3A_52] : memref<10240x128xf32, #tpu.memory_space<vmem_shared>> -> memref<128x128xf32, #tpu.memory_space<vmem_shared>>
      tpu.enqueue_dma source(%dma_start3A_53 : memref<128x128xf32, #tpu.memory_space<vmem_shared>>) target(%arg8 : memref<128x128xf32, #tpu.memory_space<vmem>>) target_semaphore(%run_scoped3A_50 : memref<!tpu.dma_semaphore, #tpu.memory_space<semaphore_mem>>)
      %dma_wait3A = arith.constant 0 : i32
      %dma_wait3A_54 = tpu.memref_slice %arg10[%add3A_43, %dma_wait3A] : memref<10240x128xf32, #tpu.memory_space<vmem_shared>> -> memref<128x128xf32, #tpu.memory_space<vmem_shared>>
      %dma_wait3A_55 = arith.constant 0 : i32
      %dma_wait3A_56 = tpu.memref_slice %arg10[%add3A_43, %dma_wait3A_55] : memref<10240x128xf32, #tpu.memory_space<vmem_shared>> -> memref<128x128xf32, #tpu.memory_space<vmem_shared>>
      tpu.wait_dma2 semaphore(%run_scoped3A_50 : memref<!tpu.dma_semaphore, #tpu.memory_space<semaphore_mem>>) src(%dma_wait3A_56 : memref<128x128xf32, #tpu.memory_space<vmem_shared>>) dst(%arg8 : memref<128x128xf32, #tpu.memory_space<vmem>>)
      tpu.yield
    }) : () -> ()
    %add3A_44 = arith.constant 384 : i32
    %add3A_45 = arith.addi %mul3A_2, %add3A_44 : i32
    "tpu.region"() ({
      %run_scoped3A_50 = tpu.sem_alloc : memref<!tpu.dma_semaphore, #tpu.memory_space<semaphore_mem>>
      %dma_start3A = arith.constant 0 : i32
      %dma_start3A_51 = tpu.memref_slice %arg5[%arg0, %add3A_45, %dma_start3A] : memref<2x10240x128xf32, #tpu.memory_space<hbm>> -> memref<1x128x128xf32, #tpu.memory_space<hbm>>
      %dma_start3A_52 = tpu.memref_squeeze %dma_start3A_51 : memref<1x128x128xf32, #tpu.memory_space<hbm>> -> memref<128x128xf32, #tpu.memory_space<hbm>>
      %dma_start3A_53 = arith.constant 0 : i32
      %dma_start3A_54 = tpu.memref_slice %arg5[%arg0, %add3A_45, %dma_start3A_53] : memref<2x10240x128xf32, #tpu.memory_space<hbm>> -> memref<1x128x128xf32, #tpu.memory_space<hbm>>
      %dma_start3A_55 = tpu.memref_squeeze %dma_start3A_54 : memref<1x128x128xf32, #tpu.memory_space<hbm>> -> memref<128x128xf32, #tpu.memory_space<hbm>>
      tpu.enqueue_dma source(%arg8 : memref<128x128xf32, #tpu.memory_space<vmem>>) target(%dma_start3A_55 : memref<128x128xf32, #tpu.memory_space<hbm>>) target_semaphore(%run_scoped3A_50 : memref<!tpu.dma_semaphore, #tpu.memory_space<semaphore_mem>>)
      %dma_wait3A = arith.constant 0 : i32
      %dma_wait3A_56 = tpu.memref_slice %arg5[%arg0, %add3A_45, %dma_wait3A] : memref<2x10240x128xf32, #tpu.memory_space<hbm>> -> memref<1x128x128xf32, #tpu.memory_space<hbm>>
      %dma_wait3A_57 = tpu.memref_squeeze %dma_wait3A_56 : memref<1x128x128xf32, #tpu.memory_space<hbm>> -> memref<128x128xf32, #tpu.memory_space<hbm>>
      %dma_wait3A_58 = arith.constant 0 : i32
      %dma_wait3A_59 = tpu.memref_slice %arg5[%arg0, %add3A_45, %dma_wait3A_58] : memref<2x10240x128xf32, #tpu.memory_space<hbm>> -> memref<1x128x128xf32, #tpu.memory_space<hbm>>
      %dma_wait3A_60 = tpu.memref_squeeze %dma_wait3A_59 : memref<1x128x128xf32, #tpu.memory_space<hbm>> -> memref<128x128xf32, #tpu.memory_space<hbm>>
      tpu.wait_dma2 semaphore(%run_scoped3A_50 : memref<!tpu.dma_semaphore, #tpu.memory_space<semaphore_mem>>) src(%arg8 : memref<128x128xf32, #tpu.memory_space<vmem>>) dst(%dma_wait3A_60 : memref<128x128xf32, #tpu.memory_space<hbm>>)
      tpu.yield
    }) : () -> ()
    %add3A_46 = arith.constant 512 : i32
    %add3A_47 = arith.addi %mul3A_2, %add3A_46 : i32
    "tpu.region"() ({
      %run_scoped3A_50 = tpu.sem_alloc : memref<!tpu.dma_semaphore, #tpu.memory_space<semaphore_mem>>
      %dma_start3A = arith.constant 0 : i32
      %dma_start3A_51 = tpu.memref_slice %arg10[%add3A_47, %dma_start3A] : memref<10240x128xf32, #tpu.memory_space<vmem_shared>> -> memref<128x128xf32, #tpu.memory_space<vmem_shared>>
      %dma_start3A_52 = arith.constant 0 : i32
      %dma_start3A_53 = tpu.memref_slice %arg10[%add3A_47, %dma_start3A_52] : memref<10240x128xf32, #tpu.memory_space<vmem_shared>> -> memref<128x128xf32, #tpu.memory_space<vmem_shared>>
      tpu.enqueue_dma source(%dma_start3A_53 : memref<128x128xf32, #tpu.memory_space<vmem_shared>>) target(%arg8 : memref<128x128xf32, #tpu.memory_space<vmem>>) target_semaphore(%run_scoped3A_50 : memref<!tpu.dma_semaphore, #tpu.memory_space<semaphore_mem>>)
      %dma_wait3A = arith.constant 0 : i32
      %dma_wait3A_54 = tpu.memref_slice %arg10[%add3A_47, %dma_wait3A] : memref<10240x128xf32, #tpu.memory_space<vmem_shared>> -> memref<128x128xf32, #tpu.memory_space<vmem_shared>>
      %dma_wait3A_55 = arith.constant 0 : i32
      %dma_wait3A_56 = tpu.memref_slice %arg10[%add3A_47, %dma_wait3A_55] : memref<10240x128xf32, #tpu.memory_space<vmem_shared>> -> memref<128x128xf32, #tpu.memory_space<vmem_shared>>
      tpu.wait_dma2 semaphore(%run_scoped3A_50 : memref<!tpu.dma_semaphore, #tpu.memory_space<semaphore_mem>>) src(%dma_wait3A_56 : memref<128x128xf32, #tpu.memory_space<vmem_shared>>) dst(%arg8 : memref<128x128xf32, #tpu.memory_space<vmem>>)
      tpu.yield
    }) : () -> ()
    %add3A_48 = arith.constant 512 : i32
    %add3A_49 = arith.addi %mul3A_2, %add3A_48 : i32
    "tpu.region"() ({
      %run_scoped3A_50 = tpu.sem_alloc : memref<!tpu.dma_semaphore, #tpu.memory_space<semaphore_mem>>
      %dma_start3A = arith.constant 0 : i32
      %dma_start3A_51 = tpu.memref_slice %arg5[%arg0, %add3A_49, %dma_start3A] : memref<2x10240x128xf32, #tpu.memory_space<hbm>> -> memref<1x128x128xf32, #tpu.memory_space<hbm>>
      %dma_start3A_52 = tpu.memref_squeeze %dma_start3A_51 : memref<1x128x128xf32, #tpu.memory_space<hbm>> -> memref<128x128xf32, #tpu.memory_space<hbm>>
      %dma_start3A_53 = arith.constant 0 : i32
      %dma_start3A_54 = tpu.memref_slice %arg5[%arg0, %add3A_49, %dma_start3A_53] : memref<2x10240x128xf32, #tpu.memory_space<hbm>> -> memref<1x128x128xf32, #tpu.memory_space<hbm>>
      %dma_start3A_55 = tpu.memref_squeeze %dma_start3A_54 : memref<1x128x128xf32, #tpu.memory_space<hbm>> -> memref<128x128xf32, #tpu.memory_space<hbm>>
      tpu.enqueue_dma source(%arg8 : memref<128x128xf32, #tpu.memory_space<vmem>>) target(%dma_start3A_55 : memref<128x128xf32, #tpu.memory_space<hbm>>) target_semaphore(%run_scoped3A_50 : memref<!tpu.dma_semaphore, #tpu.memory_space<semaphore_mem>>)
      %dma_wait3A = arith.constant 0 : i32
      %dma_wait3A_56 = tpu.memref_slice %arg5[%arg0, %add3A_49, %dma_wait3A] : memref<2x10240x128xf32, #tpu.memory_space<hbm>> -> memref<1x128x128xf32, #tpu.memory_space<hbm>>
      %dma_wait3A_57 = tpu.memref_squeeze %dma_wait3A_56 : memref<1x128x128xf32, #tpu.memory_space<hbm>> -> memref<128x128xf32, #tpu.memory_space<hbm>>
      %dma_wait3A_58 = arith.constant 0 : i32
      %dma_wait3A_59 = tpu.memref_slice %arg5[%arg0, %add3A_49, %dma_wait3A_58] : memref<2x10240x128xf32, #tpu.memory_space<hbm>> -> memref<1x128x128xf32, #tpu.memory_space<hbm>>
      %dma_wait3A_60 = tpu.memref_squeeze %dma_wait3A_59 : memref<1x128x128xf32, #tpu.memory_space<hbm>> -> memref<128x128xf32, #tpu.memory_space<hbm>>
      tpu.wait_dma2 semaphore(%run_scoped3A_50 : memref<!tpu.dma_semaphore, #tpu.memory_space<semaphore_mem>>) src(%arg8 : memref<128x128xf32, #tpu.memory_space<vmem>>) dst(%dma_wait3A_60 : memref<128x128xf32, #tpu.memory_space<hbm>>)
      tpu.yield
    }) : () -> ()
    return
  }
}

#map = affine_map<(d0, d1) -> (0, 0)>
#map1 = affine_map<(d0, d1) -> (0, 0, 0)>
module attributes {stable_mosaic.version = 14 : i64} {
  func.func @body(%arg0: i32, %arg1: i32, %arg2: memref<10000x128xf32, #tpu.memory_space<hbm>>, %arg3: memref<2560x128xi32, #tpu.memory_space<hbm>>, %arg4: memref<2560x128xi32, #tpu.memory_space<hbm>>, %arg5: memref<2x10240x128xf32, #tpu.memory_space<hbm>>, %arg6: memref<2x8x128xi32, #tpu.memory_space<vmem>>, %arg7: memref<2x8x128xi32, #tpu.memory_space<vmem>>, %arg8: memref<128x128xf32, #tpu.memory_space<vmem>>, %arg9: memref<128x128xf32, #tpu.memory_space<vmem>>, %arg10: memref<10240x128xf32, #tpu.memory_space<vmem_shared>>, %arg11: memref<!tpu.dma_semaphore, #tpu.memory_space<semaphore_mem>>, %arg12: memref<!tpu.dma_semaphore, #tpu.memory_space<semaphore_mem>>, %arg13: memref<!tpu.dma_semaphore, #tpu.memory_space<semaphore_mem>>) attributes {dimension_semantics = [#tpu.dimension_semantics<core_parallel>, #tpu.dimension_semantics<subcore_parallel>], iteration_bounds = array<i64: 2, 16>, scalar_prefetch = 0 : i64, scratch_operands = 8 : i64, tpu.core_type = #tpu.core_type<sc_vector_subcore>, window_params = [{transform_indices = #map}, {transform_indices = #map}, {transform_indices = #map}, {transform_indices = #map1}]} {
    %mul3A = arith.constant 16 : i32
    %mul3A_0 = arith.muli %arg0, %mul3A : i32
    %add3A = arith.addi %mul3A_0, %arg1 : i32
    %mul3A_1 = arith.constant 640 : i32
    %mul3A_2 = arith.muli %arg1, %mul3A_1 : i32
    %scan3A = arith.constant 0 : i32
    %scan3A_3 = arith.constant 0 : i32
    %scan3A_4 = arith.constant 128 : i32
    %scan3A_5 = arith.addi %scan3A_3, %scan3A_4 : i32
    %scan3A_6 = arith.constant 1 : i32
    scf.for %scan3A_50 = %scan3A_3 to %scan3A_5 step %scan3A_6  : i32 {
      %broadcast_in_dim3A = arith.constant 0.000000e+00 : f32
      %broadcast_in_dim3A_51 = vector.broadcast %broadcast_in_dim3A : f32 to vector<16xf32>
      %swap3A = arith.index_cast %scan3A_50 : i32 to index
      %swap3A_52 = arith.constant 0 : index
      %swap3A_53 = tpu.vector_load %arg8[%swap3A, %swap3A_52] {strides = array<i32>} : memref<128x128xf32, #tpu.memory_space<vmem>>, vector<1x16xf32>,
      %swap3A_54 = vector.shape_cast %swap3A_53 : vector<1x16xf32> to vector<16xf32>
      %swap3A_55 = vector.shape_cast %broadcast_in_dim3A_51 : vector<16xf32> to vector<1x16xf32>
      tpu.vector_store %arg8[%swap3A, %swap3A_52], %swap3A_55 {strides = array<i32>} : memref<128x128xf32, #tpu.memory_space<vmem>>, vector<1x16xf32>,
      %broadcast_in_dim3A_56 = arith.constant 0.000000e+00 : f32
      %broadcast_in_dim3A_57 = vector.broadcast %broadcast_in_dim3A_56 : f32 to vector<16xf32>
      %swap3A_58 = arith.index_cast %scan3A_50 : i32 to index
      %swap3A_59 = arith.constant 16 : index
      %swap3A_60 = tpu.vector_load %arg8[%swap3A_58, %swap3A_59] {strides = array<i32>} : memref<128x128xf32, #tpu.memory_space<vmem>>, vector<1x16xf32>,
      %swap3A_61 = vector.shape_cast %swap3A_60 : vector<1x16xf32> to vector<16xf32>
      %swap3A_62 = vector.shape_cast %broadcast_in_dim3A_57 : vector<16xf32> to vector<1x16xf32>
      tpu.vector_store %arg8[%swap3A_58, %swap3A_59], %swap3A_62 {strides = array<i32>} : memref<128x128xf32, #tpu.memory_space<vmem>>, vector<1x16xf32>,
      %broadcast_in_dim3A_63 = arith.constant 0.000000e+00 : f32
      %broadcast_in_dim3A_64 = vector.broadcast %broadcast_in_dim3A_63 : f32 to vector<16xf32>
      %swap3A_65 = arith.index_cast %scan3A_50 : i32 to index
      %swap3A_66 = arith.constant 32 : index
      %swap3A_67 = tpu.vector_load %arg8[%swap3A_65, %swap3A_66] {strides = array<i32>} : memref<128x128xf32, #tpu.memory_space<vmem>>, vector<1x16xf32>,
      %swap3A_68 = vector.shape_cast %swap3A_67 : vector<1x16xf32> to vector<16xf32>
      %swap3A_69 = vector.shape_cast %broadcast_in_dim3A_64 : vector<16xf32> to vector<1x16xf32>
      tpu.vector_store %arg8[%swap3A_65, %swap3A_66], %swap3A_69 {strides = array<i32>} : memref<128x128xf32, #tpu.memory_space<vmem>>, vector<1x16xf32>,
      %broadcast_in_dim3A_70 = arith.constant 0.000000e+00 : f32
      %broadcast_in_dim3A_71 = vector.broadcast %broadcast_in_dim3A_70 : f32 to vector<16xf32>
      %swap3A_72 = arith.index_cast %scan3A_50 : i32 to index
      %swap3A_73 = arith.constant 48 : index
      %swap3A_74 = tpu.vector_load %arg8[%swap3A_72, %swap3A_73] {strides = array<i32>} : memref<128x128xf32, #tpu.memory_space<vmem>>, vector<1x16xf32>,
      %swap3A_75 = vector.shape_cast %swap3A_74 : vector<1x16xf32> to vector<16xf32>
      %swap3A_76 = vector.shape_cast %broadcast_in_dim3A_71 : vector<16xf32> to vector<1x16xf32>
      tpu.vector_store %arg8[%swap3A_72, %swap3A_73], %swap3A_76 {strides = array<i32>} : memref<128x128xf32, #tpu.memory_space<vmem>>, vector<1x16xf32>,
      %broadcast_in_dim3A_77 = arith.constant 0.000000e+00 : f32
      %broadcast_in_dim3A_78 = vector.broadcast %broadcast_in_dim3A_77 : f32 to vector<16xf32>
      %swap3A_79 = arith.index_cast %scan3A_50 : i32 to index
      %swap3A_80 = arith.constant 64 : index
      %swap3A_81 = tpu.vector_load %arg8[%swap3A_79, %swap3A_80] {strides = array<i32>} : memref<128x128xf32, #tpu.memory_space<vmem>>, vector<1x16xf32>,
      %swap3A_82 = vector.shape_cast %swap3A_81 : vector<1x16xf32> to vector<16xf32>
      %swap3A_83 = vector.shape_cast %broadcast_in_dim3A_78 : vector<16xf32> to vector<1x16xf32>
      tpu.vector_store %arg8[%swap3A_79, %swap3A_80], %swap3A_83 {strides = array<i32>} : memref<128x128xf32, #tpu.memory_space<vmem>>, vector<1x16xf32>,
      %broadcast_in_dim3A_84 = arith.constant 0.000000e+00 : f32
      %broadcast_in_dim3A_85 = vector.broadcast %broadcast_in_dim3A_84 : f32 to vector<16xf32>
      %swap3A_86 = arith.index_cast %scan3A_50 : i32 to index
      %swap3A_87 = arith.constant 80 : index
      %swap3A_88 = tpu.vector_load %arg8[%swap3A_86, %swap3A_87] {strides = array<i32>} : memref<128x128xf32, #tpu.memory_space<vmem>>, vector<1x16xf32>,
      %swap3A_89 = vector.shape_cast %swap3A_88 : vector<1x16xf32> to vector<16xf32>
      %swap3A_90 = vector.shape_cast %broadcast_in_dim3A_85 : vector<16xf32> to vector<1x16xf32>
      tpu.vector_store %arg8[%swap3A_86, %swap3A_87], %swap3A_90 {strides = array<i32>} : memref<128x128xf32, #tpu.memory_space<vmem>>, vector<1x16xf32>,
      %broadcast_in_dim3A_91 = arith.constant 0.000000e+00 : f32
      %broadcast_in_dim3A_92 = vector.broadcast %broadcast_in_dim3A_91 : f32 to vector<16xf32>
      %swap3A_93 = arith.index_cast %scan3A_50 : i32 to index
      %swap3A_94 = arith.constant 96 : index
      %swap3A_95 = tpu.vector_load %arg8[%swap3A_93, %swap3A_94] {strides = array<i32>} : memref<128x128xf32, #tpu.memory_space<vmem>>, vector<1x16xf32>,
      %swap3A_96 = vector.shape_cast %swap3A_95 : vector<1x16xf32> to vector<16xf32>
      %swap3A_97 = vector.shape_cast %broadcast_in_dim3A_92 : vector<16xf32> to vector<1x16xf32>
      tpu.vector_store %arg8[%swap3A_93, %swap3A_94], %swap3A_97 {strides = array<i32>} : memref<128x128xf32, #tpu.memory_space<vmem>>, vector<1x16xf32>,
      %broadcast_in_dim3A_98 = arith.constant 0.000000e+00 : f32
      %broadcast_in_dim3A_99 = vector.broadcast %broadcast_in_dim3A_98 : f32 to vector<16xf32>
      %swap3A_100 = arith.index_cast %scan3A_50 : i32 to index
      %swap3A_101 = arith.constant 112 : index
      %swap3A_102 = tpu.vector_load %arg8[%swap3A_100, %swap3A_101] {strides = array<i32>} : memref<128x128xf32, #tpu.memory_space<vmem>>, vector<1x16xf32>,
      %swap3A_103 = vector.shape_cast %swap3A_102 : vector<1x16xf32> to vector<16xf32>
      %swap3A_104 = vector.shape_cast %broadcast_in_dim3A_99 : vector<16xf32> to vector<1x16xf32>
      tpu.vector_store %arg8[%swap3A_100, %swap3A_101], %swap3A_104 {strides = array<i32>} : memref<128x128xf32, #tpu.memory_space<vmem>>, vector<1x16xf32>,
    }
    %scan3A_7 = arith.constant 128 : i32
    %add3A_8 = arith.constant 0 : i32
    %add3A_9 = arith.addi %mul3A_2, %add3A_8 : i32
    "tpu.region"() ({
      %run_scoped3A_50 = tpu.sem_alloc : memref<!tpu.dma_semaphore, #tpu.memory_space<semaphore_mem>>
      %dma_start3A = arith.constant 0 : i32
      %dma_start3A_51 = tpu.memref_slice %arg10[%add3A_9, %dma_start3A] : memref<10240x128xf32, #tpu.memory_space<vmem_shared>> -> memref<128x128xf32, #tpu.memory_space<vmem_shared>>
      %dma_start3A_52 = arith.constant 0 : i32
      %dma_start3A_53 = tpu.memref_slice %arg10[%add3A_9, %dma_start3A_52] : memref<10240x128xf32, #tpu.memory_space<vmem_shared>> -> memref<128x128xf32, #tpu.memory_space<vmem_shared>>
      tpu.enqueue_dma source(%arg8 : memref<128x128xf32, #tpu.memory_space<vmem>>) target(%dma_start3A_53 : memref<128x128xf32, #tpu.memory_space<vmem_shared>>) target_semaphore(%run_scoped3A_50 : memref<!tpu.dma_semaphore, #tpu.memory_space<semaphore_mem>>)
      %dma_wait3A = arith.constant 0 : i32
      %dma_wait3A_54 = tpu.memref_slice %arg10[%add3A_9, %dma_wait3A] : memref<10240x128xf32, #tpu.memory_space<vmem_shared>> -> memref<128x128xf32, #tpu.memory_space<vmem_shared>>
      %dma_wait3A_55 = arith.constant 0 : i32
      %dma_wait3A_56 = tpu.memref_slice %arg10[%add3A_9, %dma_wait3A_55] : memref<10240x128xf32, #tpu.memory_space<vmem_shared>> -> memref<128x128xf32, #tpu.memory_space<vmem_shared>>
      tpu.wait_dma2 semaphore(%run_scoped3A_50 : memref<!tpu.dma_semaphore, #tpu.memory_space<semaphore_mem>>) src(%arg8 : memref<128x128xf32, #tpu.memory_space<vmem>>) dst(%dma_wait3A_56 : memref<128x128xf32, #tpu.memory_space<vmem_shared>>)
      tpu.yield
    }) : () -> ()
    %add3A_10 = arith.constant 128 : i32
    %add3A_11 = arith.addi %mul3A_2, %add3A_10 : i32
    "tpu.region"() ({
      %run_scoped3A_50 = tpu.sem_alloc : memref<!tpu.dma_semaphore, #tpu.memory_space<semaphore_mem>>
      %dma_start3A = arith.constant 0 : i32
      %dma_start3A_51 = tpu.memref_slice %arg10[%add3A_11, %dma_start3A] : memref<10240x128xf32, #tpu.memory_space<vmem_shared>> -> memref<128x128xf32, #tpu.memory_space<vmem_shared>>
      %dma_start3A_52 = arith.constant 0 : i32
      %dma_start3A_53 = tpu.memref_slice %arg10[%add3A_11, %dma_start3A_52] : memref<10240x128xf32, #tpu.memory_space<vmem_shared>> -> memref<128x128xf32, #tpu.memory_space<vmem_shared>>
      tpu.enqueue_dma source(%arg8 : memref<128x128xf32, #tpu.memory_space<vmem>>) target(%dma_start3A_53 : memref<128x128xf32, #tpu.memory_space<vmem_shared>>) target_semaphore(%run_scoped3A_50 : memref<!tpu.dma_semaphore, #tpu.memory_space<semaphore_mem>>)
      %dma_wait3A = arith.constant 0 : i32
      %dma_wait3A_54 = tpu.memref_slice %arg10[%add3A_11, %dma_wait3A] : memref<10240x128xf32, #tpu.memory_space<vmem_shared>> -> memref<128x128xf32, #tpu.memory_space<vmem_shared>>
      %dma_wait3A_55 = arith.constant 0 : i32
      %dma_wait3A_56 = tpu.memref_slice %arg10[%add3A_11, %dma_wait3A_55] : memref<10240x128xf32, #tpu.memory_space<vmem_shared>> -> memref<128x128xf32, #tpu.memory_space<vmem_shared>>
      tpu.wait_dma2 semaphore(%run_scoped3A_50 : memref<!tpu.dma_semaphore, #tpu.memory_space<semaphore_mem>>) src(%arg8 : memref<128x128xf32, #tpu.memory_space<vmem>>) dst(%dma_wait3A_56 : memref<128x128xf32, #tpu.memory_space<vmem_shared>>)
      tpu.yield
    }) : () -> ()
    %add3A_12 = arith.constant 256 : i32
    %add3A_13 = arith.addi %mul3A_2, %add3A_12 : i32
    "tpu.region"() ({
      %run_scoped3A_50 = tpu.sem_alloc : memref<!tpu.dma_semaphore, #tpu.memory_space<semaphore_mem>>
      %dma_start3A = arith.constant 0 : i32
      %dma_start3A_51 = tpu.memref_slice %arg10[%add3A_13, %dma_start3A] : memref<10240x128xf32, #tpu.memory_space<vmem_shared>> -> memref<128x128xf32, #tpu.memory_space<vmem_shared>>
      %dma_start3A_52 = arith.constant 0 : i32
      %dma_start3A_53 = tpu.memref_slice %arg10[%add3A_13, %dma_start3A_52] : memref<10240x128xf32, #tpu.memory_space<vmem_shared>> -> memref<128x128xf32, #tpu.memory_space<vmem_shared>>
      tpu.enqueue_dma source(%arg8 : memref<128x128xf32, #tpu.memory_space<vmem>>) target(%dma_start3A_53 : memref<128x128xf32, #tpu.memory_space<vmem_shared>>) target_semaphore(%run_scoped3A_50 : memref<!tpu.dma_semaphore, #tpu.memory_space<semaphore_mem>>)
      %dma_wait3A = arith.constant 0 : i32
      %dma_wait3A_54 = tpu.memref_slice %arg10[%add3A_13, %dma_wait3A] : memref<10240x128xf32, #tpu.memory_space<vmem_shared>> -> memref<128x128xf32, #tpu.memory_space<vmem_shared>>
      %dma_wait3A_55 = arith.constant 0 : i32
      %dma_wait3A_56 = tpu.memref_slice %arg10[%add3A_13, %dma_wait3A_55] : memref<10240x128xf32, #tpu.memory_space<vmem_shared>> -> memref<128x128xf32, #tpu.memory_space<vmem_shared>>
      tpu.wait_dma2 semaphore(%run_scoped3A_50 : memref<!tpu.dma_semaphore, #tpu.memory_space<semaphore_mem>>) src(%arg8 : memref<128x128xf32, #tpu.memory_space<vmem>>) dst(%dma_wait3A_56 : memref<128x128xf32, #tpu.memory_space<vmem_shared>>)
      tpu.yield
    }) : () -> ()
    %add3A_14 = arith.constant 384 : i32
    %add3A_15 = arith.addi %mul3A_2, %add3A_14 : i32
    "tpu.region"() ({
      %run_scoped3A_50 = tpu.sem_alloc : memref<!tpu.dma_semaphore, #tpu.memory_space<semaphore_mem>>
      %dma_start3A = arith.constant 0 : i32
      %dma_start3A_51 = tpu.memref_slice %arg10[%add3A_15, %dma_start3A] : memref<10240x128xf32, #tpu.memory_space<vmem_shared>> -> memref<128x128xf32, #tpu.memory_space<vmem_shared>>
      %dma_start3A_52 = arith.constant 0 : i32
      %dma_start3A_53 = tpu.memref_slice %arg10[%add3A_15, %dma_start3A_52] : memref<10240x128xf32, #tpu.memory_space<vmem_shared>> -> memref<128x128xf32, #tpu.memory_space<vmem_shared>>
      tpu.enqueue_dma source(%arg8 : memref<128x128xf32, #tpu.memory_space<vmem>>) target(%dma_start3A_53 : memref<128x128xf32, #tpu.memory_space<vmem_shared>>) target_semaphore(%run_scoped3A_50 : memref<!tpu.dma_semaphore, #tpu.memory_space<semaphore_mem>>)
      %dma_wait3A = arith.constant 0 : i32
      %dma_wait3A_54 = tpu.memref_slice %arg10[%add3A_15, %dma_wait3A] : memref<10240x128xf32, #tpu.memory_space<vmem_shared>> -> memref<128x128xf32, #tpu.memory_space<vmem_shared>>
      %dma_wait3A_55 = arith.constant 0 : i32
      %dma_wait3A_56 = tpu.memref_slice %arg10[%add3A_15, %dma_wait3A_55] : memref<10240x128xf32, #tpu.memory_space<vmem_shared>> -> memref<128x128xf32, #tpu.memory_space<vmem_shared>>
      tpu.wait_dma2 semaphore(%run_scoped3A_50 : memref<!tpu.dma_semaphore, #tpu.memory_space<semaphore_mem>>) src(%arg8 : memref<128x128xf32, #tpu.memory_space<vmem>>) dst(%dma_wait3A_56 : memref<128x128xf32, #tpu.memory_space<vmem_shared>>)
      tpu.yield
    }) : () -> ()
    %add3A_16 = arith.constant 512 : i32
    %add3A_17 = arith.addi %mul3A_2, %add3A_16 : i32
    "tpu.region"() ({
      %run_scoped3A_50 = tpu.sem_alloc : memref<!tpu.dma_semaphore, #tpu.memory_space<semaphore_mem>>
      %dma_start3A = arith.constant 0 : i32
      %dma_start3A_51 = tpu.memref_slice %arg10[%add3A_17, %dma_start3A] : memref<10240x128xf32, #tpu.memory_space<vmem_shared>> -> memref<128x128xf32, #tpu.memory_space<vmem_shared>>
      %dma_start3A_52 = arith.constant 0 : i32
      %dma_start3A_53 = tpu.memref_slice %arg10[%add3A_17, %dma_start3A_52] : memref<10240x128xf32, #tpu.memory_space<vmem_shared>> -> memref<128x128xf32, #tpu.memory_space<vmem_shared>>
      tpu.enqueue_dma source(%arg8 : memref<128x128xf32, #tpu.memory_space<vmem>>) target(%dma_start3A_53 : memref<128x128xf32, #tpu.memory_space<vmem_shared>>) target_semaphore(%run_scoped3A_50 : memref<!tpu.dma_semaphore, #tpu.memory_space<semaphore_mem>>)
      %dma_wait3A = arith.constant 0 : i32
      %dma_wait3A_54 = tpu.memref_slice %arg10[%add3A_17, %dma_wait3A] : memref<10240x128xf32, #tpu.memory_space<vmem_shared>> -> memref<128x128xf32, #tpu.memory_space<vmem_shared>>
      %dma_wait3A_55 = arith.constant 0 : i32
      %dma_wait3A_56 = tpu.memref_slice %arg10[%add3A_17, %dma_wait3A_55] : memref<10240x128xf32, #tpu.memory_space<vmem_shared>> -> memref<128x128xf32, #tpu.memory_space<vmem_shared>>
      tpu.wait_dma2 semaphore(%run_scoped3A_50 : memref<!tpu.dma_semaphore, #tpu.memory_space<semaphore_mem>>) src(%arg8 : memref<128x128xf32, #tpu.memory_space<vmem>>) dst(%dma_wait3A_56 : memref<128x128xf32, #tpu.memory_space<vmem_shared>>)
      tpu.yield
    }) : () -> ()
    %mul3A_18 = arith.constant 80 : i32
    %mul3A_19 = arith.muli %add3A, %mul3A_18 : i32
    %run_scoped3A = arith.constant 0 : i32
    "tpu.region"() ({
      %run_scoped3A_50 = tpu.sem_alloc : memref<!tpu.dma_semaphore, #tpu.memory_space<semaphore_mem>>
      %dma_start3A = arith.constant 0 : i32
      %dma_start3A_51 = arith.constant 0 : i32
      %dma_start3A_52 = tpu.memref_slice %arg6[%run_scoped3A, %dma_start3A, %dma_start3A_51] : memref<2x8x128xi32, #tpu.memory_space<vmem>> -> memref<1x8x128xi32, #tpu.memory_space<vmem>>
      %dma_start3A_53 = tpu.memref_squeeze %dma_start3A_52 : memref<1x8x128xi32, #tpu.memory_space<vmem>> -> memref<8x128xi32, #tpu.memory_space<vmem>>
      %dma_start3A_54 = arith.constant 0 : i32
      %dma_start3A_55 = tpu.memref_slice %arg3[%mul3A_19, %dma_start3A_54] : memref<2560x128xi32, #tpu.memory_space<hbm>> -> memref<8x128xi32, #tpu.memory_space<hbm>>
      %dma_start3A_56 = arith.constant 0 : i32
      %dma_start3A_57 = arith.constant 0 : i32
      %dma_start3A_58 = tpu.memref_slice %arg6[%run_scoped3A, %dma_start3A_56, %dma_start3A_57] : memref<2x8x128xi32, #tpu.memory_space<vmem>> -> memref<1x8x128xi32, #tpu.memory_space<vmem>>
      %dma_start3A_59 = tpu.memref_squeeze %dma_start3A_58 : memref<1x8x128xi32, #tpu.memory_space<vmem>> -> memref<8x128xi32, #tpu.memory_space<vmem>>
      %dma_start3A_60 = arith.constant 0 : i32
      %dma_start3A_61 = tpu.memref_slice %arg3[%mul3A_19, %dma_start3A_60] : memref<2560x128xi32, #tpu.memory_space<hbm>> -> memref<8x128xi32, #tpu.memory_space<hbm>>
      tpu.enqueue_dma source(%dma_start3A_61 : memref<8x128xi32, #tpu.memory_space<hbm>>) target(%dma_start3A_59 : memref<8x128xi32, #tpu.memory_space<vmem>>) target_semaphore(%run_scoped3A_50 : memref<!tpu.dma_semaphore, #tpu.memory_space<semaphore_mem>>)
      %dma_wait3A = arith.constant 0 : i32
      %dma_wait3A_62 = arith.constant 0 : i32
      %dma_wait3A_63 = tpu.memref_slice %arg6[%run_scoped3A, %dma_wait3A, %dma_wait3A_62] : memref<2x8x128xi32, #tpu.memory_space<vmem>> -> memref<1x8x128xi32, #tpu.memory_space<vmem>>
      %dma_wait3A_64 = tpu.memref_squeeze %dma_wait3A_63 : memref<1x8x128xi32, #tpu.memory_space<vmem>> -> memref<8x128xi32, #tpu.memory_space<vmem>>
      %dma_wait3A_65 = arith.constant 0 : i32
      %dma_wait3A_66 = tpu.memref_slice %arg3[%mul3A_19, %dma_wait3A_65] : memref<2560x128xi32, #tpu.memory_space<hbm>> -> memref<8x128xi32, #tpu.memory_space<hbm>>
      %dma_wait3A_67 = arith.constant 0 : i32
      %dma_wait3A_68 = arith.constant 0 : i32
      %dma_wait3A_69 = tpu.memref_slice %arg6[%run_scoped3A, %dma_wait3A_67, %dma_wait3A_68] : memref<2x8x128xi32, #tpu.memory_space<vmem>> -> memref<1x8x128xi32, #tpu.memory_space<vmem>>
      %dma_wait3A_70 = tpu.memref_squeeze %dma_wait3A_69 : memref<1x8x128xi32, #tpu.memory_space<vmem>> -> memref<8x128xi32, #tpu.memory_space<vmem>>
      %dma_wait3A_71 = arith.constant 0 : i32
      %dma_wait3A_72 = tpu.memref_slice %arg3[%mul3A_19, %dma_wait3A_71] : memref<2560x128xi32, #tpu.memory_space<hbm>> -> memref<8x128xi32, #tpu.memory_space<hbm>>
      tpu.wait_dma2 semaphore(%run_scoped3A_50 : memref<!tpu.dma_semaphore, #tpu.memory_space<semaphore_mem>>) src(%dma_wait3A_72 : memref<8x128xi32, #tpu.memory_space<hbm>>) dst(%dma_wait3A_70 : memref<8x128xi32, #tpu.memory_space<vmem>>)
      tpu.yield
    }) : () -> ()
    %mul3A_20 = arith.constant 80 : i32
    %mul3A_21 = arith.muli %add3A, %mul3A_20 : i32
    %run_scoped3A_22 = arith.constant 0 : i32
    "tpu.region"() ({
      %run_scoped3A_50 = tpu.sem_alloc : memref<!tpu.dma_semaphore, #tpu.memory_space<semaphore_mem>>
      %dma_start3A = arith.constant 0 : i32
      %dma_start3A_51 = arith.constant 0 : i32
      %dma_start3A_52 = tpu.memref_slice %arg7[%run_scoped3A_22, %dma_start3A, %dma_start3A_51] : memref<2x8x128xi32, #tpu.memory_space<vmem>> -> memref<1x8x128xi32, #tpu.memory_space<vmem>>
      %dma_start3A_53 = tpu.memref_squeeze %dma_start3A_52 : memref<1x8x128xi32, #tpu.memory_space<vmem>> -> memref<8x128xi32, #tpu.memory_space<vmem>>
      %dma_start3A_54 = arith.constant 0 : i32
      %dma_start3A_55 = tpu.memref_slice %arg4[%mul3A_21, %dma_start3A_54] : memref<2560x128xi32, #tpu.memory_space<hbm>> -> memref<8x128xi32, #tpu.memory_space<hbm>>
      %dma_start3A_56 = arith.constant 0 : i32
      %dma_start3A_57 = arith.constant 0 : i32
      %dma_start3A_58 = tpu.memref_slice %arg7[%run_scoped3A_22, %dma_start3A_56, %dma_start3A_57] : memref<2x8x128xi32, #tpu.memory_space<vmem>> -> memref<1x8x128xi32, #tpu.memory_space<vmem>>
      %dma_start3A_59 = tpu.memref_squeeze %dma_start3A_58 : memref<1x8x128xi32, #tpu.memory_space<vmem>> -> memref<8x128xi32, #tpu.memory_space<vmem>>
      %dma_start3A_60 = arith.constant 0 : i32
      %dma_start3A_61 = tpu.memref_slice %arg4[%mul3A_21, %dma_start3A_60] : memref<2560x128xi32, #tpu.memory_space<hbm>> -> memref<8x128xi32, #tpu.memory_space<hbm>>
      tpu.enqueue_dma source(%dma_start3A_61 : memref<8x128xi32, #tpu.memory_space<hbm>>) target(%dma_start3A_59 : memref<8x128xi32, #tpu.memory_space<vmem>>) target_semaphore(%run_scoped3A_50 : memref<!tpu.dma_semaphore, #tpu.memory_space<semaphore_mem>>)
      %dma_wait3A = arith.constant 0 : i32
      %dma_wait3A_62 = arith.constant 0 : i32
      %dma_wait3A_63 = tpu.memref_slice %arg7[%run_scoped3A_22, %dma_wait3A, %dma_wait3A_62] : memref<2x8x128xi32, #tpu.memory_space<vmem>> -> memref<1x8x128xi32, #tpu.memory_space<vmem>>
      %dma_wait3A_64 = tpu.memref_squeeze %dma_wait3A_63 : memref<1x8x128xi32, #tpu.memory_space<vmem>> -> memref<8x128xi32, #tpu.memory_space<vmem>>
      %dma_wait3A_65 = arith.constant 0 : i32
      %dma_wait3A_66 = tpu.memref_slice %arg4[%mul3A_21, %dma_wait3A_65] : memref<2560x128xi32, #tpu.memory_space<hbm>> -> memref<8x128xi32, #tpu.memory_space<hbm>>
      %dma_wait3A_67 = arith.constant 0 : i32
      %dma_wait3A_68 = arith.constant 0 : i32
      %dma_wait3A_69 = tpu.memref_slice %arg7[%run_scoped3A_22, %dma_wait3A_67, %dma_wait3A_68] : memref<2x8x128xi32, #tpu.memory_space<vmem>> -> memref<1x8x128xi32, #tpu.memory_space<vmem>>
      %dma_wait3A_70 = tpu.memref_squeeze %dma_wait3A_69 : memref<1x8x128xi32, #tpu.memory_space<vmem>> -> memref<8x128xi32, #tpu.memory_space<vmem>>
      %dma_wait3A_71 = arith.constant 0 : i32
      %dma_wait3A_72 = tpu.memref_slice %arg4[%mul3A_21, %dma_wait3A_71] : memref<2560x128xi32, #tpu.memory_space<hbm>> -> memref<8x128xi32, #tpu.memory_space<hbm>>
      tpu.wait_dma2 semaphore(%run_scoped3A_50 : memref<!tpu.dma_semaphore, #tpu.memory_space<semaphore_mem>>) src(%dma_wait3A_72 : memref<8x128xi32, #tpu.memory_space<hbm>>) dst(%dma_wait3A_70 : memref<8x128xi32, #tpu.memory_space<vmem>>)
      tpu.yield
    }) : () -> ()
    %barrier3A = arith.constant 0 : index
    tpu.barrier barrier_id(%barrier3A)
    %scan3A_23 = arith.constant 0 : i32
    %scan3A_24 = arith.constant 0 : i32
    %scan3A_25 = arith.constant 10 : i32
    %scan3A_26 = arith.addi %scan3A_24, %scan3A_25 : i32
    %scan3A_27 = arith.constant 1 : i32
    scf.for %scan3A_50 = %scan3A_24 to %scan3A_26 step %scan3A_27  : i32 {
      %rem3A = arith.constant 2 : i32
      %rem3A_51 = arith.remsi %scan3A_50, %rem3A : i32
      %add3A_52 = arith.constant 1 : i32
      %add3A_53 = arith.addi %scan3A_50, %add3A_52 : i32
      %rem3A_54 = arith.constant 2 : i32
      %rem3A_55 = arith.remsi %add3A_53, %rem3A_54 : i32
      %mul3A_56 = arith.constant 80 : i32
      %mul3A_57 = arith.muli %add3A, %mul3A_56 : i32
      %add3A_58 = arith.constant 1 : i32
      %add3A_59 = arith.addi %scan3A_50, %add3A_58 : i32
      %mul3A_60 = arith.constant 8 : i32
      %mul3A_61 = arith.muli %add3A_59, %mul3A_60 : i32
      %add3A_62 = arith.addi %mul3A_57, %mul3A_61 : i32
      %lt3A = arith.constant 9 : i32
      %lt3A_63 = arith.cmpi slt, %scan3A_50, %lt3A : i32
      %convert_element_type3A = arith.extui %lt3A_63 : i1 to i32
      %cond3A = arith.constant 0 : i32
      %cond3A_64 = arith.cmpi ne, %convert_element_type3A, %cond3A : i32
      scf.if %cond3A_64 {
        %dma_start3A_188 = arith.constant 0 : i32
        %dma_start3A_189 = arith.constant 0 : i32
        %dma_start3A_190 = tpu.memref_slice %arg6[%rem3A_55, %dma_start3A_188, %dma_start3A_189] : memref<2x8x128xi32, #tpu.memory_space<vmem>> -> memref<1x8x128xi32, #tpu.memory_space<vmem>>
        %dma_start3A_191 = tpu.memref_squeeze %dma_start3A_190 : memref<1x8x128xi32, #tpu.memory_space<vmem>> -> memref<8x128xi32, #tpu.memory_space<vmem>>
        %dma_start3A_192 = arith.constant 0 : i32
        %dma_start3A_193 = tpu.memref_slice %arg3[%add3A_62, %dma_start3A_192] : memref<2560x128xi32, #tpu.memory_space<hbm>> -> memref<8x128xi32, #tpu.memory_space<hbm>>
        %dma_start3A_194 = arith.constant 0 : i32
        %dma_start3A_195 = arith.constant 0 : i32
        %dma_start3A_196 = tpu.memref_slice %arg6[%rem3A_55, %dma_start3A_194, %dma_start3A_195] : memref<2x8x128xi32, #tpu.memory_space<vmem>> -> memref<1x8x128xi32, #tpu.memory_space<vmem>>
        %dma_start3A_197 = tpu.memref_squeeze %dma_start3A_196 : memref<1x8x128xi32, #tpu.memory_space<vmem>> -> memref<8x128xi32, #tpu.memory_space<vmem>>
        %dma_start3A_198 = arith.constant 0 : i32
        %dma_start3A_199 = tpu.memref_slice %arg3[%add3A_62, %dma_start3A_198] : memref<2560x128xi32, #tpu.memory_space<hbm>> -> memref<8x128xi32, #tpu.memory_space<hbm>>
        tpu.enqueue_dma source(%dma_start3A_199 : memref<8x128xi32, #tpu.memory_space<hbm>>) target(%dma_start3A_197 : memref<8x128xi32, #tpu.memory_space<vmem>>) target_semaphore(%arg13 : memref<!tpu.dma_semaphore, #tpu.memory_space<semaphore_mem>>)
        %dma_start3A_200 = arith.constant 0 : i32
        %dma_start3A_201 = arith.constant 0 : i32
        %dma_start3A_202 = tpu.memref_slice %arg7[%rem3A_55, %dma_start3A_200, %dma_start3A_201] : memref<2x8x128xi32, #tpu.memory_space<vmem>> -> memref<1x8x128xi32, #tpu.memory_space<vmem>>
        %dma_start3A_203 = tpu.memref_squeeze %dma_start3A_202 : memref<1x8x128xi32, #tpu.memory_space<vmem>> -> memref<8x128xi32, #tpu.memory_space<vmem>>
        %dma_start3A_204 = arith.constant 0 : i32
        %dma_start3A_205 = tpu.memref_slice %arg4[%add3A_62, %dma_start3A_204] : memref<2560x128xi32, #tpu.memory_space<hbm>> -> memref<8x128xi32, #tpu.memory_space<hbm>>
        %dma_start3A_206 = arith.constant 0 : i32
        %dma_start3A_207 = arith.constant 0 : i32
        %dma_start3A_208 = tpu.memref_slice %arg7[%rem3A_55, %dma_start3A_206, %dma_start3A_207] : memref<2x8x128xi32, #tpu.memory_space<vmem>> -> memref<1x8x128xi32, #tpu.memory_space<vmem>>
        %dma_start3A_209 = tpu.memref_squeeze %dma_start3A_208 : memref<1x8x128xi32, #tpu.memory_space<vmem>> -> memref<8x128xi32, #tpu.memory_space<vmem>>
        %dma_start3A_210 = arith.constant 0 : i32
        %dma_start3A_211 = tpu.memref_slice %arg4[%add3A_62, %dma_start3A_210] : memref<2560x128xi32, #tpu.memory_space<hbm>> -> memref<8x128xi32, #tpu.memory_space<hbm>>
        tpu.enqueue_dma source(%dma_start3A_211 : memref<8x128xi32, #tpu.memory_space<hbm>>) target(%dma_start3A_209 : memref<8x128xi32, #tpu.memory_space<vmem>>) target_semaphore(%arg13 : memref<!tpu.dma_semaphore, #tpu.memory_space<semaphore_mem>>)
      } else {
      }
      %dma_start3A = arith.constant 0 : i32
      %dma_start3A_65 = arith.constant 0 : i32
      %dma_start3A_66 = tpu.memref_slice %arg7[%rem3A_51, %dma_start3A, %dma_start3A_65] : memref<2x8x128xi32, #tpu.memory_space<vmem>> -> memref<1x1x128xi32, #tpu.memory_space<vmem>>
      %dma_start3A_67 = tpu.memref_squeeze %dma_start3A_66 : memref<1x1x128xi32, #tpu.memory_space<vmem>> -> memref<128xi32, #tpu.memory_space<vmem>>
      %dma_start3A_68 = arith.constant 0 : i32
      %dma_start3A_69 = arith.constant 0 : i32
      %dma_start3A_70 = tpu.memref_slice %arg2[%dma_start3A_68, %dma_start3A_69] : memref<10000x128xf32, #tpu.memory_space<hbm>> -> memref<10000x128xf32, #tpu.memory_space<hbm>>
      tpu.enqueue_indirect_dma source(%dma_start3A_70 : memref<10000x128xf32, #tpu.memory_space<hbm>>) target(%arg8 : memref<128x128xf32, #tpu.memory_space<vmem>>) offsets(%dma_start3A_67 : memref<128xi32, #tpu.memory_space<vmem>>) semaphore(%arg11 : memref<!tpu.dma_semaphore, #tpu.memory_space<semaphore_mem>>)
      %dma_start3A_71 = arith.constant 1 : i32
      %dma_start3A_72 = arith.constant 0 : i32
      %dma_start3A_73 = tpu.memref_slice %arg7[%rem3A_51, %dma_start3A_71, %dma_start3A_72] : memref<2x8x128xi32, #tpu.memory_space<vmem>> -> memref<1x1x128xi32, #tpu.memory_space<vmem>>
      %dma_start3A_74 = tpu.memref_squeeze %dma_start3A_73 : memref<1x1x128xi32, #tpu.memory_space<vmem>> -> memref<128xi32, #tpu.memory_space<vmem>>
      %dma_start3A_75 = arith.constant 0 : i32
      %dma_start3A_76 = arith.constant 0 : i32
      %dma_start3A_77 = tpu.memref_slice %arg2[%dma_start3A_75, %dma_start3A_76] : memref<10000x128xf32, #tpu.memory_space<hbm>> -> memref<10000x128xf32, #tpu.memory_space<hbm>>
      tpu.enqueue_indirect_dma source(%dma_start3A_77 : memref<10000x128xf32, #tpu.memory_space<hbm>>) target(%arg9 : memref<128x128xf32, #tpu.memory_space<vmem>>) offsets(%dma_start3A_74 : memref<128xi32, #tpu.memory_space<vmem>>) semaphore(%arg12 : memref<!tpu.dma_semaphore, #tpu.memory_space<semaphore_mem>>)
      %dma_wait3A = arith.constant 0 : i32
      %dma_wait3A_78 = arith.constant 0 : i32
      %dma_wait3A_79 = tpu.memref_slice %arg7[%rem3A_51, %dma_wait3A, %dma_wait3A_78] : memref<2x8x128xi32, #tpu.memory_space<vmem>> -> memref<1x1x128xi32, #tpu.memory_space<vmem>>
      %dma_wait3A_80 = tpu.memref_squeeze %dma_wait3A_79 : memref<1x1x128xi32, #tpu.memory_space<vmem>> -> memref<128xi32, #tpu.memory_space<vmem>>
      %dma_wait3A_81 = arith.constant 0 : i32
      %dma_wait3A_82 = arith.constant 0 : i32
      %dma_wait3A_83 = tpu.memref_slice %arg2[%dma_wait3A_81, %dma_wait3A_82] : memref<10000x128xf32, #tpu.memory_space<hbm>> -> memref<10000x128xf32, #tpu.memory_space<hbm>>
      tpu.wait_indirect_dma semaphore(%arg11 : memref<!tpu.dma_semaphore, #tpu.memory_space<semaphore_mem>>) src(%dma_wait3A_83 : memref<10000x128xf32, #tpu.memory_space<hbm>>) dst(%arg8 : memref<128x128xf32, #tpu.memory_space<vmem>>)
      %run_scoped3A_84 = arith.constant 0 : i32
      "tpu.region"() ({
        %run_scoped3A_188 = tpu.sem_alloc : memref<!tpu.dma_semaphore, #tpu.memory_space<semaphore_mem>>
        %dma_start3A_189 = arith.constant 0 : i32
        %dma_start3A_190 = tpu.memref_slice %arg6[%rem3A_51, %run_scoped3A_84, %dma_start3A_189] : memref<2x8x128xi32, #tpu.memory_space<vmem>> -> memref<1x1x128xi32, #tpu.memory_space<vmem>>
        %dma_start3A_191 = tpu.memref_squeeze %dma_start3A_190 : memref<1x1x128xi32, #tpu.memory_space<vmem>> -> memref<128xi32, #tpu.memory_space<vmem>>
        %dma_start3A_192 = arith.constant 0 : i32
        %dma_start3A_193 = arith.constant 0 : i32
        %dma_start3A_194 = tpu.memref_slice %arg10[%dma_start3A_192, %dma_start3A_193] : memref<10240x128xf32, #tpu.memory_space<vmem_shared>> -> memref<10240x128xf32, #tpu.memory_space<vmem_shared>>
        tpu.enqueue_indirect_dma source(%arg8 : memref<128x128xf32, #tpu.memory_space<vmem>>) target(%dma_start3A_194 : memref<10240x128xf32, #tpu.memory_space<vmem_shared>>) offsets(%dma_start3A_191 : memref<128xi32, #tpu.memory_space<vmem>>) semaphore(%run_scoped3A_188 : memref<!tpu.dma_semaphore, #tpu.memory_space<semaphore_mem>>) {add = true}
        %dma_wait3A_195 = arith.constant 0 : i32
        %dma_wait3A_196 = tpu.memref_slice %arg6[%rem3A_51, %run_scoped3A_84, %dma_wait3A_195] : memref<2x8x128xi32, #tpu.memory_space<vmem>> -> memref<1x1x128xi32, #tpu.memory_space<vmem>>
        %dma_wait3A_197 = tpu.memref_squeeze %dma_wait3A_196 : memref<1x1x128xi32, #tpu.memory_space<vmem>> -> memref<128xi32, #tpu.memory_space<vmem>>
        %dma_wait3A_198 = arith.constant 0 : i32
        %dma_wait3A_199 = arith.constant 0 : i32
        %dma_wait3A_200 = tpu.memref_slice %arg10[%dma_wait3A_198, %dma_wait3A_199] : memref<10240x128xf32, #tpu.memory_space<vmem_shared>> -> memref<10240x128xf32, #tpu.memory_space<vmem_shared>>
        tpu.wait_indirect_dma semaphore(%run_scoped3A_188 : memref<!tpu.dma_semaphore, #tpu.memory_space<semaphore_mem>>) src(%arg8 : memref<128x128xf32, #tpu.memory_space<vmem>>) dst(%dma_wait3A_200 : memref<10240x128xf32, #tpu.memory_space<vmem_shared>>)
        tpu.yield
      }) : () -> ()
      %dma_start3A_85 = arith.constant 2 : i32
      %dma_start3A_86 = arith.constant 0 : i32
      %dma_start3A_87 = tpu.memref_slice %arg7[%rem3A_51, %dma_start3A_85, %dma_start3A_86] : memref<2x8x128xi32, #tpu.memory_space<vmem>> -> memref<1x1x128xi32, #tpu.memory_space<vmem>>
      %dma_start3A_88 = tpu.memref_squeeze %dma_start3A_87 : memref<1x1x128xi32, #tpu.memory_space<vmem>> -> memref<128xi32, #tpu.memory_space<vmem>>
      %dma_start3A_89 = arith.constant 0 : i32
      %dma_start3A_90 = arith.constant 0 : i32
      %dma_start3A_91 = tpu.memref_slice %arg2[%dma_start3A_89, %dma_start3A_90] : memref<10000x128xf32, #tpu.memory_space<hbm>> -> memref<10000x128xf32, #tpu.memory_space<hbm>>
      tpu.enqueue_indirect_dma source(%dma_start3A_91 : memref<10000x128xf32, #tpu.memory_space<hbm>>) target(%arg8 : memref<128x128xf32, #tpu.memory_space<vmem>>) offsets(%dma_start3A_88 : memref<128xi32, #tpu.memory_space<vmem>>) semaphore(%arg11 : memref<!tpu.dma_semaphore, #tpu.memory_space<semaphore_mem>>)
      %dma_wait3A_92 = arith.constant 1 : i32
      %dma_wait3A_93 = arith.constant 0 : i32
      %dma_wait3A_94 = tpu.memref_slice %arg7[%rem3A_51, %dma_wait3A_92, %dma_wait3A_93] : memref<2x8x128xi32, #tpu.memory_space<vmem>> -> memref<1x1x128xi32, #tpu.memory_space<vmem>>
      %dma_wait3A_95 = tpu.memref_squeeze %dma_wait3A_94 : memref<1x1x128xi32, #tpu.memory_space<vmem>> -> memref<128xi32, #tpu.memory_space<vmem>>
      %dma_wait3A_96 = arith.constant 0 : i32
      %dma_wait3A_97 = arith.constant 0 : i32
      %dma_wait3A_98 = tpu.memref_slice %arg2[%dma_wait3A_96, %dma_wait3A_97] : memref<10000x128xf32, #tpu.memory_space<hbm>> -> memref<10000x128xf32, #tpu.memory_space<hbm>>
      tpu.wait_indirect_dma semaphore(%arg12 : memref<!tpu.dma_semaphore, #tpu.memory_space<semaphore_mem>>) src(%dma_wait3A_98 : memref<10000x128xf32, #tpu.memory_space<hbm>>) dst(%arg9 : memref<128x128xf32, #tpu.memory_space<vmem>>)
      %run_scoped3A_99 = arith.constant 1 : i32
      "tpu.region"() ({
        %run_scoped3A_188 = tpu.sem_alloc : memref<!tpu.dma_semaphore, #tpu.memory_space<semaphore_mem>>
        %dma_start3A_189 = arith.constant 0 : i32
        %dma_start3A_190 = tpu.memref_slice %arg6[%rem3A_51, %run_scoped3A_99, %dma_start3A_189] : memref<2x8x128xi32, #tpu.memory_space<vmem>> -> memref<1x1x128xi32, #tpu.memory_space<vmem>>
        %dma_start3A_191 = tpu.memref_squeeze %dma_start3A_190 : memref<1x1x128xi32, #tpu.memory_space<vmem>> -> memref<128xi32, #tpu.memory_space<vmem>>
        %dma_start3A_192 = arith.constant 0 : i32
        %dma_start3A_193 = arith.constant 0 : i32
        %dma_start3A_194 = tpu.memref_slice %arg10[%dma_start3A_192, %dma_start3A_193] : memref<10240x128xf32, #tpu.memory_space<vmem_shared>> -> memref<10240x128xf32, #tpu.memory_space<vmem_shared>>
        tpu.enqueue_indirect_dma source(%arg9 : memref<128x128xf32, #tpu.memory_space<vmem>>) target(%dma_start3A_194 : memref<10240x128xf32, #tpu.memory_space<vmem_shared>>) offsets(%dma_start3A_191 : memref<128xi32, #tpu.memory_space<vmem>>) semaphore(%run_scoped3A_188 : memref<!tpu.dma_semaphore, #tpu.memory_space<semaphore_mem>>) {add = true}
        %dma_wait3A_195 = arith.constant 0 : i32
        %dma_wait3A_196 = tpu.memref_slice %arg6[%rem3A_51, %run_scoped3A_99, %dma_wait3A_195] : memref<2x8x128xi32, #tpu.memory_space<vmem>> -> memref<1x1x128xi32, #tpu.memory_space<vmem>>
        %dma_wait3A_197 = tpu.memref_squeeze %dma_wait3A_196 : memref<1x1x128xi32, #tpu.memory_space<vmem>> -> memref<128xi32, #tpu.memory_space<vmem>>
        %dma_wait3A_198 = arith.constant 0 : i32
        %dma_wait3A_199 = arith.constant 0 : i32
        %dma_wait3A_200 = tpu.memref_slice %arg10[%dma_wait3A_198, %dma_wait3A_199] : memref<10240x128xf32, #tpu.memory_space<vmem_shared>> -> memref<10240x128xf32, #tpu.memory_space<vmem_shared>>
        tpu.wait_indirect_dma semaphore(%run_scoped3A_188 : memref<!tpu.dma_semaphore, #tpu.memory_space<semaphore_mem>>) src(%arg9 : memref<128x128xf32, #tpu.memory_space<vmem>>) dst(%dma_wait3A_200 : memref<10240x128xf32, #tpu.memory_space<vmem_shared>>)
        tpu.yield
      }) : () -> ()
      %dma_start3A_100 = arith.constant 3 : i32
      %dma_start3A_101 = arith.constant 0 : i32
      %dma_start3A_102 = tpu.memref_slice %arg7[%rem3A_51, %dma_start3A_100, %dma_start3A_101] : memref<2x8x128xi32, #tpu.memory_space<vmem>> -> memref<1x1x128xi32, #tpu.memory_space<vmem>>
      %dma_start3A_103 = tpu.memref_squeeze %dma_start3A_102 : memref<1x1x128xi32, #tpu.memory_space<vmem>> -> memref<128xi32, #tpu.memory_space<vmem>>
      %dma_start3A_104 = arith.constant 0 : i32
      %dma_start3A_105 = arith.constant 0 : i32
      %dma_start3A_106 = tpu.memref_slice %arg2[%dma_start3A_104, %dma_start3A_105] : memref<10000x128xf32, #tpu.memory_space<hbm>> -> memref<10000x128xf32, #tpu.memory_space<hbm>>
      tpu.enqueue_indirect_dma source(%dma_start3A_106 : memref<10000x128xf32, #tpu.memory_space<hbm>>) target(%arg9 : memref<128x128xf32, #tpu.memory_space<vmem>>) offsets(%dma_start3A_103 : memref<128xi32, #tpu.memory_space<vmem>>) semaphore(%arg12 : memref<!tpu.dma_semaphore, #tpu.memory_space<semaphore_mem>>)
      %dma_wait3A_107 = arith.constant 2 : i32
      %dma_wait3A_108 = arith.constant 0 : i32
      %dma_wait3A_109 = tpu.memref_slice %arg7[%rem3A_51, %dma_wait3A_107, %dma_wait3A_108] : memref<2x8x128xi32, #tpu.memory_space<vmem>> -> memref<1x1x128xi32, #tpu.memory_space<vmem>>
      %dma_wait3A_110 = tpu.memref_squeeze %dma_wait3A_109 : memref<1x1x128xi32, #tpu.memory_space<vmem>> -> memref<128xi32, #tpu.memory_space<vmem>>
      %dma_wait3A_111 = arith.constant 0 : i32
      %dma_wait3A_112 = arith.constant 0 : i32
      %dma_wait3A_113 = tpu.memref_slice %arg2[%dma_wait3A_111, %dma_wait3A_112] : memref<10000x128xf32, #tpu.memory_space<hbm>> -> memref<10000x128xf32, #tpu.memory_space<hbm>>
      tpu.wait_indirect_dma semaphore(%arg11 : memref<!tpu.dma_semaphore, #tpu.memory_space<semaphore_mem>>) src(%dma_wait3A_113 : memref<10000x128xf32, #tpu.memory_space<hbm>>) dst(%arg8 : memref<128x128xf32, #tpu.memory_space<vmem>>)
      %run_scoped3A_114 = arith.constant 2 : i32
      "tpu.region"() ({
        %run_scoped3A_188 = tpu.sem_alloc : memref<!tpu.dma_semaphore, #tpu.memory_space<semaphore_mem>>
        %dma_start3A_189 = arith.constant 0 : i32
        %dma_start3A_190 = tpu.memref_slice %arg6[%rem3A_51, %run_scoped3A_114, %dma_start3A_189] : memref<2x8x128xi32, #tpu.memory_space<vmem>> -> memref<1x1x128xi32, #tpu.memory_space<vmem>>
        %dma_start3A_191 = tpu.memref_squeeze %dma_start3A_190 : memref<1x1x128xi32, #tpu.memory_space<vmem>> -> memref<128xi32, #tpu.memory_space<vmem>>
        %dma_start3A_192 = arith.constant 0 : i32
        %dma_start3A_193 = arith.constant 0 : i32
        %dma_start3A_194 = tpu.memref_slice %arg10[%dma_start3A_192, %dma_start3A_193] : memref<10240x128xf32, #tpu.memory_space<vmem_shared>> -> memref<10240x128xf32, #tpu.memory_space<vmem_shared>>
        tpu.enqueue_indirect_dma source(%arg8 : memref<128x128xf32, #tpu.memory_space<vmem>>) target(%dma_start3A_194 : memref<10240x128xf32, #tpu.memory_space<vmem_shared>>) offsets(%dma_start3A_191 : memref<128xi32, #tpu.memory_space<vmem>>) semaphore(%run_scoped3A_188 : memref<!tpu.dma_semaphore, #tpu.memory_space<semaphore_mem>>) {add = true}
        %dma_wait3A_195 = arith.constant 0 : i32
        %dma_wait3A_196 = tpu.memref_slice %arg6[%rem3A_51, %run_scoped3A_114, %dma_wait3A_195] : memref<2x8x128xi32, #tpu.memory_space<vmem>> -> memref<1x1x128xi32, #tpu.memory_space<vmem>>
        %dma_wait3A_197 = tpu.memref_squeeze %dma_wait3A_196 : memref<1x1x128xi32, #tpu.memory_space<vmem>> -> memref<128xi32, #tpu.memory_space<vmem>>
        %dma_wait3A_198 = arith.constant 0 : i32
        %dma_wait3A_199 = arith.constant 0 : i32
        %dma_wait3A_200 = tpu.memref_slice %arg10[%dma_wait3A_198, %dma_wait3A_199] : memref<10240x128xf32, #tpu.memory_space<vmem_shared>> -> memref<10240x128xf32, #tpu.memory_space<vmem_shared>>
        tpu.wait_indirect_dma semaphore(%run_scoped3A_188 : memref<!tpu.dma_semaphore, #tpu.memory_space<semaphore_mem>>) src(%arg8 : memref<128x128xf32, #tpu.memory_space<vmem>>) dst(%dma_wait3A_200 : memref<10240x128xf32, #tpu.memory_space<vmem_shared>>)
        tpu.yield
      }) : () -> ()
      %dma_start3A_115 = arith.constant 4 : i32
      %dma_start3A_116 = arith.constant 0 : i32
      %dma_start3A_117 = tpu.memref_slice %arg7[%rem3A_51, %dma_start3A_115, %dma_start3A_116] : memref<2x8x128xi32, #tpu.memory_space<vmem>> -> memref<1x1x128xi32, #tpu.memory_space<vmem>>
      %dma_start3A_118 = tpu.memref_squeeze %dma_start3A_117 : memref<1x1x128xi32, #tpu.memory_space<vmem>> -> memref<128xi32, #tpu.memory_space<vmem>>
      %dma_start3A_119 = arith.constant 0 : i32
      %dma_start3A_120 = arith.constant 0 : i32
      %dma_start3A_121 = tpu.memref_slice %arg2[%dma_start3A_119, %dma_start3A_120] : memref<10000x128xf32, #tpu.memory_space<hbm>> -> memref<10000x128xf32, #tpu.memory_space<hbm>>
      tpu.enqueue_indirect_dma source(%dma_start3A_121 : memref<10000x128xf32, #tpu.memory_space<hbm>>) target(%arg8 : memref<128x128xf32, #tpu.memory_space<vmem>>) offsets(%dma_start3A_118 : memref<128xi32, #tpu.memory_space<vmem>>) semaphore(%arg11 : memref<!tpu.dma_semaphore, #tpu.memory_space<semaphore_mem>>)
      %dma_wait3A_122 = arith.constant 3 : i32
      %dma_wait3A_123 = arith.constant 0 : i32
      %dma_wait3A_124 = tpu.memref_slice %arg7[%rem3A_51, %dma_wait3A_122, %dma_wait3A_123] : memref<2x8x128xi32, #tpu.memory_space<vmem>> -> memref<1x1x128xi32, #tpu.memory_space<vmem>>
      %dma_wait3A_125 = tpu.memref_squeeze %dma_wait3A_124 : memref<1x1x128xi32, #tpu.memory_space<vmem>> -> memref<128xi32, #tpu.memory_space<vmem>>
      %dma_wait3A_126 = arith.constant 0 : i32
      %dma_wait3A_127 = arith.constant 0 : i32
      %dma_wait3A_128 = tpu.memref_slice %arg2[%dma_wait3A_126, %dma_wait3A_127] : memref<10000x128xf32, #tpu.memory_space<hbm>> -> memref<10000x128xf32, #tpu.memory_space<hbm>>
      tpu.wait_indirect_dma semaphore(%arg12 : memref<!tpu.dma_semaphore, #tpu.memory_space<semaphore_mem>>) src(%dma_wait3A_128 : memref<10000x128xf32, #tpu.memory_space<hbm>>) dst(%arg9 : memref<128x128xf32, #tpu.memory_space<vmem>>)
      %run_scoped3A_129 = arith.constant 3 : i32
      "tpu.region"() ({
        %run_scoped3A_188 = tpu.sem_alloc : memref<!tpu.dma_semaphore, #tpu.memory_space<semaphore_mem>>
        %dma_start3A_189 = arith.constant 0 : i32
        %dma_start3A_190 = tpu.memref_slice %arg6[%rem3A_51, %run_scoped3A_129, %dma_start3A_189] : memref<2x8x128xi32, #tpu.memory_space<vmem>> -> memref<1x1x128xi32, #tpu.memory_space<vmem>>
        %dma_start3A_191 = tpu.memref_squeeze %dma_start3A_190 : memref<1x1x128xi32, #tpu.memory_space<vmem>> -> memref<128xi32, #tpu.memory_space<vmem>>
        %dma_start3A_192 = arith.constant 0 : i32
        %dma_start3A_193 = arith.constant 0 : i32
        %dma_start3A_194 = tpu.memref_slice %arg10[%dma_start3A_192, %dma_start3A_193] : memref<10240x128xf32, #tpu.memory_space<vmem_shared>> -> memref<10240x128xf32, #tpu.memory_space<vmem_shared>>
        tpu.enqueue_indirect_dma source(%arg9 : memref<128x128xf32, #tpu.memory_space<vmem>>) target(%dma_start3A_194 : memref<10240x128xf32, #tpu.memory_space<vmem_shared>>) offsets(%dma_start3A_191 : memref<128xi32, #tpu.memory_space<vmem>>) semaphore(%run_scoped3A_188 : memref<!tpu.dma_semaphore, #tpu.memory_space<semaphore_mem>>) {add = true}
        %dma_wait3A_195 = arith.constant 0 : i32
        %dma_wait3A_196 = tpu.memref_slice %arg6[%rem3A_51, %run_scoped3A_129, %dma_wait3A_195] : memref<2x8x128xi32, #tpu.memory_space<vmem>> -> memref<1x1x128xi32, #tpu.memory_space<vmem>>
        %dma_wait3A_197 = tpu.memref_squeeze %dma_wait3A_196 : memref<1x1x128xi32, #tpu.memory_space<vmem>> -> memref<128xi32, #tpu.memory_space<vmem>>
        %dma_wait3A_198 = arith.constant 0 : i32
        %dma_wait3A_199 = arith.constant 0 : i32
        %dma_wait3A_200 = tpu.memref_slice %arg10[%dma_wait3A_198, %dma_wait3A_199] : memref<10240x128xf32, #tpu.memory_space<vmem_shared>> -> memref<10240x128xf32, #tpu.memory_space<vmem_shared>>
        tpu.wait_indirect_dma semaphore(%run_scoped3A_188 : memref<!tpu.dma_semaphore, #tpu.memory_space<semaphore_mem>>) src(%arg9 : memref<128x128xf32, #tpu.memory_space<vmem>>) dst(%dma_wait3A_200 : memref<10240x128xf32, #tpu.memory_space<vmem_shared>>)
        tpu.yield
      }) : () -> ()
      %dma_start3A_130 = arith.constant 5 : i32
      %dma_start3A_131 = arith.constant 0 : i32
      %dma_start3A_132 = tpu.memref_slice %arg7[%rem3A_51, %dma_start3A_130, %dma_start3A_131] : memref<2x8x128xi32, #tpu.memory_space<vmem>> -> memref<1x1x128xi32, #tpu.memory_space<vmem>>
      %dma_start3A_133 = tpu.memref_squeeze %dma_start3A_132 : memref<1x1x128xi32, #tpu.memory_space<vmem>> -> memref<128xi32, #tpu.memory_space<vmem>>
      %dma_start3A_134 = arith.constant 0 : i32
      %dma_start3A_135 = arith.constant 0 : i32
      %dma_start3A_136 = tpu.memref_slice %arg2[%dma_start3A_134, %dma_start3A_135] : memref<10000x128xf32, #tpu.memory_space<hbm>> -> memref<10000x128xf32, #tpu.memory_space<hbm>>
      tpu.enqueue_indirect_dma source(%dma_start3A_136 : memref<10000x128xf32, #tpu.memory_space<hbm>>) target(%arg9 : memref<128x128xf32, #tpu.memory_space<vmem>>) offsets(%dma_start3A_133 : memref<128xi32, #tpu.memory_space<vmem>>) semaphore(%arg12 : memref<!tpu.dma_semaphore, #tpu.memory_space<semaphore_mem>>)
      %dma_wait3A_137 = arith.constant 4 : i32
      %dma_wait3A_138 = arith.constant 0 : i32
      %dma_wait3A_139 = tpu.memref_slice %arg7[%rem3A_51, %dma_wait3A_137, %dma_wait3A_138] : memref<2x8x128xi32, #tpu.memory_space<vmem>> -> memref<1x1x128xi32, #tpu.memory_space<vmem>>
      %dma_wait3A_140 = tpu.memref_squeeze %dma_wait3A_139 : memref<1x1x128xi32, #tpu.memory_space<vmem>> -> memref<128xi32, #tpu.memory_space<vmem>>
      %dma_wait3A_141 = arith.constant 0 : i32
      %dma_wait3A_142 = arith.constant 0 : i32
      %dma_wait3A_143 = tpu.memref_slice %arg2[%dma_wait3A_141, %dma_wait3A_142] : memref<10000x128xf32, #tpu.memory_space<hbm>> -> memref<10000x128xf32, #tpu.memory_space<hbm>>
      tpu.wait_indirect_dma semaphore(%arg11 : memref<!tpu.dma_semaphore, #tpu.memory_space<semaphore_mem>>) src(%dma_wait3A_143 : memref<10000x128xf32, #tpu.memory_space<hbm>>) dst(%arg8 : memref<128x128xf32, #tpu.memory_space<vmem>>)
      %run_scoped3A_144 = arith.constant 4 : i32
      "tpu.region"() ({
        %run_scoped3A_188 = tpu.sem_alloc : memref<!tpu.dma_semaphore, #tpu.memory_space<semaphore_mem>>
        %dma_start3A_189 = arith.constant 0 : i32
        %dma_start3A_190 = tpu.memref_slice %arg6[%rem3A_51, %run_scoped3A_144, %dma_start3A_189] : memref<2x8x128xi32, #tpu.memory_space<vmem>> -> memref<1x1x128xi32, #tpu.memory_space<vmem>>
        %dma_start3A_191 = tpu.memref_squeeze %dma_start3A_190 : memref<1x1x128xi32, #tpu.memory_space<vmem>> -> memref<128xi32, #tpu.memory_space<vmem>>
        %dma_start3A_192 = arith.constant 0 : i32
        %dma_start3A_193 = arith.constant 0 : i32
        %dma_start3A_194 = tpu.memref_slice %arg10[%dma_start3A_192, %dma_start3A_193] : memref<10240x128xf32, #tpu.memory_space<vmem_shared>> -> memref<10240x128xf32, #tpu.memory_space<vmem_shared>>
        tpu.enqueue_indirect_dma source(%arg8 : memref<128x128xf32, #tpu.memory_space<vmem>>) target(%dma_start3A_194 : memref<10240x128xf32, #tpu.memory_space<vmem_shared>>) offsets(%dma_start3A_191 : memref<128xi32, #tpu.memory_space<vmem>>) semaphore(%run_scoped3A_188 : memref<!tpu.dma_semaphore, #tpu.memory_space<semaphore_mem>>) {add = true}
        %dma_wait3A_195 = arith.constant 0 : i32
        %dma_wait3A_196 = tpu.memref_slice %arg6[%rem3A_51, %run_scoped3A_144, %dma_wait3A_195] : memref<2x8x128xi32, #tpu.memory_space<vmem>> -> memref<1x1x128xi32, #tpu.memory_space<vmem>>
        %dma_wait3A_197 = tpu.memref_squeeze %dma_wait3A_196 : memref<1x1x128xi32, #tpu.memory_space<vmem>> -> memref<128xi32, #tpu.memory_space<vmem>>
        %dma_wait3A_198 = arith.constant 0 : i32
        %dma_wait3A_199 = arith.constant 0 : i32
        %dma_wait3A_200 = tpu.memref_slice %arg10[%dma_wait3A_198, %dma_wait3A_199] : memref<10240x128xf32, #tpu.memory_space<vmem_shared>> -> memref<10240x128xf32, #tpu.memory_space<vmem_shared>>
        tpu.wait_indirect_dma semaphore(%run_scoped3A_188 : memref<!tpu.dma_semaphore, #tpu.memory_space<semaphore_mem>>) src(%arg8 : memref<128x128xf32, #tpu.memory_space<vmem>>) dst(%dma_wait3A_200 : memref<10240x128xf32, #tpu.memory_space<vmem_shared>>)
        tpu.yield
      }) : () -> ()
      %dma_start3A_145 = arith.constant 6 : i32
      %dma_start3A_146 = arith.constant 0 : i32
      %dma_start3A_147 = tpu.memref_slice %arg7[%rem3A_51, %dma_start3A_145, %dma_start3A_146] : memref<2x8x128xi32, #tpu.memory_space<vmem>> -> memref<1x1x128xi32, #tpu.memory_space<vmem>>
      %dma_start3A_148 = tpu.memref_squeeze %dma_start3A_147 : memref<1x1x128xi32, #tpu.memory_space<vmem>> -> memref<128xi32, #tpu.memory_space<vmem>>
      %dma_start3A_149 = arith.constant 0 : i32
      %dma_start3A_150 = arith.constant 0 : i32
      %dma_start3A_151 = tpu.memref_slice %arg2[%dma_start3A_149, %dma_start3A_150] : memref<10000x128xf32, #tpu.memory_space<hbm>> -> memref<10000x128xf32, #tpu.memory_space<hbm>>
      tpu.enqueue_indirect_dma source(%dma_start3A_151 : memref<10000x128xf32, #tpu.memory_space<hbm>>) target(%arg8 : memref<128x128xf32, #tpu.memory_space<vmem>>) offsets(%dma_start3A_148 : memref<128xi32, #tpu.memory_space<vmem>>) semaphore(%arg11 : memref<!tpu.dma_semaphore, #tpu.memory_space<semaphore_mem>>)
      %dma_wait3A_152 = arith.constant 5 : i32
      %dma_wait3A_153 = arith.constant 0 : i32
      %dma_wait3A_154 = tpu.memref_slice %arg7[%rem3A_51, %dma_wait3A_152, %dma_wait3A_153] : memref<2x8x128xi32, #tpu.memory_space<vmem>> -> memref<1x1x128xi32, #tpu.memory_space<vmem>>
      %dma_wait3A_155 = tpu.memref_squeeze %dma_wait3A_154 : memref<1x1x128xi32, #tpu.memory_space<vmem>> -> memref<128xi32, #tpu.memory_space<vmem>>
      %dma_wait3A_156 = arith.constant 0 : i32
      %dma_wait3A_157 = arith.constant 0 : i32
      %dma_wait3A_158 = tpu.memref_slice %arg2[%dma_wait3A_156, %dma_wait3A_157] : memref<10000x128xf32, #tpu.memory_space<hbm>> -> memref<10000x128xf32, #tpu.memory_space<hbm>>
      tpu.wait_indirect_dma semaphore(%arg12 : memref<!tpu.dma_semaphore, #tpu.memory_space<semaphore_mem>>) src(%dma_wait3A_158 : memref<10000x128xf32, #tpu.memory_space<hbm>>) dst(%arg9 : memref<128x128xf32, #tpu.memory_space<vmem>>)
      %run_scoped3A_159 = arith.constant 5 : i32
      "tpu.region"() ({
        %run_scoped3A_188 = tpu.sem_alloc : memref<!tpu.dma_semaphore, #tpu.memory_space<semaphore_mem>>
        %dma_start3A_189 = arith.constant 0 : i32
        %dma_start3A_190 = tpu.memref_slice %arg6[%rem3A_51, %run_scoped3A_159, %dma_start3A_189] : memref<2x8x128xi32, #tpu.memory_space<vmem>> -> memref<1x1x128xi32, #tpu.memory_space<vmem>>
        %dma_start3A_191 = tpu.memref_squeeze %dma_start3A_190 : memref<1x1x128xi32, #tpu.memory_space<vmem>> -> memref<128xi32, #tpu.memory_space<vmem>>
        %dma_start3A_192 = arith.constant 0 : i32
        %dma_start3A_193 = arith.constant 0 : i32
        %dma_start3A_194 = tpu.memref_slice %arg10[%dma_start3A_192, %dma_start3A_193] : memref<10240x128xf32, #tpu.memory_space<vmem_shared>> -> memref<10240x128xf32, #tpu.memory_space<vmem_shared>>
        tpu.enqueue_indirect_dma source(%arg9 : memref<128x128xf32, #tpu.memory_space<vmem>>) target(%dma_start3A_194 : memref<10240x128xf32, #tpu.memory_space<vmem_shared>>) offsets(%dma_start3A_191 : memref<128xi32, #tpu.memory_space<vmem>>) semaphore(%run_scoped3A_188 : memref<!tpu.dma_semaphore, #tpu.memory_space<semaphore_mem>>) {add = true}
        %dma_wait3A_195 = arith.constant 0 : i32
        %dma_wait3A_196 = tpu.memref_slice %arg6[%rem3A_51, %run_scoped3A_159, %dma_wait3A_195] : memref<2x8x128xi32, #tpu.memory_space<vmem>> -> memref<1x1x128xi32, #tpu.memory_space<vmem>>
        %dma_wait3A_197 = tpu.memref_squeeze %dma_wait3A_196 : memref<1x1x128xi32, #tpu.memory_space<vmem>> -> memref<128xi32, #tpu.memory_space<vmem>>
        %dma_wait3A_198 = arith.constant 0 : i32
        %dma_wait3A_199 = arith.constant 0 : i32
        %dma_wait3A_200 = tpu.memref_slice %arg10[%dma_wait3A_198, %dma_wait3A_199] : memref<10240x128xf32, #tpu.memory_space<vmem_shared>> -> memref<10240x128xf32, #tpu.memory_space<vmem_shared>>
        tpu.wait_indirect_dma semaphore(%run_scoped3A_188 : memref<!tpu.dma_semaphore, #tpu.memory_space<semaphore_mem>>) src(%arg9 : memref<128x128xf32, #tpu.memory_space<vmem>>) dst(%dma_wait3A_200 : memref<10240x128xf32, #tpu.memory_space<vmem_shared>>)
        tpu.yield
      }) : () -> ()
      %dma_start3A_160 = arith.constant 7 : i32
      %dma_start3A_161 = arith.constant 0 : i32
      %dma_start3A_162 = tpu.memref_slice %arg7[%rem3A_51, %dma_start3A_160, %dma_start3A_161] : memref<2x8x128xi32, #tpu.memory_space<vmem>> -> memref<1x1x128xi32, #tpu.memory_space<vmem>>
      %dma_start3A_163 = tpu.memref_squeeze %dma_start3A_162 : memref<1x1x128xi32, #tpu.memory_space<vmem>> -> memref<128xi32, #tpu.memory_space<vmem>>
      %dma_start3A_164 = arith.constant 0 : i32
      %dma_start3A_165 = arith.constant 0 : i32
      %dma_start3A_166 = tpu.memref_slice %arg2[%dma_start3A_164, %dma_start3A_165] : memref<10000x128xf32, #tpu.memory_space<hbm>> -> memref<10000x128xf32, #tpu.memory_space<hbm>>
      tpu.enqueue_indirect_dma source(%dma_start3A_166 : memref<10000x128xf32, #tpu.memory_space<hbm>>) target(%arg9 : memref<128x128xf32, #tpu.memory_space<vmem>>) offsets(%dma_start3A_163 : memref<128xi32, #tpu.memory_space<vmem>>) semaphore(%arg12 : memref<!tpu.dma_semaphore, #tpu.memory_space<semaphore_mem>>)
      %dma_wait3A_167 = arith.constant 6 : i32
      %dma_wait3A_168 = arith.constant 0 : i32
      %dma_wait3A_169 = tpu.memref_slice %arg7[%rem3A_51, %dma_wait3A_167, %dma_wait3A_168] : memref<2x8x128xi32, #tpu.memory_space<vmem>> -> memref<1x1x128xi32, #tpu.memory_space<vmem>>
      %dma_wait3A_170 = tpu.memref_squeeze %dma_wait3A_169 : memref<1x1x128xi32, #tpu.memory_space<vmem>> -> memref<128xi32, #tpu.memory_space<vmem>>
      %dma_wait3A_171 = arith.constant 0 : i32
      %dma_wait3A_172 = arith.constant 0 : i32
      %dma_wait3A_173 = tpu.memref_slice %arg2[%dma_wait3A_171, %dma_wait3A_172] : memref<10000x128xf32, #tpu.memory_space<hbm>> -> memref<10000x128xf32, #tpu.memory_space<hbm>>
      tpu.wait_indirect_dma semaphore(%arg11 : memref<!tpu.dma_semaphore, #tpu.memory_space<semaphore_mem>>) src(%dma_wait3A_173 : memref<10000x128xf32, #tpu.memory_space<hbm>>) dst(%arg8 : memref<128x128xf32, #tpu.memory_space<vmem>>)
      %run_scoped3A_174 = arith.constant 6 : i32
      "tpu.region"() ({
        %run_scoped3A_188 = tpu.sem_alloc : memref<!tpu.dma_semaphore, #tpu.memory_space<semaphore_mem>>
        %dma_start3A_189 = arith.constant 0 : i32
        %dma_start3A_190 = tpu.memref_slice %arg6[%rem3A_51, %run_scoped3A_174, %dma_start3A_189] : memref<2x8x128xi32, #tpu.memory_space<vmem>> -> memref<1x1x128xi32, #tpu.memory_space<vmem>>
        %dma_start3A_191 = tpu.memref_squeeze %dma_start3A_190 : memref<1x1x128xi32, #tpu.memory_space<vmem>> -> memref<128xi32, #tpu.memory_space<vmem>>
        %dma_start3A_192 = arith.constant 0 : i32
        %dma_start3A_193 = arith.constant 0 : i32
        %dma_start3A_194 = tpu.memref_slice %arg10[%dma_start3A_192, %dma_start3A_193] : memref<10240x128xf32, #tpu.memory_space<vmem_shared>> -> memref<10240x128xf32, #tpu.memory_space<vmem_shared>>
        tpu.enqueue_indirect_dma source(%arg8 : memref<128x128xf32, #tpu.memory_space<vmem>>) target(%dma_start3A_194 : memref<10240x128xf32, #tpu.memory_space<vmem_shared>>) offsets(%dma_start3A_191 : memref<128xi32, #tpu.memory_space<vmem>>) semaphore(%run_scoped3A_188 : memref<!tpu.dma_semaphore, #tpu.memory_space<semaphore_mem>>) {add = true}
        %dma_wait3A_195 = arith.constant 0 : i32
        %dma_wait3A_196 = tpu.memref_slice %arg6[%rem3A_51, %run_scoped3A_174, %dma_wait3A_195] : memref<2x8x128xi32, #tpu.memory_space<vmem>> -> memref<1x1x128xi32, #tpu.memory_space<vmem>>
        %dma_wait3A_197 = tpu.memref_squeeze %dma_wait3A_196 : memref<1x1x128xi32, #tpu.memory_space<vmem>> -> memref<128xi32, #tpu.memory_space<vmem>>
        %dma_wait3A_198 = arith.constant 0 : i32
        %dma_wait3A_199 = arith.constant 0 : i32
        %dma_wait3A_200 = tpu.memref_slice %arg10[%dma_wait3A_198, %dma_wait3A_199] : memref<10240x128xf32, #tpu.memory_space<vmem_shared>> -> memref<10240x128xf32, #tpu.memory_space<vmem_shared>>
        tpu.wait_indirect_dma semaphore(%run_scoped3A_188 : memref<!tpu.dma_semaphore, #tpu.memory_space<semaphore_mem>>) src(%arg8 : memref<128x128xf32, #tpu.memory_space<vmem>>) dst(%dma_wait3A_200 : memref<10240x128xf32, #tpu.memory_space<vmem_shared>>)
        tpu.yield
      }) : () -> ()
      %dma_wait3A_175 = arith.constant 7 : i32
      %dma_wait3A_176 = arith.constant 0 : i32
      %dma_wait3A_177 = tpu.memref_slice %arg7[%rem3A_51, %dma_wait3A_175, %dma_wait3A_176] : memref<2x8x128xi32, #tpu.memory_space<vmem>> -> memref<1x1x128xi32, #tpu.memory_space<vmem>>
      %dma_wait3A_178 = tpu.memref_squeeze %dma_wait3A_177 : memref<1x1x128xi32, #tpu.memory_space<vmem>> -> memref<128xi32, #tpu.memory_space<vmem>>
      %dma_wait3A_179 = arith.constant 0 : i32
      %dma_wait3A_180 = arith.constant 0 : i32
      %dma_wait3A_181 = tpu.memref_slice %arg2[%dma_wait3A_179, %dma_wait3A_180] : memref<10000x128xf32, #tpu.memory_space<hbm>> -> memref<10000x128xf32, #tpu.memory_space<hbm>>
      tpu.wait_indirect_dma semaphore(%arg12 : memref<!tpu.dma_semaphore, #tpu.memory_space<semaphore_mem>>) src(%dma_wait3A_181 : memref<10000x128xf32, #tpu.memory_space<hbm>>) dst(%arg9 : memref<128x128xf32, #tpu.memory_space<vmem>>)
      %run_scoped3A_182 = arith.constant 7 : i32
      "tpu.region"() ({
        %run_scoped3A_188 = tpu.sem_alloc : memref<!tpu.dma_semaphore, #tpu.memory_space<semaphore_mem>>
        %dma_start3A_189 = arith.constant 0 : i32
        %dma_start3A_190 = tpu.memref_slice %arg6[%rem3A_51, %run_scoped3A_182, %dma_start3A_189] : memref<2x8x128xi32, #tpu.memory_space<vmem>> -> memref<1x1x128xi32, #tpu.memory_space<vmem>>
        %dma_start3A_191 = tpu.memref_squeeze %dma_start3A_190 : memref<1x1x128xi32, #tpu.memory_space<vmem>> -> memref<128xi32, #tpu.memory_space<vmem>>
        %dma_start3A_192 = arith.constant 0 : i32
        %dma_start3A_193 = arith.constant 0 : i32
        %dma_start3A_194 = tpu.memref_slice %arg10[%dma_start3A_192, %dma_start3A_193] : memref<10240x128xf32, #tpu.memory_space<vmem_shared>> -> memref<10240x128xf32, #tpu.memory_space<vmem_shared>>
        tpu.enqueue_indirect_dma source(%arg9 : memref<128x128xf32, #tpu.memory_space<vmem>>) target(%dma_start3A_194 : memref<10240x128xf32, #tpu.memory_space<vmem_shared>>) offsets(%dma_start3A_191 : memref<128xi32, #tpu.memory_space<vmem>>) semaphore(%run_scoped3A_188 : memref<!tpu.dma_semaphore, #tpu.memory_space<semaphore_mem>>) {add = true}
        %dma_wait3A_195 = arith.constant 0 : i32
        %dma_wait3A_196 = tpu.memref_slice %arg6[%rem3A_51, %run_scoped3A_182, %dma_wait3A_195] : memref<2x8x128xi32, #tpu.memory_space<vmem>> -> memref<1x1x128xi32, #tpu.memory_space<vmem>>
        %dma_wait3A_197 = tpu.memref_squeeze %dma_wait3A_196 : memref<1x1x128xi32, #tpu.memory_space<vmem>> -> memref<128xi32, #tpu.memory_space<vmem>>
        %dma_wait3A_198 = arith.constant 0 : i32
        %dma_wait3A_199 = arith.constant 0 : i32
        %dma_wait3A_200 = tpu.memref_slice %arg10[%dma_wait3A_198, %dma_wait3A_199] : memref<10240x128xf32, #tpu.memory_space<vmem_shared>> -> memref<10240x128xf32, #tpu.memory_space<vmem_shared>>
        tpu.wait_indirect_dma semaphore(%run_scoped3A_188 : memref<!tpu.dma_semaphore, #tpu.memory_space<semaphore_mem>>) src(%arg9 : memref<128x128xf32, #tpu.memory_space<vmem>>) dst(%dma_wait3A_200 : memref<10240x128xf32, #tpu.memory_space<vmem_shared>>)
        tpu.yield
      }) : () -> ()
      %lt3A_183 = arith.constant 9 : i32
      %lt3A_184 = arith.cmpi slt, %scan3A_50, %lt3A_183 : i32
      %convert_element_type3A_185 = arith.extui %lt3A_184 : i1 to i32
      %cond3A_186 = arith.constant 0 : i32
      %cond3A_187 = arith.cmpi ne, %convert_element_type3A_185, %cond3A_186 : i32
      scf.if %cond3A_187 {
        %dma_wait3A_188 = arith.constant 0 : i32
        %dma_wait3A_189 = arith.constant 0 : i32
        %dma_wait3A_190 = tpu.memref_slice %arg6[%rem3A_55, %dma_wait3A_188, %dma_wait3A_189] : memref<2x8x128xi32, #tpu.memory_space<vmem>> -> memref<1x8x128xi32, #tpu.memory_space<vmem>>
        %dma_wait3A_191 = tpu.memref_squeeze %dma_wait3A_190 : memref<1x8x128xi32, #tpu.memory_space<vmem>> -> memref<8x128xi32, #tpu.memory_space<vmem>>
        %dma_wait3A_192 = arith.constant 0 : i32
        %dma_wait3A_193 = tpu.memref_slice %arg3[%add3A_62, %dma_wait3A_192] : memref<2560x128xi32, #tpu.memory_space<hbm>> -> memref<8x128xi32, #tpu.memory_space<hbm>>
        %dma_wait3A_194 = arith.constant 0 : i32
        %dma_wait3A_195 = arith.constant 0 : i32
        %dma_wait3A_196 = tpu.memref_slice %arg6[%rem3A_55, %dma_wait3A_194, %dma_wait3A_195] : memref<2x8x128xi32, #tpu.memory_space<vmem>> -> memref<1x8x128xi32, #tpu.memory_space<vmem>>
        %dma_wait3A_197 = tpu.memref_squeeze %dma_wait3A_196 : memref<1x8x128xi32, #tpu.memory_space<vmem>> -> memref<8x128xi32, #tpu.memory_space<vmem>>
        %dma_wait3A_198 = arith.constant 0 : i32
        %dma_wait3A_199 = tpu.memref_slice %arg3[%add3A_62, %dma_wait3A_198] : memref<2560x128xi32, #tpu.memory_space<hbm>> -> memref<8x128xi32, #tpu.memory_space<hbm>>
        tpu.wait_dma2 semaphore(%arg13 : memref<!tpu.dma_semaphore, #tpu.memory_space<semaphore_mem>>) src(%dma_wait3A_199 : memref<8x128xi32, #tpu.memory_space<hbm>>) dst(%dma_wait3A_197 : memref<8x128xi32, #tpu.memory_space<vmem>>)
        %dma_wait3A_200 = arith.constant 0 : i32
        %dma_wait3A_201 = arith.constant 0 : i32
        %dma_wait3A_202 = tpu.memref_slice %arg7[%rem3A_55, %dma_wait3A_200, %dma_wait3A_201] : memref<2x8x128xi32, #tpu.memory_space<vmem>> -> memref<1x8x128xi32, #tpu.memory_space<vmem>>
        %dma_wait3A_203 = tpu.memref_squeeze %dma_wait3A_202 : memref<1x8x128xi32, #tpu.memory_space<vmem>> -> memref<8x128xi32, #tpu.memory_space<vmem>>
        %dma_wait3A_204 = arith.constant 0 : i32
        %dma_wait3A_205 = tpu.memref_slice %arg4[%add3A_62, %dma_wait3A_204] : memref<2560x128xi32, #tpu.memory_space<hbm>> -> memref<8x128xi32, #tpu.memory_space<hbm>>
        %dma_wait3A_206 = arith.constant 0 : i32
        %dma_wait3A_207 = arith.constant 0 : i32
        %dma_wait3A_208 = tpu.memref_slice %arg7[%rem3A_55, %dma_wait3A_206, %dma_wait3A_207] : memref<2x8x128xi32, #tpu.memory_space<vmem>> -> memref<1x8x128xi32, #tpu.memory_space<vmem>>
        %dma_wait3A_209 = tpu.memref_squeeze %dma_wait3A_208 : memref<1x8x128xi32, #tpu.memory_space<vmem>> -> memref<8x128xi32, #tpu.memory_space<vmem>>
        %dma_wait3A_210 = arith.constant 0 : i32
        %dma_wait3A_211 = tpu.memref_slice %arg4[%add3A_62, %dma_wait3A_210] : memref<2560x128xi32, #tpu.memory_space<hbm>> -> memref<8x128xi32, #tpu.memory_space<hbm>>
        tpu.wait_dma2 semaphore(%arg13 : memref<!tpu.dma_semaphore, #tpu.memory_space<semaphore_mem>>) src(%dma_wait3A_211 : memref<8x128xi32, #tpu.memory_space<hbm>>) dst(%dma_wait3A_209 : memref<8x128xi32, #tpu.memory_space<vmem>>)
      } else {
      }
    }
    %scan3A_28 = arith.constant 10 : i32
    %barrier3A_29 = arith.constant 0 : index
    tpu.barrier barrier_id(%barrier3A_29)
    %add3A_30 = arith.constant 0 : i32
    %add3A_31 = arith.addi %mul3A_2, %add3A_30 : i32
    "tpu.region"() ({
      %run_scoped3A_50 = tpu.sem_alloc : memref<!tpu.dma_semaphore, #tpu.memory_space<semaphore_mem>>
      %dma_start3A = arith.constant 0 : i32
      %dma_start3A_51 = tpu.memref_slice %arg10[%add3A_31, %dma_start3A] : memref<10240x128xf32, #tpu.memory_space<vmem_shared>> -> memref<128x128xf32, #tpu.memory_space<vmem_shared>>
      %dma_start3A_52 = arith.constant 0 : i32
      %dma_start3A_53 = tpu.memref_slice %arg10[%add3A_31, %dma_start3A_52] : memref<10240x128xf32, #tpu.memory_space<vmem_shared>> -> memref<128x128xf32, #tpu.memory_space<vmem_shared>>
      tpu.enqueue_dma source(%dma_start3A_53 : memref<128x128xf32, #tpu.memory_space<vmem_shared>>) target(%arg8 : memref<128x128xf32, #tpu.memory_space<vmem>>) target_semaphore(%run_scoped3A_50 : memref<!tpu.dma_semaphore, #tpu.memory_space<semaphore_mem>>)
      %dma_wait3A = arith.constant 0 : i32
      %dma_wait3A_54 = tpu.memref_slice %arg10[%add3A_31, %dma_wait3A] : memref<10240x128xf32, #tpu.memory_space<vmem_shared>> -> memref<128x128xf32, #tpu.memory_space<vmem_shared>>
      %dma_wait3A_55 = arith.constant 0 : i32
      %dma_wait3A_56 = tpu.memref_slice %arg10[%add3A_31, %dma_wait3A_55] : memref<10240x128xf32, #tpu.memory_space<vmem_shared>> -> memref<128x128xf32, #tpu.memory_space<vmem_shared>>
      tpu.wait_dma2 semaphore(%run_scoped3A_50 : memref<!tpu.dma_semaphore, #tpu.memory_space<semaphore_mem>>) src(%dma_wait3A_56 : memref<128x128xf32, #tpu.memory_space<vmem_shared>>) dst(%arg8 : memref<128x128xf32, #tpu.memory_space<vmem>>)
      tpu.yield
    }) : () -> ()
    %add3A_32 = arith.constant 0 : i32
    %add3A_33 = arith.addi %mul3A_2, %add3A_32 : i32
    "tpu.region"() ({
      %run_scoped3A_50 = tpu.sem_alloc : memref<!tpu.dma_semaphore, #tpu.memory_space<semaphore_mem>>
      %dma_start3A = arith.constant 0 : i32
      %dma_start3A_51 = tpu.memref_slice %arg5[%arg0, %add3A_33, %dma_start3A] : memref<2x10240x128xf32, #tpu.memory_space<hbm>> -> memref<1x128x128xf32, #tpu.memory_space<hbm>>
      %dma_start3A_52 = tpu.memref_squeeze %dma_start3A_51 : memref<1x128x128xf32, #tpu.memory_space<hbm>> -> memref<128x128xf32, #tpu.memory_space<hbm>>
      %dma_start3A_53 = arith.constant 0 : i32
      %dma_start3A_54 = tpu.memref_slice %arg5[%arg0, %add3A_33, %dma_start3A_53] : memref<2x10240x128xf32, #tpu.memory_space<hbm>> -> memref<1x128x128xf32, #tpu.memory_space<hbm>>
      %dma_start3A_55 = tpu.memref_squeeze %dma_start3A_54 : memref<1x128x128xf32, #tpu.memory_space<hbm>> -> memref<128x128xf32, #tpu.memory_space<hbm>>
      tpu.enqueue_dma source(%arg8 : memref<128x128xf32, #tpu.memory_space<vmem>>) target(%dma_start3A_55 : memref<128x128xf32, #tpu.memory_space<hbm>>) target_semaphore(%run_scoped3A_50 : memref<!tpu.dma_semaphore, #tpu.memory_space<semaphore_mem>>)
      %dma_wait3A = arith.constant 0 : i32
      %dma_wait3A_56 = tpu.memref_slice %arg5[%arg0, %add3A_33, %dma_wait3A] : memref<2x10240x128xf32, #tpu.memory_space<hbm>> -> memref<1x128x128xf32, #tpu.memory_space<hbm>>
      %dma_wait3A_57 = tpu.memref_squeeze %dma_wait3A_56 : memref<1x128x128xf32, #tpu.memory_space<hbm>> -> memref<128x128xf32, #tpu.memory_space<hbm>>
      %dma_wait3A_58 = arith.constant 0 : i32
      %dma_wait3A_59 = tpu.memref_slice %arg5[%arg0, %add3A_33, %dma_wait3A_58] : memref<2x10240x128xf32, #tpu.memory_space<hbm>> -> memref<1x128x128xf32, #tpu.memory_space<hbm>>
      %dma_wait3A_60 = tpu.memref_squeeze %dma_wait3A_59 : memref<1x128x128xf32, #tpu.memory_space<hbm>> -> memref<128x128xf32, #tpu.memory_space<hbm>>
      tpu.wait_dma2 semaphore(%run_scoped3A_50 : memref<!tpu.dma_semaphore, #tpu.memory_space<semaphore_mem>>) src(%arg8 : memref<128x128xf32, #tpu.memory_space<vmem>>) dst(%dma_wait3A_60 : memref<128x128xf32, #tpu.memory_space<hbm>>)
      tpu.yield
    }) : () -> ()
    %add3A_34 = arith.constant 128 : i32
    %add3A_35 = arith.addi %mul3A_2, %add3A_34 : i32
    "tpu.region"() ({
      %run_scoped3A_50 = tpu.sem_alloc : memref<!tpu.dma_semaphore, #tpu.memory_space<semaphore_mem>>
      %dma_start3A = arith.constant 0 : i32
      %dma_start3A_51 = tpu.memref_slice %arg10[%add3A_35, %dma_start3A] : memref<10240x128xf32, #tpu.memory_space<vmem_shared>> -> memref<128x128xf32, #tpu.memory_space<vmem_shared>>
      %dma_start3A_52 = arith.constant 0 : i32
      %dma_start3A_53 = tpu.memref_slice %arg10[%add3A_35, %dma_start3A_52] : memref<10240x128xf32, #tpu.memory_space<vmem_shared>> -> memref<128x128xf32, #tpu.memory_space<vmem_shared>>
      tpu.enqueue_dma source(%dma_start3A_53 : memref<128x128xf32, #tpu.memory_space<vmem_shared>>) target(%arg8 : memref<128x128xf32, #tpu.memory_space<vmem>>) target_semaphore(%run_scoped3A_50 : memref<!tpu.dma_semaphore, #tpu.memory_space<semaphore_mem>>)
      %dma_wait3A = arith.constant 0 : i32
      %dma_wait3A_54 = tpu.memref_slice %arg10[%add3A_35, %dma_wait3A] : memref<10240x128xf32, #tpu.memory_space<vmem_shared>> -> memref<128x128xf32, #tpu.memory_space<vmem_shared>>
      %dma_wait3A_55 = arith.constant 0 : i32
      %dma_wait3A_56 = tpu.memref_slice %arg10[%add3A_35, %dma_wait3A_55] : memref<10240x128xf32, #tpu.memory_space<vmem_shared>> -> memref<128x128xf32, #tpu.memory_space<vmem_shared>>
      tpu.wait_dma2 semaphore(%run_scoped3A_50 : memref<!tpu.dma_semaphore, #tpu.memory_space<semaphore_mem>>) src(%dma_wait3A_56 : memref<128x128xf32, #tpu.memory_space<vmem_shared>>) dst(%arg8 : memref<128x128xf32, #tpu.memory_space<vmem>>)
      tpu.yield
    }) : () -> ()
    %add3A_36 = arith.constant 128 : i32
    %add3A_37 = arith.addi %mul3A_2, %add3A_36 : i32
    "tpu.region"() ({
      %run_scoped3A_50 = tpu.sem_alloc : memref<!tpu.dma_semaphore, #tpu.memory_space<semaphore_mem>>
      %dma_start3A = arith.constant 0 : i32
      %dma_start3A_51 = tpu.memref_slice %arg5[%arg0, %add3A_37, %dma_start3A] : memref<2x10240x128xf32, #tpu.memory_space<hbm>> -> memref<1x128x128xf32, #tpu.memory_space<hbm>>
      %dma_start3A_52 = tpu.memref_squeeze %dma_start3A_51 : memref<1x128x128xf32, #tpu.memory_space<hbm>> -> memref<128x128xf32, #tpu.memory_space<hbm>>
      %dma_start3A_53 = arith.constant 0 : i32
      %dma_start3A_54 = tpu.memref_slice %arg5[%arg0, %add3A_37, %dma_start3A_53] : memref<2x10240x128xf32, #tpu.memory_space<hbm>> -> memref<1x128x128xf32, #tpu.memory_space<hbm>>
      %dma_start3A_55 = tpu.memref_squeeze %dma_start3A_54 : memref<1x128x128xf32, #tpu.memory_space<hbm>> -> memref<128x128xf32, #tpu.memory_space<hbm>>
      tpu.enqueue_dma source(%arg8 : memref<128x128xf32, #tpu.memory_space<vmem>>) target(%dma_start3A_55 : memref<128x128xf32, #tpu.memory_space<hbm>>) target_semaphore(%run_scoped3A_50 : memref<!tpu.dma_semaphore, #tpu.memory_space<semaphore_mem>>)
      %dma_wait3A = arith.constant 0 : i32
      %dma_wait3A_56 = tpu.memref_slice %arg5[%arg0, %add3A_37, %dma_wait3A] : memref<2x10240x128xf32, #tpu.memory_space<hbm>> -> memref<1x128x128xf32, #tpu.memory_space<hbm>>
      %dma_wait3A_57 = tpu.memref_squeeze %dma_wait3A_56 : memref<1x128x128xf32, #tpu.memory_space<hbm>> -> memref<128x128xf32, #tpu.memory_space<hbm>>
      %dma_wait3A_58 = arith.constant 0 : i32
      %dma_wait3A_59 = tpu.memref_slice %arg5[%arg0, %add3A_37, %dma_wait3A_58] : memref<2x10240x128xf32, #tpu.memory_space<hbm>> -> memref<1x128x128xf32, #tpu.memory_space<hbm>>
      %dma_wait3A_60 = tpu.memref_squeeze %dma_wait3A_59 : memref<1x128x128xf32, #tpu.memory_space<hbm>> -> memref<128x128xf32, #tpu.memory_space<hbm>>
      tpu.wait_dma2 semaphore(%run_scoped3A_50 : memref<!tpu.dma_semaphore, #tpu.memory_space<semaphore_mem>>) src(%arg8 : memref<128x128xf32, #tpu.memory_space<vmem>>) dst(%dma_wait3A_60 : memref<128x128xf32, #tpu.memory_space<hbm>>)
      tpu.yield
    }) : () -> ()
    %add3A_38 = arith.constant 256 : i32
    %add3A_39 = arith.addi %mul3A_2, %add3A_38 : i32
    "tpu.region"() ({
      %run_scoped3A_50 = tpu.sem_alloc : memref<!tpu.dma_semaphore, #tpu.memory_space<semaphore_mem>>
      %dma_start3A = arith.constant 0 : i32
      %dma_start3A_51 = tpu.memref_slice %arg10[%add3A_39, %dma_start3A] : memref<10240x128xf32, #tpu.memory_space<vmem_shared>> -> memref<128x128xf32, #tpu.memory_space<vmem_shared>>
      %dma_start3A_52 = arith.constant 0 : i32
      %dma_start3A_53 = tpu.memref_slice %arg10[%add3A_39, %dma_start3A_52] : memref<10240x128xf32, #tpu.memory_space<vmem_shared>> -> memref<128x128xf32, #tpu.memory_space<vmem_shared>>
      tpu.enqueue_dma source(%dma_start3A_53 : memref<128x128xf32, #tpu.memory_space<vmem_shared>>) target(%arg8 : memref<128x128xf32, #tpu.memory_space<vmem>>) target_semaphore(%run_scoped3A_50 : memref<!tpu.dma_semaphore, #tpu.memory_space<semaphore_mem>>)
      %dma_wait3A = arith.constant 0 : i32
      %dma_wait3A_54 = tpu.memref_slice %arg10[%add3A_39, %dma_wait3A] : memref<10240x128xf32, #tpu.memory_space<vmem_shared>> -> memref<128x128xf32, #tpu.memory_space<vmem_shared>>
      %dma_wait3A_55 = arith.constant 0 : i32
      %dma_wait3A_56 = tpu.memref_slice %arg10[%add3A_39, %dma_wait3A_55] : memref<10240x128xf32, #tpu.memory_space<vmem_shared>> -> memref<128x128xf32, #tpu.memory_space<vmem_shared>>
      tpu.wait_dma2 semaphore(%run_scoped3A_50 : memref<!tpu.dma_semaphore, #tpu.memory_space<semaphore_mem>>) src(%dma_wait3A_56 : memref<128x128xf32, #tpu.memory_space<vmem_shared>>) dst(%arg8 : memref<128x128xf32, #tpu.memory_space<vmem>>)
      tpu.yield
    }) : () -> ()
    %add3A_40 = arith.constant 256 : i32
    %add3A_41 = arith.addi %mul3A_2, %add3A_40 : i32
    "tpu.region"() ({
      %run_scoped3A_50 = tpu.sem_alloc : memref<!tpu.dma_semaphore, #tpu.memory_space<semaphore_mem>>
      %dma_start3A = arith.constant 0 : i32
      %dma_start3A_51 = tpu.memref_slice %arg5[%arg0, %add3A_41, %dma_start3A] : memref<2x10240x128xf32, #tpu.memory_space<hbm>> -> memref<1x128x128xf32, #tpu.memory_space<hbm>>
      %dma_start3A_52 = tpu.memref_squeeze %dma_start3A_51 : memref<1x128x128xf32, #tpu.memory_space<hbm>> -> memref<128x128xf32, #tpu.memory_space<hbm>>
      %dma_start3A_53 = arith.constant 0 : i32
      %dma_start3A_54 = tpu.memref_slice %arg5[%arg0, %add3A_41, %dma_start3A_53] : memref<2x10240x128xf32, #tpu.memory_space<hbm>> -> memref<1x128x128xf32, #tpu.memory_space<hbm>>
      %dma_start3A_55 = tpu.memref_squeeze %dma_start3A_54 : memref<1x128x128xf32, #tpu.memory_space<hbm>> -> memref<128x128xf32, #tpu.memory_space<hbm>>
      tpu.enqueue_dma source(%arg8 : memref<128x128xf32, #tpu.memory_space<vmem>>) target(%dma_start3A_55 : memref<128x128xf32, #tpu.memory_space<hbm>>) target_semaphore(%run_scoped3A_50 : memref<!tpu.dma_semaphore, #tpu.memory_space<semaphore_mem>>)
      %dma_wait3A = arith.constant 0 : i32
      %dma_wait3A_56 = tpu.memref_slice %arg5[%arg0, %add3A_41, %dma_wait3A] : memref<2x10240x128xf32, #tpu.memory_space<hbm>> -> memref<1x128x128xf32, #tpu.memory_space<hbm>>
      %dma_wait3A_57 = tpu.memref_squeeze %dma_wait3A_56 : memref<1x128x128xf32, #tpu.memory_space<hbm>> -> memref<128x128xf32, #tpu.memory_space<hbm>>
      %dma_wait3A_58 = arith.constant 0 : i32
      %dma_wait3A_59 = tpu.memref_slice %arg5[%arg0, %add3A_41, %dma_wait3A_58] : memref<2x10240x128xf32, #tpu.memory_space<hbm>> -> memref<1x128x128xf32, #tpu.memory_space<hbm>>
      %dma_wait3A_60 = tpu.memref_squeeze %dma_wait3A_59 : memref<1x128x128xf32, #tpu.memory_space<hbm>> -> memref<128x128xf32, #tpu.memory_space<hbm>>
      tpu.wait_dma2 semaphore(%run_scoped3A_50 : memref<!tpu.dma_semaphore, #tpu.memory_space<semaphore_mem>>) src(%arg8 : memref<128x128xf32, #tpu.memory_space<vmem>>) dst(%dma_wait3A_60 : memref<128x128xf32, #tpu.memory_space<hbm>>)
      tpu.yield
    }) : () -> ()
    %add3A_42 = arith.constant 384 : i32
    %add3A_43 = arith.addi %mul3A_2, %add3A_42 : i32
    "tpu.region"() ({
      %run_scoped3A_50 = tpu.sem_alloc : memref<!tpu.dma_semaphore, #tpu.memory_space<semaphore_mem>>
      %dma_start3A = arith.constant 0 : i32
      %dma_start3A_51 = tpu.memref_slice %arg10[%add3A_43, %dma_start3A] : memref<10240x128xf32, #tpu.memory_space<vmem_shared>> -> memref<128x128xf32, #tpu.memory_space<vmem_shared>>
      %dma_start3A_52 = arith.constant 0 : i32
      %dma_start3A_53 = tpu.memref_slice %arg10[%add3A_43, %dma_start3A_52] : memref<10240x128xf32, #tpu.memory_space<vmem_shared>> -> memref<128x128xf32, #tpu.memory_space<vmem_shared>>
      tpu.enqueue_dma source(%dma_start3A_53 : memref<128x128xf32, #tpu.memory_space<vmem_shared>>) target(%arg8 : memref<128x128xf32, #tpu.memory_space<vmem>>) target_semaphore(%run_scoped3A_50 : memref<!tpu.dma_semaphore, #tpu.memory_space<semaphore_mem>>)
      %dma_wait3A = arith.constant 0 : i32
      %dma_wait3A_54 = tpu.memref_slice %arg10[%add3A_43, %dma_wait3A] : memref<10240x128xf32, #tpu.memory_space<vmem_shared>> -> memref<128x128xf32, #tpu.memory_space<vmem_shared>>
      %dma_wait3A_55 = arith.constant 0 : i32
      %dma_wait3A_56 = tpu.memref_slice %arg10[%add3A_43, %dma_wait3A_55] : memref<10240x128xf32, #tpu.memory_space<vmem_shared>> -> memref<128x128xf32, #tpu.memory_space<vmem_shared>>
      tpu.wait_dma2 semaphore(%run_scoped3A_50 : memref<!tpu.dma_semaphore, #tpu.memory_space<semaphore_mem>>) src(%dma_wait3A_56 : memref<128x128xf32, #tpu.memory_space<vmem_shared>>) dst(%arg8 : memref<128x128xf32, #tpu.memory_space<vmem>>)
      tpu.yield
    }) : () -> ()
    %add3A_44 = arith.constant 384 : i32
    %add3A_45 = arith.addi %mul3A_2, %add3A_44 : i32
    "tpu.region"() ({
      %run_scoped3A_50 = tpu.sem_alloc : memref<!tpu.dma_semaphore, #tpu.memory_space<semaphore_mem>>
      %dma_start3A = arith.constant 0 : i32
      %dma_start3A_51 = tpu.memref_slice %arg5[%arg0, %add3A_45, %dma_start3A] : memref<2x10240x128xf32, #tpu.memory_space<hbm>> -> memref<1x128x128xf32, #tpu.memory_space<hbm>>
      %dma_start3A_52 = tpu.memref_squeeze %dma_start3A_51 : memref<1x128x128xf32, #tpu.memory_space<hbm>> -> memref<128x128xf32, #tpu.memory_space<hbm>>
      %dma_start3A_53 = arith.constant 0 : i32
      %dma_start3A_54 = tpu.memref_slice %arg5[%arg0, %add3A_45, %dma_start3A_53] : memref<2x10240x128xf32, #tpu.memory_space<hbm>> -> memref<1x128x128xf32, #tpu.memory_space<hbm>>
      %dma_start3A_55 = tpu.memref_squeeze %dma_start3A_54 : memref<1x128x128xf32, #tpu.memory_space<hbm>> -> memref<128x128xf32, #tpu.memory_space<hbm>>
      tpu.enqueue_dma source(%arg8 : memref<128x128xf32, #tpu.memory_space<vmem>>) target(%dma_start3A_55 : memref<128x128xf32, #tpu.memory_space<hbm>>) target_semaphore(%run_scoped3A_50 : memref<!tpu.dma_semaphore, #tpu.memory_space<semaphore_mem>>)
      %dma_wait3A = arith.constant 0 : i32
      %dma_wait3A_56 = tpu.memref_slice %arg5[%arg0, %add3A_45, %dma_wait3A] : memref<2x10240x128xf32, #tpu.memory_space<hbm>> -> memref<1x128x128xf32, #tpu.memory_space<hbm>>
      %dma_wait3A_57 = tpu.memref_squeeze %dma_wait3A_56 : memref<1x128x128xf32, #tpu.memory_space<hbm>> -> memref<128x128xf32, #tpu.memory_space<hbm>>
      %dma_wait3A_58 = arith.constant 0 : i32
      %dma_wait3A_59 = tpu.memref_slice %arg5[%arg0, %add3A_45, %dma_wait3A_58] : memref<2x10240x128xf32, #tpu.memory_space<hbm>> -> memref<1x128x128xf32, #tpu.memory_space<hbm>>
      %dma_wait3A_60 = tpu.memref_squeeze %dma_wait3A_59 : memref<1x128x128xf32, #tpu.memory_space<hbm>> -> memref<128x128xf32, #tpu.memory_space<hbm>>
      tpu.wait_dma2 semaphore(%run_scoped3A_50 : memref<!tpu.dma_semaphore, #tpu.memory_space<semaphore_mem>>) src(%arg8 : memref<128x128xf32, #tpu.memory_space<vmem>>) dst(%dma_wait3A_60 : memref<128x128xf32, #tpu.memory_space<hbm>>)
      tpu.yield
    }) : () -> ()
    %add3A_46 = arith.constant 512 : i32
    %add3A_47 = arith.addi %mul3A_2, %add3A_46 : i32
    "tpu.region"() ({
      %run_scoped3A_50 = tpu.sem_alloc : memref<!tpu.dma_semaphore, #tpu.memory_space<semaphore_mem>>
      %dma_start3A = arith.constant 0 : i32
      %dma_start3A_51 = tpu.memref_slice %arg10[%add3A_47, %dma_start3A] : memref<10240x128xf32, #tpu.memory_space<vmem_shared>> -> memref<128x128xf32, #tpu.memory_space<vmem_shared>>
      %dma_start3A_52 = arith.constant 0 : i32
      %dma_start3A_53 = tpu.memref_slice %arg10[%add3A_47, %dma_start3A_52] : memref<10240x128xf32, #tpu.memory_space<vmem_shared>> -> memref<128x128xf32, #tpu.memory_space<vmem_shared>>
      tpu.enqueue_dma source(%dma_start3A_53 : memref<128x128xf32, #tpu.memory_space<vmem_shared>>) target(%arg8 : memref<128x128xf32, #tpu.memory_space<vmem>>) target_semaphore(%run_scoped3A_50 : memref<!tpu.dma_semaphore, #tpu.memory_space<semaphore_mem>>)
      %dma_wait3A = arith.constant 0 : i32
      %dma_wait3A_54 = tpu.memref_slice %arg10[%add3A_47, %dma_wait3A] : memref<10240x128xf32, #tpu.memory_space<vmem_shared>> -> memref<128x128xf32, #tpu.memory_space<vmem_shared>>
      %dma_wait3A_55 = arith.constant 0 : i32
      %dma_wait3A_56 = tpu.memref_slice %arg10[%add3A_47, %dma_wait3A_55] : memref<10240x128xf32, #tpu.memory_space<vmem_shared>> -> memref<128x128xf32, #tpu.memory_space<vmem_shared>>
      tpu.wait_dma2 semaphore(%run_scoped3A_50 : memref<!tpu.dma_semaphore, #tpu.memory_space<semaphore_mem>>) src(%dma_wait3A_56 : memref<128x128xf32, #tpu.memory_space<vmem_shared>>) dst(%arg8 : memref<128x128xf32, #tpu.memory_space<vmem>>)
      tpu.yield
    }) : () -> ()
    %add3A_48 = arith.constant 512 : i32
    %add3A_49 = arith.addi %mul3A_2, %add3A_48 : i32
    "tpu.region"() ({
      %run_scoped3A_50 = tpu.sem_alloc : memref<!tpu.dma_semaphore, #tpu.memory_space<semaphore_mem>>
      %dma_start3A = arith.constant 0 : i32
      %dma_start3A_51 = tpu.memref_slice %arg5[%arg0, %add3A_49, %dma_start3A] : memref<2x10240x128xf32, #tpu.memory_space<hbm>> -> memref<1x128x128xf32, #tpu.memory_space<hbm>>
      %dma_start3A_52 = tpu.memref_squeeze %dma_start3A_51 : memref<1x128x128xf32, #tpu.memory_space<hbm>> -> memref<128x128xf32, #tpu.memory_space<hbm>>
      %dma_start3A_53 = arith.constant 0 : i32
      %dma_start3A_54 = tpu.memref_slice %arg5[%arg0, %add3A_49, %dma_start3A_53] : memref<2x10240x128xf32, #tpu.memory_space<hbm>> -> memref<1x128x128xf32, #tpu.memory_space<hbm>>
      %dma_start3A_55 = tpu.memref_squeeze %dma_start3A_54 : memref<1x128x128xf32, #tpu.memory_space<hbm>> -> memref<128x128xf32, #tpu.memory_space<hbm>>
      tpu.enqueue_dma source(%arg8 : memref<128x128xf32, #tpu.memory_space<vmem>>) target(%dma_start3A_55 : memref<128x128xf32, #tpu.memory_space<hbm>>) target_semaphore(%run_scoped3A_50 : memref<!tpu.dma_semaphore, #tpu.memory_space<semaphore_mem>>)
      %dma_wait3A = arith.constant 0 : i32
      %dma_wait3A_56 = tpu.memref_slice %arg5[%arg0, %add3A_49, %dma_wait3A] : memref<2x10240x128xf32, #tpu.memory_space<hbm>> -> memref<1x128x128xf32, #tpu.memory_space<hbm>>
      %dma_wait3A_57 = tpu.memref_squeeze %dma_wait3A_56 : memref<1x128x128xf32, #tpu.memory_space<hbm>> -> memref<128x128xf32, #tpu.memory_space<hbm>>
      %dma_wait3A_58 = arith.constant 0 : i32
      %dma_wait3A_59 = tpu.memref_slice %arg5[%arg0, %add3A_49, %dma_wait3A_58] : memref<2x10240x128xf32, #tpu.memory_space<hbm>> -> memref<1x128x128xf32, #tpu.memory_space<hbm>>
      %dma_wait3A_60 = tpu.memref_squeeze %dma_wait3A_59 : memref<1x128x128xf32, #tpu.memory_space<hbm>> -> memref<128x128xf32, #tpu.memory_space<hbm>>
      tpu.wait_dma2 semaphore(%run_scoped3A_50 : memref<!tpu.dma_semaphore, #tpu.memory_space<semaphore_mem>>) src(%arg8 : memref<128x128xf32, #tpu.memory_space<vmem>>) dst(%dma_wait3A_60 : memref<128x128xf32, #tpu.memory_space<hbm>>)
      tpu.yield
    }) : () -> ()
    return
  }
}

module attributes {stable_mosaic.version = 14 : i64} {
  func.func @_dense_bn_body(%arg0: i32, %arg1: i32, %arg2: memref<2x400x128xf32, #tpu.memory_space<vmem>>, %arg3: memref<2x400x1xf32, #tpu.memory_space<vmem>>, %arg4: memref<400x128xf32, #tpu.memory_space<vmem>>, %arg5: memref<128x128xf32, #tpu.memory_space<vmem>>, %arg6: memref<128x128xf32, #tpu.memory_space<vmem>>, %arg7: memref<1x128xf32, #tpu.memory_space<vmem>>, %arg8: memref<1x128xf32, #tpu.memory_space<vmem>>, %arg9: memref<1x128xf32, #tpu.memory_space<vmem>>, %arg10: memref<400x128xf32, #tpu.memory_space<vmem>>, %arg11: memref<10000x128xf32, #tpu.memory_space<vmem>>, %arg12: memref<2x128xf32, #tpu.memory_space<vmem>>) attributes {dimension_semantics = [#tpu.dimension_semantics<arbitrary>, #tpu.dimension_semantics<arbitrary>], iteration_bounds = array<i64: 2, 25>, scalar_prefetch = 0 : i64, scratch_operands = 2 : i64, tpu.core_type = #tpu.core_type<tc>, window_params = [{transform_indices = @transform_0, window_bounds = array<i64: 2, 400, 128>}, {transform_indices = @transform_1, window_bounds = array<i64: 2, 400, 1>}, {transform_indices = @transform_2, window_bounds = array<i64: 400, 128>}, {pipeline_mode = #tpu.pipeline_mode<synchronous>, transform_indices = @transform_3, window_bounds = array<i64: 128, 128>}, {pipeline_mode = #tpu.pipeline_mode<synchronous>, transform_indices = @transform_4, window_bounds = array<i64: 128, 128>}, {pipeline_mode = #tpu.pipeline_mode<synchronous>, transform_indices = @transform_5, window_bounds = array<i64: 1, 128>}, {pipeline_mode = #tpu.pipeline_mode<synchronous>, transform_indices = @transform_6, window_bounds = array<i64: 1, 128>}, {pipeline_mode = #tpu.pipeline_mode<synchronous>, transform_indices = @transform_7, window_bounds = array<i64: 1, 128>}, {transform_indices = @transform_8, window_bounds = array<i64: 400, 128>}]} {
    %eq3A = arith.constant 0 : i32
    %eq3A_0 = arith.cmpi eq, %arg0, %eq3A : i32
    %convert_element_type3A = arith.extui %eq3A_0 : i1 to i32
    %cond3A = arith.constant 0 : i32
    %cond3A_1 = arith.cmpi ne, %convert_element_type3A, %cond3A : i32
    scf.if %cond3A_1 {
      %eq3A_7 = arith.constant 0 : i32
      %eq3A_8 = arith.cmpi eq, %arg1, %eq3A_7 : i32
      %convert_element_type3A_9 = arith.extui %eq3A_8 : i1 to i32
      %cond3A_10 = arith.constant 0 : i32
      %cond3A_11 = arith.cmpi ne, %convert_element_type3A_9, %cond3A_10 : i32
      scf.if %cond3A_11 {
        %broadcast_in_dim3A_78 = arith.constant 0.000000e+00 : f32
        %broadcast_in_dim3A_79 = vector.broadcast %broadcast_in_dim3A_78 : f32 to vector<2x128xf32>
        %swap3A_80 = arith.constant 0 : index
        %swap3A_81 = arith.constant 0 : index
        %swap3A_82 = vector.load %arg12[%swap3A_80, %swap3A_81] : memref<2x128xf32, #tpu.memory_space<vmem>>, vector<2x128xf32>
        tpu.vector_store %arg12[%swap3A_80, %swap3A_81], %broadcast_in_dim3A_79 {strides = array<i32>} : memref<2x128xf32, #tpu.memory_space<vmem>>, vector<2x128xf32>,
      } else {
      }
      %get3A = arith.constant 0 : index
      %get3A_12 = arith.constant 0 : index
      %get3A_13 = arith.constant 0 : index
      %get3A_14 = vector.load %arg2[%get3A, %get3A_12, %get3A_13] : memref<2x400x128xf32, #tpu.memory_space<vmem>>, vector<1x400x128xf32>
      %get3A_15 = vector.shape_cast %get3A_14 : vector<1x400x128xf32> to vector<400x128xf32>
      %get3A_16 = arith.constant 1 : index
      %get3A_17 = arith.constant 0 : index
      %get3A_18 = arith.constant 0 : index
      %get3A_19 = vector.load %arg2[%get3A_16, %get3A_17, %get3A_18] : memref<2x400x128xf32, #tpu.memory_space<vmem>>, vector<1x400x128xf32>
      %get3A_20 = vector.shape_cast %get3A_19 : vector<1x400x128xf32> to vector<400x128xf32>
      %add3A = arith.addf %get3A_15, %get3A_20 : vector<400x128xf32>
      %get3A_21 = arith.constant 0 : index
      %get3A_22 = arith.constant 0 : index
      %get3A_23 = arith.constant 0 : index
      %get3A_24 = vector.load %arg3[%get3A_21, %get3A_22, %get3A_23] : memref<2x400x1xf32, #tpu.memory_space<vmem>>, vector<1x400x1xf32>
      %get3A_25 = vector.shape_cast %get3A_24 : vector<1x400x1xf32> to vector<400x1xf32>
      %get3A_26 = arith.constant 1 : index
      %get3A_27 = arith.constant 0 : index
      %get3A_28 = arith.constant 0 : index
      %get3A_29 = vector.load %arg3[%get3A_26, %get3A_27, %get3A_28] : memref<2x400x1xf32, #tpu.memory_space<vmem>>, vector<1x400x1xf32>
      %get3A_30 = vector.shape_cast %get3A_29 : vector<1x400x1xf32> to vector<400x1xf32>
      %add3A_31 = arith.addf %get3A_25, %get3A_30 : vector<400x1xf32>
      %max3A = arith.constant 1.000000e+00 : f32
      %max3A_32 = vector.broadcast %max3A : f32 to vector<400x1xf32>
      %max3A_33 = arith.maximumf %add3A_31, %max3A_32 : vector<400x1xf32>
      %div3A = vector.broadcast %max3A_33 : vector<400x1xf32> to vector<400x128xf32>
      %div3A_34 = arith.divf %add3A, %div3A : vector<400x128xf32>
      %get3A_35 = arith.constant 0 : index
      %get3A_36 = arith.constant 0 : index
      %get3A_37 = vector.load %arg5[%get3A_35, %get3A_36] : memref<128x128xf32, #tpu.memory_space<vmem>>, vector<128x128xf32>
      %dot_general3A = arith.constant dense<0.000000e+00> : vector<400x128xf32>
      %dot_general3A_38 = tpu.matmul %div3A_34, %get3A_37, %dot_general3A {dimension_numbers = #tpu.dot_dimension_numbers<[1], [0], [0], [1], [0, 0, 1, 1], [], []>, transpose_lhs_hint = false} : vector<400x128xf32>, vector<128x128xf32>, vector<400x128xf32> -> vector<400x128xf32>
      %get3A_39 = arith.constant 0 : index
      %get3A_40 = arith.constant 0 : index
      %get3A_41 = vector.load %arg4[%get3A_39, %get3A_40] : memref<400x128xf32, #tpu.memory_space<vmem>>, vector<400x128xf32>
      %get3A_42 = arith.constant 0 : index
      %get3A_43 = arith.constant 0 : index
      %get3A_44 = vector.load %arg6[%get3A_42, %get3A_43] : memref<128x128xf32, #tpu.memory_space<vmem>>, vector<128x128xf32>
      %dot_general3A_45 = arith.constant dense<0.000000e+00> : vector<400x128xf32>
      %dot_general3A_46 = tpu.matmul %get3A_41, %get3A_44, %dot_general3A_45 {dimension_numbers = #tpu.dot_dimension_numbers<[1], [0], [0], [1], [0, 0, 1, 1], [], []>, transpose_lhs_hint = false} : vector<400x128xf32>, vector<128x128xf32>, vector<400x128xf32> -> vector<400x128xf32>
      %add3A_47 = arith.addf %dot_general3A_38, %dot_general3A_46 : vector<400x128xf32>
      %get3A_48 = arith.constant 0 : index
      %get3A_49 = arith.constant 0 : index
      %get3A_50 = vector.load %arg7[%get3A_48, %get3A_49] : memref<1x128xf32, #tpu.memory_space<vmem>>, vector<1x128xf32>
      %add3A_51 = vector.broadcast %get3A_50 : vector<1x128xf32> to vector<400x128xf32>
      %add3A_52 = arith.addf %add3A_47, %add3A_51 : vector<400x128xf32>
      %mul3A = arith.constant 400 : i32
      %mul3A_53 = arith.muli %arg1, %mul3A : i32
      %swap3A = arith.index_cast %mul3A_53 : i32 to index
      %swap3A_54 = arith.constant 0 : index
      %swap3A_55 = vector.load %arg11[%swap3A, %swap3A_54] : memref<10000x128xf32, #tpu.memory_space<vmem>>, vector<400x128xf32>
      tpu.vector_store %arg11[%swap3A, %swap3A_54], %add3A_52 {strides = array<i32>} : memref<10000x128xf32, #tpu.memory_space<vmem>>, vector<400x128xf32>,
      %get3A_56 = arith.constant 0 : index
      %get3A_57 = arith.constant 0 : index
      %get3A_58 = vector.load %arg12[%get3A_56, %get3A_57] : memref<2x128xf32, #tpu.memory_space<vmem>>, vector<1x128xf32>
      %reduce_sum3A = arith.constant dense<0.000000e+00> : vector<128xf32>
      %reduce_sum3A_59 = vector.multi_reduction <add>, %add3A_52, %reduce_sum3A [0] : vector<400x128xf32> to vector<128xf32>
      %broadcast_in_dim3A = vector.shape_cast %reduce_sum3A_59 : vector<128xf32> to vector<1x128xf32>
      %add3A_60 = arith.addf %get3A_58, %broadcast_in_dim3A : vector<1x128xf32>
      %swap3A_61 = arith.constant 0 : index
      %swap3A_62 = arith.constant 0 : index
      %swap3A_63 = vector.load %arg12[%swap3A_61, %swap3A_62] : memref<2x128xf32, #tpu.memory_space<vmem>>, vector<1x128xf32>
      tpu.vector_store %arg12[%swap3A_61, %swap3A_62], %add3A_60 {strides = array<i32>} : memref<2x128xf32, #tpu.memory_space<vmem>>, vector<1x128xf32>,
      %get3A_64 = arith.constant 1 : index
      %get3A_65 = arith.constant 0 : index
      %get3A_66 = vector.load %arg12[%get3A_64, %get3A_65] : memref<2x128xf32, #tpu.memory_space<vmem>>, vector<1x128xf32>
      %mul3A_67 = arith.mulf %add3A_52, %add3A_52 : vector<400x128xf32>
      %reduce_sum3A_68 = arith.constant dense<0.000000e+00> : vector<128xf32>
      %reduce_sum3A_69 = vector.multi_reduction <add>, %mul3A_67, %reduce_sum3A_68 [0] : vector<400x128xf32> to vector<128xf32>
      %broadcast_in_dim3A_70 = vector.shape_cast %reduce_sum3A_69 : vector<128xf32> to vector<1x128xf32>
      %add3A_71 = arith.addf %get3A_66, %broadcast_in_dim3A_70 : vector<1x128xf32>
      %swap3A_72 = arith.constant 1 : index
      %swap3A_73 = arith.constant 0 : index
      %swap3A_74 = vector.load %arg12[%swap3A_72, %swap3A_73] : memref<2x128xf32, #tpu.memory_space<vmem>>, vector<1x128xf32>
      tpu.vector_store %arg12[%swap3A_72, %swap3A_73], %add3A_71 {strides = array<i32>} : memref<2x128xf32, #tpu.memory_space<vmem>>, vector<1x128xf32>,
      %swap3A_75 = arith.constant 0 : index
      %swap3A_76 = arith.constant 0 : index
      %swap3A_77 = vector.load %arg10[%swap3A_75, %swap3A_76] : memref<400x128xf32, #tpu.memory_space<vmem>>, vector<400x128xf32>
      tpu.vector_store %arg10[%swap3A_75, %swap3A_76], %add3A_52 {strides = array<i32>} : memref<400x128xf32, #tpu.memory_space<vmem>>, vector<400x128xf32>,
    } else {
    }
    %eq3A_2 = arith.constant 1 : i32
    %eq3A_3 = arith.cmpi eq, %arg0, %eq3A_2 : i32
    %convert_element_type3A_4 = arith.extui %eq3A_3 : i1 to i32
    %cond3A_5 = arith.constant 0 : i32
    %cond3A_6 = arith.cmpi ne, %convert_element_type3A_4, %cond3A_5 : i32
    scf.if %cond3A_6 {
      %get3A = arith.constant 0 : index
      %get3A_7 = arith.constant 0 : index
      %get3A_8 = vector.load %arg12[%get3A, %get3A_7] : memref<2x128xf32, #tpu.memory_space<vmem>>, vector<1x128xf32>
      %mul3A = arith.constant 9.99999974E-5 : f32
      %mul3A_9 = vector.broadcast %mul3A : f32 to vector<1x128xf32>
      %mul3A_10 = arith.mulf %get3A_8, %mul3A_9 : vector<1x128xf32>
      %get3A_11 = arith.constant 1 : index
      %get3A_12 = arith.constant 0 : index
      %get3A_13 = vector.load %arg12[%get3A_11, %get3A_12] : memref<2x128xf32, #tpu.memory_space<vmem>>, vector<1x128xf32>
      %mul3A_14 = arith.constant 9.99999974E-5 : f32
      %mul3A_15 = vector.broadcast %mul3A_14 : f32 to vector<1x128xf32>
      %mul3A_16 = arith.mulf %get3A_13, %mul3A_15 : vector<1x128xf32>
      %mul3A_17 = arith.mulf %mul3A_10, %mul3A_10 : vector<1x128xf32>
      %sub3A = arith.subf %mul3A_16, %mul3A_17 : vector<1x128xf32>
      %add3A = arith.constant 9.99999974E-6 : f32
      %add3A_18 = vector.broadcast %add3A : f32 to vector<1x128xf32>
      %add3A_19 = arith.addf %sub3A, %add3A_18 : vector<1x128xf32>
      %rsqrt3A = math.rsqrt %add3A_19 : vector<1x128xf32>
      %mul3A_20 = arith.constant 400 : i32
      %mul3A_21 = arith.muli %arg1, %mul3A_20 : i32
      %get3A_22 = arith.index_cast %mul3A_21 : i32 to index
      %get3A_23 = arith.constant 0 : index
      %get3A_24 = vector.load %arg11[%get3A_22, %get3A_23] : memref<10000x128xf32, #tpu.memory_space<vmem>>, vector<400x128xf32>
      %sub3A_25 = vector.broadcast %mul3A_10 : vector<1x128xf32> to vector<400x128xf32>
      %sub3A_26 = arith.subf %get3A_24, %sub3A_25 : vector<400x128xf32>
      %mul3A_27 = vector.broadcast %rsqrt3A : vector<1x128xf32> to vector<400x128xf32>
      %mul3A_28 = arith.mulf %sub3A_26, %mul3A_27 : vector<400x128xf32>
      %get3A_29 = arith.constant 0 : index
      %get3A_30 = arith.constant 0 : index
      %get3A_31 = vector.load %arg8[%get3A_29, %get3A_30] : memref<1x128xf32, #tpu.memory_space<vmem>>, vector<1x128xf32>
      %mul3A_32 = vector.broadcast %get3A_31 : vector<1x128xf32> to vector<400x128xf32>
      %mul3A_33 = arith.mulf %mul3A_28, %mul3A_32 : vector<400x128xf32>
      %get3A_34 = arith.constant 0 : index
      %get3A_35 = arith.constant 0 : index
      %get3A_36 = vector.load %arg9[%get3A_34, %get3A_35] : memref<1x128xf32, #tpu.memory_space<vmem>>, vector<1x128xf32>
      %add3A_37 = vector.broadcast %get3A_36 : vector<1x128xf32> to vector<400x128xf32>
      %add3A_38 = arith.addf %mul3A_33, %add3A_37 : vector<400x128xf32>
      %max3A = arith.constant 0.000000e+00 : f32
      %max3A_39 = vector.broadcast %max3A : f32 to vector<400x128xf32>
      %max3A_40 = arith.maximumf %add3A_38, %max3A_39 : vector<400x128xf32>
      %swap3A = arith.constant 0 : index
      %swap3A_41 = arith.constant 0 : index
      %swap3A_42 = vector.load %arg10[%swap3A, %swap3A_41] : memref<400x128xf32, #tpu.memory_space<vmem>>, vector<400x128xf32>
      tpu.vector_store %arg10[%swap3A, %swap3A_41], %max3A_40 {strides = array<i32>} : memref<400x128xf32, #tpu.memory_space<vmem>>, vector<400x128xf32>,
    } else {
    }
    return
  }
  func.func @transform_0(%arg0: i32, %arg1: i32) -> (i32, i32, i32) {
    %c0_i32 = arith.constant 0 : i32
    %c0_i32_0 = arith.constant 0 : i32
    %c0_i32_1 = arith.constant 0 : i32
    return %c0_i32, %arg1, %c0_i32_0 : i32, i32, i32
  }
  func.func @transform_1(%arg0: i32, %arg1: i32) -> (i32, i32, i32) {
    %c0_i32 = arith.constant 0 : i32
    %c0_i32_0 = arith.constant 0 : i32
    %c0_i32_1 = arith.constant 0 : i32
    return %c0_i32, %arg1, %c0_i32_0 : i32, i32, i32
  }
  func.func @transform_2(%arg0: i32, %arg1: i32) -> (i32, i32) {
    %c0_i32 = arith.constant 0 : i32
    %c0_i32_0 = arith.constant 0 : i32
    return %arg1, %c0_i32 : i32, i32
  }
  func.func @transform_3(%arg0: i32, %arg1: i32) -> (i32, i32) {
    %c0_i32 = arith.constant 0 : i32
    %c0_i32_0 = arith.constant 0 : i32
    %c0_i32_1 = arith.constant 0 : i32
    return %c0_i32, %c0_i32_0 : i32, i32
  }
  func.func @transform_4(%arg0: i32, %arg1: i32) -> (i32, i32) {
    %c0_i32 = arith.constant 0 : i32
    %c0_i32_0 = arith.constant 0 : i32
    %c0_i32_1 = arith.constant 0 : i32
    return %c0_i32, %c0_i32_0 : i32, i32
  }
  func.func @transform_5(%arg0: i32, %arg1: i32) -> (i32, i32) {
    %c0_i32 = arith.constant 0 : i32
    %c0_i32_0 = arith.constant 0 : i32
    %c0_i32_1 = arith.constant 0 : i32
    return %c0_i32, %c0_i32_0 : i32, i32
  }
  func.func @transform_6(%arg0: i32, %arg1: i32) -> (i32, i32) {
    %c0_i32 = arith.constant 0 : i32
    %c0_i32_0 = arith.constant 0 : i32
    %c0_i32_1 = arith.constant 0 : i32
    return %c0_i32, %c0_i32_0 : i32, i32
  }
  func.func @transform_7(%arg0: i32, %arg1: i32) -> (i32, i32) {
    %c0_i32 = arith.constant 0 : i32
    %c0_i32_0 = arith.constant 0 : i32
    %c0_i32_1 = arith.constant 0 : i32
    return %c0_i32, %c0_i32_0 : i32, i32
  }
  func.func @transform_8(%arg0: i32, %arg1: i32) -> (i32, i32) {
    %c0_i32 = arith.constant 0 : i32
    %c0_i32_0 = arith.constant 0 : i32
    return %arg1, %c0_i32 : i32, i32
  }
}

module attributes {stable_mosaic.version = 14 : i64} {
  func.func @_final_body(%arg0: i32, %arg1: memref<2x400x128xf32, #tpu.memory_space<vmem>>, %arg2: memref<2x400x1xf32, #tpu.memory_space<vmem>>, %arg3: memref<400x128xf32, #tpu.memory_space<vmem>>, %arg4: memref<128x64xf32, #tpu.memory_space<vmem>>, %arg5: memref<128x64xf32, #tpu.memory_space<vmem>>, %arg6: memref<1x64xf32, #tpu.memory_space<vmem>>, %arg7: memref<400x40xf32, #tpu.memory_space<vmem>>) attributes {dimension_semantics = [#tpu.dimension_semantics<arbitrary>], iteration_bounds = array<i64: 25>, scalar_prefetch = 0 : i64, scratch_operands = 0 : i64, tpu.core_type = #tpu.core_type<tc>, window_params = [{transform_indices = @transform_0, window_bounds = array<i64: 2, 400, 128>}, {transform_indices = @transform_1, window_bounds = array<i64: 2, 400, 1>}, {transform_indices = @transform_2, window_bounds = array<i64: 400, 128>}, {pipeline_mode = #tpu.pipeline_mode<synchronous>, transform_indices = @transform_3, window_bounds = array<i64: 128, 64>}, {pipeline_mode = #tpu.pipeline_mode<synchronous>, transform_indices = @transform_4, window_bounds = array<i64: 128, 64>}, {pipeline_mode = #tpu.pipeline_mode<synchronous>, transform_indices = @transform_5, window_bounds = array<i64: 1, 64>}, {transform_indices = @transform_6, window_bounds = array<i64: 400, 40>}]} {
    %get3A = arith.constant 0 : index
    %get3A_0 = arith.constant 0 : index
    %get3A_1 = arith.constant 0 : index
    %get3A_2 = vector.load %arg1[%get3A, %get3A_0, %get3A_1] : memref<2x400x128xf32, #tpu.memory_space<vmem>>, vector<1x400x128xf32>
    %get3A_3 = vector.shape_cast %get3A_2 : vector<1x400x128xf32> to vector<400x128xf32>
    %get3A_4 = arith.constant 1 : index
    %get3A_5 = arith.constant 0 : index
    %get3A_6 = arith.constant 0 : index
    %get3A_7 = vector.load %arg1[%get3A_4, %get3A_5, %get3A_6] : memref<2x400x128xf32, #tpu.memory_space<vmem>>, vector<1x400x128xf32>
    %get3A_8 = vector.shape_cast %get3A_7 : vector<1x400x128xf32> to vector<400x128xf32>
    %add3A = arith.addf %get3A_3, %get3A_8 : vector<400x128xf32>
    %get3A_9 = arith.constant 0 : index
    %get3A_10 = arith.constant 0 : index
    %get3A_11 = arith.constant 0 : index
    %get3A_12 = vector.load %arg2[%get3A_9, %get3A_10, %get3A_11] : memref<2x400x1xf32, #tpu.memory_space<vmem>>, vector<1x400x1xf32>
    %get3A_13 = vector.shape_cast %get3A_12 : vector<1x400x1xf32> to vector<400x1xf32>
    %get3A_14 = arith.constant 1 : index
    %get3A_15 = arith.constant 0 : index
    %get3A_16 = arith.constant 0 : index
    %get3A_17 = vector.load %arg2[%get3A_14, %get3A_15, %get3A_16] : memref<2x400x1xf32, #tpu.memory_space<vmem>>, vector<1x400x1xf32>
    %get3A_18 = vector.shape_cast %get3A_17 : vector<1x400x1xf32> to vector<400x1xf32>
    %add3A_19 = arith.addf %get3A_13, %get3A_18 : vector<400x1xf32>
    %max3A = arith.constant 1.000000e+00 : f32
    %max3A_20 = vector.broadcast %max3A : f32 to vector<400x1xf32>
    %max3A_21 = arith.maximumf %add3A_19, %max3A_20 : vector<400x1xf32>
    %div3A = vector.broadcast %max3A_21 : vector<400x1xf32> to vector<400x128xf32>
    %div3A_22 = arith.divf %add3A, %div3A : vector<400x128xf32>
    %get3A_23 = arith.constant 0 : index
    %get3A_24 = arith.constant 0 : index
    %get3A_25 = vector.load %arg4[%get3A_23, %get3A_24] : memref<128x64xf32, #tpu.memory_space<vmem>>, vector<128x64xf32>
    %dot_general3A = arith.constant dense<0.000000e+00> : vector<400x64xf32>
    %dot_general3A_26 = tpu.matmul %div3A_22, %get3A_25, %dot_general3A {dimension_numbers = #tpu.dot_dimension_numbers<[1], [0], [0], [1], [0, 0, 1, 1], [], []>, transpose_lhs_hint = false} : vector<400x128xf32>, vector<128x64xf32>, vector<400x64xf32> -> vector<400x64xf32>
    %get3A_27 = arith.constant 0 : index
    %get3A_28 = arith.constant 0 : index
    %get3A_29 = vector.load %arg3[%get3A_27, %get3A_28] : memref<400x128xf32, #tpu.memory_space<vmem>>, vector<400x128xf32>
    %get3A_30 = arith.constant 0 : index
    %get3A_31 = arith.constant 0 : index
    %get3A_32 = vector.load %arg5[%get3A_30, %get3A_31] : memref<128x64xf32, #tpu.memory_space<vmem>>, vector<128x64xf32>
    %dot_general3A_33 = arith.constant dense<0.000000e+00> : vector<400x64xf32>
    %dot_general3A_34 = tpu.matmul %get3A_29, %get3A_32, %dot_general3A_33 {dimension_numbers = #tpu.dot_dimension_numbers<[1], [0], [0], [1], [0, 0, 1, 1], [], []>, transpose_lhs_hint = false} : vector<400x128xf32>, vector<128x64xf32>, vector<400x64xf32> -> vector<400x64xf32>
    %add3A_35 = arith.addf %dot_general3A_26, %dot_general3A_34 : vector<400x64xf32>
    %get3A_36 = arith.constant 0 : index
    %get3A_37 = arith.constant 0 : index
    %get3A_38 = vector.load %arg6[%get3A_36, %get3A_37] : memref<1x64xf32, #tpu.memory_space<vmem>>, vector<1x64xf32>
    %add3A_39 = vector.broadcast %get3A_38 : vector<1x64xf32> to vector<400x64xf32>
    %add3A_40 = arith.addf %add3A_35, %add3A_39 : vector<400x64xf32>
    %iota3A = tpu.iota {dimensions = array<i32: 1>} : vector<400x64xi32>
    %lt3A = arith.constant 40 : i32
    %lt3A_41 = vector.broadcast %lt3A : i32 to vector<400x64xi32>
    %lt3A_42 = arith.cmpi slt, %iota3A, %lt3A_41 : vector<400x64xi32>
    %jit3A = arith.constant -1.000000e+30 : f32
    %broadcast_in_dim3A = vector.broadcast %jit3A : f32 to vector<400x64xf32>
    %select_n3A = arith.select %lt3A_42, %add3A_40, %broadcast_in_dim3A : vector<400x64xi1>, vector<400x64xf32>
    %reduce_max3A = arith.constant dense<0xFF800000> : vector<400xf32>
    %reduce_max3A_43 = vector.multi_reduction <maximumf>, %select_n3A, %reduce_max3A [1] : vector<400x64xf32> to vector<400xf32>
    %broadcast_in_dim3A_44 = vector.shape_cast %reduce_max3A_43 : vector<400xf32> to vector<400x1xf32>
    %sub3A = vector.broadcast %broadcast_in_dim3A_44 : vector<400x1xf32> to vector<400x64xf32>
    %sub3A_45 = arith.subf %select_n3A, %sub3A : vector<400x64xf32>
    %exp3A = math.exp %sub3A_45 : vector<400x64xf32>
    %reduce_sum3A = arith.constant dense<0.000000e+00> : vector<400xf32>
    %reduce_sum3A_46 = vector.multi_reduction <add>, %exp3A, %reduce_sum3A [1] : vector<400x64xf32> to vector<400xf32>
    %broadcast_in_dim3A_47 = vector.shape_cast %reduce_sum3A_46 : vector<400xf32> to vector<400x1xf32>
    %log3A = math.log %broadcast_in_dim3A_47 : vector<400x1xf32>
    %add3A_48 = arith.addf %log3A, %broadcast_in_dim3A_44 : vector<400x1xf32>
    %sub3A_49 = vector.broadcast %add3A_48 : vector<400x1xf32> to vector<400x64xf32>
    %sub3A_50 = arith.subf %select_n3A, %sub3A_49 : vector<400x64xf32>
    %slice3A = vector.extract_strided_slice %sub3A_50 {offsets = [0, 0], sizes = [400, 40], strides = [1, 1]} : vector<400x64xf32> to vector<400x40xf32>
    %swap3A = arith.constant 0 : index
    %swap3A_51 = arith.constant 0 : index
    %swap3A_52 = vector.load %arg7[%swap3A, %swap3A_51] : memref<400x40xf32, #tpu.memory_space<vmem>>, vector<400x40xf32>
    tpu.vector_store %arg7[%swap3A, %swap3A_51], %slice3A {strides = array<i32>} : memref<400x40xf32, #tpu.memory_space<vmem>>, vector<400x40xf32>,
    return
  }
  func.func @transform_0(%arg0: i32) -> (i32, i32, i32) {
    %c0_i32 = arith.constant 0 : i32
    %c0_i32_0 = arith.constant 0 : i32
    %c0_i32_1 = arith.constant 0 : i32
    return %c0_i32, %arg0, %c0_i32_0 : i32, i32, i32
  }
  func.func @transform_1(%arg0: i32) -> (i32, i32, i32) {
    %c0_i32 = arith.constant 0 : i32
    %c0_i32_0 = arith.constant 0 : i32
    %c0_i32_1 = arith.constant 0 : i32
    return %c0_i32, %arg0, %c0_i32_0 : i32, i32, i32
  }
  func.func @transform_2(%arg0: i32) -> (i32, i32) {
    %c0_i32 = arith.constant 0 : i32
    %c0_i32_0 = arith.constant 0 : i32
    return %arg0, %c0_i32 : i32, i32
  }
  func.func @transform_3(%arg0: i32) -> (i32, i32) {
    %c0_i32 = arith.constant 0 : i32
    %c0_i32_0 = arith.constant 0 : i32
    %c0_i32_1 = arith.constant 0 : i32
    return %c0_i32, %c0_i32_0 : i32, i32
  }
  func.func @transform_4(%arg0: i32) -> (i32, i32) {
    %c0_i32 = arith.constant 0 : i32
    %c0_i32_0 = arith.constant 0 : i32
    %c0_i32_1 = arith.constant 0 : i32
    return %c0_i32, %c0_i32_0 : i32, i32
  }
  func.func @transform_5(%arg0: i32) -> (i32, i32) {
    %c0_i32 = arith.constant 0 : i32
    %c0_i32_0 = arith.constant 0 : i32
    %c0_i32_1 = arith.constant 0 : i32
    return %c0_i32, %c0_i32_0 : i32, i32
  }
  func.func @transform_6(%arg0: i32) -> (i32, i32) {
    %c0_i32 = arith.constant 0 : i32
    %c0_i32_0 = arith.constant 0 : i32
    return %arg0, %c0_i32 : i32, i32
  }
}

</mosaic_0001>

<sc_bundles>
// kernel: kernel.11.cloned.1.call-start
scs
__scs_entry_jumppad:
0x0: {  	(pc) =	sbr.rel $0x88, $3  }
0x1: {  	(tag) =	ssettag $0x0;
	lr =	simm.s32 $0x1  }
0x2: {  	[smem:$0x3F92] =	sst lr;
	_ =	strace $0xD0000000  }
0x3: {  	_ = 	snop  }
0x4: {  	_ = 	snop  }
0x5: {  	_ = 	snop  }
0x6: {  	_ = 	snop  }
0x7: {  	_ = 	snop  }
__scs_overlays_trampoline_lowered:
0x8: {  	[smem:$0x3FA1] =	sst s0  }
0x9: {  	[smem:$0x3FA2] =	sst s1  }
0xa: {  	[smem:$0x3FA3] =	sst s2  }
0xb: {  	[smem:$0x3FA4] =	sst s3  }
0xc: {  	[smem:$0x3FA5] =	sst s4  }
0xd: {  	[smem:$0x3FA6] =	sst s5  }
0xe: {  	[smem:$0x3FA7] =	sst s6  }
0xf: {  	[smem:$0x3FA8] =	sst s7  }
0x10: {  	[smem:$0x3FA9] =	sst s8  }
0x11: {  	[smem:$0x3FAA] =	sst s9;
	s0 =	simm.s32 @!p0 $0x0  }
0x12: {  	s1 =	sld [smem:$0x3F90];
	s0 =	simm.s32 @p0 $0x1  }
0x13: {  	[smem:$0x3FAB] =	sst s0;
	s0 =	simm.s32 @!p1 $0x0  }
0x14: {  	s2 =	sld [smem:$0x3F8F];
	s0 =	simm.s32 @p1 $0x1  }
0x15: {  	[smem:$0x3FAC] =	sst s0;
	s0 =	simm.s32 @!p2 $0x0  }
0x16: {  	s3 =	sld [smem:$0x3FDB];
	s0 =	simm.s32 @p2 $0x1  }
0x17: {  	s4 =	simm.s32 $0x1BF5;
	[smem:$0x3FAE] =	sst s0  }
0x18: {  	s0 =	sld [smem:$0x3F91];
	_ =	swait.ge [sflag:s4], $0x0  }
0x19: {  	s7 =	sld [smem:$0x3F92]  }
0x1a: {  	s8 =	sadd.s32 $0xFFFFE003, lr  }
0x1b: {  	s9 =	sadd.s32 $0xFFFFFEF7, lr;
	s5 =	simm.s32 $0xFFFFFFFF;
	p2 =	slt.u32 s8, $0xFFFFF086  }
0x1c: {  	p1 =	slt.u32 s9, $0xF7A;
	s5 =	simm.s32 @!p2 $0x0  }
0x1d: {  	s5 =	simm.s32 @p1 $0x1;
	p0 =	seq.s32 s7, s2  }
0x1e: {  	s7 =	smul.u32 @!p0 $0xF7A, s2;
	p2 =	seq.s32 @!p0 s5, $0x0  }
0x1f: {  	s9 =	smul.u32 $0xF7A, s1;
	s8 =	simm.s32 @!p0 $0x1BF5;
	p2 =	por !p2, p0  }
0x20: {  	[sflag:s8] =	ssyncset.s32 @!p0 $0xFFFFF086;
	s6 =	sadd.s32 @!p0 s3, s7;
	s7 =	simm.s32 @!p0 $0x108  }
0x21: {  	s3 =	sadd.s32 s3, s9;
	s6 =	sadd.s32 @!p0 $0x88, s6;
	s7 =	simm.s32 @p2 $0x1082  }
0x22: {  	[simem:s7], [sflag:s8] =	dma.local @!p0 [hbm:s6], $0xF7A  }
0x23: {  	s9 =	sor.u32 $0xD0000000, s2;
	s6 =	simm.s32 $0x108;
	_ =	swait.ge @!p0 [sflag:s8], $0x0  }
0x24: {  	s3 =	sadd.s32 $0x88, s3;
	s6 =	simm.s32 @!p1 $0x1082;
	[sflag:s4] =	ssyncset.s32 $0xFFFFF086  }
0x25: {  	[simem:s6], [sflag:s4] =	dma.local [hbm:s3], $0xF7A  }
0x26: {  	[smem:$0x3F92] =	sst s1;
	(tag) =	ssettag s2;
	_ =	strace s9  }
0x27: {  	s1 =	sld [smem:$0x3FA2]  }
0x28: {  	s2 =	sld [smem:$0x3FA3]  }
0x29: {  	s4 =	sld [smem:$0x3FA5]  }
0x2a: {  	p0 =	seq.s32 s5, $0x0;
	s5 =	sld [smem:$0x3FA6]  }
0x2b: {  	s6 =	sld [smem:$0x3FA7]  }
0x2c: {  	s7 =	sld [smem:$0x3FA8]  }
0x2d: {  	s3 =	simm.s32 $0x108;
	s8 =	sld [smem:$0x3FA9]  }
0x2e: {  	s3 =	simm.s32 @!p0 $0x1082;
	s9 =	sld [smem:$0x3FAA]  }
0x2f: {  	lr =	sadd.s32 s0, s3;
	s0 =	sld [smem:$0x3FA1]  }
0x30: {  	s3 =	sld [smem:$0x3FA4]  }
0x31: {  	[smem:$0x3FAD] =	sst s10  }
0x32: {  	s10 =	sld [smem:$0x3FAB];
	_ =	sdelay $0x3  }
0x33: {  	p0 =	seq.s32 s10, $0x1;
	s10 =	sld [smem:$0x3FAD];
	_ =	sdelay $0x3  }
0x34: {  	[smem:$0x3FAD] =	sst s10  }
0x35: {  	s10 =	sld [smem:$0x3FAC];
	_ =	sdelay $0x3  }
0x36: {  	p1 =	seq.s32 s10, $0x1;
	s10 =	sld [smem:$0x3FAD];
	_ =	sdelay $0x3  }
0x37: {  	[smem:$0x3FAD] =	sst s10  }
0x38: {  	s10 =	sld [smem:$0x3FAE]  }
0x39: {  	_ = 	snop;
	(pc) =	sbr.ind lr, $3  }
0x3a: {  	_ = 	snop  }
0x3b: {  	_ = 	snop  }
0x3c: {  	p2 =	seq.s32 s10, $0x1;
	s10 =	sld [smem:$0x3FAD]  }
0x3d: {  	_ =	shalt  }
0x3e: {  	_ =	shalt  }
0x3f: {  	_ =	shalt  }
0x40: {  	_ =	shalt  }
0x41: {  	_ =	shalt  }
0x42: {  	_ =	shalt  }
0x43: {  	_ =	shalt  }
0x44: {  	_ =	shalt  }
0x45: {  	_ =	shalt  }
0x46: {  	_ =	shalt  }
0x47: {  	_ =	shalt  }
0x48: {  	_ =	shalt  }
0x49: {  	_ =	shalt  }
0x4a: {  	_ =	shalt  }
0x4b: {  	_ =	shalt  }
0x4c: {  	_ =	shalt  }
0x4d: {  	_ =	shalt  }
0x4e: {  	_ =	shalt  }
0x4f: {  	_ =	shalt  }
0x50: {  	_ =	shalt  }
0x51: {  	_ =	shalt  }
0x52: {  	_ =	shalt  }
0x53: {  	_ =	shalt  }
0x54: {  	_ =	shalt  }
0x55: {  	_ =	shalt  }
0x56: {  	_ =	shalt  }
0x57: {  	_ =	shalt  }
0x58: {  	_ =	shalt  }
0x59: {  	_ =	shalt  }
0x5a: {  	_ =	shalt  }
0x5b: {  	_ =	shalt  }
0x5c: {  	_ =	shalt  }
0x5d: {  	_ =	shalt  }
0x5e: {  	_ =	shalt  }
0x5f: {  	_ =	shalt  }
0x60: {  	_ =	shalt  }
0x61: {  	_ =	shalt  }
0x62: {  	_ =	shalt  }
0x63: {  	_ =	shalt  }
0x64: {  	_ =	shalt  }
0x65: {  	_ =	shalt  }
0x66: {  	_ =	shalt  }
0x67: {  	_ =	shalt  }
0x68: {  	_ =	shalt  }
0x69: {  	_ =	shalt  }
0x6a: {  	_ =	shalt  }
0x6b: {  	_ =	shalt  }
0x6c: {  	_ =	shalt  }
0x6d: {  	_ =	shalt  }
0x6e: {  	_ =	shalt  }
0x6f: {  	_ =	shalt  }
0x70: {  	_ =	shalt  }
0x71: {  	_ =	shalt  }
0x72: {  	_ =	shalt  }
0x73: {  	_ =	shalt  }
0x74: {  	_ =	shalt  }
0x75: {  	_ =	shalt  }
0x76: {  	_ =	shalt  }
0x77: {  	_ =	shalt  }
0x78: {  	_ =	shalt  }
0x79: {  	_ =	shalt  }
0x7a: {  	_ =	shalt  }
0x7b: {  	_ =	shalt  }
0x7c: {  	_ =	shalt  }
0x7d: {  	_ =	shalt  }
0x7e: {  	_ =	shalt  }
0x7f: {  	_ =	shalt  }
0x80: {  	_ =	shalt  }
0x81: {  	_ =	shalt  }
0x82: {  	_ =	shalt  }
0x83: {  	_ =	shalt  }
0x84: {  	_ =	shalt  }
0x85: {  	_ =	shalt  }
0x86: {  	_ =	shalt  }
0x87: {  	_ =	shalt  }
.Lfunc_end0:
.L_simem_size_0:
called_computation.2_lowered:
.L_overlay_start_0:
0x88: {  	s2 =	sld [smem:$0x3FD9]  }
0x89: {  	s3 =	sld [smem:$0x3FFE];
	_ =	sdelay $0x1  }
0x8a: {  	s1 =	srdreg.scid  }
0x8b: {  	s0 =	sand.u32 $0x1, s1  }
0x8c: {  	s17 =	sshll.u32 s0, $0xA;
	s2 =	sadd.s32 s3, s2  }
0x8d: {  	s2 =	sadd.s32 s2, s17  }
0x8e: {  	[smem:$0x3FB9] =	sst s2  }
0x8f: {  	_ = 	snop  }
0x90: {  	s2 =	sld [smem:$0x3FD0];
	(tm) =	ssettm $0x1  }
0x91: {  	s18 =	sld [smem:$0x3FFB];
	_ =	sdelay $0x3  }
0x92: {  	_ =	strace s18  }
0x93: {  	s3 =	sld [smem:$0x3FFC];
	_ =	sdelay $0x3  }
0x94: {  	_ =	strace s3  }
0x95: {  	s3 =	sld [smem:$0x3FFD];
	_ =	sdelay $0x3  }
0x96: {  	_ =	strace s3  }
0x97: {  	_ =	strace $0x8FFFFFFF  }
0x98: {  	s19 =	sld [smem:$0x3FDB];
	_ =	sdelay $0x1  }
0x99: {  	s4 =	simm.s32 $_scs_section_size  }
0x9a: {  	s5 =	simm.s32 $_size__tile_overlayer_lowered;
	s6 =	simm.s32 $_tile_overlayer_lowered  }
0x9b: {  	s22 =	simm.s32 $0x1BFF;
	s21 =	sshll.u32 s6, $0x1;
	s3 =	sadd.s32 s4, s19  }
0x9c: {  	s7 =	simm.s32 $0x0;
	s20 =	sshll.u32 s5, $0x1;
	s5 =	sadd.s32 s21, s3  }
0x9d: {  	[timem:s7], [sflag:s22] =	dma.local [hbm:s5], s20  }
0x9e: {  	_ =	swait.ge [sflag:s22], s20  }
0x9f: {  	s4 =	ssub.s32 $0x0, s20;
	[sflag:s22] =	ssyncset.done $0x0  }
0xa0: {  	[sflag:s22] =	ssyncadd.s32 s4;
	_ =	sdelay $0x1  }
0xa1: {  	s23 =	simm.s32 $0x1B8B  }
0xa2: {  	_ =	swait.ge [sflag:s23], $0x1  }
0xa3: {  	[sflag:s23] =	ssyncset.done $0x0  }
0xa4: {  	s25 =	simm.s32 $0x1B8E;
	s24 =	sld [smem:$0x3FFE];
	[sflag:s23] =	ssyncadd.s32 $0xFFFFFFFF  }
0xa5: {  	s26 =	simm.s32 $execute0_lowered;
	[smem:$0x3FD2] =	sst s25  }
0xa6: {  	s5 =	sshll.u32 s26, $0x1;
	_ =	strace $0x8000004C;
	[dreg:$0x1] =	wrdreg $0xFFFFFFFF  }
0xa7: {  	s28 =	simm.s32 $_size_execute0_lowered;
	s3 =	sadd.s32 s3, s5;
	[dreg:$0x0] =	wrdreg $0x0  }
0xa8: {  	s5 =	sshll.u32 s28, $0x1;
	[dreg:$0x2] =	wrdreg s3  }
0xa9: {  	[dreg:$0x3] =	wrdreg s5  }
0xaa: {  	[dreg:$0x4] =	wrdreg $0xC0  }
0xab: {  	_ =	task [dreg:s7], $0x5FFFF  }
0xac: {  	[dreg:$0x1] =	wrdreg $0xFFFFFFFF  }
0xad: {  	[dreg:$0x0] =	wrdreg $0x60  }
0xae: {  	[dreg:$0x2] =	wrdreg s24  }
0xaf: {  	[dreg:$0x3] =	wrdreg s2  }
0xb0: {  	[dreg:$0x4] =	wrdreg $0x90000  }
0xb1: {  	[dreg:$0x5] =	wrdreg $0x9  }
0xb2: {  	_ =	task.clear_ibuf [dreg:s7], $0x6FFFF;
	_ =	strace $0x9000004C  }
0xb3: {  	s29 =	simm.s32 $0x9;
	_ =	strace $0x8000004E  }
0xb4: {  	_ =	swait.ge [sflag:s29], $0x1  }
0xb5: {  	[sflag:s29] =	ssyncadd.s32 $0xFFFFFFFF  }
0xb6: {  	_ =	strace $0x9000004E  }
0xb7: {  	_ =	sfence  }
0xb8: {  	s30 =	sld [smem:$0x0];
	_ =	sdelay $0x2  }
0xb9: {  	s31 =	sshll.u32 s1, $0xD;
	s1 =	sshrl.u32 s1, $0x2  }
0xba: {  	s3 =	sand.u32 $0x4000, s31;
	s1 =	sadd.s32 s1, s30  }
0xbb: {  	s0 =	sor.u32 s3, s0;
	s1 =	sshll.u32 s1, $0x11  }
0xbc: {  	s0 =	sor.u32 s1, s0  }
0xbd: {  	s0 =	sadd.s32 $0x8F2B, s0  }
0xbe: {  	[sflag:s0] =	ssyncadd.remote.s32 $0x1  }
0xbf: {  	_ =	sfence.sel $0xFFFF  }
0xc0: {  	[dreg:$0x0] =	wrdreg $0xFFFFFFFF;
	(pc) =	sbr.abs _section_cstart, $3  }
0xc1: {  	[dreg:$0x1] =	wrdreg $0xFFFFFFFF  }
0xc2: {  	_ =	task.clear_ibuf [dreg:s7], $0x2FFFF;
	_ =	strace $0x9FFFFFFF  }
0xc3: {  	(tm) =	ssettm $0x7FFFFFFF  }
tec
execute0_lowered:
.L_overlay_start_1:
0x0: {  	(tag) =	ssettag $0x1  }
0x1: {  	s0 =	rddreg [dreg:$0x0]  }
0x2: {  	s19 =	rddreg [dreg:$0x1]  }
0x3: {  	s1 =	rddreg [dreg:$0x2];
	s2 =	simm.s32 $0x0;
	s5 =	srdreg.scid  }
0x4: {  	s3 =	stileid.u32;
	s24 =	simm.s32 $0x5000;
	s28 =	simm.s32 $0x0  }
0x5: {  	[smem:$0x7FF] =	sst s2;
	s4 =	sadd.s32 $0xCC00, s0;
	s6 =	smul.u32 $0x50000, s3  }
0x6: {  	s17 =	sadd.s32 $0x2C00, s0;
	s12 =	sand.u32 $0x1, s5;
	s10 =	smul.u32 $0x14000, s3  }
0x7: {  	s0 =	sadd.s32 $0xC0E00, s0;
	s23 =	smul.u32 $0xA, s3;
	_ =	strace $0x8000004D  }
0x8: {  	s5 =	ssub.s32 $0x2, s12;
	s8 =	sshll.u32 s12, $0x4;
	s15 =	smul.u32 $0x140000, s12  }
0x9: {  	s22 =	smul.u32 $0xA0, s12;
	s7 =	sshrl.u32 s5, $0x1;
	s8 =	sor.u32 s3, s8  }
0xa: {  	s25 =	sshrl.u32 s6, $0x2;
	s13 =	sadd.s32 $0x4000, s10;
	s14 =	sadd.s32 $0x8000, s10  }
0xb: {  	s16 =	sadd.s32 $0xC000, s10;
	s20 =	sadd.s32 $0x10000, s10;
	s18 =	ssub.s32 s5, s7  }
0xc: {  	s5 =	sadd.s32 s25, s1;
	s6 =	sadd.s32 s13, s1;
	s7 =	sadd.s32 s14, s1  }
0xd: {  	s11 =	smul.u32 $0x500, s8;
	s8 =	sadd.s32 s16, s1;
	s9 =	sadd.s32 s20, s1  }
0xe: {  	s21 =	sadd.s32 s10, s15;
	s13 =	sadd.s32 s15, s13;
	s14 =	sadd.s32 s15, s14  }
0xf: {  	s16 =	sadd.s32 s15, s16;
	s15 =	sadd.s32 s15, s20;
	s26 =	sadd.s32 s23, s22  }
0x10: {  	s22 =	simm.s32 $0x800;
	s23 =	simm.s32 $0x80;
	s25 =	simm.s32 $0x1  }
0x11: {  	s21 =	sshrl.u32 s21, $0x3;
	s13 =	sshrl.u32 s13, $0x3;
	s14 =	sshrl.u32 s14, $0x3  }
0x12: {  	s16 =	sshrl.u32 s16, $0x3;
	s29 =	sshrl.u32 s15, $0x3;
	s20 =	sshll.u32 s26, $0x7  }
0x13: {  	s26 =	simm.s32 $0x2;
	s10 =	sadd.s32 s17, s11;
	s11 =	sadd.s32 s19, s11  }
0x14: {  	s12 =	sadd.s32 s0, s21;
	s13 =	sadd.s32 s0, s13;
	s14 =	sadd.s32 s0, s14  }
0x15: {  	s15 =	sadd.s32 s0, s16;
	s16 =	sadd.s32 s0, s29;
	s30 =	sadd.s32 s20, s17  }
0x16: {  	s17 =	smax.u32 s18, $0x1;
	s31 =	sadd.s32 s20, s19;
	s20 =	simm.s32 $0x1000  }
0x17: {  	v0 =	vimm.f32 $0.0e+00;
	s21 =	simm.s32 $0x4;
	s18 =	sadd.s32 $0x80, s30;
	s19 =	sadd.s32 $0x80, s31  }
.LBB2_1:
0x18: {  	s0 =	simm.s32 $0x0;
	s29 =	simm.s32 $0x200  }
.LBB2_2:
0x19: {  	p0 =	sne.s32 s29, $0xFE00;
	[tilespmem:s0+$0x1070] =	vst v0  }
0x1a: {  	[tilespmem:s0+$0x1000] =	vst v0  }
0x1b: {  	[tilespmem:s0+$0x1010] =	vst v0  }
.Ltmp0:
0x1c: {  	[tilespmem:s0+$0x1020] =	vst v0;
	(pc) =	sbr.rel @p0 .LBB2_2-.Ltmp0, $4  }
0x1d: {  	[tilespmem:s0+$0x1030] =	vst v0  }
0x1e: {  	[tilespmem:s0+$0x1040] =	vst v0  }
0x1f: {  	[tilespmem:s0+$0x1050] =	vst v0  }
0x20: {  	[tilespmem:s0+$0x1060] =	vst v0;
	s0 =	sshra.s32 s29, $0x2;
	s29 =	sadd.s32 $0x200, s29  }
0x21: {  	[tilespmem:s0+$0x1070] =	vst v0  }
0x22: {  	[tilespmem:s0+$0x1000] =	vst v0  }
0x23: {  	[tilespmem:s0+$0x1010] =	vst v0  }
0x24: {  	[tilespmem:s0+$0x1020] =	vst v0  }
0x25: {  	[tilespmem:s0+$0x1030] =	vst v0  }
0x26: {  	[tilespmem:s0+$0x1040] =	vst v0  }
0x27: {  	[tilespmem:s0+$0x1050] =	vst v0  }
0x28: {  	[tilespmem:s0+$0x1060] =	vst v0  }
0x29: {  	[spmem:s5] =	stream.linear.scatter [tilespmem:s20], [sflag:$0x4], $0x4000, $0x38;
	[tilespmem:$0x1D000] =	vst v63  }
0x2a: {  	_ =	swait.ge [sflag:s21], $0x4000  }
0x2b: {  	[sflag:s21] =	ssyncset.done $0x0  }
0x2c: {  	[sflag:s21] =	ssyncadd.s32 $0xFFFFC000  }
0x2d: {  	[spmem:s6] =	stream.linear.scatter [tilespmem:s20], [sflag:$0x4], $0x4000, $0x38;
	[tilespmem:$0x1D000] =	vst v63  }
0x2e: {  	_ =	swait.ge [sflag:s21], $0x4000  }
0x2f: {  	[sflag:s21] =	ssyncset.done $0x0  }
0x30: {  	[sflag:s21] =	ssyncadd.s32 $0xFFFFC000  }
0x31: {  	[spmem:s7] =	stream.linear.scatter [tilespmem:s20], [sflag:$0x4], $0x4000, $0x38;
	[tilespmem:$0x1D000] =	vst v63  }
0x32: {  	_ =	swait.ge [sflag:s21], $0x4000  }
0x33: {  	[sflag:s21] =	ssyncset.done $0x0  }
0x34: {  	[sflag:s21] =	ssyncadd.s32 $0xFFFFC000  }
0x35: {  	[spmem:s8] =	stream.linear.scatter [tilespmem:s20], [sflag:$0x4], $0x4000, $0x38;
	[tilespmem:$0x1D000] =	vst v63  }
0x36: {  	_ =	swait.ge [sflag:s21], $0x4000  }
0x37: {  	[sflag:s21] =	ssyncset.done $0x0  }
0x38: {  	[sflag:s21] =	ssyncadd.s32 $0xFFFFC000  }
0x39: {  	[spmem:s9] =	stream.linear.scatter [tilespmem:s20], [sflag:$0x4], $0x4000, $0x38;
	[tilespmem:$0x1D000] =	vst v63  }
0x3a: {  	_ =	swait.ge [sflag:s21], $0x4000  }
0x3b: {  	[sflag:s21] =	ssyncset.done $0x0  }
0x3c: {  	[sflag:s21] =	ssyncadd.s32 $0xFFFFC000  }
0x3d: {  	[tilespmem:s2], [sflag:$0x4] =	stream.linear.gather [hbm4b:s10+s2], $0x400, $0x38;
	[tilespmem:$0x1D000] =	vst v63  }
0x3e: {  	_ =	swait.ge [sflag:s21], $0x400  }
0x3f: {  	[sflag:s21] =	ssyncset.done $0x0  }
0x40: {  	[sflag:s21] =	ssyncadd.s32 $0xFFFFFC00  }
0x41: {  	[tilespmem:s22], [sflag:$0x4] =	stream.linear.gather [hbm4b:s11+s2], $0x400, $0x38;
	[tilespmem:$0x1D000] =	vst v63  }
0x42: {  	_ =	swait.ge [sflag:s21], $0x400  }
0x43: {  	[sflag:s21] =	ssyncset.done $0x0  }
0x44: {  	s29 =	simm.s32 $0x400;
	[sflag:s21] =	ssyncadd.s32 $0xFFFFFC00  }
0x45: {  	s30 =	smov.u32 s19;
	s31 =	smov.u32 s18;
	[bflag:$0x0] =	sbarrier.arrive $0xFFFF  }
.LBB2_4:
0x46: {  	p0 =	seq.s32 s29, $0x2800  }
0x47: {  	s0 =	sand.u32 @!p0 $0x400, s29;
	s3 =	simm.s32 @!p0 $0x0  }
0x48: {  	[tilespmem:s0], [sflag:$0x3] =	stream.linear.gather @!p0 [hbm4b:s31+s3], $0x400, $0x38;
	[tilespmem:$0x1D000] =	vst v63  }
0x49: {  	s0 =	sor.u32 @!p0 $0x800, s0  }
0x4a: {  	[tilespmem:s0], [sflag:$0x3] =	stream.linear.gather @!p0 [hbm4b:s30+s3], $0x400, $0x38;
	[tilespmem:$0x1D000] =	vst v63  }
0x4b: {  	s3 =	sadd.s32 $0xFFFFFC00, s29  }
0x4c: {  	s0 =	sand.u32 $0x400, s3  }
0x4d: {  	s3 =	sor.u32 $0x800, s0  }
0x4e: {  	[tilespmem:s20], [sflag:$0x1] =	stream.indirect.gather [hbm4b:s4+s23], $0x80, s3, s23, $0xb8;
	[tilespmem:$0x1D000] =	vst v63  }
0x4f: {  	s3 =	sor.u32 $0x880, s0  }
0x50: {  	[tilespmem:s24], [sflag:$0x2] =	stream.indirect.gather [hbm4b:s4+s23], $0x80, s3, s23, $0xb8;
	[tilespmem:$0x1D000] =	vst v63  }
0x51: {  	_ =	swait.ge [sflag:s25], $0x4000  }
0x52: {  	[sflag:s25] =	ssyncset.done $0x0  }
0x53: {  	[sflag:s25] =	ssyncadd.s32 $0xFFFFC000  }
0x54: {  	[spmem:s1] =	stream.indirect.scatter.add.f32 [tilespmem:s20], [sflag:$0x4], $0x80, s0, s23, $0xb8;
	[tilespmem:$0x1D000] =	vst v63  }
0x55: {  	_ =	swait.ge [sflag:s21], $0x4000  }
0x56: {  	[sflag:s21] =	ssyncset.done $0x0  }
0x57: {  	s3 =	sor.u32 $0x900, s0;
	[sflag:s21] =	ssyncadd.s32 $0xFFFFC000  }
0x58: {  	[tilespmem:s20], [sflag:$0x1] =	stream.indirect.gather [hbm4b:s4+s23], $0x80, s3, s23, $0xb8;
	[tilespmem:$0x1D000] =	vst v63  }
0x59: {  	_ =	swait.ge [sflag:s26], $0x4000  }
0x5a: {  	[sflag:s26] =	ssyncset.done $0x0  }
0x5b: {  	s3 =	sor.u32 $0x80, s0;
	[sflag:s26] =	ssyncadd.s32 $0xFFFFC000  }
0x5c: {  	[spmem:s1] =	stream.indirect.scatter.add.f32 [tilespmem:s24], [sflag:$0x4], $0x80, s3, s23, $0xb8;
	[tilespmem:$0x1D000] =	vst v63  }
0x5d: {  	_ =	swait.ge [sflag:s21], $0x4000  }
0x5e: {  	[sflag:s21] =	ssyncset.done $0x0  }
0x5f: {  	s3 =	sor.u32 $0x980, s0;
	[sflag:s21] =	ssyncadd.s32 $0xFFFFC000  }
0x60: {  	[tilespmem:s24], [sflag:$0x2] =	stream.indirect.gather [hbm4b:s4+s23], $0x80, s3, s23, $0xb8;
	[tilespmem:$0x1D000] =	vst v63  }
0x61: {  	_ =	swait.ge [sflag:s25], $0x4000  }
0x62: {  	[sflag:s25] =	ssyncset.done $0x0  }
0x63: {  	s3 =	sor.u32 $0x100, s0;
	[sflag:s25] =	ssyncadd.s32 $0xFFFFC000  }
0x64: {  	[spmem:s1] =	stream.indirect.scatter.add.f32 [tilespmem:s20], [sflag:$0x4], $0x80, s3, s23, $0xb8;
	[tilespmem:$0x1D000] =	vst v63  }
0x65: {  	_ =	swait.ge [sflag:s21], $0x4000  }
0x66: {  	[sflag:s21] =	ssyncset.done $0x0  }
0x67: {  	s3 =	sor.u32 $0xA00, s0;
	[sflag:s21] =	ssyncadd.s32 $0xFFFFC000  }
0x68: {  	[tilespmem:s20], [sflag:$0x1] =	stream.indirect.gather [hbm4b:s4+s23], $0x80, s3, s23, $0xb8;
	[tilespmem:$0x1D000] =	vst v63  }
0x69: {  	_ =	swait.ge [sflag:s26], $0x4000  }
0x6a: {  	[sflag:s26] =	ssyncset.done $0x0  }
0x6b: {  	s3 =	sor.u32 $0x180, s0;
	[sflag:s26] =	ssyncadd.s32 $0xFFFFC000  }
0x6c: {  	[spmem:s1] =	stream.indirect.scatter.add.f32 [tilespmem:s24], [sflag:$0x4], $0x80, s3, s23, $0xb8;
	[tilespmem:$0x1D000] =	vst v63  }
0x6d: {  	_ =	swait.ge [sflag:s21], $0x4000  }
0x6e: {  	[sflag:s21] =	ssyncset.done $0x0  }
0x6f: {  	s3 =	sor.u32 $0xA80, s0;
	[sflag:s21] =	ssyncadd.s32 $0xFFFFC000  }
0x70: {  	[tilespmem:s24], [sflag:$0x2] =	stream.indirect.gather [hbm4b:s4+s23], $0x80, s3, s23, $0xb8;
	[tilespmem:$0x1D000] =	vst v63  }
0x71: {  	_ =	swait.ge [sflag:s25], $0x4000  }
0x72: {  	[sflag:s25] =	ssyncset.done $0x0  }
0x73: {  	s3 =	sor.u32 $0x200, s0;
	[sflag:s25] =	ssyncadd.s32 $0xFFFFC000  }
0x74: {  	[spmem:s1] =	stream.indirect.scatter.add.f32 [tilespmem:s20], [sflag:$0x4], $0x80, s3, s23, $0xb8;
	[tilespmem:$0x1D000] =	vst v63  }
0x75: {  	_ =	swait.ge [sflag:s21], $0x4000  }
0x76: {  	[sflag:s21] =	ssyncset.done $0x0  }
0x77: {  	s3 =	sor.u32 $0xB00, s0;
	[sflag:s21] =	ssyncadd.s32 $0xFFFFC000  }
0x78: {  	[tilespmem:s20], [sflag:$0x1] =	stream.indirect.gather [hbm4b:s4+s23], $0x80, s3, s23, $0xb8;
	[tilespmem:$0x1D000] =	vst v63  }
0x79: {  	_ =	swait.ge [sflag:s26], $0x4000  }
0x7a: {  	[sflag:s26] =	ssyncset.done $0x0  }
0x7b: {  	s3 =	sor.u32 $0x280, s0;
	[sflag:s26] =	ssyncadd.s32 $0xFFFFC000  }
0x7c: {  	[spmem:s1] =	stream.indirect.scatter.add.f32 [tilespmem:s24], [sflag:$0x4], $0x80, s3, s23, $0xb8;
	[tilespmem:$0x1D000] =	vst v63  }
0x7d: {  	_ =	swait.ge [sflag:s21], $0x4000  }
0x7e: {  	[sflag:s21] =	ssyncset.done $0x0  }
0x7f: {  	s3 =	sor.u32 $0xB80, s0;
	[sflag:s21] =	ssyncadd.s32 $0xFFFFC000  }
0x80: {  	[tilespmem:s24], [sflag:$0x2] =	stream.indirect.gather [hbm4b:s4+s23], $0x80, s3, s23, $0xb8;
	[tilespmem:$0x1D000] =	vst v63  }
0x81: {  	_ =	swait.ge [sflag:s25], $0x4000  }
0x82: {  	[sflag:s25] =	ssyncset.done $0x0  }
0x83: {  	s3 =	sor.u32 $0x300, s0;
	[sflag:s25] =	ssyncadd.s32 $0xFFFFC000  }
0x84: {  	[spmem:s1] =	stream.indirect.scatter.add.f32 [tilespmem:s20], [sflag:$0x4], $0x80, s3, s23, $0xb8;
	[tilespmem:$0x1D000] =	vst v63  }
0x85: {  	_ =	swait.ge [sflag:s21], $0x4000  }
0x86: {  	[sflag:s21] =	ssyncset.done $0x0  }
0x87: {  	[sflag:s21] =	ssyncadd.s32 $0xFFFFC000  }
0x88: {  	_ =	swait.ge [sflag:s26], $0x4000  }
0x89: {  	[sflag:s26] =	ssyncset.done $0x0  }
0x8a: {  	s0 =	sor.u32 $0x380, s0;
	[sflag:s26] =	ssyncadd.s32 $0xFFFFC000  }
0x8b: {  	[spmem:s1] =	stream.indirect.scatter.add.f32 [tilespmem:s24], [sflag:$0x4], $0x80, s0, s23, $0xb8;
	[tilespmem:$0x1D000] =	vst v63  }
0x8c: {  	_ =	swait.ge [sflag:s21], $0x4000  }
0x8d: {  	s29 =	sadd.s32 @!p0 $0x400, s29;
	[sflag:s21] =	ssyncset.done $0x0  }
0x8e: {  	p1 =	sne.s32 @!p0 s29, $0x2C00;
	s0 =	simm.s32 @!p0 $0x3;
	[sflag:s21] =	ssyncadd.s32 $0xFFFFC000  }
0x8f: {  	p1 =	por p0, !p1;
	_ =	swait.ge @!p0 [sflag:s0], $0x400  }
.Ltmp1:
0x90: {  	[sflag:s0] =	ssyncset.done @!p0 $0x0;
	(pc) =	sbr.rel @!p1 .LBB2_4-.Ltmp1, $4  }
0x91: {  	[sflag:s0] =	ssyncadd.s32 @!p0 $0xFFFFFC00  }
0x92: {  	_ =	swait.ge @!p0 [sflag:s0], $0x400  }
0x93: {  	[sflag:s0] =	ssyncset.done @!p0 $0x0  }
0x94: {  	s31 =	sadd.s32 @!p0 $0x80, s31;
	s30 =	sadd.s32 @!p0 $0x80, s30;
	[sflag:s0] =	ssyncadd.s32 @!p0 $0xFFFFFC00  }
0x95: {  	[bflag:$0x0] =	sbarrier.arrive $0xFFFF  }
0x96: {  	[tilespmem:s20], [sflag:$0x4] =	stream.linear.gather [spmem:s5], $0x4000, $0x38;
	[tilespmem:$0x1D000] =	vst v63  }
0x97: {  	_ =	swait.ge [sflag:s21], $0x4000  }
0x98: {  	[sflag:s21] =	ssyncset.done $0x0  }
0x99: {  	[sflag:s21] =	ssyncadd.s32 $0xFFFFC000  }
0x9a: {  	[hbm4b:s12+s2] =	stream.linear.scatter [tilespmem:s20], [sflag:$0x4], $0x4000, $0x38;
	[tilespmem:$0x1D000] =	vst v63  }
0x9b: {  	_ =	swait.ge [sflag:s21], $0x4000  }
0x9c: {  	[sflag:s21] =	ssyncset.done $0x0  }
0x9d: {  	[sflag:s21] =	ssyncadd.s32 $0xFFFFC000  }
0x9e: {  	[tilespmem:s20], [sflag:$0x4] =	stream.linear.gather [spmem:s6], $0x4000, $0x38;
	[tilespmem:$0x1D000] =	vst v63  }
0x9f: {  	_ =	swait.ge [sflag:s21], $0x4000  }
0xa0: {  	[sflag:s21] =	ssyncset.done $0x0  }
0xa1: {  	[sflag:s21] =	ssyncadd.s32 $0xFFFFC000  }
0xa2: {  	[hbm4b:s13+s2] =	stream.linear.scatter [tilespmem:s20], [sflag:$0x4], $0x4000, $0x38;
	[tilespmem:$0x1D000] =	vst v63  }
0xa3: {  	_ =	swait.ge [sflag:s21], $0x4000  }
0xa4: {  	[sflag:s21] =	ssyncset.done $0x0  }
0xa5: {  	[sflag:s21] =	ssyncadd.s32 $0xFFFFC000  }
0xa6: {  	[tilespmem:s20], [sflag:$0x4] =	stream.linear.gather [spmem:s7], $0x4000, $0x38;
	[tilespmem:$0x1D000] =	vst v63  }
0xa7: {  	_ =	swait.ge [sflag:s21], $0x4000  }
0xa8: {  	[sflag:s21] =	ssyncset.done $0x0  }
0xa9: {  	[sflag:s21] =	ssyncadd.s32 $0xFFFFC000  }
0xaa: {  	[hbm4b:s14+s2] =	stream.linear.scatter [tilespmem:s20], [sflag:$0x4], $0x4000, $0x38;
	[tilespmem:$0x1D000] =	vst v63  }
0xab: {  	_ =	swait.ge [sflag:s21], $0x4000  }
0xac: {  	[sflag:s21] =	ssyncset.done $0x0  }
0xad: {  	[sflag:s21] =	ssyncadd.s32 $0xFFFFC000  }
0xae: {  	[tilespmem:s20], [sflag:$0x4] =	stream.linear.gather [spmem:s8], $0x4000, $0x38;
	[tilespmem:$0x1D000] =	vst v63  }
0xaf: {  	_ =	swait.ge [sflag:s21], $0x4000  }
0xb0: {  	[sflag:s21] =	ssyncset.done $0x0  }
0xb1: {  	[sflag:s21] =	ssyncadd.s32 $0xFFFFC000  }
0xb2: {  	[hbm4b:s15+s2] =	stream.linear.scatter [tilespmem:s20], [sflag:$0x4], $0x4000, $0x38;
	[tilespmem:$0x1D000] =	vst v63  }
0xb3: {  	_ =	swait.ge [sflag:s21], $0x4000  }
0xb4: {  	[sflag:s21] =	ssyncset.done $0x0  }
0xb5: {  	[sflag:s21] =	ssyncadd.s32 $0xFFFFC000  }
0xb6: {  	[tilespmem:s20], [sflag:$0x4] =	stream.linear.gather [spmem:s9], $0x4000, $0x38;
	[tilespmem:$0x1D000] =	vst v63  }
0xb7: {  	s28 =	sadd.s32 $0x1, s28;
	_ =	swait.ge [sflag:s21], $0x4000  }
0xb8: {  	p0 =	sne.s32 s28, s17;
	[sflag:s21] =	ssyncset.done $0x0  }
.Ltmp2:
0xb9: {  	[sflag:s21] =	ssyncadd.s32 $0xFFFFC000;
	(pc) =	sbr.rel @p0 .LBB2_1-.Ltmp2, $4  }
0xba: {  	[hbm4b:s16+s2] =	stream.linear.scatter [tilespmem:s20], [sflag:$0x4], $0x4000, $0x38;
	[tilespmem:$0x1D000] =	vst v63  }
0xbb: {  	_ =	swait.ge [sflag:s21], $0x4000  }
0xbc: {  	[sflag:s21] =	ssyncset.done $0x0  }
0xbd: {  	[sflag:s21] =	ssyncadd.s32 $0xFFFFC000  }
0xbe: {  	_ =	sfence.sel $0x180000  }
0xbf: {  	[bflag:$0x0] =	sbarrier.arrive $0xFFFF  }
0xc0: {  	_ =	strace $0x9000004D  }
0xc1: {  	s0 =	stileid.u32;
	[bflag:$0x2] =	sbarrier.arrive $0xFFFF  }
0xc2: {  	p0 =	sne.s32 s0, $0x0;
	s0 =	rddreg [dreg:$0x3]  }
0xc3: {  	s0 =	sadd.s32 @!p0 $0x100000, s0  }
0xc4: {  	[sflag:s0] =	ssyncadd.tile.s32 @!p0 $0x1;
	_ =	shalt  }
.Lfunc_end2:
_tile_overlayer_lowered:
.L_overlay_start_2:
0xc5: {  	(tag) =	ssettag $0x2  }
0xc6: {  	s0 =	rddreg [dreg:$0x0];
	s2 =	stileid.u32  }
0xc7: {  	s1 =	rddreg [dreg:$0x1];
	p0 =	sne.s32 s2, $0x0  }
0xc8: {  	s3 =	rddreg [dreg:$0x2];
	[bflag:$0x3] =	sbarrier.arrive $0xFFFF;
	s2 =	simm.s32 @!p0 $0x1C04  }
0xc9: {  	[timem:s3], [sflag:s2] =	dma.local @!p0 [hbm:s0], s1  }
0xca: {  	s0 =	simm.s32 @!p0 $0x4  }
0xcb: {  	_ =	swait.ge @!p0 [sflag:s0], s1  }
0xcc: {  	s1 =	ssub.s32 @!p0 $0x0, s1;
	[sflag:s0] =	ssyncset.done @!p0 $0x0  }
0xcd: {  	[sflag:s0] =	ssyncadd.s32 @!p0 s1  }
0xce: {  	[bflag:$0x3] =	sbarrier.arrive $0xFFFF  }
0xcf: {  	_ =	shalt  }

// kernel: kernel.14.cloned.1.call-start
scs
__scs_entry_jumppad:
0x0: {  	(pc) =	sbr.rel $0x88, $3  }
0x1: {  	(tag) =	ssettag $0x0;
	lr =	simm.s32 $0x1  }
0x2: {  	[smem:$0x3F92] =	sst lr;
	_ =	strace $0xD0000000  }
0x3: {  	_ = 	snop  }
0x4: {  	_ = 	snop  }
0x5: {  	_ = 	snop  }
0x6: {  	_ = 	snop  }
0x7: {  	_ = 	snop  }
__scs_overlays_trampoline_lowered:
0x8: {  	[smem:$0x3FA1] =	sst s0  }
0x9: {  	[smem:$0x3FA2] =	sst s1  }
0xa: {  	[smem:$0x3FA3] =	sst s2  }
0xb: {  	[smem:$0x3FA4] =	sst s3  }
0xc: {  	[smem:$0x3FA5] =	sst s4  }
0xd: {  	[smem:$0x3FA6] =	sst s5  }
0xe: {  	[smem:$0x3FA7] =	sst s6  }
0xf: {  	[smem:$0x3FA8] =	sst s7  }
0x10: {  	[smem:$0x3FA9] =	sst s8  }
0x11: {  	[smem:$0x3FAA] =	sst s9;
	s0 =	simm.s32 @!p0 $0x0  }
0x12: {  	s1 =	sld [smem:$0x3F90];
	s0 =	simm.s32 @p0 $0x1  }
0x13: {  	[smem:$0x3FAB] =	sst s0;
	s0 =	simm.s32 @!p1 $0x0  }
0x14: {  	s2 =	sld [smem:$0x3F8F];
	s0 =	simm.s32 @p1 $0x1  }
0x15: {  	[smem:$0x3FAC] =	sst s0;
	s0 =	simm.s32 @!p2 $0x0  }
0x16: {  	s3 =	sld [smem:$0x3FDB];
	s0 =	simm.s32 @p2 $0x1  }
0x17: {  	s4 =	simm.s32 $0x1BF5;
	[smem:$0x3FAE] =	sst s0  }
0x18: {  	s0 =	sld [smem:$0x3F91];
	_ =	swait.ge [sflag:s4], $0x0  }
0x19: {  	s7 =	sld [smem:$0x3F92]  }
0x1a: {  	s8 =	sadd.s32 $0xFFFFE003, lr  }
0x1b: {  	s9 =	sadd.s32 $0xFFFFFEF7, lr;
	s5 =	simm.s32 $0xFFFFFFFF;
	p2 =	slt.u32 s8, $0xFFFFF086  }
0x1c: {  	p1 =	slt.u32 s9, $0xF7A;
	s5 =	simm.s32 @!p2 $0x0  }
0x1d: {  	s5 =	simm.s32 @p1 $0x1;
	p0 =	seq.s32 s7, s2  }
0x1e: {  	s7 =	smul.u32 @!p0 $0xF7A, s2;
	p2 =	seq.s32 @!p0 s5, $0x0  }
0x1f: {  	s9 =	smul.u32 $0xF7A, s1;
	s8 =	simm.s32 @!p0 $0x1BF5;
	p2 =	por !p2, p0  }
0x20: {  	[sflag:s8] =	ssyncset.s32 @!p0 $0xFFFFF086;
	s6 =	sadd.s32 @!p0 s3, s7;
	s7 =	simm.s32 @!p0 $0x108  }
0x21: {  	s3 =	sadd.s32 s3, s9;
	s6 =	sadd.s32 @!p0 $0x88, s6;
	s7 =	simm.s32 @p2 $0x1082  }
0x22: {  	[simem:s7], [sflag:s8] =	dma.local @!p0 [hbm:s6], $0xF7A  }
0x23: {  	s9 =	sor.u32 $0xD0000000, s2;
	s6 =	simm.s32 $0x108;
	_ =	swait.ge @!p0 [sflag:s8], $0x0  }
0x24: {  	s3 =	sadd.s32 $0x88, s3;
	s6 =	simm.s32 @!p1 $0x1082;
	[sflag:s4] =	ssyncset.s32 $0xFFFFF086  }
0x25: {  	[simem:s6], [sflag:s4] =	dma.local [hbm:s3], $0xF7A  }
0x26: {  	[smem:$0x3F92] =	sst s1;
	(tag) =	ssettag s2;
	_ =	strace s9  }
0x27: {  	s1 =	sld [smem:$0x3FA2]  }
0x28: {  	s2 =	sld [smem:$0x3FA3]  }
0x29: {  	s4 =	sld [smem:$0x3FA5]  }
0x2a: {  	p0 =	seq.s32 s5, $0x0;
	s5 =	sld [smem:$0x3FA6]  }
0x2b: {  	s6 =	sld [smem:$0x3FA7]  }
0x2c: {  	s7 =	sld [smem:$0x3FA8]  }
0x2d: {  	s3 =	simm.s32 $0x108;
	s8 =	sld [smem:$0x3FA9]  }
0x2e: {  	s3 =	simm.s32 @!p0 $0x1082;
	s9 =	sld [smem:$0x3FAA]  }
0x2f: {  	lr =	sadd.s32 s0, s3;
	s0 =	sld [smem:$0x3FA1]  }
0x30: {  	s3 =	sld [smem:$0x3FA4]  }
0x31: {  	[smem:$0x3FAD] =	sst s10  }
0x32: {  	s10 =	sld [smem:$0x3FAB];
	_ =	sdelay $0x3  }
0x33: {  	p0 =	seq.s32 s10, $0x1;
	s10 =	sld [smem:$0x3FAD];
	_ =	sdelay $0x3  }
0x34: {  	[smem:$0x3FAD] =	sst s10  }
0x35: {  	s10 =	sld [smem:$0x3FAC];
	_ =	sdelay $0x3  }
0x36: {  	p1 =	seq.s32 s10, $0x1;
	s10 =	sld [smem:$0x3FAD];
	_ =	sdelay $0x3  }
0x37: {  	[smem:$0x3FAD] =	sst s10  }
0x38: {  	s10 =	sld [smem:$0x3FAE]  }
0x39: {  	_ = 	snop;
	(pc) =	sbr.ind lr, $3  }
0x3a: {  	_ = 	snop  }
0x3b: {  	_ = 	snop  }
0x3c: {  	p2 =	seq.s32 s10, $0x1;
	s10 =	sld [smem:$0x3FAD]  }
0x3d: {  	_ =	shalt  }
0x3e: {  	_ =	shalt  }
0x3f: {  	_ =	shalt  }
0x40: {  	_ =	shalt  }
0x41: {  	_ =	shalt  }
0x42: {  	_ =	shalt  }
0x43: {  	_ =	shalt  }
0x44: {  	_ =	shalt  }
0x45: {  	_ =	shalt  }
0x46: {  	_ =	shalt  }
0x47: {  	_ =	shalt  }
0x48: {  	_ =	shalt  }
0x49: {  	_ =	shalt  }
0x4a: {  	_ =	shalt  }
0x4b: {  	_ =	shalt  }
0x4c: {  	_ =	shalt  }
0x4d: {  	_ =	shalt  }
0x4e: {  	_ =	shalt  }
0x4f: {  	_ =	shalt  }
0x50: {  	_ =	shalt  }
0x51: {  	_ =	shalt  }
0x52: {  	_ =	shalt  }
0x53: {  	_ =	shalt  }
0x54: {  	_ =	shalt  }
0x55: {  	_ =	shalt  }
0x56: {  	_ =	shalt  }
0x57: {  	_ =	shalt  }
0x58: {  	_ =	shalt  }
0x59: {  	_ =	shalt  }
0x5a: {  	_ =	shalt  }
0x5b: {  	_ =	shalt  }
0x5c: {  	_ =	shalt  }
0x5d: {  	_ =	shalt  }
0x5e: {  	_ =	shalt  }
0x5f: {  	_ =	shalt  }
0x60: {  	_ =	shalt  }
0x61: {  	_ =	shalt  }
0x62: {  	_ =	shalt  }
0x63: {  	_ =	shalt  }
0x64: {  	_ =	shalt  }
0x65: {  	_ =	shalt  }
0x66: {  	_ =	shalt  }
0x67: {  	_ =	shalt  }
0x68: {  	_ =	shalt  }
0x69: {  	_ =	shalt  }
0x6a: {  	_ =	shalt  }
0x6b: {  	_ =	shalt  }
0x6c: {  	_ =	shalt  }
0x6d: {  	_ =	shalt  }
0x6e: {  	_ =	shalt  }
0x6f: {  	_ =	shalt  }
0x70: {  	_ =	shalt  }
0x71: {  	_ =	shalt  }
0x72: {  	_ =	shalt  }
0x73: {  	_ =	shalt  }
0x74: {  	_ =	shalt  }
0x75: {  	_ =	shalt  }
0x76: {  	_ =	shalt  }
0x77: {  	_ =	shalt  }
0x78: {  	_ =	shalt  }
0x79: {  	_ =	shalt  }
0x7a: {  	_ =	shalt  }
0x7b: {  	_ =	shalt  }
0x7c: {  	_ =	shalt  }
0x7d: {  	_ =	shalt  }
0x7e: {  	_ =	shalt  }
0x7f: {  	_ =	shalt  }
0x80: {  	_ =	shalt  }
0x81: {  	_ =	shalt  }
0x82: {  	_ =	shalt  }
0x83: {  	_ =	shalt  }
0x84: {  	_ =	shalt  }
0x85: {  	_ =	shalt  }
0x86: {  	_ =	shalt  }
0x87: {  	_ =	shalt  }
.Lfunc_end0:
.L_simem_size_0:
called_computation.3_lowered:
.L_overlay_start_0:
0x88: {  	s2 =	sld [smem:$0x3FD9]  }
0x89: {  	s3 =	sld [smem:$0x3FFE];
	_ =	sdelay $0x1  }
0x8a: {  	s1 =	srdreg.scid  }
0x8b: {  	s0 =	sand.u32 $0x1, s1  }
0x8c: {  	s17 =	sshll.u32 s0, $0xA;
	s2 =	sadd.s32 s3, s2  }
0x8d: {  	s2 =	sadd.s32 s2, s17  }
0x8e: {  	[smem:$0x3FB9] =	sst s2  }
0x8f: {  	_ = 	snop  }
0x90: {  	s2 =	sld [smem:$0x3FD0];
	(tm) =	ssettm $0x1  }
0x91: {  	s18 =	sld [smem:$0x3FFB];
	_ =	sdelay $0x3  }
0x92: {  	_ =	strace s18  }
0x93: {  	s3 =	sld [smem:$0x3FFC];
	_ =	sdelay $0x3  }
0x94: {  	_ =	strace s3  }
0x95: {  	s3 =	sld [smem:$0x3FFD];
	_ =	sdelay $0x3  }
0x96: {  	_ =	strace s3  }
0x97: {  	_ =	strace $0x8FFFFFFF  }
0x98: {  	s19 =	sld [smem:$0x3FDB];
	_ =	sdelay $0x1  }
0x99: {  	s4 =	simm.s32 $_scs_section_size  }
0x9a: {  	s5 =	simm.s32 $_size__tile_overlayer_lowered;
	s6 =	simm.s32 $_tile_overlayer_lowered  }
0x9b: {  	s22 =	simm.s32 $0x1BFF;
	s21 =	sshll.u32 s6, $0x1;
	s3 =	sadd.s32 s4, s19  }
0x9c: {  	s7 =	simm.s32 $0x0;
	s20 =	sshll.u32 s5, $0x1;
	s5 =	sadd.s32 s21, s3  }
0x9d: {  	[timem:s7], [sflag:s22] =	dma.local [hbm:s5], s20  }
0x9e: {  	_ =	swait.ge [sflag:s22], s20  }
0x9f: {  	s4 =	ssub.s32 $0x0, s20;
	[sflag:s22] =	ssyncset.done $0x0  }
0xa0: {  	[sflag:s22] =	ssyncadd.s32 s4;
	_ =	sdelay $0x1  }
0xa1: {  	s23 =	simm.s32 $0x1B8B  }
0xa2: {  	_ =	swait.ge [sflag:s23], $0x1  }
0xa3: {  	[sflag:s23] =	ssyncset.done $0x0  }
0xa4: {  	s25 =	simm.s32 $0x1B8E;
	s24 =	sld [smem:$0x3FFE];
	[sflag:s23] =	ssyncadd.s32 $0xFFFFFFFF  }
0xa5: {  	s26 =	simm.s32 $execute0_lowered;
	[smem:$0x3FD2] =	sst s25  }
0xa6: {  	s5 =	sshll.u32 s26, $0x1;
	_ =	strace $0x8000004F;
	[dreg:$0x1] =	wrdreg $0xFFFFFFFF  }
0xa7: {  	s28 =	simm.s32 $_size_execute0_lowered;
	s3 =	sadd.s32 s3, s5;
	[dreg:$0x0] =	wrdreg $0x0  }
0xa8: {  	s5 =	sshll.u32 s28, $0x1;
	[dreg:$0x2] =	wrdreg s3  }
0xa9: {  	[dreg:$0x3] =	wrdreg s5  }
0xaa: {  	[dreg:$0x4] =	wrdreg $0xC0  }
0xab: {  	_ =	task [dreg:s7], $0x5FFFF  }
0xac: {  	[dreg:$0x1] =	wrdreg $0xFFFFFFFF  }
0xad: {  	[dreg:$0x0] =	wrdreg $0x60  }
0xae: {  	[dreg:$0x2] =	wrdreg s24  }
0xaf: {  	[dreg:$0x3] =	wrdreg s2  }
0xb0: {  	[dreg:$0x4] =	wrdreg $0x90000  }
0xb1: {  	[dreg:$0x5] =	wrdreg $0x9  }
0xb2: {  	_ =	task.clear_ibuf [dreg:s7], $0x6FFFF;
	_ =	strace $0x9000004F  }
0xb3: {  	s29 =	simm.s32 $0x9;
	_ =	strace $0x80000051  }
0xb4: {  	_ =	swait.ge [sflag:s29], $0x1  }
0xb5: {  	[sflag:s29] =	ssyncadd.s32 $0xFFFFFFFF  }
0xb6: {  	_ =	strace $0x90000051  }
0xb7: {  	_ =	sfence  }
0xb8: {  	s30 =	sld [smem:$0x0];
	_ =	sdelay $0x2  }
0xb9: {  	s31 =	sshll.u32 s1, $0xD;
	s1 =	sshrl.u32 s1, $0x2  }
0xba: {  	s3 =	sand.u32 $0x4000, s31;
	s1 =	sadd.s32 s1, s30  }
0xbb: {  	s0 =	sor.u32 s3, s0;
	s1 =	sshll.u32 s1, $0x11  }
0xbc: {  	s0 =	sor.u32 s1, s0  }
0xbd: {  	s0 =	sadd.s32 $0x8F2B, s0  }
0xbe: {  	[sflag:s0] =	ssyncadd.remote.s32 $0x1  }
0xbf: {  	_ =	sfence.sel $0xFFFF  }
0xc0: {  	[dreg:$0x0] =	wrdreg $0xFFFFFFFF;
	(pc) =	sbr.abs _section_cstart, $3  }
0xc1: {  	[dreg:$0x1] =	wrdreg $0xFFFFFFFF  }
0xc2: {  	_ =	task.clear_ibuf [dreg:s7], $0x2FFFF;
	_ =	strace $0x9FFFFFFF  }
0xc3: {  	(tm) =	ssettm $0x7FFFFFFF  }
tec
execute0_lowered:
.L_overlay_start_1:
0x0: {  	(tag) =	ssettag $0x1  }
0x1: {  	s0 =	rddreg [dreg:$0x0]  }
0x2: {  	s19 =	rddreg [dreg:$0x1]  }
0x3: {  	s1 =	rddreg [dreg:$0x2];
	s2 =	simm.s32 $0x0;
	s5 =	srdreg.scid  }
0x4: {  	s3 =	stileid.u32;
	s24 =	simm.s32 $0x5000;
	s28 =	simm.s32 $0x0  }
0x5: {  	[smem:$0x7FF] =	sst s2;
	s4 =	sadd.s32 $0xCC00, s0;
	s6 =	smul.u32 $0x50000, s3  }
0x6: {  	s17 =	sadd.s32 $0x2C00, s0;
	s12 =	sand.u32 $0x1, s5;
	s10 =	smul.u32 $0x14000, s3  }
0x7: {  	s0 =	sadd.s32 $0xC0E00, s0;
	s23 =	smul.u32 $0xA, s3;
	_ =	strace $0x80000050  }
0x8: {  	s5 =	ssub.s32 $0x2, s12;
	s8 =	sshll.u32 s12, $0x4;
	s15 =	smul.u32 $0x140000, s12  }
0x9: {  	s22 =	smul.u32 $0xA0, s12;
	s7 =	sshrl.u32 s5, $0x1;
	s8 =	sor.u32 s3, s8  }
0xa: {  	s25 =	sshrl.u32 s6, $0x2;
	s13 =	sadd.s32 $0x4000, s10;
	s14 =	sadd.s32 $0x8000, s10  }
0xb: {  	s16 =	sadd.s32 $0xC000, s10;
	s20 =	sadd.s32 $0x10000, s10;
	s18 =	ssub.s32 s5, s7  }
0xc: {  	s5 =	sadd.s32 s25, s1;
	s6 =	sadd.s32 s13, s1;
	s7 =	sadd.s32 s14, s1  }
0xd: {  	s11 =	smul.u32 $0x500, s8;
	s8 =	sadd.s32 s16, s1;
	s9 =	sadd.s32 s20, s1  }
0xe: {  	s21 =	sadd.s32 s10, s15;
	s13 =	sadd.s32 s15, s13;
	s14 =	sadd.s32 s15, s14  }
0xf: {  	s16 =	sadd.s32 s15, s16;
	s15 =	sadd.s32 s15, s20;
	s26 =	sadd.s32 s23, s22  }
0x10: {  	s22 =	simm.s32 $0x800;
	s23 =	simm.s32 $0x80;
	s25 =	simm.s32 $0x1  }
0x11: {  	s21 =	sshrl.u32 s21, $0x3;
	s13 =	sshrl.u32 s13, $0x3;
	s14 =	sshrl.u32 s14, $0x3  }
0x12: {  	s16 =	sshrl.u32 s16, $0x3;
	s29 =	sshrl.u32 s15, $0x3;
	s20 =	sshll.u32 s26, $0x7  }
0x13: {  	s26 =	simm.s32 $0x2;
	s10 =	sadd.s32 s17, s11;
	s11 =	sadd.s32 s19, s11  }
0x14: {  	s12 =	sadd.s32 s0, s21;
	s13 =	sadd.s32 s0, s13;
	s14 =	sadd.s32 s0, s14  }
0x15: {  	s15 =	sadd.s32 s0, s16;
	s16 =	sadd.s32 s0, s29;
	s30 =	sadd.s32 s20, s17  }
0x16: {  	s17 =	smax.u32 s18, $0x1;
	s31 =	sadd.s32 s20, s19;
	s20 =	simm.s32 $0x1000  }
0x17: {  	v0 =	vimm.f32 $0.0e+00;
	s21 =	simm.s32 $0x4;
	s18 =	sadd.s32 $0x80, s30;
	s19 =	sadd.s32 $0x80, s31  }
.LBB2_1:
0x18: {  	s0 =	simm.s32 $0x0;
	s29 =	simm.s32 $0x200  }
.LBB2_2:
0x19: {  	p0 =	sne.s32 s29, $0xFE00;
	[tilespmem:s0+$0x1070] =	vst v0  }
0x1a: {  	[tilespmem:s0+$0x1000] =	vst v0  }
0x1b: {  	[tilespmem:s0+$0x1010] =	vst v0  }
.Ltmp0:
0x1c: {  	[tilespmem:s0+$0x1020] =	vst v0;
	(pc) =	sbr.rel @p0 .LBB2_2-.Ltmp0, $4  }
0x1d: {  	[tilespmem:s0+$0x1030] =	vst v0  }
0x1e: {  	[tilespmem:s0+$0x1040] =	vst v0  }
0x1f: {  	[tilespmem:s0+$0x1050] =	vst v0  }
0x20: {  	[tilespmem:s0+$0x1060] =	vst v0;
	s0 =	sshra.s32 s29, $0x2;
	s29 =	sadd.s32 $0x200, s29  }
0x21: {  	[tilespmem:s0+$0x1070] =	vst v0  }
0x22: {  	[tilespmem:s0+$0x1000] =	vst v0  }
0x23: {  	[tilespmem:s0+$0x1010] =	vst v0  }
0x24: {  	[tilespmem:s0+$0x1020] =	vst v0  }
0x25: {  	[tilespmem:s0+$0x1030] =	vst v0  }
0x26: {  	[tilespmem:s0+$0x1040] =	vst v0  }
0x27: {  	[tilespmem:s0+$0x1050] =	vst v0  }
0x28: {  	[tilespmem:s0+$0x1060] =	vst v0  }
0x29: {  	[spmem:s5] =	stream.linear.scatter [tilespmem:s20], [sflag:$0x4], $0x4000, $0x38;
	[tilespmem:$0x1D000] =	vst v63  }
0x2a: {  	_ =	swait.ge [sflag:s21], $0x4000  }
0x2b: {  	[sflag:s21] =	ssyncset.done $0x0  }
0x2c: {  	[sflag:s21] =	ssyncadd.s32 $0xFFFFC000  }
0x2d: {  	[spmem:s6] =	stream.linear.scatter [tilespmem:s20], [sflag:$0x4], $0x4000, $0x38;
	[tilespmem:$0x1D000] =	vst v63  }
0x2e: {  	_ =	swait.ge [sflag:s21], $0x4000  }
0x2f: {  	[sflag:s21] =	ssyncset.done $0x0  }
0x30: {  	[sflag:s21] =	ssyncadd.s32 $0xFFFFC000  }
0x31: {  	[spmem:s7] =	stream.linear.scatter [tilespmem:s20], [sflag:$0x4], $0x4000, $0x38;
	[tilespmem:$0x1D000] =	vst v63  }
0x32: {  	_ =	swait.ge [sflag:s21], $0x4000  }
0x33: {  	[sflag:s21] =	ssyncset.done $0x0  }
0x34: {  	[sflag:s21] =	ssyncadd.s32 $0xFFFFC000  }
0x35: {  	[spmem:s8] =	stream.linear.scatter [tilespmem:s20], [sflag:$0x4], $0x4000, $0x38;
	[tilespmem:$0x1D000] =	vst v63  }
0x36: {  	_ =	swait.ge [sflag:s21], $0x4000  }
0x37: {  	[sflag:s21] =	ssyncset.done $0x0  }
0x38: {  	[sflag:s21] =	ssyncadd.s32 $0xFFFFC000  }
0x39: {  	[spmem:s9] =	stream.linear.scatter [tilespmem:s20], [sflag:$0x4], $0x4000, $0x38;
	[tilespmem:$0x1D000] =	vst v63  }
0x3a: {  	_ =	swait.ge [sflag:s21], $0x4000  }
0x3b: {  	[sflag:s21] =	ssyncset.done $0x0  }
0x3c: {  	[sflag:s21] =	ssyncadd.s32 $0xFFFFC000  }
0x3d: {  	[tilespmem:s2], [sflag:$0x4] =	stream.linear.gather [hbm4b:s10+s2], $0x400, $0x38;
	[tilespmem:$0x1D000] =	vst v63  }
0x3e: {  	_ =	swait.ge [sflag:s21], $0x400  }
0x3f: {  	[sflag:s21] =	ssyncset.done $0x0  }
0x40: {  	[sflag:s21] =	ssyncadd.s32 $0xFFFFFC00  }
0x41: {  	[tilespmem:s22], [sflag:$0x4] =	stream.linear.gather [hbm4b:s11+s2], $0x400, $0x38;
	[tilespmem:$0x1D000] =	vst v63  }
0x42: {  	_ =	swait.ge [sflag:s21], $0x400  }
0x43: {  	[sflag:s21] =	ssyncset.done $0x0  }
0x44: {  	s29 =	simm.s32 $0x400;
	[sflag:s21] =	ssyncadd.s32 $0xFFFFFC00  }
0x45: {  	s30 =	smov.u32 s19;
	s31 =	smov.u32 s18;
	[bflag:$0x0] =	sbarrier.arrive $0xFFFF  }
.LBB2_4:
0x46: {  	p0 =	seq.s32 s29, $0x2800  }
0x47: {  	s0 =	sand.u32 @!p0 $0x400, s29;
	s3 =	simm.s32 @!p0 $0x0  }
0x48: {  	[tilespmem:s0], [sflag:$0x3] =	stream.linear.gather @!p0 [hbm4b:s31+s3], $0x400, $0x38;
	[tilespmem:$0x1D000] =	vst v63  }
0x49: {  	s0 =	sor.u32 @!p0 $0x800, s0  }
0x4a: {  	[tilespmem:s0], [sflag:$0x3] =	stream.linear.gather @!p0 [hbm4b:s30+s3], $0x400, $0x38;
	[tilespmem:$0x1D000] =	vst v63  }
0x4b: {  	s3 =	sadd.s32 $0xFFFFFC00, s29  }
0x4c: {  	s0 =	sand.u32 $0x400, s3  }
0x4d: {  	s3 =	sor.u32 $0x800, s0  }
0x4e: {  	[tilespmem:s20], [sflag:$0x1] =	stream.indirect.gather [hbm4b:s4+s23], $0x80, s3, s23, $0xb8;
	[tilespmem:$0x1D000] =	vst v63  }
0x4f: {  	s3 =	sor.u32 $0x880, s0  }
0x50: {  	[tilespmem:s24], [sflag:$0x2] =	stream.indirect.gather [hbm4b:s4+s23], $0x80, s3, s23, $0xb8;
	[tilespmem:$0x1D000] =	vst v63  }
0x51: {  	_ =	swait.ge [sflag:s25], $0x4000  }
0x52: {  	[sflag:s25] =	ssyncset.done $0x0  }
0x53: {  	[sflag:s25] =	ssyncadd.s32 $0xFFFFC000  }
0x54: {  	[spmem:s1] =	stream.indirect.scatter.add.f32 [tilespmem:s20], [sflag:$0x4], $0x80, s0, s23, $0xb8;
	[tilespmem:$0x1D000] =	vst v63  }
0x55: {  	_ =	swait.ge [sflag:s21], $0x4000  }
0x56: {  	[sflag:s21] =	ssyncset.done $0x0  }
0x57: {  	s3 =	sor.u32 $0x900, s0;
	[sflag:s21] =	ssyncadd.s32 $0xFFFFC000  }
0x58: {  	[tilespmem:s20], [sflag:$0x1] =	stream.indirect.gather [hbm4b:s4+s23], $0x80, s3, s23, $0xb8;
	[tilespmem:$0x1D000] =	vst v63  }
0x59: {  	_ =	swait.ge [sflag:s26], $0x4000  }
0x5a: {  	[sflag:s26] =	ssyncset.done $0x0  }
0x5b: {  	s3 =	sor.u32 $0x80, s0;
	[sflag:s26] =	ssyncadd.s32 $0xFFFFC000  }
0x5c: {  	[spmem:s1] =	stream.indirect.scatter.add.f32 [tilespmem:s24], [sflag:$0x4], $0x80, s3, s23, $0xb8;
	[tilespmem:$0x1D000] =	vst v63  }
0x5d: {  	_ =	swait.ge [sflag:s21], $0x4000  }
0x5e: {  	[sflag:s21] =	ssyncset.done $0x0  }
0x5f: {  	s3 =	sor.u32 $0x980, s0;
	[sflag:s21] =	ssyncadd.s32 $0xFFFFC000  }
0x60: {  	[tilespmem:s24], [sflag:$0x2] =	stream.indirect.gather [hbm4b:s4+s23], $0x80, s3, s23, $0xb8;
	[tilespmem:$0x1D000] =	vst v63  }
0x61: {  	_ =	swait.ge [sflag:s25], $0x4000  }
0x62: {  	[sflag:s25] =	ssyncset.done $0x0  }
0x63: {  	s3 =	sor.u32 $0x100, s0;
	[sflag:s25] =	ssyncadd.s32 $0xFFFFC000  }
0x64: {  	[spmem:s1] =	stream.indirect.scatter.add.f32 [tilespmem:s20], [sflag:$0x4], $0x80, s3, s23, $0xb8;
	[tilespmem:$0x1D000] =	vst v63  }
0x65: {  	_ =	swait.ge [sflag:s21], $0x4000  }
0x66: {  	[sflag:s21] =	ssyncset.done $0x0  }
0x67: {  	s3 =	sor.u32 $0xA00, s0;
	[sflag:s21] =	ssyncadd.s32 $0xFFFFC000  }
0x68: {  	[tilespmem:s20], [sflag:$0x1] =	stream.indirect.gather [hbm4b:s4+s23], $0x80, s3, s23, $0xb8;
	[tilespmem:$0x1D000] =	vst v63  }
0x69: {  	_ =	swait.ge [sflag:s26], $0x4000  }
0x6a: {  	[sflag:s26] =	ssyncset.done $0x0  }
0x6b: {  	s3 =	sor.u32 $0x180, s0;
	[sflag:s26] =	ssyncadd.s32 $0xFFFFC000  }
0x6c: {  	[spmem:s1] =	stream.indirect.scatter.add.f32 [tilespmem:s24], [sflag:$0x4], $0x80, s3, s23, $0xb8;
	[tilespmem:$0x1D000] =	vst v63  }
0x6d: {  	_ =	swait.ge [sflag:s21], $0x4000  }
0x6e: {  	[sflag:s21] =	ssyncset.done $0x0  }
0x6f: {  	s3 =	sor.u32 $0xA80, s0;
	[sflag:s21] =	ssyncadd.s32 $0xFFFFC000  }
0x70: {  	[tilespmem:s24], [sflag:$0x2] =	stream.indirect.gather [hbm4b:s4+s23], $0x80, s3, s23, $0xb8;
	[tilespmem:$0x1D000] =	vst v63  }
0x71: {  	_ =	swait.ge [sflag:s25], $0x4000  }
0x72: {  	[sflag:s25] =	ssyncset.done $0x0  }
0x73: {  	s3 =	sor.u32 $0x200, s0;
	[sflag:s25] =	ssyncadd.s32 $0xFFFFC000  }
0x74: {  	[spmem:s1] =	stream.indirect.scatter.add.f32 [tilespmem:s20], [sflag:$0x4], $0x80, s3, s23, $0xb8;
	[tilespmem:$0x1D000] =	vst v63  }
0x75: {  	_ =	swait.ge [sflag:s21], $0x4000  }
0x76: {  	[sflag:s21] =	ssyncset.done $0x0  }
0x77: {  	s3 =	sor.u32 $0xB00, s0;
	[sflag:s21] =	ssyncadd.s32 $0xFFFFC000  }
0x78: {  	[tilespmem:s20], [sflag:$0x1] =	stream.indirect.gather [hbm4b:s4+s23], $0x80, s3, s23, $0xb8;
	[tilespmem:$0x1D000] =	vst v63  }
0x79: {  	_ =	swait.ge [sflag:s26], $0x4000  }
0x7a: {  	[sflag:s26] =	ssyncset.done $0x0  }
0x7b: {  	s3 =	sor.u32 $0x280, s0;
	[sflag:s26] =	ssyncadd.s32 $0xFFFFC000  }
0x7c: {  	[spmem:s1] =	stream.indirect.scatter.add.f32 [tilespmem:s24], [sflag:$0x4], $0x80, s3, s23, $0xb8;
	[tilespmem:$0x1D000] =	vst v63  }
0x7d: {  	_ =	swait.ge [sflag:s21], $0x4000  }
0x7e: {  	[sflag:s21] =	ssyncset.done $0x0  }
0x7f: {  	s3 =	sor.u32 $0xB80, s0;
	[sflag:s21] =	ssyncadd.s32 $0xFFFFC000  }
0x80: {  	[tilespmem:s24], [sflag:$0x2] =	stream.indirect.gather [hbm4b:s4+s23], $0x80, s3, s23, $0xb8;
	[tilespmem:$0x1D000] =	vst v63  }
0x81: {  	_ =	swait.ge [sflag:s25], $0x4000  }
0x82: {  	[sflag:s25] =	ssyncset.done $0x0  }
0x83: {  	s3 =	sor.u32 $0x300, s0;
	[sflag:s25] =	ssyncadd.s32 $0xFFFFC000  }
0x84: {  	[spmem:s1] =	stream.indirect.scatter.add.f32 [tilespmem:s20], [sflag:$0x4], $0x80, s3, s23, $0xb8;
	[tilespmem:$0x1D000] =	vst v63  }
0x85: {  	_ =	swait.ge [sflag:s21], $0x4000  }
0x86: {  	[sflag:s21] =	ssyncset.done $0x0  }
0x87: {  	[sflag:s21] =	ssyncadd.s32 $0xFFFFC000  }
0x88: {  	_ =	swait.ge [sflag:s26], $0x4000  }
0x89: {  	[sflag:s26] =	ssyncset.done $0x0  }
0x8a: {  	s0 =	sor.u32 $0x380, s0;
	[sflag:s26] =	ssyncadd.s32 $0xFFFFC000  }
0x8b: {  	[spmem:s1] =	stream.indirect.scatter.add.f32 [tilespmem:s24], [sflag:$0x4], $0x80, s0, s23, $0xb8;
	[tilespmem:$0x1D000] =	vst v63  }
0x8c: {  	_ =	swait.ge [sflag:s21], $0x4000  }
0x8d: {  	s29 =	sadd.s32 @!p0 $0x400, s29;
	[sflag:s21] =	ssyncset.done $0x0  }
0x8e: {  	p1 =	sne.s32 @!p0 s29, $0x2C00;
	s0 =	simm.s32 @!p0 $0x3;
	[sflag:s21] =	ssyncadd.s32 $0xFFFFC000  }
0x8f: {  	p1 =	por p0, !p1;
	_ =	swait.ge @!p0 [sflag:s0], $0x400  }
.Ltmp1:
0x90: {  	[sflag:s0] =	ssyncset.done @!p0 $0x0;
	(pc) =	sbr.rel @!p1 .LBB2_4-.Ltmp1, $4  }
0x91: {  	[sflag:s0] =	ssyncadd.s32 @!p0 $0xFFFFFC00  }
0x92: {  	_ =	swait.ge @!p0 [sflag:s0], $0x400  }
0x93: {  	[sflag:s0] =	ssyncset.done @!p0 $0x0  }
0x94: {  	s31 =	sadd.s32 @!p0 $0x80, s31;
	s30 =	sadd.s32 @!p0 $0x80, s30;
	[sflag:s0] =	ssyncadd.s32 @!p0 $0xFFFFFC00  }
0x95: {  	[bflag:$0x0] =	sbarrier.arrive $0xFFFF  }
0x96: {  	[tilespmem:s20], [sflag:$0x4] =	stream.linear.gather [spmem:s5], $0x4000, $0x38;
	[tilespmem:$0x1D000] =	vst v63  }
0x97: {  	_ =	swait.ge [sflag:s21], $0x4000  }
0x98: {  	[sflag:s21] =	ssyncset.done $0x0  }
0x99: {  	[sflag:s21] =	ssyncadd.s32 $0xFFFFC000  }
0x9a: {  	[hbm4b:s12+s2] =	stream.linear.scatter [tilespmem:s20], [sflag:$0x4], $0x4000, $0x38;
	[tilespmem:$0x1D000] =	vst v63  }
0x9b: {  	_ =	swait.ge [sflag:s21], $0x4000  }
0x9c: {  	[sflag:s21] =	ssyncset.done $0x0  }
0x9d: {  	[sflag:s21] =	ssyncadd.s32 $0xFFFFC000  }
0x9e: {  	[tilespmem:s20], [sflag:$0x4] =	stream.linear.gather [spmem:s6], $0x4000, $0x38;
	[tilespmem:$0x1D000] =	vst v63  }
0x9f: {  	_ =	swait.ge [sflag:s21], $0x4000  }
0xa0: {  	[sflag:s21] =	ssyncset.done $0x0  }
0xa1: {  	[sflag:s21] =	ssyncadd.s32 $0xFFFFC000  }
0xa2: {  	[hbm4b:s13+s2] =	stream.linear.scatter [tilespmem:s20], [sflag:$0x4], $0x4000, $0x38;
	[tilespmem:$0x1D000] =	vst v63  }
0xa3: {  	_ =	swait.ge [sflag:s21], $0x4000  }
0xa4: {  	[sflag:s21] =	ssyncset.done $0x0  }
0xa5: {  	[sflag:s21] =	ssyncadd.s32 $0xFFFFC000  }
0xa6: {  	[tilespmem:s20], [sflag:$0x4] =	stream.linear.gather [spmem:s7], $0x4000, $0x38;
	[tilespmem:$0x1D000] =	vst v63  }
0xa7: {  	_ =	swait.ge [sflag:s21], $0x4000  }
0xa8: {  	[sflag:s21] =	ssyncset.done $0x0  }
0xa9: {  	[sflag:s21] =	ssyncadd.s32 $0xFFFFC000  }
0xaa: {  	[hbm4b:s14+s2] =	stream.linear.scatter [tilespmem:s20], [sflag:$0x4], $0x4000, $0x38;
	[tilespmem:$0x1D000] =	vst v63  }
0xab: {  	_ =	swait.ge [sflag:s21], $0x4000  }
0xac: {  	[sflag:s21] =	ssyncset.done $0x0  }
0xad: {  	[sflag:s21] =	ssyncadd.s32 $0xFFFFC000  }
0xae: {  	[tilespmem:s20], [sflag:$0x4] =	stream.linear.gather [spmem:s8], $0x4000, $0x38;
	[tilespmem:$0x1D000] =	vst v63  }
0xaf: {  	_ =	swait.ge [sflag:s21], $0x4000  }
0xb0: {  	[sflag:s21] =	ssyncset.done $0x0  }
0xb1: {  	[sflag:s21] =	ssyncadd.s32 $0xFFFFC000  }
0xb2: {  	[hbm4b:s15+s2] =	stream.linear.scatter [tilespmem:s20], [sflag:$0x4], $0x4000, $0x38;
	[tilespmem:$0x1D000] =	vst v63  }
0xb3: {  	_ =	swait.ge [sflag:s21], $0x4000  }
0xb4: {  	[sflag:s21] =	ssyncset.done $0x0  }
0xb5: {  	[sflag:s21] =	ssyncadd.s32 $0xFFFFC000  }
0xb6: {  	[tilespmem:s20], [sflag:$0x4] =	stream.linear.gather [spmem:s9], $0x4000, $0x38;
	[tilespmem:$0x1D000] =	vst v63  }
0xb7: {  	s28 =	sadd.s32 $0x1, s28;
	_ =	swait.ge [sflag:s21], $0x4000  }
0xb8: {  	p0 =	sne.s32 s28, s17;
	[sflag:s21] =	ssyncset.done $0x0  }
.Ltmp2:
0xb9: {  	[sflag:s21] =	ssyncadd.s32 $0xFFFFC000;
	(pc) =	sbr.rel @p0 .LBB2_1-.Ltmp2, $4  }
0xba: {  	[hbm4b:s16+s2] =	stream.linear.scatter [tilespmem:s20], [sflag:$0x4], $0x4000, $0x38;
	[tilespmem:$0x1D000] =	vst v63  }
0xbb: {  	_ =	swait.ge [sflag:s21], $0x4000  }
0xbc: {  	[sflag:s21] =	ssyncset.done $0x0  }
0xbd: {  	[sflag:s21] =	ssyncadd.s32 $0xFFFFC000  }
0xbe: {  	_ =	sfence.sel $0x180000  }
0xbf: {  	[bflag:$0x0] =	sbarrier.arrive $0xFFFF  }
0xc0: {  	_ =	strace $0x90000050  }
0xc1: {  	s0 =	stileid.u32;
	[bflag:$0x2] =	sbarrier.arrive $0xFFFF  }
0xc2: {  	p0 =	sne.s32 s0, $0x0;
	s0 =	rddreg [dreg:$0x3]  }
0xc3: {  	s0 =	sadd.s32 @!p0 $0x100000, s0  }
0xc4: {  	[sflag:s0] =	ssyncadd.tile.s32 @!p0 $0x1;
	_ =	shalt  }
.Lfunc_end2:
_tile_overlayer_lowered:
.L_overlay_start_2:
0xc5: {  	(tag) =	ssettag $0x2  }
0xc6: {  	s0 =	rddreg [dreg:$0x0];
	s2 =	stileid.u32  }
0xc7: {  	s1 =	rddreg [dreg:$0x1];
	p0 =	sne.s32 s2, $0x0  }
0xc8: {  	s3 =	rddreg [dreg:$0x2];
	[bflag:$0x3] =	sbarrier.arrive $0xFFFF;
	s2 =	simm.s32 @!p0 $0x1C04  }
0xc9: {  	[timem:s3], [sflag:s2] =	dma.local @!p0 [hbm:s0], s1  }
0xca: {  	s0 =	simm.s32 @!p0 $0x4  }
0xcb: {  	_ =	swait.ge @!p0 [sflag:s0], s1  }
0xcc: {  	s1 =	ssub.s32 @!p0 $0x0, s1;
	[sflag:s0] =	ssyncset.done @!p0 $0x0  }
0xcd: {  	[sflag:s0] =	ssyncadd.s32 @!p0 s1  }
0xce: {  	[bflag:$0x3] =	sbarrier.arrive $0xFFFF  }
0xcf: {  	_ =	shalt  }

// kernel: kernel.8.cloned.1.call-start
scs
__scs_entry_jumppad:
0x0: {  	(pc) =	sbr.rel $0x88, $3  }
0x1: {  	(tag) =	ssettag $0x0;
	lr =	simm.s32 $0x1  }
0x2: {  	[smem:$0x3F92] =	sst lr;
	_ =	strace $0xD0000000  }
0x3: {  	_ = 	snop  }
0x4: {  	_ = 	snop  }
0x5: {  	_ = 	snop  }
0x6: {  	_ = 	snop  }
0x7: {  	_ = 	snop  }
__scs_overlays_trampoline_lowered:
0x8: {  	[smem:$0x3FA1] =	sst s0  }
0x9: {  	[smem:$0x3FA2] =	sst s1  }
0xa: {  	[smem:$0x3FA3] =	sst s2  }
0xb: {  	[smem:$0x3FA4] =	sst s3  }
0xc: {  	[smem:$0x3FA5] =	sst s4  }
0xd: {  	[smem:$0x3FA6] =	sst s5  }
0xe: {  	[smem:$0x3FA7] =	sst s6  }
0xf: {  	[smem:$0x3FA8] =	sst s7  }
0x10: {  	[smem:$0x3FA9] =	sst s8  }
0x11: {  	[smem:$0x3FAA] =	sst s9;
	s0 =	simm.s32 @!p0 $0x0  }
0x12: {  	s1 =	sld [smem:$0x3F90];
	s0 =	simm.s32 @p0 $0x1  }
0x13: {  	[smem:$0x3FAB] =	sst s0;
	s0 =	simm.s32 @!p1 $0x0  }
0x14: {  	s2 =	sld [smem:$0x3F8F];
	s0 =	simm.s32 @p1 $0x1  }
0x15: {  	[smem:$0x3FAC] =	sst s0;
	s0 =	simm.s32 @!p2 $0x0  }
0x16: {  	s3 =	sld [smem:$0x3FDB];
	s0 =	simm.s32 @p2 $0x1  }
0x17: {  	s4 =	simm.s32 $0x1BF5;
	[smem:$0x3FAE] =	sst s0  }
0x18: {  	s0 =	sld [smem:$0x3F91];
	_ =	swait.ge [sflag:s4], $0x0  }
0x19: {  	s7 =	sld [smem:$0x3F92]  }
0x1a: {  	s8 =	sadd.s32 $0xFFFFE003, lr  }
0x1b: {  	s9 =	sadd.s32 $0xFFFFFEF7, lr;
	s5 =	simm.s32 $0xFFFFFFFF;
	p2 =	slt.u32 s8, $0xFFFFF086  }
0x1c: {  	p1 =	slt.u32 s9, $0xF7A;
	s5 =	simm.s32 @!p2 $0x0  }
0x1d: {  	s5 =	simm.s32 @p1 $0x1;
	p0 =	seq.s32 s7, s2  }
0x1e: {  	s7 =	smul.u32 @!p0 $0xF7A, s2;
	p2 =	seq.s32 @!p0 s5, $0x0  }
0x1f: {  	s9 =	smul.u32 $0xF7A, s1;
	s8 =	simm.s32 @!p0 $0x1BF5;
	p2 =	por !p2, p0  }
0x20: {  	[sflag:s8] =	ssyncset.s32 @!p0 $0xFFFFF086;
	s6 =	sadd.s32 @!p0 s3, s7;
	s7 =	simm.s32 @!p0 $0x108  }
0x21: {  	s3 =	sadd.s32 s3, s9;
	s6 =	sadd.s32 @!p0 $0x88, s6;
	s7 =	simm.s32 @p2 $0x1082  }
0x22: {  	[simem:s7], [sflag:s8] =	dma.local @!p0 [hbm:s6], $0xF7A  }
0x23: {  	s9 =	sor.u32 $0xD0000000, s2;
	s6 =	simm.s32 $0x108;
	_ =	swait.ge @!p0 [sflag:s8], $0x0  }
0x24: {  	s3 =	sadd.s32 $0x88, s3;
	s6 =	simm.s32 @!p1 $0x1082;
	[sflag:s4] =	ssyncset.s32 $0xFFFFF086  }
0x25: {  	[simem:s6], [sflag:s4] =	dma.local [hbm:s3], $0xF7A  }
0x26: {  	[smem:$0x3F92] =	sst s1;
	(tag) =	ssettag s2;
	_ =	strace s9  }
0x27: {  	s1 =	sld [smem:$0x3FA2]  }
0x28: {  	s2 =	sld [smem:$0x3FA3]  }
0x29: {  	s4 =	sld [smem:$0x3FA5]  }
0x2a: {  	p0 =	seq.s32 s5, $0x0;
	s5 =	sld [smem:$0x3FA6]  }
0x2b: {  	s6 =	sld [smem:$0x3FA7]  }
0x2c: {  	s7 =	sld [smem:$0x3FA8]  }
0x2d: {  	s3 =	simm.s32 $0x108;
	s8 =	sld [smem:$0x3FA9]  }
0x2e: {  	s3 =	simm.s32 @!p0 $0x1082;
	s9 =	sld [smem:$0x3FAA]  }
0x2f: {  	lr =	sadd.s32 s0, s3;
	s0 =	sld [smem:$0x3FA1]  }
0x30: {  	s3 =	sld [smem:$0x3FA4]  }
0x31: {  	[smem:$0x3FAD] =	sst s10  }
0x32: {  	s10 =	sld [smem:$0x3FAB];
	_ =	sdelay $0x3  }
0x33: {  	p0 =	seq.s32 s10, $0x1;
	s10 =	sld [smem:$0x3FAD];
	_ =	sdelay $0x3  }
0x34: {  	[smem:$0x3FAD] =	sst s10  }
0x35: {  	s10 =	sld [smem:$0x3FAC];
	_ =	sdelay $0x3  }
0x36: {  	p1 =	seq.s32 s10, $0x1;
	s10 =	sld [smem:$0x3FAD];
	_ =	sdelay $0x3  }
0x37: {  	[smem:$0x3FAD] =	sst s10  }
0x38: {  	s10 =	sld [smem:$0x3FAE]  }
0x39: {  	_ = 	snop;
	(pc) =	sbr.ind lr, $3  }
0x3a: {  	_ = 	snop  }
0x3b: {  	_ = 	snop  }
0x3c: {  	p2 =	seq.s32 s10, $0x1;
	s10 =	sld [smem:$0x3FAD]  }
0x3d: {  	_ =	shalt  }
0x3e: {  	_ =	shalt  }
0x3f: {  	_ =	shalt  }
0x40: {  	_ =	shalt  }
0x41: {  	_ =	shalt  }
0x42: {  	_ =	shalt  }
0x43: {  	_ =	shalt  }
0x44: {  	_ =	shalt  }
0x45: {  	_ =	shalt  }
0x46: {  	_ =	shalt  }
0x47: {  	_ =	shalt  }
0x48: {  	_ =	shalt  }
0x49: {  	_ =	shalt  }
0x4a: {  	_ =	shalt  }
0x4b: {  	_ =	shalt  }
0x4c: {  	_ =	shalt  }
0x4d: {  	_ =	shalt  }
0x4e: {  	_ =	shalt  }
0x4f: {  	_ =	shalt  }
0x50: {  	_ =	shalt  }
0x51: {  	_ =	shalt  }
0x52: {  	_ =	shalt  }
0x53: {  	_ =	shalt  }
0x54: {  	_ =	shalt  }
0x55: {  	_ =	shalt  }
0x56: {  	_ =	shalt  }
0x57: {  	_ =	shalt  }
0x58: {  	_ =	shalt  }
0x59: {  	_ =	shalt  }
0x5a: {  	_ =	shalt  }
0x5b: {  	_ =	shalt  }
0x5c: {  	_ =	shalt  }
0x5d: {  	_ =	shalt  }
0x5e: {  	_ =	shalt  }
0x5f: {  	_ =	shalt  }
0x60: {  	_ =	shalt  }
0x61: {  	_ =	shalt  }
0x62: {  	_ =	shalt  }
0x63: {  	_ =	shalt  }
0x64: {  	_ =	shalt  }
0x65: {  	_ =	shalt  }
0x66: {  	_ =	shalt  }
0x67: {  	_ =	shalt  }
0x68: {  	_ =	shalt  }
0x69: {  	_ =	shalt  }
0x6a: {  	_ =	shalt  }
0x6b: {  	_ =	shalt  }
0x6c: {  	_ =	shalt  }
0x6d: {  	_ =	shalt  }
0x6e: {  	_ =	shalt  }
0x6f: {  	_ =	shalt  }
0x70: {  	_ =	shalt  }
0x71: {  	_ =	shalt  }
0x72: {  	_ =	shalt  }
0x73: {  	_ =	shalt  }
0x74: {  	_ =	shalt  }
0x75: {  	_ =	shalt  }
0x76: {  	_ =	shalt  }
0x77: {  	_ =	shalt  }
0x78: {  	_ =	shalt  }
0x79: {  	_ =	shalt  }
0x7a: {  	_ =	shalt  }
0x7b: {  	_ =	shalt  }
0x7c: {  	_ =	shalt  }
0x7d: {  	_ =	shalt  }
0x7e: {  	_ =	shalt  }
0x7f: {  	_ =	shalt  }
0x80: {  	_ =	shalt  }
0x81: {  	_ =	shalt  }
0x82: {  	_ =	shalt  }
0x83: {  	_ =	shalt  }
0x84: {  	_ =	shalt  }
0x85: {  	_ =	shalt  }
0x86: {  	_ =	shalt  }
0x87: {  	_ =	shalt  }
.Lfunc_end0:
.L_simem_size_0:
called_computation.1_lowered:
.L_overlay_start_0:
0x88: {  	s2 =	sld [smem:$0x3FD9]  }
0x89: {  	s3 =	sld [smem:$0x3FFE];
	_ =	sdelay $0x1  }
0x8a: {  	s1 =	srdreg.scid  }
0x8b: {  	s0 =	sand.u32 $0x1, s1  }
0x8c: {  	s17 =	sshll.u32 s0, $0xA;
	s2 =	sadd.s32 s3, s2  }
0x8d: {  	s2 =	sadd.s32 s2, s17  }
0x8e: {  	[smem:$0x3FB9] =	sst s2  }
0x8f: {  	_ = 	snop  }
0x90: {  	s4 =	sld [smem:$0x3FC9]  }
0x91: {  	s18 =	sld [smem:$0x3FD0];
	(tm) =	ssettm $0x1  }
0x92: {  	s19 =	sld [smem:$0x3FFB];
	_ =	sdelay $0x3  }
0x93: {  	_ =	strace s19  }
0x94: {  	s2 =	sld [smem:$0x3FFC];
	_ =	sdelay $0x3  }
0x95: {  	_ =	strace s2  }
0x96: {  	s2 =	sld [smem:$0x3FFD];
	_ =	sdelay $0x3  }
0x97: {  	_ =	strace s2  }
0x98: {  	_ =	strace $0x8FFFFFFF  }
0x99: {  	s20 =	sld [smem:$0x3FDB];
	_ =	sdelay $0x1  }
0x9a: {  	s5 =	simm.s32 $_scs_section_size  }
0x9b: {  	s6 =	simm.s32 $_size__tile_overlayer_lowered;
	s7 =	simm.s32 $_tile_overlayer_lowered  }
0x9c: {  	s8 =	simm.s32 $0x1BFF;
	s21 =	sshll.u32 s7, $0x1;
	s5 =	sadd.s32 s5, s20  }
0x9d: {  	s22 =	simm.s32 $0x0;
	s6 =	sshll.u32 s6, $0x1;
	s7 =	sadd.s32 s21, s5  }
0x9e: {  	[timem:s22], [sflag:s8] =	dma.local [hbm:s7], s6  }
0x9f: {  	_ =	swait.ge [sflag:s8], s6  }
0xa0: {  	s6 =	ssub.s32 $0x0, s6;
	[sflag:s8] =	ssyncset.done $0x0  }
0xa1: {  	[sflag:s8] =	ssyncadd.s32 s6;
	_ =	sdelay $0x1  }
0xa2: {  	s23 =	simm.s32 $0x1B8B  }
0xa3: {  	_ =	swait.ge [sflag:s23], $0x1  }
0xa4: {  	[sflag:s23] =	ssyncset.done $0x0  }
0xa5: {  	[sflag:s23] =	ssyncadd.s32 $0xFFFFFFFF  }
0xa6: {  	s6 =	sld [smem:$0x0]  }
0xa7: {  	s7 =	sand.u32 $0xFFFFFFFE, s1  }
0xa8: {  	p0 =	sne.s32 s1, s7  }
0xa9: {  	s7 =	sshll.u32 @p0 s7, $0xE  }
0xaa: {  	s7 =	sadd.s32 @p0 $0x11B8D, s7;
	s8 =	sshll.u32 @p0 s6, $0x11  }
0xab: {  	s7 =	sor.u32 @p0 s8, s7  }
0xac: {  	[sflag:s7] =	ssyncadd.remote.s32 @p0 $0x1;
	_ =	sdelay $0x1  }
0xad: {  	s7 =	simm.s32 @p0 $0x1B8D  }
0xae: {  	_ =	swait.eq @p0 [sflag:s7], $0x1  }
0xaf: {  	[sflag:s7] =	ssyncadd.s32 @p0 $0xFFFFFFFF  }
0xb0: {  	s8 =	sshll.u32 @!p0 s1, $0xE  }
0xb1: {  	s8 =	sor.u32 @!p0 $0x4000, s8;
	s7 =	simm.s32 @!p0 $0x1B8D  }
0xb2: {  	s6 =	sshll.u32 @!p0 s6, $0x11;
	s8 =	sadd.s32 @!p0 $0x11B8D, s8;
	_ =	swait.eq @!p0 [sflag:s7], $0x1  }
0xb3: {  	s6 =	sor.u32 @!p0 s6, s8;
	[sflag:s7] =	ssyncadd.s32 @!p0 $0xFFFFFFFF  }
0xb4: {  	s25 =	simm.s32 $0x1B8E;
	s24 =	sld [smem:$0x3FFE];
	[sflag:s6] =	ssyncadd.remote.s32 @!p0 $0x1  }
0xb5: {  	s26 =	simm.s32 $execute0_lowered;
	[smem:$0x3FD2] =	sst s25  }
0xb6: {  	s7 =	sshll.u32 s26, $0x1;
	_ =	strace $0x80000049;
	[dreg:$0x1] =	wrdreg $0xFFFFFFFF  }
0xb7: {  	s28 =	simm.s32 $_size_execute0_lowered;
	s5 =	sadd.s32 s5, s7;
	[dreg:$0x0] =	wrdreg $0x0  }
0xb8: {  	s7 =	sshll.u32 s28, $0x1;
	[dreg:$0x2] =	wrdreg s5  }
0xb9: {  	[dreg:$0x3] =	wrdreg s7  }
0xba: {  	[dreg:$0x4] =	wrdreg $0xC0  }
0xbb: {  	_ =	task [dreg:s22], $0x5FFFF  }
0xbc: {  	[dreg:$0x1] =	wrdreg $0xFFFFFFFF  }
0xbd: {  	[dreg:$0x0] =	wrdreg $0x60  }
0xbe: {  	[dreg:$0x2] =	wrdreg s4  }
0xbf: {  	[dreg:$0x3] =	wrdreg s24  }
0xc0: {  	[dreg:$0x4] =	wrdreg s18  }
0xc1: {  	[dreg:$0x5] =	wrdreg $0x90000  }
0xc2: {  	[dreg:$0x6] =	wrdreg $0xA  }
0xc3: {  	_ =	task.clear_ibuf [dreg:s22], $0x7FFFF;
	_ =	strace $0x90000049  }
0xc4: {  	s29 =	simm.s32 $0xA;
	_ =	strace $0x8000004B  }
0xc5: {  	_ =	swait.ge [sflag:s29], $0x1  }
0xc6: {  	[sflag:s29] =	ssyncadd.s32 $0xFFFFFFFF  }
0xc7: {  	_ =	strace $0x9000004B  }
0xc8: {  	_ =	sfence  }
0xc9: {  	s30 =	sld [smem:$0x0];
	_ =	sdelay $0x2  }
0xca: {  	s31 =	sshll.u32 s1, $0xD;
	s1 =	sshrl.u32 s1, $0x2  }
0xcb: {  	s4 =	sand.u32 $0x4000, s31;
	s1 =	sadd.s32 s1, s30  }
0xcc: {  	s0 =	sor.u32 s4, s0;
	s1 =	sshll.u32 s1, $0x11  }
0xcd: {  	s0 =	sor.u32 s1, s0  }
0xce: {  	s0 =	sadd.s32 $0x8F2B, s0  }
0xcf: {  	[sflag:s0] =	ssyncadd.remote.s32 $0x1  }
0xd0: {  	_ =	sfence.sel $0xFFFF  }
0xd1: {  	[dreg:$0x0] =	wrdreg $0xFFFFFFFF;
	(pc) =	sbr.abs _section_cstart, $3  }
0xd2: {  	[dreg:$0x1] =	wrdreg $0xFFFFFFFF  }
0xd3: {  	_ =	task.clear_ibuf [dreg:s22], $0x2FFFF;
	_ =	strace $0x9FFFFFFF  }
0xd4: {  	(tm) =	ssettm $0x7FFFFFFF  }
0xd5: {  	_ =	shalt  }
tec
execute0_lowered:
.L_overlay_start_1:
0x0: {  	(tag) =	ssettag $0x1  }
0x1: {  	s1 =	rddreg [dreg:$0x0]  }
0x2: {  	s0 =	rddreg [dreg:$0x1]  }
0x3: {  	s19 =	rddreg [dreg:$0x2]  }
0x4: {  	s2 =	rddreg [dreg:$0x3];
	s3 =	simm.s32 $0x0  }
0x5: {  	s5 =	srdreg.scid;
	s4 =	stileid.u32;
	s24 =	simm.s32 $0x5000  }
0x6: {  	s28 =	simm.s32 $0x0;
	[smem:$0x7FF] =	sst s3;
	s6 =	smul.u32 $0x50000, s4  }
0x7: {  	s17 =	sadd.s32 $0x2C00, s0;
	s12 =	sand.u32 $0x1, s5;
	s10 =	smul.u32 $0x14000, s4  }
0x8: {  	s0 =	sadd.s32 $0x20E00, s0;
	s23 =	smul.u32 $0xA, s4;
	_ =	strace $0x8000004A  }
0x9: {  	s5 =	ssub.s32 $0x2, s12;
	s8 =	sshll.u32 s12, $0x4;
	s15 =	smul.u32 $0x140000, s12  }
0xa: {  	s22 =	smul.u32 $0xA0, s12;
	s7 =	sshrl.u32 s5, $0x1;
	s8 =	sor.u32 s4, s8  }
0xb: {  	s25 =	sshrl.u32 s6, $0x2;
	s13 =	sadd.s32 $0x4000, s10;
	s14 =	sadd.s32 $0x8000, s10  }
0xc: {  	s16 =	sadd.s32 $0xC000, s10;
	s20 =	sadd.s32 $0x10000, s10;
	s18 =	ssub.s32 s5, s7  }
0xd: {  	s5 =	sadd.s32 s25, s2;
	s6 =	sadd.s32 s13, s2;
	s7 =	sadd.s32 s14, s2  }
0xe: {  	s11 =	smul.u32 $0x500, s8;
	s8 =	sadd.s32 s16, s2;
	s9 =	sadd.s32 s20, s2  }
0xf: {  	s21 =	sadd.s32 s10, s15;
	s13 =	sadd.s32 s15, s13;
	s14 =	sadd.s32 s15, s14  }
0x10: {  	s16 =	sadd.s32 s15, s16;
	s15 =	sadd.s32 s15, s20;
	s26 =	sadd.s32 s23, s22  }
0x11: {  	s22 =	simm.s32 $0x800;
	s23 =	simm.s32 $0x80;
	s25 =	simm.s32 $0x1  }
0x12: {  	s21 =	sshrl.u32 s21, $0x3;
	s13 =	sshrl.u32 s13, $0x3;
	s14 =	sshrl.u32 s14, $0x3  }
0x13: {  	s16 =	sshrl.u32 s16, $0x3;
	s29 =	sshrl.u32 s15, $0x3;
	s20 =	sshll.u32 s26, $0x7  }
0x14: {  	s26 =	simm.s32 $0x2;
	s10 =	sadd.s32 s17, s11;
	s11 =	sadd.s32 s19, s11  }
0x15: {  	s12 =	sadd.s32 s0, s21;
	s13 =	sadd.s32 s0, s13;
	s14 =	sadd.s32 s0, s14  }
0x16: {  	s15 =	sadd.s32 s0, s16;
	s16 =	sadd.s32 s0, s29;
	s30 =	sadd.s32 s20, s17  }
0x17: {  	s17 =	smax.u32 s18, $0x1;
	s31 =	sadd.s32 s20, s19;
	s20 =	simm.s32 $0x1000  }
0x18: {  	v0 =	vimm.f32 $0.0e+00;
	s21 =	simm.s32 $0x4;
	s18 =	sadd.s32 $0x80, s30;
	s19 =	sadd.s32 $0x80, s31  }
.LBB2_1:
0x19: {  	s0 =	simm.s32 $0x0;
	s29 =	simm.s32 $0x200  }
.LBB2_2:
0x1a: {  	p0 =	sne.s32 s29, $0xFE00;
	[tilespmem:s0+$0x1070] =	vst v0  }
0x1b: {  	[tilespmem:s0+$0x1000] =	vst v0  }
0x1c: {  	[tilespmem:s0+$0x1010] =	vst v0  }
.Ltmp0:
0x1d: {  	[tilespmem:s0+$0x1020] =	vst v0;
	(pc) =	sbr.rel @p0 .LBB2_2-.Ltmp0, $4  }
0x1e: {  	[tilespmem:s0+$0x1030] =	vst v0  }
0x1f: {  	[tilespmem:s0+$0x1040] =	vst v0  }
0x20: {  	[tilespmem:s0+$0x1050] =	vst v0  }
0x21: {  	[tilespmem:s0+$0x1060] =	vst v0;
	s0 =	sshra.s32 s29, $0x2;
	s29 =	sadd.s32 $0x200, s29  }
0x22: {  	[tilespmem:s0+$0x1070] =	vst v0  }
0x23: {  	[tilespmem:s0+$0x1000] =	vst v0  }
0x24: {  	[tilespmem:s0+$0x1010] =	vst v0  }
0x25: {  	[tilespmem:s0+$0x1020] =	vst v0  }
0x26: {  	[tilespmem:s0+$0x1030] =	vst v0  }
0x27: {  	[tilespmem:s0+$0x1040] =	vst v0  }
0x28: {  	[tilespmem:s0+$0x1050] =	vst v0  }
0x29: {  	[tilespmem:s0+$0x1060] =	vst v0  }
0x2a: {  	[spmem:s5] =	stream.linear.scatter [tilespmem:s20], [sflag:$0x4], $0x4000, $0x38;
	[tilespmem:$0x1D000] =	vst v63  }
0x2b: {  	_ =	swait.ge [sflag:s21], $0x4000  }
0x2c: {  	[sflag:s21] =	ssyncset.done $0x0  }
0x2d: {  	[sflag:s21] =	ssyncadd.s32 $0xFFFFC000  }
0x2e: {  	[spmem:s6] =	stream.linear.scatter [tilespmem:s20], [sflag:$0x4], $0x4000, $0x38;
	[tilespmem:$0x1D000] =	vst v63  }
0x2f: {  	_ =	swait.ge [sflag:s21], $0x4000  }
0x30: {  	[sflag:s21] =	ssyncset.done $0x0  }
0x31: {  	[sflag:s21] =	ssyncadd.s32 $0xFFFFC000  }
0x32: {  	[spmem:s7] =	stream.linear.scatter [tilespmem:s20], [sflag:$0x4], $0x4000, $0x38;
	[tilespmem:$0x1D000] =	vst v63  }
0x33: {  	_ =	swait.ge [sflag:s21], $0x4000  }
0x34: {  	[sflag:s21] =	ssyncset.done $0x0  }
0x35: {  	[sflag:s21] =	ssyncadd.s32 $0xFFFFC000  }
0x36: {  	[spmem:s8] =	stream.linear.scatter [tilespmem:s20], [sflag:$0x4], $0x4000, $0x38;
	[tilespmem:$0x1D000] =	vst v63  }
0x37: {  	_ =	swait.ge [sflag:s21], $0x4000  }
0x38: {  	[sflag:s21] =	ssyncset.done $0x0  }
0x39: {  	[sflag:s21] =	ssyncadd.s32 $0xFFFFC000  }
0x3a: {  	[spmem:s9] =	stream.linear.scatter [tilespmem:s20], [sflag:$0x4], $0x4000, $0x38;
	[tilespmem:$0x1D000] =	vst v63  }
0x3b: {  	_ =	swait.ge [sflag:s21], $0x4000  }
0x3c: {  	[sflag:s21] =	ssyncset.done $0x0  }
0x3d: {  	[sflag:s21] =	ssyncadd.s32 $0xFFFFC000  }
0x3e: {  	[tilespmem:s3], [sflag:$0x4] =	stream.linear.gather [hbm4b:s10+s3], $0x400, $0x38;
	[tilespmem:$0x1D000] =	vst v63  }
0x3f: {  	_ =	swait.ge [sflag:s21], $0x400  }
0x40: {  	[sflag:s21] =	ssyncset.done $0x0  }
0x41: {  	[sflag:s21] =	ssyncadd.s32 $0xFFFFFC00  }
0x42: {  	[tilespmem:s22], [sflag:$0x4] =	stream.linear.gather [hbm4b:s11+s3], $0x400, $0x38;
	[tilespmem:$0x1D000] =	vst v63  }
0x43: {  	_ =	swait.ge [sflag:s21], $0x400  }
0x44: {  	[sflag:s21] =	ssyncset.done $0x0  }
0x45: {  	s29 =	simm.s32 $0x400;
	[sflag:s21] =	ssyncadd.s32 $0xFFFFFC00  }
0x46: {  	s30 =	smov.u32 s19;
	s31 =	smov.u32 s18;
	[bflag:$0x0] =	sbarrier.arrive $0xFFFF  }
.LBB2_4:
0x47: {  	p0 =	seq.s32 s29, $0x2800  }
0x48: {  	s0 =	sand.u32 @!p0 $0x400, s29;
	s4 =	simm.s32 @!p0 $0x0  }
0x49: {  	[tilespmem:s0], [sflag:$0x3] =	stream.linear.gather @!p0 [hbm4b:s31+s4], $0x400, $0x38;
	[tilespmem:$0x1D000] =	vst v63  }
0x4a: {  	s0 =	sor.u32 @!p0 $0x800, s0  }
0x4b: {  	[tilespmem:s0], [sflag:$0x3] =	stream.linear.gather @!p0 [hbm4b:s30+s4], $0x400, $0x38;
	[tilespmem:$0x1D000] =	vst v63  }
0x4c: {  	s4 =	sadd.s32 $0xFFFFFC00, s29  }
0x4d: {  	s0 =	sand.u32 $0x400, s4  }
0x4e: {  	s4 =	sor.u32 $0x800, s0  }
0x4f: {  	[tilespmem:s20], [sflag:$0x1] =	stream.indirect.gather [hbm4b:s1+s23], $0x80, s4, s23, $0xb8;
	[tilespmem:$0x1D000] =	vst v63  }
0x50: {  	s4 =	sor.u32 $0x880, s0  }
0x51: {  	[tilespmem:s24], [sflag:$0x2] =	stream.indirect.gather [hbm4b:s1+s23], $0x80, s4, s23, $0xb8;
	[tilespmem:$0x1D000] =	vst v63  }
0x52: {  	_ =	swait.ge [sflag:s25], $0x4000  }
0x53: {  	[sflag:s25] =	ssyncset.done $0x0  }
0x54: {  	[sflag:s25] =	ssyncadd.s32 $0xFFFFC000  }
0x55: {  	[spmem:s2] =	stream.indirect.scatter.add.f32 [tilespmem:s20], [sflag:$0x4], $0x80, s0, s23, $0xb8;
	[tilespmem:$0x1D000] =	vst v63  }
0x56: {  	_ =	swait.ge [sflag:s21], $0x4000  }
0x57: {  	[sflag:s21] =	ssyncset.done $0x0  }
0x58: {  	s4 =	sor.u32 $0x900, s0;
	[sflag:s21] =	ssyncadd.s32 $0xFFFFC000  }
0x59: {  	[tilespmem:s20], [sflag:$0x1] =	stream.indirect.gather [hbm4b:s1+s23], $0x80, s4, s23, $0xb8;
	[tilespmem:$0x1D000] =	vst v63  }
0x5a: {  	_ =	swait.ge [sflag:s26], $0x4000  }
0x5b: {  	[sflag:s26] =	ssyncset.done $0x0  }
0x5c: {  	s4 =	sor.u32 $0x80, s0;
	[sflag:s26] =	ssyncadd.s32 $0xFFFFC000  }
0x5d: {  	[spmem:s2] =	stream.indirect.scatter.add.f32 [tilespmem:s24], [sflag:$0x4], $0x80, s4, s23, $0xb8;
	[tilespmem:$0x1D000] =	vst v63  }
0x5e: {  	_ =	swait.ge [sflag:s21], $0x4000  }
0x5f: {  	[sflag:s21] =	ssyncset.done $0x0  }
0x60: {  	s4 =	sor.u32 $0x980, s0;
	[sflag:s21] =	ssyncadd.s32 $0xFFFFC000  }
0x61: {  	[tilespmem:s24], [sflag:$0x2] =	stream.indirect.gather [hbm4b:s1+s23], $0x80, s4, s23, $0xb8;
	[tilespmem:$0x1D000] =	vst v63  }
0x62: {  	_ =	swait.ge [sflag:s25], $0x4000  }
0x63: {  	[sflag:s25] =	ssyncset.done $0x0  }
0x64: {  	s4 =	sor.u32 $0x100, s0;
	[sflag:s25] =	ssyncadd.s32 $0xFFFFC000  }
0x65: {  	[spmem:s2] =	stream.indirect.scatter.add.f32 [tilespmem:s20], [sflag:$0x4], $0x80, s4, s23, $0xb8;
	[tilespmem:$0x1D000] =	vst v63  }
0x66: {  	_ =	swait.ge [sflag:s21], $0x4000  }
0x67: {  	[sflag:s21] =	ssyncset.done $0x0  }
0x68: {  	s4 =	sor.u32 $0xA00, s0;
	[sflag:s21] =	ssyncadd.s32 $0xFFFFC000  }
0x69: {  	[tilespmem:s20], [sflag:$0x1] =	stream.indirect.gather [hbm4b:s1+s23], $0x80, s4, s23, $0xb8;
	[tilespmem:$0x1D000] =	vst v63  }
0x6a: {  	_ =	swait.ge [sflag:s26], $0x4000  }
0x6b: {  	[sflag:s26] =	ssyncset.done $0x0  }
0x6c: {  	s4 =	sor.u32 $0x180, s0;
	[sflag:s26] =	ssyncadd.s32 $0xFFFFC000  }
0x6d: {  	[spmem:s2] =	stream.indirect.scatter.add.f32 [tilespmem:s24], [sflag:$0x4], $0x80, s4, s23, $0xb8;
	[tilespmem:$0x1D000] =	vst v63  }
0x6e: {  	_ =	swait.ge [sflag:s21], $0x4000  }
0x6f: {  	[sflag:s21] =	ssyncset.done $0x0  }
0x70: {  	s4 =	sor.u32 $0xA80, s0;
	[sflag:s21] =	ssyncadd.s32 $0xFFFFC000  }
0x71: {  	[tilespmem:s24], [sflag:$0x2] =	stream.indirect.gather [hbm4b:s1+s23], $0x80, s4, s23, $0xb8;
	[tilespmem:$0x1D000] =	vst v63  }
0x72: {  	_ =	swait.ge [sflag:s25], $0x4000  }
0x73: {  	[sflag:s25] =	ssyncset.done $0x0  }
0x74: {  	s4 =	sor.u32 $0x200, s0;
	[sflag:s25] =	ssyncadd.s32 $0xFFFFC000  }
0x75: {  	[spmem:s2] =	stream.indirect.scatter.add.f32 [tilespmem:s20], [sflag:$0x4], $0x80, s4, s23, $0xb8;
	[tilespmem:$0x1D000] =	vst v63  }
0x76: {  	_ =	swait.ge [sflag:s21], $0x4000  }
0x77: {  	[sflag:s21] =	ssyncset.done $0x0  }
0x78: {  	s4 =	sor.u32 $0xB00, s0;
	[sflag:s21] =	ssyncadd.s32 $0xFFFFC000  }
0x79: {  	[tilespmem:s20], [sflag:$0x1] =	stream.indirect.gather [hbm4b:s1+s23], $0x80, s4, s23, $0xb8;
	[tilespmem:$0x1D000] =	vst v63  }
0x7a: {  	_ =	swait.ge [sflag:s26], $0x4000  }
0x7b: {  	[sflag:s26] =	ssyncset.done $0x0  }
0x7c: {  	s4 =	sor.u32 $0x280, s0;
	[sflag:s26] =	ssyncadd.s32 $0xFFFFC000  }
0x7d: {  	[spmem:s2] =	stream.indirect.scatter.add.f32 [tilespmem:s24], [sflag:$0x4], $0x80, s4, s23, $0xb8;
	[tilespmem:$0x1D000] =	vst v63  }
0x7e: {  	_ =	swait.ge [sflag:s21], $0x4000  }
0x7f: {  	[sflag:s21] =	ssyncset.done $0x0  }
0x80: {  	s4 =	sor.u32 $0xB80, s0;
	[sflag:s21] =	ssyncadd.s32 $0xFFFFC000  }
0x81: {  	[tilespmem:s24], [sflag:$0x2] =	stream.indirect.gather [hbm4b:s1+s23], $0x80, s4, s23, $0xb8;
	[tilespmem:$0x1D000] =	vst v63  }
0x82: {  	_ =	swait.ge [sflag:s25], $0x4000  }
0x83: {  	[sflag:s25] =	ssyncset.done $0x0  }
0x84: {  	s4 =	sor.u32 $0x300, s0;
	[sflag:s25] =	ssyncadd.s32 $0xFFFFC000  }
0x85: {  	[spmem:s2] =	stream.indirect.scatter.add.f32 [tilespmem:s20], [sflag:$0x4], $0x80, s4, s23, $0xb8;
	[tilespmem:$0x1D000] =	vst v63  }
0x86: {  	_ =	swait.ge [sflag:s21], $0x4000  }
0x87: {  	[sflag:s21] =	ssyncset.done $0x0  }
0x88: {  	[sflag:s21] =	ssyncadd.s32 $0xFFFFC000  }
0x89: {  	_ =	swait.ge [sflag:s26], $0x4000  }
0x8a: {  	[sflag:s26] =	ssyncset.done $0x0  }
0x8b: {  	s0 =	sor.u32 $0x380, s0;
	[sflag:s26] =	ssyncadd.s32 $0xFFFFC000  }
0x8c: {  	[spmem:s2] =	stream.indirect.scatter.add.f32 [tilespmem:s24], [sflag:$0x4], $0x80, s0, s23, $0xb8;
	[tilespmem:$0x1D000] =	vst v63  }
0x8d: {  	_ =	swait.ge [sflag:s21], $0x4000  }
0x8e: {  	s29 =	sadd.s32 @!p0 $0x400, s29;
	[sflag:s21] =	ssyncset.done $0x0  }
0x8f: {  	p1 =	sne.s32 @!p0 s29, $0x2C00;
	s0 =	simm.s32 @!p0 $0x3;
	[sflag:s21] =	ssyncadd.s32 $0xFFFFC000  }
0x90: {  	p1 =	por p0, !p1;
	_ =	swait.ge @!p0 [sflag:s0], $0x400  }
.Ltmp1:
0x91: {  	[sflag:s0] =	ssyncset.done @!p0 $0x0;
	(pc) =	sbr.rel @!p1 .LBB2_4-.Ltmp1, $4  }
0x92: {  	[sflag:s0] =	ssyncadd.s32 @!p0 $0xFFFFFC00  }
0x93: {  	_ =	swait.ge @!p0 [sflag:s0], $0x400  }
0x94: {  	[sflag:s0] =	ssyncset.done @!p0 $0x0  }
0x95: {  	s31 =	sadd.s32 @!p0 $0x80, s31;
	s30 =	sadd.s32 @!p0 $0x80, s30;
	[sflag:s0] =	ssyncadd.s32 @!p0 $0xFFFFFC00  }
0x96: {  	[bflag:$0x0] =	sbarrier.arrive $0xFFFF  }
0x97: {  	[tilespmem:s20], [sflag:$0x4] =	stream.linear.gather [spmem:s5], $0x4000, $0x38;
	[tilespmem:$0x1D000] =	vst v63  }
0x98: {  	_ =	swait.ge [sflag:s21], $0x4000  }
0x99: {  	[sflag:s21] =	ssyncset.done $0x0  }
0x9a: {  	[sflag:s21] =	ssyncadd.s32 $0xFFFFC000  }
0x9b: {  	[hbm4b:s12+s3] =	stream.linear.scatter [tilespmem:s20], [sflag:$0x4], $0x4000, $0x38;
	[tilespmem:$0x1D000] =	vst v63  }
0x9c: {  	_ =	swait.ge [sflag:s21], $0x4000  }
0x9d: {  	[sflag:s21] =	ssyncset.done $0x0  }
0x9e: {  	[sflag:s21] =	ssyncadd.s32 $0xFFFFC000  }
0x9f: {  	[tilespmem:s20], [sflag:$0x4] =	stream.linear.gather [spmem:s6], $0x4000, $0x38;
	[tilespmem:$0x1D000] =	vst v63  }
0xa0: {  	_ =	swait.ge [sflag:s21], $0x4000  }
0xa1: {  	[sflag:s21] =	ssyncset.done $0x0  }
0xa2: {  	[sflag:s21] =	ssyncadd.s32 $0xFFFFC000  }
0xa3: {  	[hbm4b:s13+s3] =	stream.linear.scatter [tilespmem:s20], [sflag:$0x4], $0x4000, $0x38;
	[tilespmem:$0x1D000] =	vst v63  }
0xa4: {  	_ =	swait.ge [sflag:s21], $0x4000  }
0xa5: {  	[sflag:s21] =	ssyncset.done $0x0  }
0xa6: {  	[sflag:s21] =	ssyncadd.s32 $0xFFFFC000  }
0xa7: {  	[tilespmem:s20], [sflag:$0x4] =	stream.linear.gather [spmem:s7], $0x4000, $0x38;
	[tilespmem:$0x1D000] =	vst v63  }
0xa8: {  	_ =	swait.ge [sflag:s21], $0x4000  }
0xa9: {  	[sflag:s21] =	ssyncset.done $0x0  }
0xaa: {  	[sflag:s21] =	ssyncadd.s32 $0xFFFFC000  }
0xab: {  	[hbm4b:s14+s3] =	stream.linear.scatter [tilespmem:s20], [sflag:$0x4], $0x4000, $0x38;
	[tilespmem:$0x1D000] =	vst v63  }
0xac: {  	_ =	swait.ge [sflag:s21], $0x4000  }
0xad: {  	[sflag:s21] =	ssyncset.done $0x0  }
0xae: {  	[sflag:s21] =	ssyncadd.s32 $0xFFFFC000  }
0xaf: {  	[tilespmem:s20], [sflag:$0x4] =	stream.linear.gather [spmem:s8], $0x4000, $0x38;
	[tilespmem:$0x1D000] =	vst v63  }
0xb0: {  	_ =	swait.ge [sflag:s21], $0x4000  }
0xb1: {  	[sflag:s21] =	ssyncset.done $0x0  }
0xb2: {  	[sflag:s21] =	ssyncadd.s32 $0xFFFFC000  }
0xb3: {  	[hbm4b:s15+s3] =	stream.linear.scatter [tilespmem:s20], [sflag:$0x4], $0x4000, $0x38;
	[tilespmem:$0x1D000] =	vst v63  }
0xb4: {  	_ =	swait.ge [sflag:s21], $0x4000  }
0xb5: {  	[sflag:s21] =	ssyncset.done $0x0  }
0xb6: {  	[sflag:s21] =	ssyncadd.s32 $0xFFFFC000  }
0xb7: {  	[tilespmem:s20], [sflag:$0x4] =	stream.linear.gather [spmem:s9], $0x4000, $0x38;
	[tilespmem:$0x1D000] =	vst v63  }
0xb8: {  	s28 =	sadd.s32 $0x1, s28;
	_ =	swait.ge [sflag:s21], $0x4000  }
0xb9: {  	p0 =	sne.s32 s28, s17;
	[sflag:s21] =	ssyncset.done $0x0  }
.Ltmp2:
0xba: {  	[sflag:s21] =	ssyncadd.s32 $0xFFFFC000;
	(pc) =	sbr.rel @p0 .LBB2_1-.Ltmp2, $4  }
0xbb: {  	[hbm4b:s16+s3] =	stream.linear.scatter [tilespmem:s20], [sflag:$0x4], $0x4000, $0x38;
	[tilespmem:$0x1D000] =	vst v63  }
0xbc: {  	_ =	swait.ge [sflag:s21], $0x4000  }
0xbd: {  	[sflag:s21] =	ssyncset.done $0x0  }
0xbe: {  	[sflag:s21] =	ssyncadd.s32 $0xFFFFC000  }
0xbf: {  	_ =	sfence.sel $0x180000  }
0xc0: {  	[bflag:$0x0] =	sbarrier.arrive $0xFFFF  }
0xc1: {  	_ =	strace $0x9000004A  }
0xc2: {  	s0 =	stileid.u32;
	[bflag:$0x2] =	sbarrier.arrive $0xFFFF  }
0xc3: {  	p0 =	sne.s32 s0, $0x0;
	s0 =	rddreg [dreg:$0x4]  }
0xc4: {  	s0 =	sadd.s32 @!p0 $0x100000, s0  }
0xc5: {  	[sflag:s0] =	ssyncadd.tile.s32 @!p0 $0x1;
	_ =	shalt  }
.Lfunc_end2:
_tile_overlayer_lowered:
.L_overlay_start_2:
0xc6: {  	(tag) =	ssettag $0x2  }
0xc7: {  	s0 =	rddreg [dreg:$0x0];
	s2 =	stileid.u32  }
0xc8: {  	s1 =	rddreg [dreg:$0x1];
	p0 =	sne.s32 s2, $0x0  }
0xc9: {  	s3 =	rddreg [dreg:$0x2];
	[bflag:$0x3] =	sbarrier.arrive $0xFFFF;
	s2 =	simm.s32 @!p0 $0x1C04  }
0xca: {  	[timem:s3], [sflag:s2] =	dma.local @!p0 [hbm:s0], s1  }
0xcb: {  	s0 =	simm.s32 @!p0 $0x4  }
0xcc: {  	_ =	swait.ge @!p0 [sflag:s0], s1  }
0xcd: {  	s1 =	ssub.s32 @!p0 $0x0, s1;
	[sflag:s0] =	ssyncset.done @!p0 $0x0  }
0xce: {  	[sflag:s0] =	ssyncadd.s32 @!p0 s1  }
0xcf: {  	[bflag:$0x3] =	sbarrier.arrive $0xFFFF  }
0xd0: {  	_ =	shalt  }

// kernel: scatter_offload_async_start
scs
__scs_entry_jumppad:
0x0: {  	(pc) =	sbr.rel $0x88, $3  }
0x1: {  	(tag) =	ssettag $0x0;
	lr =	simm.s32 $0x1  }
0x2: {  	[smem:$0x3F92] =	sst lr;
	_ =	strace $0xD0000000  }
0x3: {  	_ = 	snop  }
0x4: {  	_ = 	snop  }
0x5: {  	_ = 	snop  }
0x6: {  	_ = 	snop  }
0x7: {  	_ = 	snop  }
__scs_overlays_trampoline_lowered:
0x8: {  	[smem:$0x3FA1] =	sst s0  }
0x9: {  	[smem:$0x3FA2] =	sst s1  }
0xa: {  	[smem:$0x3FA3] =	sst s2  }
0xb: {  	[smem:$0x3FA4] =	sst s3  }
0xc: {  	[smem:$0x3FA5] =	sst s4  }
0xd: {  	[smem:$0x3FA6] =	sst s5  }
0xe: {  	[smem:$0x3FA7] =	sst s6  }
0xf: {  	[smem:$0x3FA8] =	sst s7  }
0x10: {  	[smem:$0x3FA9] =	sst s8  }
0x11: {  	[smem:$0x3FAA] =	sst s9;
	s0 =	simm.s32 @!p0 $0x0  }
0x12: {  	s1 =	sld [smem:$0x3F90];
	s0 =	simm.s32 @p0 $0x1  }
0x13: {  	[smem:$0x3FAB] =	sst s0;
	s0 =	simm.s32 @!p1 $0x0  }
0x14: {  	s2 =	sld [smem:$0x3F8F];
	s0 =	simm.s32 @p1 $0x1  }
0x15: {  	[smem:$0x3FAC] =	sst s0;
	s0 =	simm.s32 @!p2 $0x0  }
0x16: {  	s3 =	sld [smem:$0x3FDB];
	s0 =	simm.s32 @p2 $0x1  }
0x17: {  	s4 =	simm.s32 $0x1BF5;
	[smem:$0x3FAE] =	sst s0  }
0x18: {  	s0 =	sld [smem:$0x3F91];
	_ =	swait.ge [sflag:s4], $0x0  }
0x19: {  	s7 =	sld [smem:$0x3F92]  }
0x1a: {  	s8 =	sadd.s32 $0xFFFFE003, lr  }
0x1b: {  	s9 =	sadd.s32 $0xFFFFFEF7, lr;
	s5 =	simm.s32 $0xFFFFFFFF;
	p2 =	slt.u32 s8, $0xFFFFF086  }
0x1c: {  	p1 =	slt.u32 s9, $0xF7A;
	s5 =	simm.s32 @!p2 $0x0  }
0x1d: {  	s5 =	simm.s32 @p1 $0x1;
	p0 =	seq.s32 s7, s2  }
0x1e: {  	s7 =	smul.u32 @!p0 $0xF7A, s2;
	p2 =	seq.s32 @!p0 s5, $0x0  }
0x1f: {  	s9 =	smul.u32 $0xF7A, s1;
	s8 =	simm.s32 @!p0 $0x1BF5;
	p2 =	por !p2, p0  }
0x20: {  	[sflag:s8] =	ssyncset.s32 @!p0 $0xFFFFF086;
	s6 =	sadd.s32 @!p0 s3, s7;
	s7 =	simm.s32 @!p0 $0x108  }
0x21: {  	s3 =	sadd.s32 s3, s9;
	s6 =	sadd.s32 @!p0 $0x88, s6;
	s7 =	simm.s32 @p2 $0x1082  }
0x22: {  	[simem:s7], [sflag:s8] =	dma.local @!p0 [hbm:s6], $0xF7A  }
0x23: {  	s9 =	sor.u32 $0xD0000000, s2;
	s6 =	simm.s32 $0x108;
	_ =	swait.ge @!p0 [sflag:s8], $0x0  }
0x24: {  	s3 =	sadd.s32 $0x88, s3;
	s6 =	simm.s32 @!p1 $0x1082;
	[sflag:s4] =	ssyncset.s32 $0xFFFFF086  }
0x25: {  	[simem:s6], [sflag:s4] =	dma.local [hbm:s3], $0xF7A  }
0x26: {  	[smem:$0x3F92] =	sst s1;
	(tag) =	ssettag s2;
	_ =	strace s9  }
0x27: {  	s1 =	sld [smem:$0x3FA2]  }
0x28: {  	s2 =	sld [smem:$0x3FA3]  }
0x29: {  	s4 =	sld [smem:$0x3FA5]  }
0x2a: {  	p0 =	seq.s32 s5, $0x0;
	s5 =	sld [smem:$0x3FA6]  }
0x2b: {  	s6 =	sld [smem:$0x3FA7]  }
0x2c: {  	s7 =	sld [smem:$0x3FA8]  }
0x2d: {  	s3 =	simm.s32 $0x108;
	s8 =	sld [smem:$0x3FA9]  }
0x2e: {  	s3 =	simm.s32 @!p0 $0x1082;
	s9 =	sld [smem:$0x3FAA]  }
0x2f: {  	lr =	sadd.s32 s0, s3;
	s0 =	sld [smem:$0x3FA1]  }
0x30: {  	s3 =	sld [smem:$0x3FA4]  }
0x31: {  	[smem:$0x3FAD] =	sst s10  }
0x32: {  	s10 =	sld [smem:$0x3FAB];
	_ =	sdelay $0x3  }
0x33: {  	p0 =	seq.s32 s10, $0x1;
	s10 =	sld [smem:$0x3FAD];
	_ =	sdelay $0x3  }
0x34: {  	[smem:$0x3FAD] =	sst s10  }
0x35: {  	s10 =	sld [smem:$0x3FAC];
	_ =	sdelay $0x3  }
0x36: {  	p1 =	seq.s32 s10, $0x1;
	s10 =	sld [smem:$0x3FAD];
	_ =	sdelay $0x3  }
0x37: {  	[smem:$0x3FAD] =	sst s10  }
0x38: {  	s10 =	sld [smem:$0x3FAE]  }
0x39: {  	_ = 	snop;
	(pc) =	sbr.ind lr, $3  }
0x3a: {  	_ = 	snop  }
0x3b: {  	_ = 	snop  }
0x3c: {  	p2 =	seq.s32 s10, $0x1;
	s10 =	sld [smem:$0x3FAD]  }
0x3d: {  	_ =	shalt  }
0x3e: {  	_ =	shalt  }
0x3f: {  	_ =	shalt  }
0x40: {  	_ =	shalt  }
0x41: {  	_ =	shalt  }
0x42: {  	_ =	shalt  }
0x43: {  	_ =	shalt  }
0x44: {  	_ =	shalt  }
0x45: {  	_ =	shalt  }
0x46: {  	_ =	shalt  }
0x47: {  	_ =	shalt  }
0x48: {  	_ =	shalt  }
0x49: {  	_ =	shalt  }
0x4a: {  	_ =	shalt  }
0x4b: {  	_ =	shalt  }
0x4c: {  	_ =	shalt  }
0x4d: {  	_ =	shalt  }
0x4e: {  	_ =	shalt  }
0x4f: {  	_ =	shalt  }
0x50: {  	_ =	shalt  }
0x51: {  	_ =	shalt  }
0x52: {  	_ =	shalt  }
0x53: {  	_ =	shalt  }
0x54: {  	_ =	shalt  }
0x55: {  	_ =	shalt  }
0x56: {  	_ =	shalt  }
0x57: {  	_ =	shalt  }
0x58: {  	_ =	shalt  }
0x59: {  	_ =	shalt  }
0x5a: {  	_ =	shalt  }
0x5b: {  	_ =	shalt  }
0x5c: {  	_ =	shalt  }
0x5d: {  	_ =	shalt  }
0x5e: {  	_ =	shalt  }
0x5f: {  	_ =	shalt  }
0x60: {  	_ =	shalt  }
0x61: {  	_ =	shalt  }
0x62: {  	_ =	shalt  }
0x63: {  	_ =	shalt  }
0x64: {  	_ =	shalt  }
0x65: {  	_ =	shalt  }
0x66: {  	_ =	shalt  }
0x67: {  	_ =	shalt  }
0x68: {  	_ =	shalt  }
0x69: {  	_ =	shalt  }
0x6a: {  	_ =	shalt  }
0x6b: {  	_ =	shalt  }
0x6c: {  	_ =	shalt  }
0x6d: {  	_ =	shalt  }
0x6e: {  	_ =	shalt  }
0x6f: {  	_ =	shalt  }
0x70: {  	_ =	shalt  }
0x71: {  	_ =	shalt  }
0x72: {  	_ =	shalt  }
0x73: {  	_ =	shalt  }
0x74: {  	_ =	shalt  }
0x75: {  	_ =	shalt  }
0x76: {  	_ =	shalt  }
0x77: {  	_ =	shalt  }
0x78: {  	_ =	shalt  }
0x79: {  	_ =	shalt  }
0x7a: {  	_ =	shalt  }
0x7b: {  	_ =	shalt  }
0x7c: {  	_ =	shalt  }
0x7d: {  	_ =	shalt  }
0x7e: {  	_ =	shalt  }
0x7f: {  	_ =	shalt  }
0x80: {  	_ =	shalt  }
0x81: {  	_ =	shalt  }
0x82: {  	_ =	shalt  }
0x83: {  	_ =	shalt  }
0x84: {  	_ =	shalt  }
0x85: {  	_ =	shalt  }
0x86: {  	_ =	shalt  }
0x87: {  	_ =	shalt  }
.Lfunc_end0:
.L_simem_size_0:
called_computation_lowered:
.L_overlay_start_0:
0x88: {  	s0 =	sld [smem:$0x3FD9]  }
0x89: {  	s1 =	sld [smem:$0x3FFE];
	_ =	sdelay $0x3  }
0x8a: {  	s0 =	sadd.s32 s1, s0  }
0x8b: {  	[smem:$0x3FB9] =	sst s0  }
0x8c: {  	_ = 	snop  }
0x8d: {  	(tm) =	ssettm $0x1  }
0x8e: {  	s15 =	sld [smem:$0x3FFB];
	_ =	sdelay $0x3  }
0x8f: {  	_ =	strace s15  }
0x90: {  	s0 =	sld [smem:$0x3FFC];
	_ =	sdelay $0x3  }
0x91: {  	_ =	strace s0  }
0x92: {  	s0 =	sld [smem:$0x3FFD];
	_ =	sdelay $0x3  }
0x93: {  	_ =	strace s0  }
0x94: {  	_ =	strace $0x8FFFFFFF  }
0x95: {  	s16 =	sld [smem:$0x3FDB];
	_ =	sdelay $0x1  }
0x96: {  	s17 =	simm.s32 $_scs_section_size  }
0x97: {  	s2 =	simm.s32 $_size__tile_overlayer_lowered;
	s3 =	simm.s32 $_tile_overlayer_lowered  }
0x98: {  	s20 =	simm.s32 $0x1BFF;
	s19 =	sshll.u32 s3, $0x1;
	s0 =	sadd.s32 s17, s16  }
0x99: {  	s4 =	simm.s32 $0x0;
	s18 =	sshll.u32 s2, $0x1;
	s2 =	sadd.s32 s19, s0  }
0x9a: {  	[timem:s4], [sflag:s20] =	dma.local [hbm:s2], s18  }
0x9b: {  	_ =	swait.ge [sflag:s20], s18  }
0x9c: {  	s1 =	ssub.s32 $0x0, s18;
	[sflag:s20] =	ssyncset.done $0x0  }
0x9d: {  	[sflag:s20] =	ssyncadd.s32 s1;
	_ =	sdelay $0x1  }
0x9e: {  	s21 =	simm.s32 $0x1B8B  }
0x9f: {  	_ =	swait.ge [sflag:s21], $0x1  }
0xa0: {  	[sflag:s21] =	ssyncset.done $0x0  }
0xa1: {  	s23 =	simm.s32 $0x1B8E;
	s22 =	sld [smem:$0x3FFE];
	[sflag:s21] =	ssyncadd.s32 $0xFFFFFFFF  }
0xa2: {  	s24 =	simm.s32 $execute0_lowered;
	[smem:$0x3FD2] =	sst s23  }
0xa3: {  	s2 =	sshll.u32 s24, $0x1;
	_ =	strace $0x80000046;
	[dreg:$0x1] =	wrdreg $0xFFFFFFFF  }
0xa4: {  	s25 =	simm.s32 $_size_execute0_lowered;
	s0 =	sadd.s32 s0, s2;
	[dreg:$0x0] =	wrdreg $0x0  }
0xa5: {  	s2 =	sshll.u32 s25, $0x1;
	[dreg:$0x2] =	wrdreg s0  }
0xa6: {  	[dreg:$0x3] =	wrdreg s2  }
0xa7: {  	[dreg:$0x4] =	wrdreg $0xC0  }
0xa8: {  	_ =	task [dreg:s4], $0x5FFFF  }
0xa9: {  	[dreg:$0x1] =	wrdreg $0xFFFFFFFF  }
0xaa: {  	[dreg:$0x0] =	wrdreg $0x60  }
0xab: {  	[dreg:$0x2] =	wrdreg s22  }
0xac: {  	[dreg:$0x3] =	wrdreg $0x9  }
0xad: {  	_ =	task.clear_ibuf [dreg:s4], $0x4FFFF;
	_ =	strace $0x90000046  }
0xae: {  	s26 =	simm.s32 $0x9;
	_ =	strace $0x80000048  }
0xaf: {  	_ =	swait.ge [sflag:s26], $0x1  }
0xb0: {  	[sflag:s26] =	ssyncadd.s32 $0xFFFFFFFF  }
0xb1: {  	_ =	strace $0x90000048  }
0xb2: {  	_ =	sfence  }
0xb3: {  	s28 =	sld [smem:$0x0];
	_ =	sdelay $0x1  }
0xb4: {  	s29 =	srdreg.scid  }
0xb5: {  	s30 =	sshll.u32 s29, $0xD;
	s31 =	sshrl.u32 s29, $0x2  }
0xb6: {  	s1 =	sand.u32 $0x1, s29;
	s2 =	sand.u32 $0x4000, s30;
	s0 =	sadd.s32 s31, s28  }
0xb7: {  	s1 =	sor.u32 s2, s1;
	s0 =	sshll.u32 s0, $0x11  }
0xb8: {  	s0 =	sor.u32 s0, s1  }
0xb9: {  	s0 =	sadd.s32 $0x8F2B, s0  }
0xba: {  	[sflag:s0] =	ssyncadd.remote.s32 $0x1  }
0xbb: {  	_ =	sfence.sel $0xFFFF  }
0xbc: {  	[dreg:$0x0] =	wrdreg $0xFFFFFFFF;
	(pc) =	sbr.abs _section_cstart, $3  }
0xbd: {  	[dreg:$0x1] =	wrdreg $0xFFFFFFFF  }
0xbe: {  	_ =	task.clear_ibuf [dreg:s4], $0x2FFFF;
	_ =	strace $0x9FFFFFFF  }
0xbf: {  	(tm) =	ssettm $0x7FFFFFFF  }
tec
execute0_lowered:
.L_overlay_start_1:
0x0: {  	(tag) =	ssettag $0x1  }
0x1: {  	s0 =	rddreg [dreg:$0x0];
	_ =	strace $0x80000047;
	s15 =	stileid.u32  }
0x2: {  	s2 =	simm.s32 $0x1;
	s1 =	smin.u32 s15, $0x8;
	s3 =	sshll.u32 s15, $0x1  }
0x3: {  	v1 =	vimm.s32 $0xFFFFFFFF;
	[sflag:s2] =	ssyncpa.u1 $0x0;
	s1 =	sadd.s32 s1, s3  }
0x4: {  	p0 =	slt.u32 s15, $0x8;
	[tilespmem:$0x10] =	vst v1;
	s4 =	smul.u32 $0x1F40, s1;
	s1 =	simm.s32 $0x5DC0  }
0x5: {  	v0 =	vimm.f32 $0.0e+00;
	[tilespmem:$0x20] =	vst v1;
	s1 =	simm.s32 @!p0 $0x3E80  }
0x6: {  	[tilespmem:$0x30] =	vst v0;
	s1 =	sadd.s32 s1, s4  }
0x7: {  	[tilespmem:$0x40] =	vst v0;
	s5 =	smin.u32 s1, $0x4E200  }
0x8: {  	s7 =	simm.s32 $0x2;
	s8 =	simm.s32 $0x8;
	[tilespmem:$0x50] =	vst v0;
	s9 =	ssub.s32 s5, s4  }
0x9: {  	s31 =	simm.s32 $0x9;
	s16 =	simm.s32 $0x0;
	[tilespmem:$0x60] =	vst v1;
	p0 =	sgt.s32 s9, $0x0  }
0xa: {  	s17 =	simm.s32 $0xF0;
	s18 =	simm.s32 $0xFFFFFFFF;
	[tilespmem:$0x70] =	vst v1;
	s9 =	simm.s32 @!p0 $0x0  }
0xb: {  	s19 =	simm.s32 $0xFFFFC280;
	s20 =	simm.s32 $0xFFFFFFFE;
	[tilespmem:$0x80] =	vst v1;
	s30 =	smulhi.u32 $0x10624DD3, s9  }
0xc: {  	s21 =	simm.s32 $0xF;
	s25 =	simm.s32 $0x0;
	s24 =	simm.s32 $0x0;
	v1 =	vimm.s32 $0x0;
	[tilespmem:$0xB0] =	vst v0  }
0xd: {  	s6 =	sadd.s32 $0xCC00, s0;
	s15 =	sshllo.u32 s15, $0x1;
	[tilespmem:$0x90] =	vst v1;
	s10 =	sshrl.u32 s30, $0x9  }
0xe: {  	[tilespmem:$0xA0] =	vst v1;
	[sflag:s7] =	ssyncpa.u1 $0x0;
	s7 =	simm.s32 $0x7;
	s11 =	smul.u32 $0x1F40, s10  }
.Ltmp0:
0xf: {  	s13 =	sor.u32 $0x80, s3;
	[sflag:s7] =	ssyncpa.u1 $0x0;
	(pc) =	sbr.rel .LBB2_1-.Ltmp0, $4  }
0x10: {  	s14 =	sor.u32 $0x81, s3;
	[sflag:s8] =	ssyncpa.u1 $0x0;
	p0 =	sne.s32 s9, s11  }
0x11: {  	s23 =	smov.u32 s4;
	s1 =	sadd.s32 $0x20800, s0;
	s2 =	simm.s32 @!p0 $0x0  }
0x12: {  	vm0 =	vmmov $0xffff;
	v2 =	vlaneseq.u32;
	[sflag:s31] =	ssyncpa.u1 $0x0;
	s9 =	sadd.s32 $0x16A00, s0;
	s10 =	sadd.s32 s2, s10  }
0x13: {  	vm1 =	vmxor vm1, vm1;
	vm2 =	vmmov $0x1;
	vm3 =	vcmask $0x3F3C;
	p0 =	por $0x0, $0x0;
	s11 =	sadd.s32 $0x1, s10;
	s12 =	sadd.s32 $0x2, s10  }
.LBB2_9:
0x14: {  	p1 =	slt.u32 s24, $0x3  }
0x15: {  	s0 =	simm.s32 @!p1 $0x2  }
0x16: {  	_ =	swait.ge @!p1 [sflag:s0], $0x1F40  }
0x17: {  	[sflag:s0] =	ssyncset.done @!p1 $0x0  }
0x18: {  	[sflag:s0] =	ssyncadd.s32 @!p1 $0xFFFFE0C0;
	s0 =	simm.s32 @!p1 $0x9  }
0x19: {  	_ =	swait.ge @!p1 [sflag:s0], $0x10  }
0x1a: {  	[sflag:s0] =	ssyncset.done @!p1 $0x0  }
0x1b: {  	[sflag:s0] =	ssyncadd.s32 @!p1 $0xFFFFFFF0;
	p1 =	sne.s32 s24, s12  }
.Ltmp1:
0x1c: {  	s2 =	sadd.s32 $0x1F40, s23;
	(pc) =	sbr.rel @!p1 .LBB2_10-.Ltmp1, $4  }
0x1d: {  	s22 =	smov.u32 s4;
	s31 =	sadd.s32 $0x1, s24;
	s17 =	sadd.s32 $0x1F40, s17  }
0x1e: {  	s18 =	sadd.s32 $0x1, s18;
	s25 =	smov.u32 s23;
	p2 =	slt.s32 s2, s5  }
0x1f: {  	p0 =	por !p0, !p0;
	s19 =	sadd.s32 $0x1F40, s19;
	s22 =	smov.u32 @p2 s2  }
0x20: {  	s20 =	sadd.s32 $0x1, s20;
	s23 =	smov.u32 s22;
	s24 =	smov.u32 s31  }
.LBB2_1:
0x21: {  	p1 =	sge.u32 s24, s10  }
0x22: {  	s0 =	smulhi.u32 @!p1 $0xAAAAAAAB, s24;
	_ =	sdelay $0x1  }
0x23: {  	s0 =	sshrl.u32 @!p1 s0, $0x1  }
0x24: {  	s0 =	smul.u32 @!p1 $0x3, s0;
	_ =	sdelay $0x1  }
0x25: {  	s0 =	ssub.s32 @!p1 s24, s0  }
0x26: {  	s0 =	smul.u32 @!p1 $0x7D00, s0;
	_ =	sdelay $0x1  }
0x27: {  	s2 =	sshrl.u32 @!p1 s23, $0x3;
	s0 =	sshrl.u32 @!p1 s0, $0x2  }
0x28: {  	s22 =	sand.u32 @!p1 $0x7, s23;
	s2 =	sadd.s32 @!p1 s6, s2;
	s0 =	sadd.s32 @!p1 $0x100, s0  }
0x29: {  	[tilespmem:s0], [sflag:$0x7] =	stream.linear.gather @!p1 [hbm4b:s2+s22], $0x1F40, $0x38;
	[tilespmem:$0x11A60] =	vst v63  }
0x2a: {  	s0 =	sadd.s32 $0xFFFFFFFF, s24  }
0x2b: {  	p1 =	sge.u32 s0, s10  }
.Ltmp2:
0x2c: {  	_ = 	snop;
	(pc) =	sbr.rel @p1 .LBB2_5-.Ltmp2, $1  }
0x2d: {  	_ =	sdelay $0x3  }
0x2e: {  	s2 =	smulhi.u32 $0xAAAAAAAB, s0;
	_ =	sdelay $0x1  }
0x2f: {  	s2 =	sshrl.u32 s2, $0x1  }
0x30: {  	s2 =	smul.u32 $0x3, s2;
	_ =	sdelay $0x1  }
0x31: {  	s2 =	ssub.s32 s0, s2  }
0x32: {  	s2 =	smul.u32 $0x7D00, s2  }
0x33: {  	_ =	swait.ge [sflag:s7], $0x1F40  }
0x34: {  	[sflag:s7] =	ssyncset.done $0x0;
	s2 =	sshrl.u32 s2, $0x2  }
0x35: {  	[sflag:s7] =	ssyncadd.s32 $0xFFFFE0C0;
	(ifvalue) =	ssetifvalue $0xFFFFFFFF;
	v3 =	vld.msk [tilespmem:s2+$0x100 ss:$0x1], $0xffff;
	_ =	sdelay $0x2  }
0x36: {  	s30 =	smulhi.u32 $0xAAAAAAAB, s18;
	p1 =	sne.s32 s24, $0x1  }
0x37: {  	v4 =	vimm.s32 @!p1 $0x0  }
0x38: {  	s2 =	sshrl.u32 s30, $0x1;
	v4 =	vperm.xlane @!p1 v3, v4  }
0x39: {  	s22 =	sshll.u32 s24, $0x4;
	s2 =	smul.u32 $0xFFFE8900, s2;
	vm4 =	vlt.u32 v3, $0x2800  }
0x3a: {  	s22 =	sand.u32 $0x10, s22;
	v3 =	vnsel vm4, $0xFFFFFFFE, v3;
	vm4 =	vlt.u32 @!p1 v4, $0x2800  }
0x3b: {  	s2 =	sshra.s32 s2, $0x2;
	[tilespmem:s22+$0x60] =	vst v3;
	v3 =	vnsel @!p1 vm4, $0xFFFFFFFE, v4  }
0x3c: {  	s28 =	sadd.s32 s2, s17;
	[tilespmem:$0x80] =	vst @!p1 v3  }
0x3d: {  	v3 =	vld.msk [tilespmem:s28+$0x0 ss:$0x1], $0xffff;
	_ =	sdelay $0x4  }
0x3e: {  	(xrf1) =	vunique.msk.u32 $0xffff, v3;
	_ =	sdelay $0xd  }
0x3f: {  	v4 =	vimm.s32 $0xFFFFFFFF;
	v5, _, _ =	vpop (xrf1)  }
0x40: {  	vm5 =	vne.s32 v3, v4;
	vm4 =	veq.s32 v5, v2  }
0x41: {  	vm6 =	vlt.u32 v3, $0x2800;
	vm4 =	vmand vm5, vm4  }
0x42: {  	vm4 =	vmand vm6, vm4  }
0x43: {  	v4 =	vnsel vm4, $0xFFFFFFFF, v3  }
0x44: {  	s31 =	sand.u32 $0x1, s0  }
0x45: {  	s0 =	simm.s32 $0x1F40;
	p1 =	seq.s32 s31, $0x1  }
0x46: {  	s0 =	simm.s32 @!p1 $0x0  }
0x47: {  	s26 =	sadd.s32 $0x7DF0, s0;
	(ifvalue) =	ssetifvalue $0xFFFFFFFF  }
0x48: {  	v3 =	vperm.xlane v3, v1;
	[tilespmem:s26], [sflag:$0x8] =	stream.indirect_vreg.gather [hbm4b:s1+s16], $0x1, v4, vm0, $0x4038;
	v4 =	vnsel vm6, $0xFFFFFFFE, v4;
	[tilespmem:$0x11A60] =	vst v63  }
0x49: {  	s2 =	simm.s32 $0x0;
	s22 =	sadd.s32 $0xFFFFFFF0, s28;
	[tilespmem:s28+$0x0] =	vst v4  }
.LBB2_3:
0x4a: {  	v4 =	vld.msk [tilespmem:s22+$0x0 ss:$0x1], $0xffff;
	s2 =	sadd.s32 $0x10, s2;
	v5 =	vmov v3;
	s28 =	smov.u32 s22  }
0x4b: {  	p1 =	slt.u32 s2, $0x1F30;
	_ =	sdelay $0x4  }
0x4c: {  	v3 =	vperm.xlane v4, v1;
	(xrf1) =	vunique.msk.u32 $0xffff, v4;
	_ =	sdelay $0xd  }
0x4d: {  	v6, _, _ =	vpop (xrf1)  }
0x4e: {  	vm5 =	vne.s32 v4, v5;
	vm4 =	veq.s32 v6, v2  }
0x4f: {  	vm6 =	vlt.u32 v4, $0x2800;
	vm4 =	vmand vm5, vm4  }
0x50: {  	vm4 =	vmand vm6, vm4  }
0x51: {  	v4 =	vnsel vm4, $0xFFFFFFFF, v4  }
.Ltmp3:
0x52: {  	v5 =	vnsel vm6, $0xFFFFFFFE, v4;
	(pc) =	sbr.rel @p1 .LBB2_3-.Ltmp3, $3  }
0x53: {  	_ =	sdelay $0x1  }
0x54: {  	s22 =	sadd.s32 $0xFFFFFFF0, s22;
	s26 =	sadd.s32 $0xFFFFFFF0, s26;
	(ifvalue) =	ssetifvalue $0xFFFFFFFF  }
0x55: {  	[tilespmem:s26], [sflag:$0x8] =	stream.indirect_vreg.gather [hbm4b:s1+s16], $0x1, v4, vm0, $0x4038;
	[tilespmem:s28+$0x0] =	vst v5  }
0x56: {  	s2 =	sshrl.u32 s25, $0x3  }
0x57: {  	s0 =	sadd.s32 $0x9D40, s0;
	s2 =	sadd.s32 s9, s2  }
0x58: {  	[tilespmem:s0], [sflag:$0x8] =	stream.linear.gather [hbm:s2], $0x1F40, $0x38;
	[tilespmem:$0x11A60] =	vst v63  }
.LBB2_5:
0x59: {  	p1 =	slt.u32 s24, $0x2  }
0x5a: {  	p2 =	sge.u32 @!p1 s24, s12  }
0x5b: {  	p1 =	por p1, p2  }
.Ltmp4:
0x5c: {  	_ = 	snop;
	(pc) =	sbr.rel @p1 .LBB2_9-.Ltmp4, $1  }
0x5d: {  	_ =	sdelay $0x3  }
0x5e: {  	s0 =	sadd.s32 $0xFFFFFFFE, s24  }
0x5f: {  	s2 =	smulhi.u32 $0xAAAAAAAB, s0;
	_ =	sdelay $0x1  }
0x60: {  	s2 =	sshrl.u32 s2, $0x1  }
0x61: {  	s2 =	smul.u32 $0x3, s2;
	_ =	sdelay $0x1  }
0x62: {  	s0 =	ssub.s32 s0, s2  }
0x63: {  	_ =	swait.ge [sflag:s8], $0x3E80;
	s0 =	smul.u32 $0x1F40, s0  }
0x64: {  	p1 =	sne.s32 s24, s11;
	[sflag:s8] =	ssyncset.done $0x0  }
0x65: {  	[sflag:s8] =	ssyncadd.s32 $0xFFFFC180;
	s2 =	sadd.s32 @!p1 $0x203F, s0  }
0x66: {  	[spmem:s14] =	stream.linear.scatter @!p1 [tilespmem:s2], [sflag:$0x1], $0x1, $0x38;
	[tilespmem:$0x11A60] =	vst v63  }
0x67: {  	s2 =	simm.s32 @!p1 $0x1  }
0x68: {  	_ =	swait.ge @!p1 [sflag:s2], $0x1  }
0x69: {  	s22 =	sshll.u32 s24, $0x4;
	[sflag:s2] =	ssyncset.done @!p1 $0x0  }
0x6a: {  	s25 =	sand.u32 $0x10, s22;
	[sflag:s2] =	ssyncadd.s32 @!p1 $0xFFFFFFFF  }
0x6b: {  	s2 =	sxor.u32 $0x10, s25;
	v4 =	vld [tilespmem:s25+$0x10]  }
0x6c: {  	v5 =	vld [tilespmem:s2+$0x60]  }
0x6d: {  	v3 =	vld [tilespmem:$0x80];
	_ =	sdelay $0x2  }
0x6e: {  	(v2sf) =	vpush v4, $0x0  }
0x6f: {  	(v2sf) =	vpush v5, $0x0  }
0x70: {  	(v2sf) =	vpush v3, $0x0;
	_ =	sdelay $0xc  }
0x71: {  	s22 =	spop (v2sf)  }
0x72: {  	s26 =	spop (v2sf)  }
0x73: {  	s28 =	spop (v2sf)  }
0x74: {  	p2 =	seq.s32 s22, s26;
	p3 =	seq.s32 s28, s22  }
0x75: {  	p3 =	por p2, p3  }
0x76: {  	s26 =	sand.u32 $0x1, s24;
	v4 =	vpsel p3, $0xFFFFFFFF, v4  }
0x77: {  	s29 =	smul.u32 $0x1F40, s26;
	[tilespmem:s25+$0x10] =	vst.msk $0x1, v4  }
0x78: {  	v4 =	vld [tilespmem:$0x30]  }
0x79: {  	v5 =	vld [tilespmem:s29+$0x9D40]  }
0x7a: {  	v6 =	vld [tilespmem:s25+$0x40];
	_ =	sdelay $0x3  }
0x7b: {  	vm4 =	vmmov vm1;
	v5 =	vadd.f32 v5, v4  }
0x7c: {  	vm5 =	vmmov vm2;
	vm4 =	vmmov @p2 vm2;
	s22 =	sshll.u32 s26, $0x4;
	v4 =	vadd.f32 v6, v4  }
0x7d: {  	s26 =	sor.u32 $0x11A40, s22;
	vm5 =	vmmov @p3 vm1;
	[tilespmem:s29+$0x9D40] =	vst.msk vm4, v5  }
0x7e: {  	[tilespmem:s26+$0x0] =	vst.msk vm5, v4  }
0x7f: {  	v4 =	vld [tilespmem:s29+$0x7DF0];
	_ =	sdelay $0x3  }
0x80: {  	v5 =	vimm.f32 $0.0e+00  }
0x81: {  	v4 =	vshift.insert v4, v5, s21  }
0x82: {  	s22 =	sor.u32 $0x40, s2  }
0x83: {  	[tilespmem:s22+$0x0] =	vst.msk $0x1, v4  }
0x84: {  	[tilespmem:s29+$0x7DFF] =	vst.msk $0x1, v5  }
0x85: {  	v4 =	vld [tilespmem:s0+$0x2030];
	_ =	sdelay $0x1  }
0x86: {  	s22 =	smulhi.u32 $0xAAAAAAAB, s20;
	s0 =	simm.s32 $0x1  }
0x87: {  	s0 =	simm.s32 @!p0 $0x0  }
0x88: {  	s22 =	sshrl.u32 s22, $0x1;
	s0 =	smul.u32 $0x7D00, s0  }
0x89: {  	s22 =	smul.u32 $0xFFFE8900, s22;
	v4 =	vshift.insert v4, v1, s21  }
0x8a: {  	s0 =	sshrl.u32 s0, $0x2  }
0x8b: {  	s22 =	sshra.s32 s22, $0x2;
	s30 =	sadd.s32 $0x9D40, s0;
	[tilespmem:s2+$0x10] =	vst.msk $0x1, v4  }
0x8c: {  	s22 =	sadd.s32 s22, s19;
	v6 =	vld [tilespmem:s30+$0x0]  }
0x8d: {  	v7 =	vld [tilespmem:s22+$0x0];
	_ =	sdelay $0x3  }
0x8e: {  	v5 =	vadd.f32 v6, v5  }
0x8f: {  	vm4 =	vne.s32 v7, $0xFFFFFFFF  }
0x90: {  	(xrf2) =	vadd.seg.scan.f32 vm4, v5;
	_ =	sdelay $0x3  }
0x91: {  	s31 =	sadd.s32 $0x5EC0, s0;
	v5 =	vperm.xlane v4, v1  }
0x92: {  	v6 =	vld [tilespmem:s31+$0x0]  }
0x93: {  	vm5 =	veq.s32 v7, v3;
	vm6 =	veq.s32 v7, v5  }
0x94: {  	vm7 =	vgt.u32 v7, $0xFFFFFFFD;
	vm6 =	vmor vm6, vm5  }
0x95: {  	vm6 =	vmor vm6, vm7  }
0x96: {  	v9 =	vld [tilespmem:$0xA0];
	v7 =	vsel vm6, $0xFFFFFFFF, v7  }
0x97: {  	v10 =	vld [tilespmem:$0x90];
	v6 =	vsel vm5, $0x0, v6;
	v8, _, _ =	vpop (xrf2)  }
0x98: {  	v6 =	vadd.f32 v8, v6  }
0x99: {  	s0 =	sadd.s32 $0xDBC0, s0  }
0x9a: {  	vm4 =	vmand vm4, vm3;
	[tilespmem:s0+$0x0] =	vst v6;
	(ifvalue) =	ssetifvalue $0xFFFFFFFF  }
0x9b: {  	vm6 =	veq.s32 v9, $0x1;
	[hbm4b:s1+s16] =	stream.indirect_vreg.scatter [tilespmem:s0], [sflag:$0x2], $0x1, v7, vm0, $0x4038;
	v7 =	vsel vm4, $0x0, v8;
	[tilespmem:$0x11A60] =	vst v63  }
0x9c: {  	s2 =	simm.s32 $0x0;
	s22 =	sadd.s32 $0x10, s22;
	vm4 =	vmor vm6, vm5;
	v6 =	vsel vm5, v8, v10;
	v7 =	vshift.insert v7, v0, s21  }
.LBB2_7:
0x9d: {  	v8 =	vld [tilespmem:s22+$0x0];
	s30 =	sadd.s32 $0x10, s30  }
0x9e: {  	s31 =	sadd.s32 $0x10, s31;
	v9 =	vld [tilespmem:s30+$0x0]  }
0x9f: {  	s2 =	sadd.s32 $0x10, s2;
	v10 =	vld [tilespmem:s31+$0x0]  }
0xa0: {  	p2 =	slt.u32 s2, $0x1F30;
	_ =	sdelay $0x2  }
0xa1: {  	v7 =	vadd.f32 v9, v7  }
0xa2: {  	vm5 =	vne.s32 v8, $0xFFFFFFFF  }
0xa3: {  	vm6 =	vmand vm5, vm3;
	(xrf2) =	vadd.seg.scan.f32 vm5, v7;
	_ =	sdelay $0x5  }
0xa4: {  	vm7 =	veq.s32 v8, v5;
	vm5 =	veq.s32 v8, v3  }
0xa5: {  	vm8 =	vgt.u32 v8, $0xFFFFFFFD;
	vm4 =	vmor vm4, vm5;
	vm7 =	vmor vm7, vm5  }
0xa6: {  	vm7 =	vmor vm7, vm8  }
0xa7: {  	v8 =	vsel vm7, $0xFFFFFFFF, v8  }
.Ltmp5:
0xa8: {  	v7 =	vsel vm5, $0x0, v10;
	v9, _, _ =	vpop (xrf2);
	(pc) =	sbr.rel @p2 .LBB2_7-.Ltmp5, $4  }
0xa9: {  	v6 =	vsel vm5, v9, v6;
	v10 =	vadd.f32 v9, v7;
	v7 =	vsel vm6, $0x0, v9  }
0xaa: {  	s0 =	sadd.s32 $0x10, s0;
	v7 =	vshift.insert v7, v0, s21  }
0xab: {  	s22 =	sadd.s32 $0x10, s22;
	[tilespmem:s0+$0x0] =	vst v10;
	(ifvalue) =	ssetifvalue $0xFFFFFFFF  }
0xac: {  	[hbm4b:s1+s16] =	stream.indirect_vreg.scatter [tilespmem:s0], [sflag:$0x2], $0x1, v8, vm0, $0x4038;
	[tilespmem:$0x11A60] =	vst v63  }
0xad: {  	v3 =	vld [tilespmem:s29+$0xFAF0];
	_ =	sdelay $0x4  }
0xae: {  	v3 =	vshift.insert v3, v0, s21  }
0xaf: {  	s0 =	simm.s32 $0x30  }
0xb0: {  	[tilespmem:s0+$0x0] =	vst.msk $0x1, v3  }
0xb1: {  	v3 =	vsel vm4, $0x1, v1;
	[tilespmem:$0x90] =	vst v6  }
0xb2: {  	s0 =	sadd.s32 @!p1 $0xFAFF, s29;
	[tilespmem:$0xA0] =	vst v3  }
0xb3: {  	[spmem:s15] =	stream.linear.scatter @!p1 [tilespmem:s0], [sflag:$0x1], $0x1, $0x38;
	[tilespmem:$0x11A60] =	vst v63  }
0xb4: {  	s0 =	simm.s32 @!p1 $0x1  }
0xb5: {  	v3 =	vmctz.xlane @!p1 vm4;
	_ =	swait.ge @!p1 [sflag:s0], $0x1  }
0xb6: {  	(v2sf) =	vpush @!p1 v4, $0x0  }
0xb7: {  	(v2sf) =	vpush @!p1 v3, $0x0;
	_ =	sdelay $0xd  }
0xb8: {  	s2 =	spop @!p1 (v2sf)  }
0xb9: {  	s22 =	spop @!p1 (v2sf)  }
0xba: {  	p2 =	sne.s32 @!p1 s28, s2;
	p3 =	slt.s32 @!p1 s22, $0xF  }
0xbb: {  	[sflag:s0] =	ssyncset.done @!p1 $0x0;
	p2 =	por p2, p1;
	p3 =	por !p3, p1  }
0xbc: {  	[sflag:s0] =	ssyncadd.s32 @!p1 $0xFFFFFFFF;
	v3 =	vimm.s32 @!p2 $0xFFFFFFFF;
	s22 =	simm.s32 @p3 $0xF  }
0xbd: {  	[tilespmem:$0x80] =	vst @!p2 v3;
	s2 =	sadd.s32 @!p1 $0x90, s22  }
0xbe: {  	[spmem:s3] =	stream.linear.scatter @!p1 [tilespmem:s2], [sflag:$0x1], $0x1, $0x38;
	[tilespmem:$0x11A60] =	vst v63  }
0xbf: {  	_ =	swait.ge @!p1 [sflag:s0], $0x1  }
0xc0: {  	[sflag:s0] =	ssyncset.done @!p1 $0x0  }
0xc1: {  	s2 =	simm.s32 @!p1 $0x80;
	[sflag:s0] =	ssyncadd.s32 @!p1 $0xFFFFFFFF  }
0xc2: {  	[spmem:s13] =	stream.linear.scatter @!p1 [tilespmem:s2], [sflag:$0x1], $0x1, $0x38;
	[tilespmem:$0x11A60] =	vst v63  }
0xc3: {  	_ =	swait.ge @!p1 [sflag:s0], $0x1  }
0xc4: {  	[sflag:s0] =	ssyncset.done @!p1 $0x0  }
0xc5: {  	[sflag:s0] =	ssyncadd.s32 @!p1 $0xFFFFFFFF;
	(ifvalue) =	ssetifvalue $0xFFFFFFFF;
	v3 =	vld [tilespmem:s25+$0x10];
	_ =	sdelay $0x3  }
.Ltmp6:
0xc6: {  	_ = 	snop;
	(pc) =	sbr.rel .LBB2_9-.Ltmp6, $3  }
0xc7: {  	_ =	sdelay $0x1  }
0xc8: {  	(ifvalue) =	ssetifvalue $0xFFFFFFFF  }
0xc9: {  	[hbm4b:s1+s16] =	stream.indirect_vreg.scatter [tilespmem:s26], [sflag:$0x9], $0x1, v3, vm0, $0x4038;
	[tilespmem:$0x11A60] =	vst v63  }
.LBB2_10:
0xca: {  	_ =	sfence.sel $0x180000  }
0xcb: {  	s0 =	simm.s32 $0x7;
	[bflag:$0x0] =	sbarrier.arrive $0xFFFF  }
0xcc: {  	s26 =	simm.s32 $0x8;
	[sflag:s0] =	ssyncpa.u1 $0x1  }
0xcd: {  	s28 =	simm.s32 $0x9;
	[sflag:s26] =	ssyncpa.u1 $0x1  }
0xce: {  	[sflag:s28] =	ssyncpa.u1 $0x1  }
0xcf: {  	_ =	sfence.stream.spmem  }
0xd0: {  	s29 =	simm.s32 $0x3;
	[bflag:$0x0] =	sbarrier.arrive $0xFFFF  }
0xd1: {  	s30 =	simm.s32 $0x4;
	[sflag:s29] =	ssyncpa.u1 $0x1  }
0xd2: {  	s31 =	simm.s32 $0x3C;
	s2 =	stileid.u32;
	[sflag:s30] =	ssyncpa.u1 $0x1  }
0xd3: {  	p0 =	sne.s32 s2, $0x0;
	[sflag:s31] =	ssyncpa.u1 $0x1  }
0xd4: {  	s0 =	simm.s32 @p0 $0x1;
	_ =	sfence @p0  }
0xd5: {  	[sflag:s0] =	ssyncpa.u1 @p0 $0x1;
	s0 =	simm.s32 @p0 $0x2  }
0xd6: {  	[sflag:s0] =	ssyncpa.u1 @p0 $0x1  }
0xd7: {  	_ =	strace @p0 $0x90000047  }
0xd8: {  	[bflag:$0x2] =	sbarrier.arrive @p0 $0xFFFF  }
0xd9: {  	_ =	shalt @p0  }
.LBB2_11:
0xda: {  	_ =	sfence.stream.spmem;
	s0 =	simm.s32 $0x5  }
0xdb: {  	s2 =	simm.s32 $0x80;
	s3 =	simm.s32 $0xC0;
	[sflag:s0] =	ssyncpa.u1 $0x0  }
0xdc: {  	[tilespmem:s3], [sflag:$0x5] =	stream.linear.gather [spmem:s2], $0x20, $0x38;
	[tilespmem:$0x11A60] =	vst v63  }
0xdd: {  	s2 =	simm.s32 $0x0;
	s3 =	simm.s32 $0xE0  }
0xde: {  	[tilespmem:s3], [sflag:$0x5] =	stream.linear.gather [spmem:s2], $0x20, $0x38;
	[tilespmem:$0x11A60] =	vst v63  }
.Ltmp7:
0xdf: {  	_ = 	snop;
	(pc) =	sbr.rel .LBB2_12-.Ltmp7, $4  }
0xe0: {  	_ =	swait.ge [sflag:s0], $0x40  }
0xe1: {  	[sflag:s0] =	ssyncset.done $0x0  }
0xe2: {  	s31 =	simm.s32 $0x6;
	[sflag:s0] =	ssyncadd.s32 $0xFFFFFFC0  }
0xe3: {  	s4 =	simm.s32 $0x0;
	[sflag:s31] =	ssyncpa.u1 $0x0  }
.LBB2_17:
0xe4: {  	p0 =	sgt.u32 s5, $0x27FF  }
0xe5: {  	s0 =	sshrl.u32 @!p0 s5, $0x3  }
0xe6: {  	s5 =	sand.u32 @!p0 $0x7, s5;
	s6 =	simm.s32 @!p0 $0xB0;
	s0 =	sadd.s32 @!p0 s1, s0  }
0xe7: {  	[tilespmem:s6], [sflag:$0x6] =	stream.linear.gather @!p0 [hbm4b:s0+s5], $0x1, $0x38;
	[tilespmem:$0x11A60] =	vst v63  }
0xe8: {  	s0 =	simm.s32 @!p0 $0x6  }
0xe9: {  	_ =	swait.ge @!p0 [sflag:s0], $0x1  }
0xea: {  	[sflag:s0] =	ssyncset.done @!p0 $0x0  }
0xeb: {  	[sflag:s0] =	ssyncadd.s32 @!p0 $0xFFFFFFFF  }
0xec: {  	v2 =	vmov @!p0 s4;
	v1 =	vld.msk @!p0 [tilespmem:$0xB0], $0x1;
	_ =	sdelay $0x3  }
0xed: {  	s0 =	simm.s32 @!p0 $0xE0  }
0xee: {  	[tilespmem:v2+s0+$0x0], v1 =	vst.idx.ret.add.f32.msk @!p0 $0x1, v1  }
0xef: {  	[tilespmem:s2+$0xC0] =	vst.msk $0x1, v0  }
0xf0: {  	v0 =	vld.msk [tilespmem:s4+$0xE0], $0x1;
	_ =	sdelay $0x4  }
0xf1: {  	[tilespmem:s2+$0xE0] =	vst.msk $0x1, v0;
	s2 =	sadd.s32 $0x1, s2  }
.LBB2_19:
0xf2: {  	s4 =	sadd.s32 $0x1, s4  }
0xf3: {  	p0 =	sne.s32 s4, $0x20  }
.Ltmp8:
0xf4: {  	_ = 	snop;
	(pc) =	sbr.rel @!p0 .LBB2_20-.Ltmp8, $1  }
0xf5: {  	_ =	sdelay $0x3  }
.LBB2_12:
0xf6: {  	v0 =	vld.msk [tilespmem:s4+$0xC0], $0x1;
	_ =	sdelay $0x4  }
0xf7: {  	(v2sf) =	vpush v0, $0x0;
	_ =	sdelay $0xe  }
0xf8: {  	s5 =	spop (v2sf)  }
0xf9: {  	p0 =	seq.s32 s5, $0xFFFFFFFF  }
.Ltmp9:
0xfa: {  	_ = 	snop;
	(pc) =	sbr.rel @p0 .LBB2_19-.Ltmp9, $1  }
0xfb: {  	_ =	sdelay $0x3  }
0xfc: {  	p0 =	slt.s32 s2, $0x1  }
.Ltmp10:
0xfd: {  	_ = 	snop;
	(pc) =	sbr.rel @p0 .LBB2_17-.Ltmp10, $1  }
0xfe: {  	_ =	sdelay $0x3  }
0xff: {  	s0 =	simm.s32 $0xC0;
	p0 =	por $0x0, $0x0  }
0x100: {  	v1 =	vld.msk @!p0 [tilespmem:s0+$0x0], $0x1;
	_ =	sdelay $0x4  }
0x101: {  	(v2sf) =	vpush @!p0 v1, $0x0;
	_ =	sdelay $0xd  }
0x102: {  	p2 =	sne.s32 s2, $0x1  }
.Ltmp11:
0x103: {  	s6 =	spop @!p0 (v2sf);
	(pc) =	sbr.rel @!p2 .LBB2_16-.Ltmp11, $4  }
0x104: {  	p1 =	seq.s32 @!p0 s5, s6  }
0x105: {  	s6 =	simm.s32 $0x0;
	p1 =	por !p1, p0  }
0x106: {  	s8 =	simm.s32 $0xFFFFFFFF;
	s6 =	simm.s32 @p1 $0xFFFFFFFF  }
0x107: {  	s7 =	simm.s32 $0x1;
	s6 =	smov.u32 @p0 s8  }
.LBB2_15:
0x108: {  	s8 =	smov.u32 s6;
	p0 =	sne.s32 s6, $0xFFFFFFFF  }
0x109: {  	s0 =	sadd.s32 $0x1, s0;
	s6 =	smov.u32 s7;
	s7 =	sadd.s32 $0x1, s7  }
0x10a: {  	p1 =	sne.s32 s2, s7;
	v1 =	vld.msk @!p0 [tilespmem:s0+$0x0], $0x1;
	_ =	sdelay $0x4  }
0x10b: {  	(v2sf) =	vpush @!p0 v1, $0x0;
	_ =	sdelay $0xe  }
.Ltmp12:
0x10c: {  	s9 =	spop @!p0 (v2sf);
	(pc) =	sbr.rel @p1 .LBB2_15-.Ltmp12, $4  }
0x10d: {  	p2 =	seq.s32 @!p0 s5, s9  }
0x10e: {  	p2 =	por !p2, p0  }
0x10f: {  	s6 =	simm.s32 @p2 $0xFFFFFFFF  }
0x110: {  	s6 =	smov.u32 @p0 s8  }
.LBB2_16:
0x111: {  	p0 =	sne.s32 s6, $0xFFFFFFFF  }
.Ltmp13:
0x112: {  	_ = 	snop;
	(pc) =	sbr.rel @!p0 .LBB2_17-.Ltmp13, $1  }
0x113: {  	_ =	sdelay $0x3  }
0x114: {  	v0 =	vld.msk [tilespmem:s4+$0xE0], $0x1;
	v1 =	vmov s6  }
.Ltmp14:
0x115: {  	_ = 	snop;
	(pc) =	sbr.rel .LBB2_19-.Ltmp14, $2  }
0x116: {  	_ =	sdelay $0x2  }
0x117: {  	[tilespmem:v1+s3+$0x0], v0 =	vst.idx.ret.add.f32.msk $0x1, v0  }
.LBB2_20:
0x118: {  	p0 =	slt.s32 s2, $0x1  }
.Ltmp15:
0x119: {  	_ = 	snop;
	(pc) =	sbr.rel @p0 .LBB2_24-.Ltmp15, $3  }
0x11a: {  	_ =	sdelay $0x1  }
0x11b: {  	s0 =	simm.s32 $0x6  }
0x11c: {  	s3 =	simm.s32 $0x0;
	[sflag:s0] =	ssyncpa.u1 $0x1  }
0x11d: {  	s0 =	simm.s32 $0xC0  }
0x11e: {  	v0 =	vld.msk [tilespmem:s0+$0x0], $0x1;
	_ =	sdelay $0x4  }
0x11f: {  	(v2sf) =	vpush v0, $0x0;
	_ =	sdelay $0xe  }
0x120: {  	s2 =	sadd.s32 $0xFFFFFFFF, s2;
	s4 =	spop (v2sf)  }
0x121: {  	p1 =	sne.s32 s2, $0x0;
	p0 =	sgt.u32 s4, $0x27FF  }
.Ltmp16:
0x122: {  	s5 =	sshrl.u32 @!p0 s4, $0x3;
	(pc) =	sbr.rel @!p1 .LBB2_23-.Ltmp16, $4  }
0x123: {  	s0 =	simm.s32 $0xE0;
	s4 =	sand.u32 @!p0 $0x7, s4;
	s5 =	sadd.s32 @!p0 s1, s5  }
0x124: {  	[hbm4b:s5+s4] =	stream.linear.scatter @!p0 [tilespmem:s0], [sflag:$0x5], $0x1, $0x38;
	[tilespmem:$0x11A60] =	vst v63  }
0x125: {  	s5 =	simm.s32 $0x0  }
0x126: {  	s4 =	simm.s32 $0xC1;
	s5 =	simm.s32 @!p0 $0x4  }
.LBB2_22:
0x127: {  	v0 =	vld.msk [tilespmem:s4+$0x0], $0x1;
	s2 =	sadd.s32 $0xFFFFFFFF, s2;
	s3 =	sadd.s32 s3, s5  }
0x128: {  	p0 =	sne.s32 s2, $0x0;
	_ =	sdelay $0x3  }
0x129: {  	(v2sf) =	vpush v0, $0x0;
	_ =	sdelay $0xe  }
.Ltmp17:
0x12a: {  	s6 =	spop (v2sf);
	(pc) =	sbr.rel @p0 .LBB2_22-.Ltmp17, $4  }
0x12b: {  	s5 =	simm.s32 $0x0;
	p1 =	sgt.u32 s6, $0x27FF  }
0x12c: {  	s0 =	sadd.s32 $0x1, s0;
	s5 =	simm.s32 @!p1 $0x4;
	s7 =	sshrl.u32 @!p1 s6, $0x3  }
0x12d: {  	s4 =	sadd.s32 $0x1, s4;
	s6 =	sand.u32 @!p1 $0x7, s6;
	s7 =	sadd.s32 @!p1 s1, s7  }
0x12e: {  	[hbm4b:s7+s6] =	stream.linear.scatter @!p1 [tilespmem:s0], [sflag:$0x5], $0x1, $0x38;
	[tilespmem:$0x11A60] =	vst v63  }
.LBB2_23:
0x12f: {  	s0 =	sadd.s32 s3, s5  }
0x130: {  	s3 =	sshrl.u32 s0, $0x2  }
.LBB2_24:
0x131: {  	s0 =	simm.s32 $0x5  }
0x132: {  	_ =	swait.ge [sflag:s0], s3  }
0x133: {  	s1 =	ssub.s32 $0x0, s3;
	[sflag:s0] =	ssyncset.done $0x0  }
0x134: {  	[sflag:s0] =	ssyncadd.s32 s1  }
0x135: {  	[sflag:s0] =	ssyncpa.u1 $0x1  }
0x136: {  	s29 =	simm.s32 $0x1;
	_ =	sfence  }
0x137: {  	s30 =	simm.s32 $0x2;
	[sflag:s29] =	ssyncpa.u1 $0x1  }
0x138: {  	[sflag:s30] =	ssyncpa.u1 $0x1  }
0x139: {  	_ =	strace $0x90000047  }
0x13a: {  	[bflag:$0x2] =	sbarrier.arrive $0xFFFF  }
0x13b: {  	s31 =	rddreg [dreg:$0x1]  }
0x13c: {  	s0 =	sadd.s32 $0x100000, s31  }
0x13d: {  	[sflag:s0] =	ssyncadd.tile.s32 $0x1;
	_ =	shalt  }
.Lfunc_end2:
_tile_overlayer_lowered:
.L_overlay_start_2:
0x13e: {  	(tag) =	ssettag $0x2  }
0x13f: {  	s0 =	rddreg [dreg:$0x0];
	s2 =	stileid.u32  }
0x140: {  	s1 =	rddreg [dreg:$0x1];
	p0 =	sne.s32 s2, $0x0  }
0x141: {  	s3 =	rddreg [dreg:$0x2];
	[bflag:$0x3] =	sbarrier.arrive $0xFFFF;
	s2 =	simm.s32 @!p0 $0x1C01  }
0x142: {  	[timem:s3], [sflag:s2] =	dma.local @!p0 [hbm:s0], s1  }
0x143: {  	s0 =	simm.s32 @!p0 $0x1  }
0x144: {  	_ =	swait.ge @!p0 [sflag:s0], s1  }
0x145: {  	s1 =	ssub.s32 @!p0 $0x0, s1;
	[sflag:s0] =	ssyncset.done @!p0 $0x0  }
0x146: {  	[sflag:s0] =	ssyncadd.s32 @!p0 s1  }
0x147: {  	[bflag:$0x3] =	sbarrier.arrive $0xFFFF  }
0x148: {  	_ =	shalt  }

</sc_bundles>
